<compile_context>
chip_gen: v7x
topology: tpu7x:2x2x1
jax: 0.10.2.dev20260603
libtpu: 0.0.44.dev20260713+nightly
codegen_flags: <defaults>
</compile_context>

<pallas_src>
import functools

import jax
import jax.numpy as jnp
from jax import lax
from jax.experimental import pallas as pl
from jax.experimental.pallas import tpu as pltpu
from jax.experimental.pallas import tpu_sc as plsc

_B, _C, _H, _W = 4, 96, 56, 56
_N = _H * _W
_K = 9
_G = 4
_CG = (2 * _C) // _G
_R = 392
_NBLK = _N // _R
_TOT = _B * _N
_NW = 32
_NPW = _TOT // _NW
_CHUNK = 56
_NCH = _NPW // _CHUNK
_EPC = _CHUNK * _K
_ISUB = 4
_IPAD = _ISUB * 128
_CP = 128
_N2 = 3200
_NSUB = _N2 // 128


def _k1_body(xt_ref, w1t_ref, b1_ref, m1_ref, iv1_ref, g1_ref, be1_ref,
             wa_ref, ba_ref, wd_ref, h_ref, a_ref, z_ref):
    x = xt_ref[0]
    h = jnp.dot(x, w1t_ref[...], preferred_element_type=jnp.float32)
    h = h + b1_ref[...]
    h = (h - m1_ref[...]) * iv1_ref[...] * g1_ref[...] + be1_ref[...]
    h_ref[0] = h
    a = jnp.dot(h, wa_ref[...], preferred_element_type=jnp.float32)
    a_ref[0] = jnp.maximum(a + ba_ref[...], 0.0)
    z = jnp.dot(h, wd_ref[...], preferred_element_type=jnp.float32)
    z_ref[0] = jnp.pad(z, ((0, 0), (0, _CP - _C)))


def _k1b_body(ht_ref, xnt_ref, sq_ref):
    hT = ht_ref[0]
    nrm = jnp.sqrt(jnp.sum(hT * hT, axis=0, keepdims=True))
    xnT = hT / jnp.maximum(nrm, 1e-12)
    xnt_ref[0] = xnT
    sq_ref[0] = jnp.sum(xnT * xnT, axis=0, keepdims=True)


def _k2_body(xn_ref, xnt_ref, sqr_ref, sqa_ref, nn_ref):
    b = pl.program_id(0)
    xr = xn_ref[0]
    xa = xnt_ref[0]
    sqr = sqr_ref[0]
    sqa = sqa_ref[0]
    dot = jnp.dot(xr, xa, preferred_element_type=jnp.float32)
    d = (sqr + sqa) - 2.0 * dot
    blocks = [d[:, g * 128:(g + 1) * 128] for g in range(_NSUB)]
    lane = lax.broadcasted_iota(jnp.int32, (_R, 128), 1)
    inf = jnp.float32(jnp.inf)
    picks = []
    for r in range(_K):
        bm = blocks[0]
        for g in range(1, _NSUB):
            bm = jnp.minimum(bm, blocks[g])
        m = jnp.min(bm, axis=1, keepdims=True)
        ci = None
        for g in range(_NSUB):
            cand = jnp.where(blocks[g] == m, lane + g * 128, _N2)
            ci = cand if ci is None else jnp.minimum(ci, cand)
        sel = jnp.min(ci, axis=1, keepdims=True)
        picks.append(sel[:, 0])
        if r + 1 < _K:
            for g in range(_NSUB):
                blocks[g] = jnp.where(lane + g * 128 == sel, inf, blocks[g])
    nn_ref[0] = jnp.stack(picks, axis=1) + b * _N


def _k4_body(a_ref, bm_ref, xt_ref, w2a_ref, w2b_ref, b2_ref, y_ref):
    y = jnp.dot(a_ref[0], w2a_ref[...], preferred_element_type=jnp.float32)
    y = y + jnp.dot(bm_ref[0], w2b_ref[...], preferred_element_type=jnp.float32)
    y_ref[0] = y + b2_ref[...] + xt_ref[0]


@functools.cache
def _sc_kernel():
    mesh = plsc.VectorSubcoreMesh(core_axis_name="c", subcore_axis_name="s")

    @functools.partial(
        pl.kernel,
        mesh=mesh,
        out_type=jax.ShapeDtypeStruct((_TOT, _CP), jnp.float32),
        scratch_types=[
            pltpu.VMEM((_ISUB, 128), jnp.int32),
            pltpu.VMEM((_IPAD, _CP), jnp.float32),
            pltpu.VMEM((_CHUNK, _CP), jnp.float32),
            pltpu.VMEM((_CHUNK, _CP), jnp.float32),
            pltpu.VMEM((1, _CP), jnp.float32),
            pltpu.SemaphoreType.DMA,
        ],
    )
    def body(z_hbm, idx_hbm, bd_hbm, out_hbm,
             idx_v, rows_v, ctr_v, out_v, bd_v, sem):
        wid = lax.axis_index("s") * 2 + lax.axis_index("c")
        pltpu.sync_copy(bd_hbm, bd_v)

        def chunk(cix, carry):
            base = pl.multiple_of(wid * _NPW + cix * _CHUNK, _CHUNK)
            pltpu.sync_copy(idx_hbm.at[wid * _NCH + cix], idx_v)
            cps = [
                pltpu.async_copy(z_hbm.at[idx_v.at[u]],
                                 rows_v.at[pl.ds(u * 128, 128)], sem)
                for u in range(_ISUB)
            ]
            for cp in cps:
                cp.wait()
            pltpu.sync_copy(z_hbm.at[pl.ds(base, _CHUNK)], ctr_v)

            def node(n, c2):
                e = n * _K
                for j in range(_CP // 16):
                    sl = pl.ds(j * 16, 16)
                    m = rows_v[e, sl]
                    for k in range(1, _K):
                        m = jnp.maximum(m, rows_v[e + k, sl])
                    out_v[n, sl] = jnp.maximum(
                        m - ctr_v[n, sl] + bd_v[0, sl], 0.0)
                return c2

            lax.fori_loop(0, _CHUNK, node, 0)
            pltpu.sync_copy(out_v, out_hbm.at[pl.ds(base, _CHUNK)])
            return carry

        lax.fori_loop(0, _NCH, chunk, 0)

    return body


def _sc_gather_max(zf, idx3, bd):
    return _sc_kernel()(zf, idx3, bd)


def kernel(x, W1, b1, g1, be1, m1, v1, Wg, bg, W2, b2, g2, be2, m2, v2):
    f32 = jnp.float32
    w1t = W1.T
    iv1 = (1.0 / jnp.sqrt(v1 + 1e-5))[None, :]
    wgr = Wg.reshape(_G, _CG, _CG)
    z96 = jnp.zeros((_C, _C), f32)
    wa = z96.at[:_CG, :_CG].set(wgr[0].T).at[_CG:, _CG:].set(wgr[1].T)
    wd = z96.at[:_CG, :_CG].set(wgr[2].T).at[_CG:, _CG:].set(wgr[3].T)
    ba = bg[:_C][None, :]
    bd = bg[_C:][None, :]
    s2 = g2 / jnp.sqrt(v2 + 1e-5)
    w2f = W2 * s2[:, None]
    w2a = w2f[:, :_C].T
    w2b = w2f[:, _C:].T
    b2f = ((b2 - m2) * s2 + be2)[None, :]

    xt = jnp.transpose(x.reshape(_B, _C, _N), (0, 2, 1))

    row_spec = pl.BlockSpec((1, _R, _C), lambda b, i: (b, i, 0))
    wspec = pl.BlockSpec((_C, _C), lambda b, i: (0, 0))
    bspec = pl.BlockSpec((1, _C), lambda b, i: (0, 0))
    fshape = jax.ShapeDtypeStruct((_B, _N, _C), f32)

    zspec = pl.BlockSpec((1, _R, _CP), lambda b, i: (b, i, 0))
    zshape = jax.ShapeDtypeStruct((_B, _N, _CP), f32)
    h, a, z = pl.pallas_call(
        _k1_body,
        grid=(_B, _NBLK),
        in_specs=[row_spec, wspec] + [bspec] * 5 + [wspec, bspec, wspec],
        out_specs=[row_spec, row_spec, zspec],
        out_shape=[fshape, fshape, zshape],
    )(xt, w1t, b1[None], m1[None], iv1, g1[None], be1[None], wa, ba, wd)

    ht = jnp.transpose(h, (0, 2, 1))
    cspec = pl.BlockSpec((1, _C, _N), lambda b: (b, 0, 0))
    sspec = pl.BlockSpec((1, 1, _N), lambda b: (b, 0, 0))
    xnt, sq = pl.pallas_call(
        _k1b_body,
        grid=(_B,),
        in_specs=[cspec],
        out_specs=[cspec, sspec],
        out_shape=[jax.ShapeDtypeStruct((_B, _C, _N), f32),
                   jax.ShapeDtypeStruct((_B, 1, _N), f32)],
    )(ht)

    xn = jnp.transpose(xnt, (0, 2, 1))
    sqt = jnp.transpose(sq, (0, 2, 1))
    xnt_p = jnp.pad(xnt, ((0, 0), (0, 0), (0, _N2 - _N)))
    sq_p = jnp.pad(sq, ((0, 0), (0, 0), (0, _N2 - _N)),
                   constant_values=jnp.inf)

    nn = pl.pallas_call(
        _k2_body,
        grid=(_B, _NBLK),
        in_specs=[row_spec,
                  pl.BlockSpec((1, _C, _N2), lambda b, i: (b, 0, 0)),
                  pl.BlockSpec((1, _R, 1), lambda b, i: (b, i, 0)),
                  pl.BlockSpec((1, 1, _N2), lambda b, i: (b, 0, 0))],
        out_specs=pl.BlockSpec((1, _R, _K), lambda b, i: (b, i, 0)),
        out_shape=jax.ShapeDtypeStruct((_B, _N, _K), jnp.int32),
        compiler_params=pltpu.CompilerParams(
            dimension_semantics=("parallel", "parallel")),
    )(xn, xnt_p, sqt, sq_p)

    idx3 = jnp.pad(nn.reshape(_NW * _NCH, _EPC),
                   ((0, 0), (0, _IPAD - _EPC)))
    idx3 = idx3.reshape(_NW * _NCH, _ISUB, 128)
    bd_p = jnp.pad(bd, ((0, 0), (0, _CP - _C)))
    outb = _sc_gather_max(z.reshape(_TOT, _CP), idx3, bd_p)

    w2b_p = jnp.pad(w2b, ((0, _CP - _C), (0, 0)))
    yt = pl.pallas_call(
        _k4_body,
        grid=(_B, _NBLK),
        in_specs=[row_spec,
                  pl.BlockSpec((1, _R, _CP), lambda b, i: (b, i, 0)),
                  row_spec,
                  wspec,
                  pl.BlockSpec((_CP, _C), lambda b, i: (0, 0)),
                  bspec],
        out_specs=row_spec,
        out_shape=fshape,
    )(a, outb.reshape(_B, _N, _CP), xt, w2a, w2b_p, b2f)

    return jnp.transpose(yt, (0, 2, 1)).reshape(_B, _C, _H, _W)

# --- scband reference (transcript-rebuilt; emitter-appended) ---
"""Pipeline reference for scband-grapher-33947421508470 (READ-ONLY COPY).

The authoritative reference and input builder live on the scoring server;
editing this copy changes nothing except your own understanding.
"""

import jax, jax.numpy as jnp
import numpy as np

B, C, H, W = 4, 96, 56, 56
K = 9
G = 4


def setup_inputs(seed: int = 0):
    key = jax.random.key(seed)
    ks = jax.random.split(key, 8)
    C2 = 2 * C
    inp = {}
    inp['x'] = jax.random.normal(ks[0], (B, C, H, W), dtype=jnp.float32)
    # fc1: 1x1 conv C->C + BatchNorm (inference stats)
    inp['W1'] = jax.random.normal(ks[1], (C, C), dtype=jnp.float32) * (1.0 / np.sqrt(C))
    inp['b1'] = jnp.zeros((C,), dtype=jnp.float32)
    inp['g1'] = jnp.ones((C,), dtype=jnp.float32)
    inp['be1'] = jnp.zeros((C,), dtype=jnp.float32)
    inp['m1'] = jnp.zeros((C,), dtype=jnp.float32)
    inp['v1'] = jnp.ones((C,), dtype=jnp.float32)
    # EdgeConv BasicConv: grouped 1x1 conv 2C->2C, groups=4, bias, relu
    inp['Wg'] = jax.random.normal(ks[2], (C2, C2 // G), dtype=jnp.float32) * (1.0 / np.sqrt(C2 // G))
    inp['bg'] = jnp.zeros((C2,), dtype=jnp.float32)
    # fc2: 1x1 conv 2C->C + BatchNorm
    inp['W2'] = jax.random.normal(ks[3], (C, C2), dtype=jnp.float32) * (1.0 / np.sqrt(C2))
    inp['b2'] = jnp.zeros((C,), dtype=jnp.float32)
    inp['g2'] = jnp.ones((C,), dtype=jnp.float32)
    inp['be2'] = jnp.zeros((C,), dtype=jnp.float32)
    inp['m2'] = jnp.zeros((C,), dtype=jnp.float32)
    inp['v2'] = jnp.ones((C,), dtype=jnp.float32)
    return inp


def _bn(x, g, b, m, v, eps=1e-5):
    return (x - m[None, :, None, None]) / jnp.sqrt(v + eps)[None, :, None, None] * g[None, :, None, None] + b[None, :, None, None]


def reference(x, W1, b1, g1, be1, m1, v1, Wg, bg, W2, b2, g2, be2, m2, v2):
    res = x
    # fc1
    h = jnp.einsum('bchw,oc->bohw', x, W1) + b1[None, :, None, None]
    h = _bn(h, g1, be1, m1, v1)
    N = H * W
    xf = h.reshape(B, C, N)  # B,C,N (the node features fed to EdgeConv)
    # DenseDilatedKnnGraph: l2-normalize along channel dim, pairwise sq-dist, top-k (dilation=1)
    nrm = jnp.sqrt(jnp.sum(xf * xf, axis=1, keepdims=True))
    xn = xf / jnp.maximum(nrm, 1e-12)
    xt = jnp.transpose(xn, (0, 2, 1))  # B,N,C
    sq = jnp.sum(xt * xt, axis=-1)  # B,N
    dist = sq[:, :, None] + sq[:, None, :] - 2.0 * jnp.einsum('bnc,bmc->bnm', xt, xt)
    _, nn_idx = jax.lax.top_k(-dist, K)  # B,N,K neighbor indices
    # EdgeConv2d: gather x_i (centers) and x_j (neighbors) from UN-normalized features
    xtb = jnp.transpose(xf, (0, 2, 1))  # B,N,C
    x_j = xtb[jnp.arange(B)[:, None, None], nn_idx]  # B,N,K,C
    x_i = jnp.broadcast_to(xtb[:, :, None, :], (B, N, K, C))
    feat = jnp.concatenate([x_i, x_j - x_i], axis=-1)  # B,N,K,2C
    C2 = 2 * C
    Cg = C2 // G
    fg = feat.reshape(B, N, K, G, Cg)
    Wgr = Wg.reshape(G, Cg, Cg)  # [group, out_per_group, in_per_group]
    out = jnp.einsum('bnkgi,goi->bnkgo', fg, Wgr).reshape(B, N, K, C2) + bg
    out = jax.nn.relu(out)
    out = jnp.max(out, axis=2)  # max over neighbors -> B,N,2C
    out = jnp.transpose(out, (0, 2, 1)).reshape(B, C2, H, W)
    # fc2
    y = jnp.einsum('bchw,oc->bohw', out, W2) + b2[None, :, None, None]
    y = _bn(y, g2, be2, m2, v2)
    return y + res

if __name__ == "__main__":
    import jax
    _d = setup_inputs()
    print(jax.jit(kernel)(*tuple(_d.values())))

</pallas_src>

<mosaic_0001>
#map = affine_map<(d0, d1) -> (0, 0)>
#map1 = affine_map<(d0, d1) -> (0, 0, 0)>
module attributes {stable_mosaic.version = 14 : i64} {
  func.func @body(%arg0: i32, %arg1: i32, %arg2: memref<12544x128xf32, #tpu.memory_space<hbm>>, %arg3: memref<224x4x128xi32, #tpu.memory_space<hbm>>, %arg4: memref<1x128xf32, #tpu.memory_space<hbm>>, %arg5: memref<12544x128xf32, #tpu.memory_space<hbm>>, %arg6: memref<4x128xi32, #tpu.memory_space<vmem>>, %arg7: memref<512x128xf32, #tpu.memory_space<vmem>>, %arg8: memref<56x128xf32, #tpu.memory_space<vmem>>, %arg9: memref<56x128xf32, #tpu.memory_space<vmem>>, %arg10: memref<1x128xf32, #tpu.memory_space<vmem>>, %arg11: memref<!tpu.dma_semaphore, #tpu.memory_space<semaphore_mem>>) attributes {dimension_semantics = [#tpu.dimension_semantics<core_parallel>, #tpu.dimension_semantics<subcore_parallel>], iteration_bounds = array<i64: 2, 16>, scalar_prefetch = 0 : i64, scratch_operands = 6 : i64, tpu.core_type = #tpu.core_type<sc_vector_subcore>, window_params = [{transform_indices = #map}, {transform_indices = #map1}, {transform_indices = #map}, {transform_indices = #map}]} {
    %mul3A = arith.constant 2 : i32
    %mul3A_0 = arith.muli %arg1, %mul3A : i32
    %add3A = arith.addi %mul3A_0, %arg0 : i32
    "tpu.region"() ({
      %run_scoped3A = tpu.sem_alloc : memref<!tpu.dma_semaphore, #tpu.memory_space<semaphore_mem>>
      tpu.enqueue_dma source(%arg4 : memref<1x128xf32, #tpu.memory_space<hbm>>) target(%arg10 : memref<1x128xf32, #tpu.memory_space<vmem>>) target_semaphore(%run_scoped3A : memref<!tpu.dma_semaphore, #tpu.memory_space<semaphore_mem>>)
      tpu.wait_dma2 semaphore(%run_scoped3A : memref<!tpu.dma_semaphore, #tpu.memory_space<semaphore_mem>>) src(%arg4 : memref<1x128xf32, #tpu.memory_space<hbm>>) dst(%arg10 : memref<1x128xf32, #tpu.memory_space<vmem>>)
      tpu.yield
    }) : () -> ()
    %scan3A = arith.constant 0 : i32
    %scan3A_1 = arith.constant 0 : i32
    %scan3A_2 = arith.constant 7 : i32
    %scan3A_3 = arith.addi %scan3A_1, %scan3A_2 : i32
    %scan3A_4 = arith.constant 1 : i32
    scf.for %scan3A_6 = %scan3A_1 to %scan3A_3 step %scan3A_4  : i32 {
      %mul3A_7 = arith.constant 392 : i32
      %mul3A_8 = arith.muli %add3A, %mul3A_7 : i32
      %mul3A_9 = arith.constant 56 : i32
      %mul3A_10 = arith.muli %scan3A_6, %mul3A_9 : i32
      %add3A_11 = arith.addi %mul3A_8, %mul3A_10 : i32
      %multiple_of3A = tpu.assume_multiple %add3A_11, 56 : i32
      %mul3A_12 = arith.constant 7 : i32
      %mul3A_13 = arith.muli %add3A, %mul3A_12 : i32
      %add3A_14 = arith.addi %mul3A_13, %scan3A_6 : i32
      "tpu.region"() ({
        %run_scoped3A = tpu.sem_alloc : memref<!tpu.dma_semaphore, #tpu.memory_space<semaphore_mem>>
        %dma_start3A_99 = arith.constant 0 : i32
        %dma_start3A_100 = arith.constant 0 : i32
        %dma_start3A_101 = tpu.memref_slice %arg3[%add3A_14, %dma_start3A_99, %dma_start3A_100] : memref<224x4x128xi32, #tpu.memory_space<hbm>> -> memref<1x4x128xi32, #tpu.memory_space<hbm>>
        %dma_start3A_102 = tpu.memref_squeeze %dma_start3A_101 : memref<1x4x128xi32, #tpu.memory_space<hbm>> -> memref<4x128xi32, #tpu.memory_space<hbm>>
        %dma_start3A_103 = arith.constant 0 : i32
        %dma_start3A_104 = arith.constant 0 : i32
        %dma_start3A_105 = tpu.memref_slice %arg3[%add3A_14, %dma_start3A_103, %dma_start3A_104] : memref<224x4x128xi32, #tpu.memory_space<hbm>> -> memref<1x4x128xi32, #tpu.memory_space<hbm>>
        %dma_start3A_106 = tpu.memref_squeeze %dma_start3A_105 : memref<1x4x128xi32, #tpu.memory_space<hbm>> -> memref<4x128xi32, #tpu.memory_space<hbm>>
        tpu.enqueue_dma source(%dma_start3A_106 : memref<4x128xi32, #tpu.memory_space<hbm>>) target(%arg6 : memref<4x128xi32, #tpu.memory_space<vmem>>) target_semaphore(%run_scoped3A : memref<!tpu.dma_semaphore, #tpu.memory_space<semaphore_mem>>)
        %dma_wait3A_107 = arith.constant 0 : i32
        %dma_wait3A_108 = arith.constant 0 : i32
        %dma_wait3A_109 = tpu.memref_slice %arg3[%add3A_14, %dma_wait3A_107, %dma_wait3A_108] : memref<224x4x128xi32, #tpu.memory_space<hbm>> -> memref<1x4x128xi32, #tpu.memory_space<hbm>>
        %dma_wait3A_110 = tpu.memref_squeeze %dma_wait3A_109 : memref<1x4x128xi32, #tpu.memory_space<hbm>> -> memref<4x128xi32, #tpu.memory_space<hbm>>
        %dma_wait3A_111 = arith.constant 0 : i32
        %dma_wait3A_112 = arith.constant 0 : i32
        %dma_wait3A_113 = tpu.memref_slice %arg3[%add3A_14, %dma_wait3A_111, %dma_wait3A_112] : memref<224x4x128xi32, #tpu.memory_space<hbm>> -> memref<1x4x128xi32, #tpu.memory_space<hbm>>
        %dma_wait3A_114 = tpu.memref_squeeze %dma_wait3A_113 : memref<1x4x128xi32, #tpu.memory_space<hbm>> -> memref<4x128xi32, #tpu.memory_space<hbm>>
        tpu.wait_dma2 semaphore(%run_scoped3A : memref<!tpu.dma_semaphore, #tpu.memory_space<semaphore_mem>>) src(%dma_wait3A_114 : memref<4x128xi32, #tpu.memory_space<hbm>>) dst(%arg6 : memref<4x128xi32, #tpu.memory_space<vmem>>)
        tpu.yield
      }) : () -> ()
      %dma_start3A = arith.constant 0 : i32
      %dma_start3A_15 = arith.constant 0 : i32
      %dma_start3A_16 = arith.constant 0 : i32
      %dma_start3A_17 = tpu.memref_slice %arg7[%dma_start3A_15, %dma_start3A_16] : memref<512x128xf32, #tpu.memory_space<vmem>> -> memref<128x128xf32, #tpu.memory_space<vmem>>
      %dma_start3A_18 = arith.constant 0 : i32
      %dma_start3A_19 = tpu.memref_slice %arg6[%dma_start3A, %dma_start3A_18] : memref<4x128xi32, #tpu.memory_space<vmem>> -> memref<1x128xi32, #tpu.memory_space<vmem>>
      %dma_start3A_20 = tpu.memref_squeeze %dma_start3A_19 : memref<1x128xi32, #tpu.memory_space<vmem>> -> memref<128xi32, #tpu.memory_space<vmem>>
      %dma_start3A_21 = arith.constant 0 : i32
      %dma_start3A_22 = arith.constant 0 : i32
      %dma_start3A_23 = tpu.memref_slice %arg2[%dma_start3A_21, %dma_start3A_22] : memref<12544x128xf32, #tpu.memory_space<hbm>> -> memref<12544x128xf32, #tpu.memory_space<hbm>>
      tpu.enqueue_indirect_dma source(%dma_start3A_23 : memref<12544x128xf32, #tpu.memory_space<hbm>>) target(%dma_start3A_17 : memref<128x128xf32, #tpu.memory_space<vmem>>) offsets(%dma_start3A_20 : memref<128xi32, #tpu.memory_space<vmem>>) semaphore(%arg11 : memref<!tpu.dma_semaphore, #tpu.memory_space<semaphore_mem>>)
      %dma_start3A_24 = arith.constant 1 : i32
      %dma_start3A_25 = arith.constant 128 : i32
      %dma_start3A_26 = arith.constant 0 : i32
      %dma_start3A_27 = tpu.memref_slice %arg7[%dma_start3A_25, %dma_start3A_26] : memref<512x128xf32, #tpu.memory_space<vmem>> -> memref<128x128xf32, #tpu.memory_space<vmem>>
      %dma_start3A_28 = arith.constant 0 : i32
      %dma_start3A_29 = tpu.memref_slice %arg6[%dma_start3A_24, %dma_start3A_28] : memref<4x128xi32, #tpu.memory_space<vmem>> -> memref<1x128xi32, #tpu.memory_space<vmem>>
      %dma_start3A_30 = tpu.memref_squeeze %dma_start3A_29 : memref<1x128xi32, #tpu.memory_space<vmem>> -> memref<128xi32, #tpu.memory_space<vmem>>
      %dma_start3A_31 = arith.constant 0 : i32
      %dma_start3A_32 = arith.constant 0 : i32
      %dma_start3A_33 = tpu.memref_slice %arg2[%dma_start3A_31, %dma_start3A_32] : memref<12544x128xf32, #tpu.memory_space<hbm>> -> memref<12544x128xf32, #tpu.memory_space<hbm>>
      tpu.enqueue_indirect_dma source(%dma_start3A_33 : memref<12544x128xf32, #tpu.memory_space<hbm>>) target(%dma_start3A_27 : memref<128x128xf32, #tpu.memory_space<vmem>>) offsets(%dma_start3A_30 : memref<128xi32, #tpu.memory_space<vmem>>) semaphore(%arg11 : memref<!tpu.dma_semaphore, #tpu.memory_space<semaphore_mem>>)
      %dma_start3A_34 = arith.constant 2 : i32
      %dma_start3A_35 = arith.constant 256 : i32
      %dma_start3A_36 = arith.constant 0 : i32
      %dma_start3A_37 = tpu.memref_slice %arg7[%dma_start3A_35, %dma_start3A_36] : memref<512x128xf32, #tpu.memory_space<vmem>> -> memref<128x128xf32, #tpu.memory_space<vmem>>
      %dma_start3A_38 = arith.constant 0 : i32
      %dma_start3A_39 = tpu.memref_slice %arg6[%dma_start3A_34, %dma_start3A_38] : memref<4x128xi32, #tpu.memory_space<vmem>> -> memref<1x128xi32, #tpu.memory_space<vmem>>
      %dma_start3A_40 = tpu.memref_squeeze %dma_start3A_39 : memref<1x128xi32, #tpu.memory_space<vmem>> -> memref<128xi32, #tpu.memory_space<vmem>>
      %dma_start3A_41 = arith.constant 0 : i32
      %dma_start3A_42 = arith.constant 0 : i32
      %dma_start3A_43 = tpu.memref_slice %arg2[%dma_start3A_41, %dma_start3A_42] : memref<12544x128xf32, #tpu.memory_space<hbm>> -> memref<12544x128xf32, #tpu.memory_space<hbm>>
      tpu.enqueue_indirect_dma source(%dma_start3A_43 : memref<12544x128xf32, #tpu.memory_space<hbm>>) target(%dma_start3A_37 : memref<128x128xf32, #tpu.memory_space<vmem>>) offsets(%dma_start3A_40 : memref<128xi32, #tpu.memory_space<vmem>>) semaphore(%arg11 : memref<!tpu.dma_semaphore, #tpu.memory_space<semaphore_mem>>)
      %dma_start3A_44 = arith.constant 3 : i32
      %dma_start3A_45 = arith.constant 384 : i32
      %dma_start3A_46 = arith.constant 0 : i32
      %dma_start3A_47 = tpu.memref_slice %arg7[%dma_start3A_45, %dma_start3A_46] : memref<512x128xf32, #tpu.memory_space<vmem>> -> memref<128x128xf32, #tpu.memory_space<vmem>>
      %dma_start3A_48 = arith.constant 0 : i32
      %dma_start3A_49 = tpu.memref_slice %arg6[%dma_start3A_44, %dma_start3A_48] : memref<4x128xi32, #tpu.memory_space<vmem>> -> memref<1x128xi32, #tpu.memory_space<vmem>>
      %dma_start3A_50 = tpu.memref_squeeze %dma_start3A_49 : memref<1x128xi32, #tpu.memory_space<vmem>> -> memref<128xi32, #tpu.memory_space<vmem>>
      %dma_start3A_51 = arith.constant 0 : i32
      %dma_start3A_52 = arith.constant 0 : i32
      %dma_start3A_53 = tpu.memref_slice %arg2[%dma_start3A_51, %dma_start3A_52] : memref<12544x128xf32, #tpu.memory_space<hbm>> -> memref<12544x128xf32, #tpu.memory_space<hbm>>
      tpu.enqueue_indirect_dma source(%dma_start3A_53 : memref<12544x128xf32, #tpu.memory_space<hbm>>) target(%dma_start3A_47 : memref<128x128xf32, #tpu.memory_space<vmem>>) offsets(%dma_start3A_50 : memref<128xi32, #tpu.memory_space<vmem>>) semaphore(%arg11 : memref<!tpu.dma_semaphore, #tpu.memory_space<semaphore_mem>>)
      %dma_wait3A = arith.constant 0 : i32
      %dma_wait3A_54 = arith.constant 0 : i32
      %dma_wait3A_55 = arith.constant 0 : i32
      %dma_wait3A_56 = tpu.memref_slice %arg7[%dma_wait3A_54, %dma_wait3A_55] : memref<512x128xf32, #tpu.memory_space<vmem>> -> memref<128x128xf32, #tpu.memory_space<vmem>>
      %dma_wait3A_57 = arith.constant 0 : i32
      %dma_wait3A_58 = tpu.memref_slice %arg6[%dma_wait3A, %dma_wait3A_57] : memref<4x128xi32, #tpu.memory_space<vmem>> -> memref<1x128xi32, #tpu.memory_space<vmem>>
      %dma_wait3A_59 = tpu.memref_squeeze %dma_wait3A_58 : memref<1x128xi32, #tpu.memory_space<vmem>> -> memref<128xi32, #tpu.memory_space<vmem>>
      %dma_wait3A_60 = arith.constant 0 : i32
      %dma_wait3A_61 = arith.constant 0 : i32
      %dma_wait3A_62 = tpu.memref_slice %arg2[%dma_wait3A_60, %dma_wait3A_61] : memref<12544x128xf32, #tpu.memory_space<hbm>> -> memref<12544x128xf32, #tpu.memory_space<hbm>>
      tpu.wait_indirect_dma semaphore(%arg11 : memref<!tpu.dma_semaphore, #tpu.memory_space<semaphore_mem>>) src(%dma_wait3A_62 : memref<12544x128xf32, #tpu.memory_space<hbm>>) dst(%dma_wait3A_56 : memref<128x128xf32, #tpu.memory_space<vmem>>)
      %dma_wait3A_63 = arith.constant 1 : i32
      %dma_wait3A_64 = arith.constant 128 : i32
      %dma_wait3A_65 = arith.constant 0 : i32
      %dma_wait3A_66 = tpu.memref_slice %arg7[%dma_wait3A_64, %dma_wait3A_65] : memref<512x128xf32, #tpu.memory_space<vmem>> -> memref<128x128xf32, #tpu.memory_space<vmem>>
      %dma_wait3A_67 = arith.constant 0 : i32
      %dma_wait3A_68 = tpu.memref_slice %arg6[%dma_wait3A_63, %dma_wait3A_67] : memref<4x128xi32, #tpu.memory_space<vmem>> -> memref<1x128xi32, #tpu.memory_space<vmem>>
      %dma_wait3A_69 = tpu.memref_squeeze %dma_wait3A_68 : memref<1x128xi32, #tpu.memory_space<vmem>> -> memref<128xi32, #tpu.memory_space<vmem>>
      %dma_wait3A_70 = arith.constant 0 : i32
      %dma_wait3A_71 = arith.constant 0 : i32
      %dma_wait3A_72 = tpu.memref_slice %arg2[%dma_wait3A_70, %dma_wait3A_71] : memref<12544x128xf32, #tpu.memory_space<hbm>> -> memref<12544x128xf32, #tpu.memory_space<hbm>>
      tpu.wait_indirect_dma semaphore(%arg11 : memref<!tpu.dma_semaphore, #tpu.memory_space<semaphore_mem>>) src(%dma_wait3A_72 : memref<12544x128xf32, #tpu.memory_space<hbm>>) dst(%dma_wait3A_66 : memref<128x128xf32, #tpu.memory_space<vmem>>)
      %dma_wait3A_73 = arith.constant 2 : i32
      %dma_wait3A_74 = arith.constant 256 : i32
      %dma_wait3A_75 = arith.constant 0 : i32
      %dma_wait3A_76 = tpu.memref_slice %arg7[%dma_wait3A_74, %dma_wait3A_75] : memref<512x128xf32, #tpu.memory_space<vmem>> -> memref<128x128xf32, #tpu.memory_space<vmem>>
      %dma_wait3A_77 = arith.constant 0 : i32
      %dma_wait3A_78 = tpu.memref_slice %arg6[%dma_wait3A_73, %dma_wait3A_77] : memref<4x128xi32, #tpu.memory_space<vmem>> -> memref<1x128xi32, #tpu.memory_space<vmem>>
      %dma_wait3A_79 = tpu.memref_squeeze %dma_wait3A_78 : memref<1x128xi32, #tpu.memory_space<vmem>> -> memref<128xi32, #tpu.memory_space<vmem>>
      %dma_wait3A_80 = arith.constant 0 : i32
      %dma_wait3A_81 = arith.constant 0 : i32
      %dma_wait3A_82 = tpu.memref_slice %arg2[%dma_wait3A_80, %dma_wait3A_81] : memref<12544x128xf32, #tpu.memory_space<hbm>> -> memref<12544x128xf32, #tpu.memory_space<hbm>>
      tpu.wait_indirect_dma semaphore(%arg11 : memref<!tpu.dma_semaphore, #tpu.memory_space<semaphore_mem>>) src(%dma_wait3A_82 : memref<12544x128xf32, #tpu.memory_space<hbm>>) dst(%dma_wait3A_76 : memref<128x128xf32, #tpu.memory_space<vmem>>)
      %dma_wait3A_83 = arith.constant 3 : i32
      %dma_wait3A_84 = arith.constant 384 : i32
      %dma_wait3A_85 = arith.constant 0 : i32
      %dma_wait3A_86 = tpu.memref_slice %arg7[%dma_wait3A_84, %dma_wait3A_85] : memref<512x128xf32, #tpu.memory_space<vmem>> -> memref<128x128xf32, #tpu.memory_space<vmem>>
      %dma_wait3A_87 = arith.constant 0 : i32
      %dma_wait3A_88 = tpu.memref_slice %arg6[%dma_wait3A_83, %dma_wait3A_87] : memref<4x128xi32, #tpu.memory_space<vmem>> -> memref<1x128xi32, #tpu.memory_space<vmem>>
      %dma_wait3A_89 = tpu.memref_squeeze %dma_wait3A_88 : memref<1x128xi32, #tpu.memory_space<vmem>> -> memref<128xi32, #tpu.memory_space<vmem>>
      %dma_wait3A_90 = arith.constant 0 : i32
      %dma_wait3A_91 = arith.constant 0 : i32
      %dma_wait3A_92 = tpu.memref_slice %arg2[%dma_wait3A_90, %dma_wait3A_91] : memref<12544x128xf32, #tpu.memory_space<hbm>> -> memref<12544x128xf32, #tpu.memory_space<hbm>>
      tpu.wait_indirect_dma semaphore(%arg11 : memref<!tpu.dma_semaphore, #tpu.memory_space<semaphore_mem>>) src(%dma_wait3A_92 : memref<12544x128xf32, #tpu.memory_space<hbm>>) dst(%dma_wait3A_86 : memref<128x128xf32, #tpu.memory_space<vmem>>)
      "tpu.region"() ({
        %run_scoped3A = tpu.sem_alloc : memref<!tpu.dma_semaphore, #tpu.memory_space<semaphore_mem>>
        %dma_start3A_99 = arith.constant 0 : i32
        %dma_start3A_100 = tpu.memref_slice %arg2[%multiple_of3A, %dma_start3A_99] : memref<12544x128xf32, #tpu.memory_space<hbm>> -> memref<56x128xf32, #tpu.memory_space<hbm>>
        %dma_start3A_101 = arith.constant 0 : i32
        %dma_start3A_102 = tpu.memref_slice %arg2[%multiple_of3A, %dma_start3A_101] : memref<12544x128xf32, #tpu.memory_space<hbm>> -> memref<56x128xf32, #tpu.memory_space<hbm>>
        tpu.enqueue_dma source(%dma_start3A_102 : memref<56x128xf32, #tpu.memory_space<hbm>>) target(%arg8 : memref<56x128xf32, #tpu.memory_space<vmem>>) target_semaphore(%run_scoped3A : memref<!tpu.dma_semaphore, #tpu.memory_space<semaphore_mem>>)
        %dma_wait3A_103 = arith.constant 0 : i32
        %dma_wait3A_104 = tpu.memref_slice %arg2[%multiple_of3A, %dma_wait3A_103] : memref<12544x128xf32, #tpu.memory_space<hbm>> -> memref<56x128xf32, #tpu.memory_space<hbm>>
        %dma_wait3A_105 = arith.constant 0 : i32
        %dma_wait3A_106 = tpu.memref_slice %arg2[%multiple_of3A, %dma_wait3A_105] : memref<12544x128xf32, #tpu.memory_space<hbm>> -> memref<56x128xf32, #tpu.memory_space<hbm>>
        tpu.wait_dma2 semaphore(%run_scoped3A : memref<!tpu.dma_semaphore, #tpu.memory_space<semaphore_mem>>) src(%dma_wait3A_106 : memref<56x128xf32, #tpu.memory_space<hbm>>) dst(%arg8 : memref<56x128xf32, #tpu.memory_space<vmem>>)
        tpu.yield
      }) : () -> ()
      %scan3A_93 = arith.constant 0 : i32
      %scan3A_94 = arith.constant 0 : i32
      %scan3A_95 = arith.constant 56 : i32
      %scan3A_96 = arith.addi %scan3A_94, %scan3A_95 : i32
      %scan3A_97 = arith.constant 1 : i32
      scf.for %scan3A_99 = %scan3A_94 to %scan3A_96 step %scan3A_97  : i32 {
        %mul3A_100 = arith.constant 9 : i32
        %mul3A_101 = arith.muli %scan3A_99, %mul3A_100 : i32
        %get3A = arith.index_cast %mul3A_101 : i32 to index
        %get3A_102 = arith.constant 0 : index
        %get3A_103 = tpu.vector_load %arg7[%get3A, %get3A_102] {strides = array<i32>} : memref<512x128xf32, #tpu.memory_space<vmem>>, vector<1x16xf32>,
        %get3A_104 = vector.shape_cast %get3A_103 : vector<1x16xf32> to vector<16xf32>
        %add3A_105 = arith.constant 1 : i32
        %add3A_106 = arith.addi %mul3A_101, %add3A_105 : i32
        %get3A_107 = arith.index_cast %add3A_106 : i32 to index
        %get3A_108 = arith.constant 0 : index
        %get3A_109 = tpu.vector_load %arg7[%get3A_107, %get3A_108] {strides = array<i32>} : memref<512x128xf32, #tpu.memory_space<vmem>>, vector<1x16xf32>,
        %get3A_110 = vector.shape_cast %get3A_109 : vector<1x16xf32> to vector<16xf32>
        %max3A = arith.maximumf %get3A_104, %get3A_110 : vector<16xf32>
        %add3A_111 = arith.constant 2 : i32
        %add3A_112 = arith.addi %mul3A_101, %add3A_111 : i32
        %get3A_113 = arith.index_cast %add3A_112 : i32 to index
        %get3A_114 = arith.constant 0 : index
        %get3A_115 = tpu.vector_load %arg7[%get3A_113, %get3A_114] {strides = array<i32>} : memref<512x128xf32, #tpu.memory_space<vmem>>, vector<1x16xf32>,
        %get3A_116 = vector.shape_cast %get3A_115 : vector<1x16xf32> to vector<16xf32>
        %max3A_117 = arith.maximumf %max3A, %get3A_116 : vector<16xf32>
        %add3A_118 = arith.constant 3 : i32
        %add3A_119 = arith.addi %mul3A_101, %add3A_118 : i32
        %get3A_120 = arith.index_cast %add3A_119 : i32 to index
        %get3A_121 = arith.constant 0 : index
        %get3A_122 = tpu.vector_load %arg7[%get3A_120, %get3A_121] {strides = array<i32>} : memref<512x128xf32, #tpu.memory_space<vmem>>, vector<1x16xf32>,
        %get3A_123 = vector.shape_cast %get3A_122 : vector<1x16xf32> to vector<16xf32>
        %max3A_124 = arith.maximumf %max3A_117, %get3A_123 : vector<16xf32>
        %add3A_125 = arith.constant 4 : i32
        %add3A_126 = arith.addi %mul3A_101, %add3A_125 : i32
        %get3A_127 = arith.index_cast %add3A_126 : i32 to index
        %get3A_128 = arith.constant 0 : index
        %get3A_129 = tpu.vector_load %arg7[%get3A_127, %get3A_128] {strides = array<i32>} : memref<512x128xf32, #tpu.memory_space<vmem>>, vector<1x16xf32>,
        %get3A_130 = vector.shape_cast %get3A_129 : vector<1x16xf32> to vector<16xf32>
        %max3A_131 = arith.maximumf %max3A_124, %get3A_130 : vector<16xf32>
        %add3A_132 = arith.constant 5 : i32
        %add3A_133 = arith.addi %mul3A_101, %add3A_132 : i32
        %get3A_134 = arith.index_cast %add3A_133 : i32 to index
        %get3A_135 = arith.constant 0 : index
        %get3A_136 = tpu.vector_load %arg7[%get3A_134, %get3A_135] {strides = array<i32>} : memref<512x128xf32, #tpu.memory_space<vmem>>, vector<1x16xf32>,
        %get3A_137 = vector.shape_cast %get3A_136 : vector<1x16xf32> to vector<16xf32>
        %max3A_138 = arith.maximumf %max3A_131, %get3A_137 : vector<16xf32>
        %add3A_139 = arith.constant 6 : i32
        %add3A_140 = arith.addi %mul3A_101, %add3A_139 : i32
        %get3A_141 = arith.index_cast %add3A_140 : i32 to index
        %get3A_142 = arith.constant 0 : index
        %get3A_143 = tpu.vector_load %arg7[%get3A_141, %get3A_142] {strides = array<i32>} : memref<512x128xf32, #tpu.memory_space<vmem>>, vector<1x16xf32>,
        %get3A_144 = vector.shape_cast %get3A_143 : vector<1x16xf32> to vector<16xf32>
        %max3A_145 = arith.maximumf %max3A_138, %get3A_144 : vector<16xf32>
        %add3A_146 = arith.constant 7 : i32
        %add3A_147 = arith.addi %mul3A_101, %add3A_146 : i32
        %get3A_148 = arith.index_cast %add3A_147 : i32 to index
        %get3A_149 = arith.constant 0 : index
        %get3A_150 = tpu.vector_load %arg7[%get3A_148, %get3A_149] {strides = array<i32>} : memref<512x128xf32, #tpu.memory_space<vmem>>, vector<1x16xf32>,
        %get3A_151 = vector.shape_cast %get3A_150 : vector<1x16xf32> to vector<16xf32>
        %max3A_152 = arith.maximumf %max3A_145, %get3A_151 : vector<16xf32>
        %add3A_153 = arith.constant 8 : i32
        %add3A_154 = arith.addi %mul3A_101, %add3A_153 : i32
        %get3A_155 = arith.index_cast %add3A_154 : i32 to index
        %get3A_156 = arith.constant 0 : index
        %get3A_157 = tpu.vector_load %arg7[%get3A_155, %get3A_156] {strides = array<i32>} : memref<512x128xf32, #tpu.memory_space<vmem>>, vector<1x16xf32>,
        %get3A_158 = vector.shape_cast %get3A_157 : vector<1x16xf32> to vector<16xf32>
        %max3A_159 = arith.maximumf %max3A_152, %get3A_158 : vector<16xf32>
        %get3A_160 = arith.index_cast %scan3A_99 : i32 to index
        %get3A_161 = arith.constant 0 : index
        %get3A_162 = tpu.vector_load %arg8[%get3A_160, %get3A_161] {strides = array<i32>} : memref<56x128xf32, #tpu.memory_space<vmem>>, vector<1x16xf32>,
        %get3A_163 = vector.shape_cast %get3A_162 : vector<1x16xf32> to vector<16xf32>
        %sub3A = arith.subf %max3A_159, %get3A_163 : vector<16xf32>
        %get3A_164 = arith.constant 0 : i32
        %get3A_165 = arith.index_cast %get3A_164 : i32 to index
        %get3A_166 = arith.constant 0 : index
        %get3A_167 = tpu.vector_load %arg10[%get3A_165, %get3A_166] {strides = array<i32>} : memref<1x128xf32, #tpu.memory_space<vmem>>, vector<1x16xf32>,
        %get3A_168 = vector.shape_cast %get3A_167 : vector<1x16xf32> to vector<16xf32>
        %add3A_169 = arith.addf %sub3A, %get3A_168 : vector<16xf32>
        %max3A_170 = arith.constant 0.000000e+00 : f32
        %max3A_171 = vector.broadcast %max3A_170 : f32 to vector<16xf32>
        %max3A_172 = arith.maximumf %add3A_169, %max3A_171 : vector<16xf32>
        %swap3A = arith.index_cast %scan3A_99 : i32 to index
        %swap3A_173 = arith.constant 0 : index
        %swap3A_174 = tpu.vector_load %arg9[%swap3A, %swap3A_173] {strides = array<i32>} : memref<56x128xf32, #tpu.memory_space<vmem>>, vector<1x16xf32>,
        %swap3A_175 = vector.shape_cast %swap3A_174 : vector<1x16xf32> to vector<16xf32>
        %swap3A_176 = vector.shape_cast %max3A_172 : vector<16xf32> to vector<1x16xf32>
        tpu.vector_store %arg9[%swap3A, %swap3A_173], %swap3A_176 {strides = array<i32>} : memref<56x128xf32, #tpu.memory_space<vmem>>, vector<1x16xf32>,
        %get3A_177 = arith.index_cast %mul3A_101 : i32 to index
        %get3A_178 = arith.constant 16 : index
        %get3A_179 = tpu.vector_load %arg7[%get3A_177, %get3A_178] {strides = array<i32>} : memref<512x128xf32, #tpu.memory_space<vmem>>, vector<1x16xf32>,
        %get3A_180 = vector.shape_cast %get3A_179 : vector<1x16xf32> to vector<16xf32>
        %add3A_181 = arith.constant 1 : i32
        %add3A_182 = arith.addi %mul3A_101, %add3A_181 : i32
        %get3A_183 = arith.index_cast %add3A_182 : i32 to index
        %get3A_184 = arith.constant 16 : index
        %get3A_185 = tpu.vector_load %arg7[%get3A_183, %get3A_184] {strides = array<i32>} : memref<512x128xf32, #tpu.memory_space<vmem>>, vector<1x16xf32>,
        %get3A_186 = vector.shape_cast %get3A_185 : vector<1x16xf32> to vector<16xf32>
        %max3A_187 = arith.maximumf %get3A_180, %get3A_186 : vector<16xf32>
        %add3A_188 = arith.constant 2 : i32
        %add3A_189 = arith.addi %mul3A_101, %add3A_188 : i32
        %get3A_190 = arith.index_cast %add3A_189 : i32 to index
        %get3A_191 = arith.constant 16 : index
        %get3A_192 = tpu.vector_load %arg7[%get3A_190, %get3A_191] {strides = array<i32>} : memref<512x128xf32, #tpu.memory_space<vmem>>, vector<1x16xf32>,
        %get3A_193 = vector.shape_cast %get3A_192 : vector<1x16xf32> to vector<16xf32>
        %max3A_194 = arith.maximumf %max3A_187, %get3A_193 : vector<16xf32>
        %add3A_195 = arith.constant 3 : i32
        %add3A_196 = arith.addi %mul3A_101, %add3A_195 : i32
        %get3A_197 = arith.index_cast %add3A_196 : i32 to index
        %get3A_198 = arith.constant 16 : index
        %get3A_199 = tpu.vector_load %arg7[%get3A_197, %get3A_198] {strides = array<i32>} : memref<512x128xf32, #tpu.memory_space<vmem>>, vector<1x16xf32>,
        %get3A_200 = vector.shape_cast %get3A_199 : vector<1x16xf32> to vector<16xf32>
        %max3A_201 = arith.maximumf %max3A_194, %get3A_200 : vector<16xf32>
        %add3A_202 = arith.constant 4 : i32
        %add3A_203 = arith.addi %mul3A_101, %add3A_202 : i32
        %get3A_204 = arith.index_cast %add3A_203 : i32 to index
        %get3A_205 = arith.constant 16 : index
        %get3A_206 = tpu.vector_load %arg7[%get3A_204, %get3A_205] {strides = array<i32>} : memref<512x128xf32, #tpu.memory_space<vmem>>, vector<1x16xf32>,
        %get3A_207 = vector.shape_cast %get3A_206 : vector<1x16xf32> to vector<16xf32>
        %max3A_208 = arith.maximumf %max3A_201, %get3A_207 : vector<16xf32>
        %add3A_209 = arith.constant 5 : i32
        %add3A_210 = arith.addi %mul3A_101, %add3A_209 : i32
        %get3A_211 = arith.index_cast %add3A_210 : i32 to index
        %get3A_212 = arith.constant 16 : index
        %get3A_213 = tpu.vector_load %arg7[%get3A_211, %get3A_212] {strides = array<i32>} : memref<512x128xf32, #tpu.memory_space<vmem>>, vector<1x16xf32>,
        %get3A_214 = vector.shape_cast %get3A_213 : vector<1x16xf32> to vector<16xf32>
        %max3A_215 = arith.maximumf %max3A_208, %get3A_214 : vector<16xf32>
        %add3A_216 = arith.constant 6 : i32
        %add3A_217 = arith.addi %mul3A_101, %add3A_216 : i32
        %get3A_218 = arith.index_cast %add3A_217 : i32 to index
        %get3A_219 = arith.constant 16 : index
        %get3A_220 = tpu.vector_load %arg7[%get3A_218, %get3A_219] {strides = array<i32>} : memref<512x128xf32, #tpu.memory_space<vmem>>, vector<1x16xf32>,
        %get3A_221 = vector.shape_cast %get3A_220 : vector<1x16xf32> to vector<16xf32>
        %max3A_222 = arith.maximumf %max3A_215, %get3A_221 : vector<16xf32>
        %add3A_223 = arith.constant 7 : i32
        %add3A_224 = arith.addi %mul3A_101, %add3A_223 : i32
        %get3A_225 = arith.index_cast %add3A_224 : i32 to index
        %get3A_226 = arith.constant 16 : index
        %get3A_227 = tpu.vector_load %arg7[%get3A_225, %get3A_226] {strides = array<i32>} : memref<512x128xf32, #tpu.memory_space<vmem>>, vector<1x16xf32>,
        %get3A_228 = vector.shape_cast %get3A_227 : vector<1x16xf32> to vector<16xf32>
        %max3A_229 = arith.maximumf %max3A_222, %get3A_228 : vector<16xf32>
        %add3A_230 = arith.constant 8 : i32
        %add3A_231 = arith.addi %mul3A_101, %add3A_230 : i32
        %get3A_232 = arith.index_cast %add3A_231 : i32 to index
        %get3A_233 = arith.constant 16 : index
        %get3A_234 = tpu.vector_load %arg7[%get3A_232, %get3A_233] {strides = array<i32>} : memref<512x128xf32, #tpu.memory_space<vmem>>, vector<1x16xf32>,
        %get3A_235 = vector.shape_cast %get3A_234 : vector<1x16xf32> to vector<16xf32>
        %max3A_236 = arith.maximumf %max3A_229, %get3A_235 : vector<16xf32>
        %get3A_237 = arith.index_cast %scan3A_99 : i32 to index
        %get3A_238 = arith.constant 16 : index
        %get3A_239 = tpu.vector_load %arg8[%get3A_237, %get3A_238] {strides = array<i32>} : memref<56x128xf32, #tpu.memory_space<vmem>>, vector<1x16xf32>,
        %get3A_240 = vector.shape_cast %get3A_239 : vector<1x16xf32> to vector<16xf32>
        %sub3A_241 = arith.subf %max3A_236, %get3A_240 : vector<16xf32>
        %get3A_242 = arith.constant 0 : i32
        %get3A_243 = arith.index_cast %get3A_242 : i32 to index
        %get3A_244 = arith.constant 16 : index
        %get3A_245 = tpu.vector_load %arg10[%get3A_243, %get3A_244] {strides = array<i32>} : memref<1x128xf32, #tpu.memory_space<vmem>>, vector<1x16xf32>,
        %get3A_246 = vector.shape_cast %get3A_245 : vector<1x16xf32> to vector<16xf32>
        %add3A_247 = arith.addf %sub3A_241, %get3A_246 : vector<16xf32>
        %max3A_248 = arith.constant 0.000000e+00 : f32
        %max3A_249 = vector.broadcast %max3A_248 : f32 to vector<16xf32>
        %max3A_250 = arith.maximumf %add3A_247, %max3A_249 : vector<16xf32>
        %swap3A_251 = arith.index_cast %scan3A_99 : i32 to index
        %swap3A_252 = arith.constant 16 : index
        %swap3A_253 = tpu.vector_load %arg9[%swap3A_251, %swap3A_252] {strides = array<i32>} : memref<56x128xf32, #tpu.memory_space<vmem>>, vector<1x16xf32>,
        %swap3A_254 = vector.shape_cast %swap3A_253 : vector<1x16xf32> to vector<16xf32>
        %swap3A_255 = vector.shape_cast %max3A_250 : vector<16xf32> to vector<1x16xf32>
        tpu.vector_store %arg9[%swap3A_251, %swap3A_252], %swap3A_255 {strides = array<i32>} : memref<56x128xf32, #tpu.memory_space<vmem>>, vector<1x16xf32>,
        %get3A_256 = arith.index_cast %mul3A_101 : i32 to index
        %get3A_257 = arith.constant 32 : index
        %get3A_258 = tpu.vector_load %arg7[%get3A_256, %get3A_257] {strides = array<i32>} : memref<512x128xf32, #tpu.memory_space<vmem>>, vector<1x16xf32>,
        %get3A_259 = vector.shape_cast %get3A_258 : vector<1x16xf32> to vector<16xf32>
        %add3A_260 = arith.constant 1 : i32
        %add3A_261 = arith.addi %mul3A_101, %add3A_260 : i32
        %get3A_262 = arith.index_cast %add3A_261 : i32 to index
        %get3A_263 = arith.constant 32 : index
        %get3A_264 = tpu.vector_load %arg7[%get3A_262, %get3A_263] {strides = array<i32>} : memref<512x128xf32, #tpu.memory_space<vmem>>, vector<1x16xf32>,
        %get3A_265 = vector.shape_cast %get3A_264 : vector<1x16xf32> to vector<16xf32>
        %max3A_266 = arith.maximumf %get3A_259, %get3A_265 : vector<16xf32>
        %add3A_267 = arith.constant 2 : i32
        %add3A_268 = arith.addi %mul3A_101, %add3A_267 : i32
        %get3A_269 = arith.index_cast %add3A_268 : i32 to index
        %get3A_270 = arith.constant 32 : index
        %get3A_271 = tpu.vector_load %arg7[%get3A_269, %get3A_270] {strides = array<i32>} : memref<512x128xf32, #tpu.memory_space<vmem>>, vector<1x16xf32>,
        %get3A_272 = vector.shape_cast %get3A_271 : vector<1x16xf32> to vector<16xf32>
        %max3A_273 = arith.maximumf %max3A_266, %get3A_272 : vector<16xf32>
        %add3A_274 = arith.constant 3 : i32
        %add3A_275 = arith.addi %mul3A_101, %add3A_274 : i32
        %get3A_276 = arith.index_cast %add3A_275 : i32 to index
        %get3A_277 = arith.constant 32 : index
        %get3A_278 = tpu.vector_load %arg7[%get3A_276, %get3A_277] {strides = array<i32>} : memref<512x128xf32, #tpu.memory_space<vmem>>, vector<1x16xf32>,
        %get3A_279 = vector.shape_cast %get3A_278 : vector<1x16xf32> to vector<16xf32>
        %max3A_280 = arith.maximumf %max3A_273, %get3A_279 : vector<16xf32>
        %add3A_281 = arith.constant 4 : i32
        %add3A_282 = arith.addi %mul3A_101, %add3A_281 : i32
        %get3A_283 = arith.index_cast %add3A_282 : i32 to index
        %get3A_284 = arith.constant 32 : index
        %get3A_285 = tpu.vector_load %arg7[%get3A_283, %get3A_284] {strides = array<i32>} : memref<512x128xf32, #tpu.memory_space<vmem>>, vector<1x16xf32>,
        %get3A_286 = vector.shape_cast %get3A_285 : vector<1x16xf32> to vector<16xf32>
        %max3A_287 = arith.maximumf %max3A_280, %get3A_286 : vector<16xf32>
        %add3A_288 = arith.constant 5 : i32
        %add3A_289 = arith.addi %mul3A_101, %add3A_288 : i32
        %get3A_290 = arith.index_cast %add3A_289 : i32 to index
        %get3A_291 = arith.constant 32 : index
        %get3A_292 = tpu.vector_load %arg7[%get3A_290, %get3A_291] {strides = array<i32>} : memref<512x128xf32, #tpu.memory_space<vmem>>, vector<1x16xf32>,
        %get3A_293 = vector.shape_cast %get3A_292 : vector<1x16xf32> to vector<16xf32>
        %max3A_294 = arith.maximumf %max3A_287, %get3A_293 : vector<16xf32>
        %add3A_295 = arith.constant 6 : i32
        %add3A_296 = arith.addi %mul3A_101, %add3A_295 : i32
        %get3A_297 = arith.index_cast %add3A_296 : i32 to index
        %get3A_298 = arith.constant 32 : index
        %get3A_299 = tpu.vector_load %arg7[%get3A_297, %get3A_298] {strides = array<i32>} : memref<512x128xf32, #tpu.memory_space<vmem>>, vector<1x16xf32>,
        %get3A_300 = vector.shape_cast %get3A_299 : vector<1x16xf32> to vector<16xf32>
        %max3A_301 = arith.maximumf %max3A_294, %get3A_300 : vector<16xf32>
        %add3A_302 = arith.constant 7 : i32
        %add3A_303 = arith.addi %mul3A_101, %add3A_302 : i32
        %get3A_304 = arith.index_cast %add3A_303 : i32 to index
        %get3A_305 = arith.constant 32 : index
        %get3A_306 = tpu.vector_load %arg7[%get3A_304, %get3A_305] {strides = array<i32>} : memref<512x128xf32, #tpu.memory_space<vmem>>, vector<1x16xf32>,
        %get3A_307 = vector.shape_cast %get3A_306 : vector<1x16xf32> to vector<16xf32>
        %max3A_308 = arith.maximumf %max3A_301, %get3A_307 : vector<16xf32>
        %add3A_309 = arith.constant 8 : i32
        %add3A_310 = arith.addi %mul3A_101, %add3A_309 : i32
        %get3A_311 = arith.index_cast %add3A_310 : i32 to index
        %get3A_312 = arith.constant 32 : index
        %get3A_313 = tpu.vector_load %arg7[%get3A_311, %get3A_312] {strides = array<i32>} : memref<512x128xf32, #tpu.memory_space<vmem>>, vector<1x16xf32>,
        %get3A_314 = vector.shape_cast %get3A_313 : vector<1x16xf32> to vector<16xf32>
        %max3A_315 = arith.maximumf %max3A_308, %get3A_314 : vector<16xf32>
        %get3A_316 = arith.index_cast %scan3A_99 : i32 to index
        %get3A_317 = arith.constant 32 : index
        %get3A_318 = tpu.vector_load %arg8[%get3A_316, %get3A_317] {strides = array<i32>} : memref<56x128xf32, #tpu.memory_space<vmem>>, vector<1x16xf32>,
        %get3A_319 = vector.shape_cast %get3A_318 : vector<1x16xf32> to vector<16xf32>
        %sub3A_320 = arith.subf %max3A_315, %get3A_319 : vector<16xf32>
        %get3A_321 = arith.constant 0 : i32
        %get3A_322 = arith.index_cast %get3A_321 : i32 to index
        %get3A_323 = arith.constant 32 : index
        %get3A_324 = tpu.vector_load %arg10[%get3A_322, %get3A_323] {strides = array<i32>} : memref<1x128xf32, #tpu.memory_space<vmem>>, vector<1x16xf32>,
        %get3A_325 = vector.shape_cast %get3A_324 : vector<1x16xf32> to vector<16xf32>
        %add3A_326 = arith.addf %sub3A_320, %get3A_325 : vector<16xf32>
        %max3A_327 = arith.constant 0.000000e+00 : f32
        %max3A_328 = vector.broadcast %max3A_327 : f32 to vector<16xf32>
        %max3A_329 = arith.maximumf %add3A_326, %max3A_328 : vector<16xf32>
        %swap3A_330 = arith.index_cast %scan3A_99 : i32 to index
        %swap3A_331 = arith.constant 32 : index
        %swap3A_332 = tpu.vector_load %arg9[%swap3A_330, %swap3A_331] {strides = array<i32>} : memref<56x128xf32, #tpu.memory_space<vmem>>, vector<1x16xf32>,
        %swap3A_333 = vector.shape_cast %swap3A_332 : vector<1x16xf32> to vector<16xf32>
        %swap3A_334 = vector.shape_cast %max3A_329 : vector<16xf32> to vector<1x16xf32>
        tpu.vector_store %arg9[%swap3A_330, %swap3A_331], %swap3A_334 {strides = array<i32>} : memref<56x128xf32, #tpu.memory_space<vmem>>, vector<1x16xf32>,
        %get3A_335 = arith.index_cast %mul3A_101 : i32 to index
        %get3A_336 = arith.constant 48 : index
        %get3A_337 = tpu.vector_load %arg7[%get3A_335, %get3A_336] {strides = array<i32>} : memref<512x128xf32, #tpu.memory_space<vmem>>, vector<1x16xf32>,
        %get3A_338 = vector.shape_cast %get3A_337 : vector<1x16xf32> to vector<16xf32>
        %add3A_339 = arith.constant 1 : i32
        %add3A_340 = arith.addi %mul3A_101, %add3A_339 : i32
        %get3A_341 = arith.index_cast %add3A_340 : i32 to index
        %get3A_342 = arith.constant 48 : index
        %get3A_343 = tpu.vector_load %arg7[%get3A_341, %get3A_342] {strides = array<i32>} : memref<512x128xf32, #tpu.memory_space<vmem>>, vector<1x16xf32>,
        %get3A_344 = vector.shape_cast %get3A_343 : vector<1x16xf32> to vector<16xf32>
        %max3A_345 = arith.maximumf %get3A_338, %get3A_344 : vector<16xf32>
        %add3A_346 = arith.constant 2 : i32
        %add3A_347 = arith.addi %mul3A_101, %add3A_346 : i32
        %get3A_348 = arith.index_cast %add3A_347 : i32 to index
        %get3A_349 = arith.constant 48 : index
        %get3A_350 = tpu.vector_load %arg7[%get3A_348, %get3A_349] {strides = array<i32>} : memref<512x128xf32, #tpu.memory_space<vmem>>, vector<1x16xf32>,
        %get3A_351 = vector.shape_cast %get3A_350 : vector<1x16xf32> to vector<16xf32>
        %max3A_352 = arith.maximumf %max3A_345, %get3A_351 : vector<16xf32>
        %add3A_353 = arith.constant 3 : i32
        %add3A_354 = arith.addi %mul3A_101, %add3A_353 : i32
        %get3A_355 = arith.index_cast %add3A_354 : i32 to index
        %get3A_356 = arith.constant 48 : index
        %get3A_357 = tpu.vector_load %arg7[%get3A_355, %get3A_356] {strides = array<i32>} : memref<512x128xf32, #tpu.memory_space<vmem>>, vector<1x16xf32>,
        %get3A_358 = vector.shape_cast %get3A_357 : vector<1x16xf32> to vector<16xf32>
        %max3A_359 = arith.maximumf %max3A_352, %get3A_358 : vector<16xf32>
        %add3A_360 = arith.constant 4 : i32
        %add3A_361 = arith.addi %mul3A_101, %add3A_360 : i32
        %get3A_362 = arith.index_cast %add3A_361 : i32 to index
        %get3A_363 = arith.constant 48 : index
        %get3A_364 = tpu.vector_load %arg7[%get3A_362, %get3A_363] {strides = array<i32>} : memref<512x128xf32, #tpu.memory_space<vmem>>, vector<1x16xf32>,
        %get3A_365 = vector.shape_cast %get3A_364 : vector<1x16xf32> to vector<16xf32>
        %max3A_366 = arith.maximumf %max3A_359, %get3A_365 : vector<16xf32>
        %add3A_367 = arith.constant 5 : i32
        %add3A_368 = arith.addi %mul3A_101, %add3A_367 : i32
        %get3A_369 = arith.index_cast %add3A_368 : i32 to index
        %get3A_370 = arith.constant 48 : index
        %get3A_371 = tpu.vector_load %arg7[%get3A_369, %get3A_370] {strides = array<i32>} : memref<512x128xf32, #tpu.memory_space<vmem>>, vector<1x16xf32>,
        %get3A_372 = vector.shape_cast %get3A_371 : vector<1x16xf32> to vector<16xf32>
        %max3A_373 = arith.maximumf %max3A_366, %get3A_372 : vector<16xf32>
        %add3A_374 = arith.constant 6 : i32
        %add3A_375 = arith.addi %mul3A_101, %add3A_374 : i32
        %get3A_376 = arith.index_cast %add3A_375 : i32 to index
        %get3A_377 = arith.constant 48 : index
        %get3A_378 = tpu.vector_load %arg7[%get3A_376, %get3A_377] {strides = array<i32>} : memref<512x128xf32, #tpu.memory_space<vmem>>, vector<1x16xf32>,
        %get3A_379 = vector.shape_cast %get3A_378 : vector<1x16xf32> to vector<16xf32>
        %max3A_380 = arith.maximumf %max3A_373, %get3A_379 : vector<16xf32>
        %add3A_381 = arith.constant 7 : i32
        %add3A_382 = arith.addi %mul3A_101, %add3A_381 : i32
        %get3A_383 = arith.index_cast %add3A_382 : i32 to index
        %get3A_384 = arith.constant 48 : index
        %get3A_385 = tpu.vector_load %arg7[%get3A_383, %get3A_384] {strides = array<i32>} : memref<512x128xf32, #tpu.memory_space<vmem>>, vector<1x16xf32>,
        %get3A_386 = vector.shape_cast %get3A_385 : vector<1x16xf32> to vector<16xf32>
        %max3A_387 = arith.maximumf %max3A_380, %get3A_386 : vector<16xf32>
        %add3A_388 = arith.constant 8 : i32
        %add3A_389 = arith.addi %mul3A_101, %add3A_388 : i32
        %get3A_390 = arith.index_cast %add3A_389 : i32 to index
        %get3A_391 = arith.constant 48 : index
        %get3A_392 = tpu.vector_load %arg7[%get3A_390, %get3A_391] {strides = array<i32>} : memref<512x128xf32, #tpu.memory_space<vmem>>, vector<1x16xf32>,
        %get3A_393 = vector.shape_cast %get3A_392 : vector<1x16xf32> to vector<16xf32>
        %max3A_394 = arith.maximumf %max3A_387, %get3A_393 : vector<16xf32>
        %get3A_395 = arith.index_cast %scan3A_99 : i32 to index
        %get3A_396 = arith.constant 48 : index
        %get3A_397 = tpu.vector_load %arg8[%get3A_395, %get3A_396] {strides = array<i32>} : memref<56x128xf32, #tpu.memory_space<vmem>>, vector<1x16xf32>,
        %get3A_398 = vector.shape_cast %get3A_397 : vector<1x16xf32> to vector<16xf32>
        %sub3A_399 = arith.subf %max3A_394, %get3A_398 : vector<16xf32>
        %get3A_400 = arith.constant 0 : i32
        %get3A_401 = arith.index_cast %get3A_400 : i32 to index
        %get3A_402 = arith.constant 48 : index
        %get3A_403 = tpu.vector_load %arg10[%get3A_401, %get3A_402] {strides = array<i32>} : memref<1x128xf32, #tpu.memory_space<vmem>>, vector<1x16xf32>,
        %get3A_404 = vector.shape_cast %get3A_403 : vector<1x16xf32> to vector<16xf32>
        %add3A_405 = arith.addf %sub3A_399, %get3A_404 : vector<16xf32>
        %max3A_406 = arith.constant 0.000000e+00 : f32
        %max3A_407 = vector.broadcast %max3A_406 : f32 to vector<16xf32>
        %max3A_408 = arith.maximumf %add3A_405, %max3A_407 : vector<16xf32>
        %swap3A_409 = arith.index_cast %scan3A_99 : i32 to index
        %swap3A_410 = arith.constant 48 : index
        %swap3A_411 = tpu.vector_load %arg9[%swap3A_409, %swap3A_410] {strides = array<i32>} : memref<56x128xf32, #tpu.memory_space<vmem>>, vector<1x16xf32>,
        %swap3A_412 = vector.shape_cast %swap3A_411 : vector<1x16xf32> to vector<16xf32>
        %swap3A_413 = vector.shape_cast %max3A_408 : vector<16xf32> to vector<1x16xf32>
        tpu.vector_store %arg9[%swap3A_409, %swap3A_410], %swap3A_413 {strides = array<i32>} : memref<56x128xf32, #tpu.memory_space<vmem>>, vector<1x16xf32>,
        %get3A_414 = arith.index_cast %mul3A_101 : i32 to index
        %get3A_415 = arith.constant 64 : index
        %get3A_416 = tpu.vector_load %arg7[%get3A_414, %get3A_415] {strides = array<i32>} : memref<512x128xf32, #tpu.memory_space<vmem>>, vector<1x16xf32>,
        %get3A_417 = vector.shape_cast %get3A_416 : vector<1x16xf32> to vector<16xf32>
        %add3A_418 = arith.constant 1 : i32
        %add3A_419 = arith.addi %mul3A_101, %add3A_418 : i32
        %get3A_420 = arith.index_cast %add3A_419 : i32 to index
        %get3A_421 = arith.constant 64 : index
        %get3A_422 = tpu.vector_load %arg7[%get3A_420, %get3A_421] {strides = array<i32>} : memref<512x128xf32, #tpu.memory_space<vmem>>, vector<1x16xf32>,
        %get3A_423 = vector.shape_cast %get3A_422 : vector<1x16xf32> to vector<16xf32>
        %max3A_424 = arith.maximumf %get3A_417, %get3A_423 : vector<16xf32>
        %add3A_425 = arith.constant 2 : i32
        %add3A_426 = arith.addi %mul3A_101, %add3A_425 : i32
        %get3A_427 = arith.index_cast %add3A_426 : i32 to index
        %get3A_428 = arith.constant 64 : index
        %get3A_429 = tpu.vector_load %arg7[%get3A_427, %get3A_428] {strides = array<i32>} : memref<512x128xf32, #tpu.memory_space<vmem>>, vector<1x16xf32>,
        %get3A_430 = vector.shape_cast %get3A_429 : vector<1x16xf32> to vector<16xf32>
        %max3A_431 = arith.maximumf %max3A_424, %get3A_430 : vector<16xf32>
        %add3A_432 = arith.constant 3 : i32
        %add3A_433 = arith.addi %mul3A_101, %add3A_432 : i32
        %get3A_434 = arith.index_cast %add3A_433 : i32 to index
        %get3A_435 = arith.constant 64 : index
        %get3A_436 = tpu.vector_load %arg7[%get3A_434, %get3A_435] {strides = array<i32>} : memref<512x128xf32, #tpu.memory_space<vmem>>, vector<1x16xf32>,
        %get3A_437 = vector.shape_cast %get3A_436 : vector<1x16xf32> to vector<16xf32>
        %max3A_438 = arith.maximumf %max3A_431, %get3A_437 : vector<16xf32>
        %add3A_439 = arith.constant 4 : i32
        %add3A_440 = arith.addi %mul3A_101, %add3A_439 : i32
        %get3A_441 = arith.index_cast %add3A_440 : i32 to index
        %get3A_442 = arith.constant 64 : index
        %get3A_443 = tpu.vector_load %arg7[%get3A_441, %get3A_442] {strides = array<i32>} : memref<512x128xf32, #tpu.memory_space<vmem>>, vector<1x16xf32>,
        %get3A_444 = vector.shape_cast %get3A_443 : vector<1x16xf32> to vector<16xf32>
        %max3A_445 = arith.maximumf %max3A_438, %get3A_444 : vector<16xf32>
        %add3A_446 = arith.constant 5 : i32
        %add3A_447 = arith.addi %mul3A_101, %add3A_446 : i32
        %get3A_448 = arith.index_cast %add3A_447 : i32 to index
        %get3A_449 = arith.constant 64 : index
        %get3A_450 = tpu.vector_load %arg7[%get3A_448, %get3A_449] {strides = array<i32>} : memref<512x128xf32, #tpu.memory_space<vmem>>, vector<1x16xf32>,
        %get3A_451 = vector.shape_cast %get3A_450 : vector<1x16xf32> to vector<16xf32>
        %max3A_452 = arith.maximumf %max3A_445, %get3A_451 : vector<16xf32>
        %add3A_453 = arith.constant 6 : i32
        %add3A_454 = arith.addi %mul3A_101, %add3A_453 : i32
        %get3A_455 = arith.index_cast %add3A_454 : i32 to index
        %get3A_456 = arith.constant 64 : index
        %get3A_457 = tpu.vector_load %arg7[%get3A_455, %get3A_456] {strides = array<i32>} : memref<512x128xf32, #tpu.memory_space<vmem>>, vector<1x16xf32>,
        %get3A_458 = vector.shape_cast %get3A_457 : vector<1x16xf32> to vector<16xf32>
        %max3A_459 = arith.maximumf %max3A_452, %get3A_458 : vector<16xf32>
        %add3A_460 = arith.constant 7 : i32
        %add3A_461 = arith.addi %mul3A_101, %add3A_460 : i32
        %get3A_462 = arith.index_cast %add3A_461 : i32 to index
        %get3A_463 = arith.constant 64 : index
        %get3A_464 = tpu.vector_load %arg7[%get3A_462, %get3A_463] {strides = array<i32>} : memref<512x128xf32, #tpu.memory_space<vmem>>, vector<1x16xf32>,
        %get3A_465 = vector.shape_cast %get3A_464 : vector<1x16xf32> to vector<16xf32>
        %max3A_466 = arith.maximumf %max3A_459, %get3A_465 : vector<16xf32>
        %add3A_467 = arith.constant 8 : i32
        %add3A_468 = arith.addi %mul3A_101, %add3A_467 : i32
        %get3A_469 = arith.index_cast %add3A_468 : i32 to index
        %get3A_470 = arith.constant 64 : index
        %get3A_471 = tpu.vector_load %arg7[%get3A_469, %get3A_470] {strides = array<i32>} : memref<512x128xf32, #tpu.memory_space<vmem>>, vector<1x16xf32>,
        %get3A_472 = vector.shape_cast %get3A_471 : vector<1x16xf32> to vector<16xf32>
        %max3A_473 = arith.maximumf %max3A_466, %get3A_472 : vector<16xf32>
        %get3A_474 = arith.index_cast %scan3A_99 : i32 to index
        %get3A_475 = arith.constant 64 : index
        %get3A_476 = tpu.vector_load %arg8[%get3A_474, %get3A_475] {strides = array<i32>} : memref<56x128xf32, #tpu.memory_space<vmem>>, vector<1x16xf32>,
        %get3A_477 = vector.shape_cast %get3A_476 : vector<1x16xf32> to vector<16xf32>
        %sub3A_478 = arith.subf %max3A_473, %get3A_477 : vector<16xf32>
        %get3A_479 = arith.constant 0 : i32
        %get3A_480 = arith.index_cast %get3A_479 : i32 to index
        %get3A_481 = arith.constant 64 : index
        %get3A_482 = tpu.vector_load %arg10[%get3A_480, %get3A_481] {strides = array<i32>} : memref<1x128xf32, #tpu.memory_space<vmem>>, vector<1x16xf32>,
        %get3A_483 = vector.shape_cast %get3A_482 : vector<1x16xf32> to vector<16xf32>
        %add3A_484 = arith.addf %sub3A_478, %get3A_483 : vector<16xf32>
        %max3A_485 = arith.constant 0.000000e+00 : f32
        %max3A_486 = vector.broadcast %max3A_485 : f32 to vector<16xf32>
        %max3A_487 = arith.maximumf %add3A_484, %max3A_486 : vector<16xf32>
        %swap3A_488 = arith.index_cast %scan3A_99 : i32 to index
        %swap3A_489 = arith.constant 64 : index
        %swap3A_490 = tpu.vector_load %arg9[%swap3A_488, %swap3A_489] {strides = array<i32>} : memref<56x128xf32, #tpu.memory_space<vmem>>, vector<1x16xf32>,
        %swap3A_491 = vector.shape_cast %swap3A_490 : vector<1x16xf32> to vector<16xf32>
        %swap3A_492 = vector.shape_cast %max3A_487 : vector<16xf32> to vector<1x16xf32>
        tpu.vector_store %arg9[%swap3A_488, %swap3A_489], %swap3A_492 {strides = array<i32>} : memref<56x128xf32, #tpu.memory_space<vmem>>, vector<1x16xf32>,
        %get3A_493 = arith.index_cast %mul3A_101 : i32 to index
        %get3A_494 = arith.constant 80 : index
        %get3A_495 = tpu.vector_load %arg7[%get3A_493, %get3A_494] {strides = array<i32>} : memref<512x128xf32, #tpu.memory_space<vmem>>, vector<1x16xf32>,
        %get3A_496 = vector.shape_cast %get3A_495 : vector<1x16xf32> to vector<16xf32>
        %add3A_497 = arith.constant 1 : i32
        %add3A_498 = arith.addi %mul3A_101, %add3A_497 : i32
        %get3A_499 = arith.index_cast %add3A_498 : i32 to index
        %get3A_500 = arith.constant 80 : index
        %get3A_501 = tpu.vector_load %arg7[%get3A_499, %get3A_500] {strides = array<i32>} : memref<512x128xf32, #tpu.memory_space<vmem>>, vector<1x16xf32>,
        %get3A_502 = vector.shape_cast %get3A_501 : vector<1x16xf32> to vector<16xf32>
        %max3A_503 = arith.maximumf %get3A_496, %get3A_502 : vector<16xf32>
        %add3A_504 = arith.constant 2 : i32
        %add3A_505 = arith.addi %mul3A_101, %add3A_504 : i32
        %get3A_506 = arith.index_cast %add3A_505 : i32 to index
        %get3A_507 = arith.constant 80 : index
        %get3A_508 = tpu.vector_load %arg7[%get3A_506, %get3A_507] {strides = array<i32>} : memref<512x128xf32, #tpu.memory_space<vmem>>, vector<1x16xf32>,
        %get3A_509 = vector.shape_cast %get3A_508 : vector<1x16xf32> to vector<16xf32>
        %max3A_510 = arith.maximumf %max3A_503, %get3A_509 : vector<16xf32>
        %add3A_511 = arith.constant 3 : i32
        %add3A_512 = arith.addi %mul3A_101, %add3A_511 : i32
        %get3A_513 = arith.index_cast %add3A_512 : i32 to index
        %get3A_514 = arith.constant 80 : index
        %get3A_515 = tpu.vector_load %arg7[%get3A_513, %get3A_514] {strides = array<i32>} : memref<512x128xf32, #tpu.memory_space<vmem>>, vector<1x16xf32>,
        %get3A_516 = vector.shape_cast %get3A_515 : vector<1x16xf32> to vector<16xf32>
        %max3A_517 = arith.maximumf %max3A_510, %get3A_516 : vector<16xf32>
        %add3A_518 = arith.constant 4 : i32
        %add3A_519 = arith.addi %mul3A_101, %add3A_518 : i32
        %get3A_520 = arith.index_cast %add3A_519 : i32 to index
        %get3A_521 = arith.constant 80 : index
        %get3A_522 = tpu.vector_load %arg7[%get3A_520, %get3A_521] {strides = array<i32>} : memref<512x128xf32, #tpu.memory_space<vmem>>, vector<1x16xf32>,
        %get3A_523 = vector.shape_cast %get3A_522 : vector<1x16xf32> to vector<16xf32>
        %max3A_524 = arith.maximumf %max3A_517, %get3A_523 : vector<16xf32>
        %add3A_525 = arith.constant 5 : i32
        %add3A_526 = arith.addi %mul3A_101, %add3A_525 : i32
        %get3A_527 = arith.index_cast %add3A_526 : i32 to index
        %get3A_528 = arith.constant 80 : index
        %get3A_529 = tpu.vector_load %arg7[%get3A_527, %get3A_528] {strides = array<i32>} : memref<512x128xf32, #tpu.memory_space<vmem>>, vector<1x16xf32>,
        %get3A_530 = vector.shape_cast %get3A_529 : vector<1x16xf32> to vector<16xf32>
        %max3A_531 = arith.maximumf %max3A_524, %get3A_530 : vector<16xf32>
        %add3A_532 = arith.constant 6 : i32
        %add3A_533 = arith.addi %mul3A_101, %add3A_532 : i32
        %get3A_534 = arith.index_cast %add3A_533 : i32 to index
        %get3A_535 = arith.constant 80 : index
        %get3A_536 = tpu.vector_load %arg7[%get3A_534, %get3A_535] {strides = array<i32>} : memref<512x128xf32, #tpu.memory_space<vmem>>, vector<1x16xf32>,
        %get3A_537 = vector.shape_cast %get3A_536 : vector<1x16xf32> to vector<16xf32>
        %max3A_538 = arith.maximumf %max3A_531, %get3A_537 : vector<16xf32>
        %add3A_539 = arith.constant 7 : i32
        %add3A_540 = arith.addi %mul3A_101, %add3A_539 : i32
        %get3A_541 = arith.index_cast %add3A_540 : i32 to index
        %get3A_542 = arith.constant 80 : index
        %get3A_543 = tpu.vector_load %arg7[%get3A_541, %get3A_542] {strides = array<i32>} : memref<512x128xf32, #tpu.memory_space<vmem>>, vector<1x16xf32>,
        %get3A_544 = vector.shape_cast %get3A_543 : vector<1x16xf32> to vector<16xf32>
        %max3A_545 = arith.maximumf %max3A_538, %get3A_544 : vector<16xf32>
        %add3A_546 = arith.constant 8 : i32
        %add3A_547 = arith.addi %mul3A_101, %add3A_546 : i32
        %get3A_548 = arith.index_cast %add3A_547 : i32 to index
        %get3A_549 = arith.constant 80 : index
        %get3A_550 = tpu.vector_load %arg7[%get3A_548, %get3A_549] {strides = array<i32>} : memref<512x128xf32, #tpu.memory_space<vmem>>, vector<1x16xf32>,
        %get3A_551 = vector.shape_cast %get3A_550 : vector<1x16xf32> to vector<16xf32>
        %max3A_552 = arith.maximumf %max3A_545, %get3A_551 : vector<16xf32>
        %get3A_553 = arith.index_cast %scan3A_99 : i32 to index
        %get3A_554 = arith.constant 80 : index
        %get3A_555 = tpu.vector_load %arg8[%get3A_553, %get3A_554] {strides = array<i32>} : memref<56x128xf32, #tpu.memory_space<vmem>>, vector<1x16xf32>,
        %get3A_556 = vector.shape_cast %get3A_555 : vector<1x16xf32> to vector<16xf32>
        %sub3A_557 = arith.subf %max3A_552, %get3A_556 : vector<16xf32>
        %get3A_558 = arith.constant 0 : i32
        %get3A_559 = arith.index_cast %get3A_558 : i32 to index
        %get3A_560 = arith.constant 80 : index
        %get3A_561 = tpu.vector_load %arg10[%get3A_559, %get3A_560] {strides = array<i32>} : memref<1x128xf32, #tpu.memory_space<vmem>>, vector<1x16xf32>,
        %get3A_562 = vector.shape_cast %get3A_561 : vector<1x16xf32> to vector<16xf32>
        %add3A_563 = arith.addf %sub3A_557, %get3A_562 : vector<16xf32>
        %max3A_564 = arith.constant 0.000000e+00 : f32
        %max3A_565 = vector.broadcast %max3A_564 : f32 to vector<16xf32>
        %max3A_566 = arith.maximumf %add3A_563, %max3A_565 : vector<16xf32>
        %swap3A_567 = arith.index_cast %scan3A_99 : i32 to index
        %swap3A_568 = arith.constant 80 : index
        %swap3A_569 = tpu.vector_load %arg9[%swap3A_567, %swap3A_568] {strides = array<i32>} : memref<56x128xf32, #tpu.memory_space<vmem>>, vector<1x16xf32>,
        %swap3A_570 = vector.shape_cast %swap3A_569 : vector<1x16xf32> to vector<16xf32>
        %swap3A_571 = vector.shape_cast %max3A_566 : vector<16xf32> to vector<1x16xf32>
        tpu.vector_store %arg9[%swap3A_567, %swap3A_568], %swap3A_571 {strides = array<i32>} : memref<56x128xf32, #tpu.memory_space<vmem>>, vector<1x16xf32>,
        %get3A_572 = arith.index_cast %mul3A_101 : i32 to index
        %get3A_573 = arith.constant 96 : index
        %get3A_574 = tpu.vector_load %arg7[%get3A_572, %get3A_573] {strides = array<i32>} : memref<512x128xf32, #tpu.memory_space<vmem>>, vector<1x16xf32>,
        %get3A_575 = vector.shape_cast %get3A_574 : vector<1x16xf32> to vector<16xf32>
        %add3A_576 = arith.constant 1 : i32
        %add3A_577 = arith.addi %mul3A_101, %add3A_576 : i32
        %get3A_578 = arith.index_cast %add3A_577 : i32 to index
        %get3A_579 = arith.constant 96 : index
        %get3A_580 = tpu.vector_load %arg7[%get3A_578, %get3A_579] {strides = array<i32>} : memref<512x128xf32, #tpu.memory_space<vmem>>, vector<1x16xf32>,
        %get3A_581 = vector.shape_cast %get3A_580 : vector<1x16xf32> to vector<16xf32>
        %max3A_582 = arith.maximumf %get3A_575, %get3A_581 : vector<16xf32>
        %add3A_583 = arith.constant 2 : i32
        %add3A_584 = arith.addi %mul3A_101, %add3A_583 : i32
        %get3A_585 = arith.index_cast %add3A_584 : i32 to index
        %get3A_586 = arith.constant 96 : index
        %get3A_587 = tpu.vector_load %arg7[%get3A_585, %get3A_586] {strides = array<i32>} : memref<512x128xf32, #tpu.memory_space<vmem>>, vector<1x16xf32>,
        %get3A_588 = vector.shape_cast %get3A_587 : vector<1x16xf32> to vector<16xf32>
        %max3A_589 = arith.maximumf %max3A_582, %get3A_588 : vector<16xf32>
        %add3A_590 = arith.constant 3 : i32
        %add3A_591 = arith.addi %mul3A_101, %add3A_590 : i32
        %get3A_592 = arith.index_cast %add3A_591 : i32 to index
        %get3A_593 = arith.constant 96 : index
        %get3A_594 = tpu.vector_load %arg7[%get3A_592, %get3A_593] {strides = array<i32>} : memref<512x128xf32, #tpu.memory_space<vmem>>, vector<1x16xf32>,
        %get3A_595 = vector.shape_cast %get3A_594 : vector<1x16xf32> to vector<16xf32>
        %max3A_596 = arith.maximumf %max3A_589, %get3A_595 : vector<16xf32>
        %add3A_597 = arith.constant 4 : i32
        %add3A_598 = arith.addi %mul3A_101, %add3A_597 : i32
        %get3A_599 = arith.index_cast %add3A_598 : i32 to index
        %get3A_600 = arith.constant 96 : index
        %get3A_601 = tpu.vector_load %arg7[%get3A_599, %get3A_600] {strides = array<i32>} : memref<512x128xf32, #tpu.memory_space<vmem>>, vector<1x16xf32>,
        %get3A_602 = vector.shape_cast %get3A_601 : vector<1x16xf32> to vector<16xf32>
        %max3A_603 = arith.maximumf %max3A_596, %get3A_602 : vector<16xf32>
        %add3A_604 = arith.constant 5 : i32
        %add3A_605 = arith.addi %mul3A_101, %add3A_604 : i32
        %get3A_606 = arith.index_cast %add3A_605 : i32 to index
        %get3A_607 = arith.constant 96 : index
        %get3A_608 = tpu.vector_load %arg7[%get3A_606, %get3A_607] {strides = array<i32>} : memref<512x128xf32, #tpu.memory_space<vmem>>, vector<1x16xf32>,
        %get3A_609 = vector.shape_cast %get3A_608 : vector<1x16xf32> to vector<16xf32>
        %max3A_610 = arith.maximumf %max3A_603, %get3A_609 : vector<16xf32>
        %add3A_611 = arith.constant 6 : i32
        %add3A_612 = arith.addi %mul3A_101, %add3A_611 : i32
        %get3A_613 = arith.index_cast %add3A_612 : i32 to index
        %get3A_614 = arith.constant 96 : index
        %get3A_615 = tpu.vector_load %arg7[%get3A_613, %get3A_614] {strides = array<i32>} : memref<512x128xf32, #tpu.memory_space<vmem>>, vector<1x16xf32>,
        %get3A_616 = vector.shape_cast %get3A_615 : vector<1x16xf32> to vector<16xf32>
        %max3A_617 = arith.maximumf %max3A_610, %get3A_616 : vector<16xf32>
        %add3A_618 = arith.constant 7 : i32
        %add3A_619 = arith.addi %mul3A_101, %add3A_618 : i32
        %get3A_620 = arith.index_cast %add3A_619 : i32 to index
        %get3A_621 = arith.constant 96 : index
        %get3A_622 = tpu.vector_load %arg7[%get3A_620, %get3A_621] {strides = array<i32>} : memref<512x128xf32, #tpu.memory_space<vmem>>, vector<1x16xf32>,
        %get3A_623 = vector.shape_cast %get3A_622 : vector<1x16xf32> to vector<16xf32>
        %max3A_624 = arith.maximumf %max3A_617, %get3A_623 : vector<16xf32>
        %add3A_625 = arith.constant 8 : i32
        %add3A_626 = arith.addi %mul3A_101, %add3A_625 : i32
        %get3A_627 = arith.index_cast %add3A_626 : i32 to index
        %get3A_628 = arith.constant 96 : index
        %get3A_629 = tpu.vector_load %arg7[%get3A_627, %get3A_628] {strides = array<i32>} : memref<512x128xf32, #tpu.memory_space<vmem>>, vector<1x16xf32>,
        %get3A_630 = vector.shape_cast %get3A_629 : vector<1x16xf32> to vector<16xf32>
        %max3A_631 = arith.maximumf %max3A_624, %get3A_630 : vector<16xf32>
        %get3A_632 = arith.index_cast %scan3A_99 : i32 to index
        %get3A_633 = arith.constant 96 : index
        %get3A_634 = tpu.vector_load %arg8[%get3A_632, %get3A_633] {strides = array<i32>} : memref<56x128xf32, #tpu.memory_space<vmem>>, vector<1x16xf32>,
        %get3A_635 = vector.shape_cast %get3A_634 : vector<1x16xf32> to vector<16xf32>
        %sub3A_636 = arith.subf %max3A_631, %get3A_635 : vector<16xf32>
        %get3A_637 = arith.constant 0 : i32
        %get3A_638 = arith.index_cast %get3A_637 : i32 to index
        %get3A_639 = arith.constant 96 : index
        %get3A_640 = tpu.vector_load %arg10[%get3A_638, %get3A_639] {strides = array<i32>} : memref<1x128xf32, #tpu.memory_space<vmem>>, vector<1x16xf32>,
        %get3A_641 = vector.shape_cast %get3A_640 : vector<1x16xf32> to vector<16xf32>
        %add3A_642 = arith.addf %sub3A_636, %get3A_641 : vector<16xf32>
        %max3A_643 = arith.constant 0.000000e+00 : f32
        %max3A_644 = vector.broadcast %max3A_643 : f32 to vector<16xf32>
        %max3A_645 = arith.maximumf %add3A_642, %max3A_644 : vector<16xf32>
        %swap3A_646 = arith.index_cast %scan3A_99 : i32 to index
        %swap3A_647 = arith.constant 96 : index
        %swap3A_648 = tpu.vector_load %arg9[%swap3A_646, %swap3A_647] {strides = array<i32>} : memref<56x128xf32, #tpu.memory_space<vmem>>, vector<1x16xf32>,
        %swap3A_649 = vector.shape_cast %swap3A_648 : vector<1x16xf32> to vector<16xf32>
        %swap3A_650 = vector.shape_cast %max3A_645 : vector<16xf32> to vector<1x16xf32>
        tpu.vector_store %arg9[%swap3A_646, %swap3A_647], %swap3A_650 {strides = array<i32>} : memref<56x128xf32, #tpu.memory_space<vmem>>, vector<1x16xf32>,
        %get3A_651 = arith.index_cast %mul3A_101 : i32 to index
        %get3A_652 = arith.constant 112 : index
        %get3A_653 = tpu.vector_load %arg7[%get3A_651, %get3A_652] {strides = array<i32>} : memref<512x128xf32, #tpu.memory_space<vmem>>, vector<1x16xf32>,
        %get3A_654 = vector.shape_cast %get3A_653 : vector<1x16xf32> to vector<16xf32>
        %add3A_655 = arith.constant 1 : i32
        %add3A_656 = arith.addi %mul3A_101, %add3A_655 : i32
        %get3A_657 = arith.index_cast %add3A_656 : i32 to index
        %get3A_658 = arith.constant 112 : index
        %get3A_659 = tpu.vector_load %arg7[%get3A_657, %get3A_658] {strides = array<i32>} : memref<512x128xf32, #tpu.memory_space<vmem>>, vector<1x16xf32>,
        %get3A_660 = vector.shape_cast %get3A_659 : vector<1x16xf32> to vector<16xf32>
        %max3A_661 = arith.maximumf %get3A_654, %get3A_660 : vector<16xf32>
        %add3A_662 = arith.constant 2 : i32
        %add3A_663 = arith.addi %mul3A_101, %add3A_662 : i32
        %get3A_664 = arith.index_cast %add3A_663 : i32 to index
        %get3A_665 = arith.constant 112 : index
        %get3A_666 = tpu.vector_load %arg7[%get3A_664, %get3A_665] {strides = array<i32>} : memref<512x128xf32, #tpu.memory_space<vmem>>, vector<1x16xf32>,
        %get3A_667 = vector.shape_cast %get3A_666 : vector<1x16xf32> to vector<16xf32>
        %max3A_668 = arith.maximumf %max3A_661, %get3A_667 : vector<16xf32>
        %add3A_669 = arith.constant 3 : i32
        %add3A_670 = arith.addi %mul3A_101, %add3A_669 : i32
        %get3A_671 = arith.index_cast %add3A_670 : i32 to index
        %get3A_672 = arith.constant 112 : index
        %get3A_673 = tpu.vector_load %arg7[%get3A_671, %get3A_672] {strides = array<i32>} : memref<512x128xf32, #tpu.memory_space<vmem>>, vector<1x16xf32>,
        %get3A_674 = vector.shape_cast %get3A_673 : vector<1x16xf32> to vector<16xf32>
        %max3A_675 = arith.maximumf %max3A_668, %get3A_674 : vector<16xf32>
        %add3A_676 = arith.constant 4 : i32
        %add3A_677 = arith.addi %mul3A_101, %add3A_676 : i32
        %get3A_678 = arith.index_cast %add3A_677 : i32 to index
        %get3A_679 = arith.constant 112 : index
        %get3A_680 = tpu.vector_load %arg7[%get3A_678, %get3A_679] {strides = array<i32>} : memref<512x128xf32, #tpu.memory_space<vmem>>, vector<1x16xf32>,
        %get3A_681 = vector.shape_cast %get3A_680 : vector<1x16xf32> to vector<16xf32>
        %max3A_682 = arith.maximumf %max3A_675, %get3A_681 : vector<16xf32>
        %add3A_683 = arith.constant 5 : i32
        %add3A_684 = arith.addi %mul3A_101, %add3A_683 : i32
        %get3A_685 = arith.index_cast %add3A_684 : i32 to index
        %get3A_686 = arith.constant 112 : index
        %get3A_687 = tpu.vector_load %arg7[%get3A_685, %get3A_686] {strides = array<i32>} : memref<512x128xf32, #tpu.memory_space<vmem>>, vector<1x16xf32>,
        %get3A_688 = vector.shape_cast %get3A_687 : vector<1x16xf32> to vector<16xf32>
        %max3A_689 = arith.maximumf %max3A_682, %get3A_688 : vector<16xf32>
        %add3A_690 = arith.constant 6 : i32
        %add3A_691 = arith.addi %mul3A_101, %add3A_690 : i32
        %get3A_692 = arith.index_cast %add3A_691 : i32 to index
        %get3A_693 = arith.constant 112 : index
        %get3A_694 = tpu.vector_load %arg7[%get3A_692, %get3A_693] {strides = array<i32>} : memref<512x128xf32, #tpu.memory_space<vmem>>, vector<1x16xf32>,
        %get3A_695 = vector.shape_cast %get3A_694 : vector<1x16xf32> to vector<16xf32>
        %max3A_696 = arith.maximumf %max3A_689, %get3A_695 : vector<16xf32>
        %add3A_697 = arith.constant 7 : i32
        %add3A_698 = arith.addi %mul3A_101, %add3A_697 : i32
        %get3A_699 = arith.index_cast %add3A_698 : i32 to index
        %get3A_700 = arith.constant 112 : index
        %get3A_701 = tpu.vector_load %arg7[%get3A_699, %get3A_700] {strides = array<i32>} : memref<512x128xf32, #tpu.memory_space<vmem>>, vector<1x16xf32>,
        %get3A_702 = vector.shape_cast %get3A_701 : vector<1x16xf32> to vector<16xf32>
        %max3A_703 = arith.maximumf %max3A_696, %get3A_702 : vector<16xf32>
        %add3A_704 = arith.constant 8 : i32
        %add3A_705 = arith.addi %mul3A_101, %add3A_704 : i32
        %get3A_706 = arith.index_cast %add3A_705 : i32 to index
        %get3A_707 = arith.constant 112 : index
        %get3A_708 = tpu.vector_load %arg7[%get3A_706, %get3A_707] {strides = array<i32>} : memref<512x128xf32, #tpu.memory_space<vmem>>, vector<1x16xf32>,
        %get3A_709 = vector.shape_cast %get3A_708 : vector<1x16xf32> to vector<16xf32>
        %max3A_710 = arith.maximumf %max3A_703, %get3A_709 : vector<16xf32>
        %get3A_711 = arith.index_cast %scan3A_99 : i32 to index
        %get3A_712 = arith.constant 112 : index
        %get3A_713 = tpu.vector_load %arg8[%get3A_711, %get3A_712] {strides = array<i32>} : memref<56x128xf32, #tpu.memory_space<vmem>>, vector<1x16xf32>,
        %get3A_714 = vector.shape_cast %get3A_713 : vector<1x16xf32> to vector<16xf32>
        %sub3A_715 = arith.subf %max3A_710, %get3A_714 : vector<16xf32>
        %get3A_716 = arith.constant 0 : i32
        %get3A_717 = arith.index_cast %get3A_716 : i32 to index
        %get3A_718 = arith.constant 112 : index
        %get3A_719 = tpu.vector_load %arg10[%get3A_717, %get3A_718] {strides = array<i32>} : memref<1x128xf32, #tpu.memory_space<vmem>>, vector<1x16xf32>,
        %get3A_720 = vector.shape_cast %get3A_719 : vector<1x16xf32> to vector<16xf32>
        %add3A_721 = arith.addf %sub3A_715, %get3A_720 : vector<16xf32>
        %max3A_722 = arith.constant 0.000000e+00 : f32
        %max3A_723 = vector.broadcast %max3A_722 : f32 to vector<16xf32>
        %max3A_724 = arith.maximumf %add3A_721, %max3A_723 : vector<16xf32>
        %swap3A_725 = arith.index_cast %scan3A_99 : i32 to index
        %swap3A_726 = arith.constant 112 : index
        %swap3A_727 = tpu.vector_load %arg9[%swap3A_725, %swap3A_726] {strides = array<i32>} : memref<56x128xf32, #tpu.memory_space<vmem>>, vector<1x16xf32>,
        %swap3A_728 = vector.shape_cast %swap3A_727 : vector<1x16xf32> to vector<16xf32>
        %swap3A_729 = vector.shape_cast %max3A_724 : vector<16xf32> to vector<1x16xf32>
        tpu.vector_store %arg9[%swap3A_725, %swap3A_726], %swap3A_729 {strides = array<i32>} : memref<56x128xf32, #tpu.memory_space<vmem>>, vector<1x16xf32>,
      }
      %scan3A_98 = arith.constant 56 : i32
      "tpu.region"() ({
        %run_scoped3A = tpu.sem_alloc : memref<!tpu.dma_semaphore, #tpu.memory_space<semaphore_mem>>
        %dma_start3A_99 = arith.constant 0 : i32
        %dma_start3A_100 = tpu.memref_slice %arg5[%multiple_of3A, %dma_start3A_99] : memref<12544x128xf32, #tpu.memory_space<hbm>> -> memref<56x128xf32, #tpu.memory_space<hbm>>
        %dma_start3A_101 = arith.constant 0 : i32
        %dma_start3A_102 = tpu.memref_slice %arg5[%multiple_of3A, %dma_start3A_101] : memref<12544x128xf32, #tpu.memory_space<hbm>> -> memref<56x128xf32, #tpu.memory_space<hbm>>
        tpu.enqueue_dma source(%arg9 : memref<56x128xf32, #tpu.memory_space<vmem>>) target(%dma_start3A_102 : memref<56x128xf32, #tpu.memory_space<hbm>>) target_semaphore(%run_scoped3A : memref<!tpu.dma_semaphore, #tpu.memory_space<semaphore_mem>>)
        %dma_wait3A_103 = arith.constant 0 : i32
        %dma_wait3A_104 = tpu.memref_slice %arg5[%multiple_of3A, %dma_wait3A_103] : memref<12544x128xf32, #tpu.memory_space<hbm>> -> memref<56x128xf32, #tpu.memory_space<hbm>>
        %dma_wait3A_105 = arith.constant 0 : i32
        %dma_wait3A_106 = tpu.memref_slice %arg5[%multiple_of3A, %dma_wait3A_105] : memref<12544x128xf32, #tpu.memory_space<hbm>> -> memref<56x128xf32, #tpu.memory_space<hbm>>
        tpu.wait_dma2 semaphore(%run_scoped3A : memref<!tpu.dma_semaphore, #tpu.memory_space<semaphore_mem>>) src(%arg9 : memref<56x128xf32, #tpu.memory_space<vmem>>) dst(%dma_wait3A_106 : memref<56x128xf32, #tpu.memory_space<hbm>>)
        tpu.yield
      }) : () -> ()
    }
    %scan3A_5 = arith.constant 7 : i32
    return
  }
}

module attributes {stable_mosaic.version = 14 : i64} {
  func.func @_k1_body(%arg0: i32, %arg1: i32, %arg2: memref<1x392x96xf32, #tpu.memory_space<vmem>>, %arg3: memref<96x96xf32, #tpu.memory_space<vmem>>, %arg4: memref<1x96xf32, #tpu.memory_space<vmem>>, %arg5: memref<1x96xf32, #tpu.memory_space<vmem>>, %arg6: memref<1x96xf32, #tpu.memory_space<vmem>>, %arg7: memref<1x96xf32, #tpu.memory_space<vmem>>, %arg8: memref<1x96xf32, #tpu.memory_space<vmem>>, %arg9: memref<96x96xf32, #tpu.memory_space<vmem>>, %arg10: memref<1x96xf32, #tpu.memory_space<vmem>>, %arg11: memref<96x96xf32, #tpu.memory_space<vmem>>, %arg12: memref<1x392x96xf32, #tpu.memory_space<vmem>>, %arg13: memref<1x392x96xf32, #tpu.memory_space<vmem>>, %arg14: memref<1x392x128xf32, #tpu.memory_space<vmem>>) attributes {dimension_semantics = [#tpu.dimension_semantics<arbitrary>, #tpu.dimension_semantics<arbitrary>], iteration_bounds = array<i64: 4, 8>, scalar_prefetch = 0 : i64, scratch_operands = 0 : i64, tpu.core_type = #tpu.core_type<tc>, window_params = [{transform_indices = @transform_0, window_bounds = array<i64: 1, 392, 96>}, {pipeline_mode = #tpu.pipeline_mode<synchronous>, transform_indices = @transform_1, window_bounds = array<i64: 96, 96>}, {pipeline_mode = #tpu.pipeline_mode<synchronous>, transform_indices = @transform_2, window_bounds = array<i64: 1, 96>}, {pipeline_mode = #tpu.pipeline_mode<synchronous>, transform_indices = @transform_3, window_bounds = array<i64: 1, 96>}, {pipeline_mode = #tpu.pipeline_mode<synchronous>, transform_indices = @transform_4, window_bounds = array<i64: 1, 96>}, {pipeline_mode = #tpu.pipeline_mode<synchronous>, transform_indices = @transform_5, window_bounds = array<i64: 1, 96>}, {pipeline_mode = #tpu.pipeline_mode<synchronous>, transform_indices = @transform_6, window_bounds = array<i64: 1, 96>}, {pipeline_mode = #tpu.pipeline_mode<synchronous>, transform_indices = @transform_7, window_bounds = array<i64: 96, 96>}, {pipeline_mode = #tpu.pipeline_mode<synchronous>, transform_indices = @transform_8, window_bounds = array<i64: 1, 96>}, {pipeline_mode = #tpu.pipeline_mode<synchronous>, transform_indices = @transform_9, window_bounds = array<i64: 96, 96>}, {transform_indices = @transform_10, window_bounds = array<i64: 1, 392, 96>}, {transform_indices = @transform_11, window_bounds = array<i64: 1, 392, 96>}, {transform_indices = @transform_12, window_bounds = array<i64: 1, 392, 128>}]} {
    %get3A = arith.constant 0 : index
    %get3A_0 = arith.constant 0 : index
    %get3A_1 = arith.constant 0 : index
    %get3A_2 = vector.load %arg2[%get3A, %get3A_0, %get3A_1] : memref<1x392x96xf32, #tpu.memory_space<vmem>>, vector<1x392x96xf32>
    %get3A_3 = vector.shape_cast %get3A_2 : vector<1x392x96xf32> to vector<392x96xf32>
    %get3A_4 = arith.constant 0 : index
    %get3A_5 = arith.constant 0 : index
    %get3A_6 = vector.load %arg3[%get3A_4, %get3A_5] : memref<96x96xf32, #tpu.memory_space<vmem>>, vector<96x96xf32>
    %dot_general3A = arith.constant dense<0.000000e+00> : vector<392x96xf32>
    %dot_general3A_7 = tpu.matmul %get3A_3, %get3A_6, %dot_general3A {dimension_numbers = #tpu.dot_dimension_numbers<[1], [0], [0], [1], [0, 0, 1, 1], [], []>, transpose_lhs_hint = false} : vector<392x96xf32>, vector<96x96xf32>, vector<392x96xf32> -> vector<392x96xf32>
    %get3A_8 = arith.constant 0 : index
    %get3A_9 = arith.constant 0 : index
    %get3A_10 = vector.load %arg4[%get3A_8, %get3A_9] : memref<1x96xf32, #tpu.memory_space<vmem>>, vector<1x96xf32>
    %add3A = vector.broadcast %get3A_10 : vector<1x96xf32> to vector<392x96xf32>
    %add3A_11 = arith.addf %dot_general3A_7, %add3A : vector<392x96xf32>
    %get3A_12 = arith.constant 0 : index
    %get3A_13 = arith.constant 0 : index
    %get3A_14 = vector.load %arg5[%get3A_12, %get3A_13] : memref<1x96xf32, #tpu.memory_space<vmem>>, vector<1x96xf32>
    %sub3A = vector.broadcast %get3A_14 : vector<1x96xf32> to vector<392x96xf32>
    %sub3A_15 = arith.subf %add3A_11, %sub3A : vector<392x96xf32>
    %get3A_16 = arith.constant 0 : index
    %get3A_17 = arith.constant 0 : index
    %get3A_18 = vector.load %arg6[%get3A_16, %get3A_17] : memref<1x96xf32, #tpu.memory_space<vmem>>, vector<1x96xf32>
    %mul3A = vector.broadcast %get3A_18 : vector<1x96xf32> to vector<392x96xf32>
    %mul3A_19 = arith.mulf %sub3A_15, %mul3A : vector<392x96xf32>
    %get3A_20 = arith.constant 0 : index
    %get3A_21 = arith.constant 0 : index
    %get3A_22 = vector.load %arg7[%get3A_20, %get3A_21] : memref<1x96xf32, #tpu.memory_space<vmem>>, vector<1x96xf32>
    %mul3A_23 = vector.broadcast %get3A_22 : vector<1x96xf32> to vector<392x96xf32>
    %mul3A_24 = arith.mulf %mul3A_19, %mul3A_23 : vector<392x96xf32>
    %get3A_25 = arith.constant 0 : index
    %get3A_26 = arith.constant 0 : index
    %get3A_27 = vector.load %arg8[%get3A_25, %get3A_26] : memref<1x96xf32, #tpu.memory_space<vmem>>, vector<1x96xf32>
    %add3A_28 = vector.broadcast %get3A_27 : vector<1x96xf32> to vector<392x96xf32>
    %add3A_29 = arith.addf %mul3A_24, %add3A_28 : vector<392x96xf32>
    %swap3A = arith.constant 0 : index
    %swap3A_30 = arith.constant 0 : index
    %swap3A_31 = arith.constant 0 : index
    %swap3A_32 = vector.load %arg12[%swap3A, %swap3A_30, %swap3A_31] : memref<1x392x96xf32, #tpu.memory_space<vmem>>, vector<1x392x96xf32>
    %swap3A_33 = vector.shape_cast %swap3A_32 : vector<1x392x96xf32> to vector<392x96xf32>
    %swap3A_34 = vector.shape_cast %add3A_29 : vector<392x96xf32> to vector<1x392x96xf32>
    tpu.vector_store %arg12[%swap3A, %swap3A_30, %swap3A_31], %swap3A_34 {strides = array<i32>} : memref<1x392x96xf32, #tpu.memory_space<vmem>>, vector<1x392x96xf32>,
    %get3A_35 = arith.constant 0 : index
    %get3A_36 = arith.constant 0 : index
    %get3A_37 = vector.load %arg9[%get3A_35, %get3A_36] : memref<96x96xf32, #tpu.memory_space<vmem>>, vector<96x96xf32>
    %dot_general3A_38 = arith.constant dense<0.000000e+00> : vector<392x96xf32>
    %dot_general3A_39 = tpu.matmul %add3A_29, %get3A_37, %dot_general3A_38 {dimension_numbers = #tpu.dot_dimension_numbers<[1], [0], [0], [1], [0, 0, 1, 1], [], []>, transpose_lhs_hint = false} : vector<392x96xf32>, vector<96x96xf32>, vector<392x96xf32> -> vector<392x96xf32>
    %get3A_40 = arith.constant 0 : index
    %get3A_41 = arith.constant 0 : index
    %get3A_42 = vector.load %arg10[%get3A_40, %get3A_41] : memref<1x96xf32, #tpu.memory_space<vmem>>, vector<1x96xf32>
    %add3A_43 = vector.broadcast %get3A_42 : vector<1x96xf32> to vector<392x96xf32>
    %add3A_44 = arith.addf %dot_general3A_39, %add3A_43 : vector<392x96xf32>
    %max3A = arith.constant 0.000000e+00 : f32
    %max3A_45 = vector.broadcast %max3A : f32 to vector<392x96xf32>
    %max3A_46 = arith.maximumf %add3A_44, %max3A_45 : vector<392x96xf32>
    %swap3A_47 = arith.constant 0 : index
    %swap3A_48 = arith.constant 0 : index
    %swap3A_49 = arith.constant 0 : index
    %swap3A_50 = vector.load %arg13[%swap3A_47, %swap3A_48, %swap3A_49] : memref<1x392x96xf32, #tpu.memory_space<vmem>>, vector<1x392x96xf32>
    %swap3A_51 = vector.shape_cast %swap3A_50 : vector<1x392x96xf32> to vector<392x96xf32>
    %swap3A_52 = vector.shape_cast %max3A_46 : vector<392x96xf32> to vector<1x392x96xf32>
    tpu.vector_store %arg13[%swap3A_47, %swap3A_48, %swap3A_49], %swap3A_52 {strides = array<i32>} : memref<1x392x96xf32, #tpu.memory_space<vmem>>, vector<1x392x96xf32>,
    %get3A_53 = arith.constant 0 : index
    %get3A_54 = arith.constant 0 : index
    %get3A_55 = vector.load %arg11[%get3A_53, %get3A_54] : memref<96x96xf32, #tpu.memory_space<vmem>>, vector<96x96xf32>
    %dot_general3A_56 = arith.constant dense<0.000000e+00> : vector<392x96xf32>
    %dot_general3A_57 = tpu.matmul %add3A_29, %get3A_55, %dot_general3A_56 {dimension_numbers = #tpu.dot_dimension_numbers<[1], [0], [0], [1], [0, 0, 1, 1], [], []>, transpose_lhs_hint = false} : vector<392x96xf32>, vector<96x96xf32>, vector<392x96xf32> -> vector<392x96xf32>
    %jit3A = arith.constant 0 : i32
    %convert_element_type3A = arith.sitofp %jit3A : i32 to f32
    %pad3A = vector.broadcast %convert_element_type3A : f32 to vector<392x32xf32>
    %pad3A_58 = tpu.concatenate %dot_general3A_57, %pad3A in 1 : vector<392x96xf32>, vector<392x32xf32> -> vector<392x128xf32>
    %swap3A_59 = arith.constant 0 : index
    %swap3A_60 = arith.constant 0 : index
    %swap3A_61 = arith.constant 0 : index
    %swap3A_62 = vector.load %arg14[%swap3A_59, %swap3A_60, %swap3A_61] : memref<1x392x128xf32, #tpu.memory_space<vmem>>, vector<1x392x128xf32>
    %swap3A_63 = vector.shape_cast %swap3A_62 : vector<1x392x128xf32> to vector<392x128xf32>
    %swap3A_64 = vector.shape_cast %pad3A_58 : vector<392x128xf32> to vector<1x392x128xf32>
    tpu.vector_store %arg14[%swap3A_59, %swap3A_60, %swap3A_61], %swap3A_64 {strides = array<i32>} : memref<1x392x128xf32, #tpu.memory_space<vmem>>, vector<1x392x128xf32>,
    return
  }
  func.func @transform_0(%arg0: i32, %arg1: i32) -> (i32, i32, i32) {
    %c0_i32 = arith.constant 0 : i32
    %c0_i32_0 = arith.constant 0 : i32
    return %arg0, %arg1, %c0_i32 : i32, i32, i32
  }
  func.func @transform_1(%arg0: i32, %arg1: i32) -> (i32, i32) {
    %c0_i32 = arith.constant 0 : i32
    %c0_i32_0 = arith.constant 0 : i32
    %c0_i32_1 = arith.constant 0 : i32
    return %c0_i32, %c0_i32_0 : i32, i32
  }
  func.func @transform_2(%arg0: i32, %arg1: i32) -> (i32, i32) {
    %c0_i32 = arith.constant 0 : i32
    %c0_i32_0 = arith.constant 0 : i32
    %c0_i32_1 = arith.constant 0 : i32
    return %c0_i32, %c0_i32_0 : i32, i32
  }
  func.func @transform_3(%arg0: i32, %arg1: i32) -> (i32, i32) {
    %c0_i32 = arith.constant 0 : i32
    %c0_i32_0 = arith.constant 0 : i32
    %c0_i32_1 = arith.constant 0 : i32
    return %c0_i32, %c0_i32_0 : i32, i32
  }
  func.func @transform_4(%arg0: i32, %arg1: i32) -> (i32, i32) {
    %c0_i32 = arith.constant 0 : i32
    %c0_i32_0 = arith.constant 0 : i32
    %c0_i32_1 = arith.constant 0 : i32
    return %c0_i32, %c0_i32_0 : i32, i32
  }
  func.func @transform_5(%arg0: i32, %arg1: i32) -> (i32, i32) {
    %c0_i32 = arith.constant 0 : i32
    %c0_i32_0 = arith.constant 0 : i32
    %c0_i32_1 = arith.constant 0 : i32
    return %c0_i32, %c0_i32_0 : i32, i32
  }
  func.func @transform_6(%arg0: i32, %arg1: i32) -> (i32, i32) {
    %c0_i32 = arith.constant 0 : i32
    %c0_i32_0 = arith.constant 0 : i32
    %c0_i32_1 = arith.constant 0 : i32
    return %c0_i32, %c0_i32_0 : i32, i32
  }
  func.func @transform_7(%arg0: i32, %arg1: i32) -> (i32, i32) {
    %c0_i32 = arith.constant 0 : i32
    %c0_i32_0 = arith.constant 0 : i32
    %c0_i32_1 = arith.constant 0 : i32
    return %c0_i32, %c0_i32_0 : i32, i32
  }
  func.func @transform_8(%arg0: i32, %arg1: i32) -> (i32, i32) {
    %c0_i32 = arith.constant 0 : i32
    %c0_i32_0 = arith.constant 0 : i32
    %c0_i32_1 = arith.constant 0 : i32
    return %c0_i32, %c0_i32_0 : i32, i32
  }
  func.func @transform_9(%arg0: i32, %arg1: i32) -> (i32, i32) {
    %c0_i32 = arith.constant 0 : i32
    %c0_i32_0 = arith.constant 0 : i32
    %c0_i32_1 = arith.constant 0 : i32
    return %c0_i32, %c0_i32_0 : i32, i32
  }
  func.func @transform_10(%arg0: i32, %arg1: i32) -> (i32, i32, i32) {
    %c0_i32 = arith.constant 0 : i32
    %c0_i32_0 = arith.constant 0 : i32
    return %arg0, %arg1, %c0_i32 : i32, i32, i32
  }
  func.func @transform_11(%arg0: i32, %arg1: i32) -> (i32, i32, i32) {
    %c0_i32 = arith.constant 0 : i32
    %c0_i32_0 = arith.constant 0 : i32
    return %arg0, %arg1, %c0_i32 : i32, i32, i32
  }
  func.func @transform_12(%arg0: i32, %arg1: i32) -> (i32, i32, i32) {
    %c0_i32 = arith.constant 0 : i32
    %c0_i32_0 = arith.constant 0 : i32
    return %arg0, %arg1, %c0_i32 : i32, i32, i32
  }
}

module attributes {stable_mosaic.version = 14 : i64} {
  func.func @_k1b_body(%arg0: i32, %arg1: memref<1x96x3136xf32, #tpu.memory_space<vmem>>, %arg2: memref<1x96x3136xf32, #tpu.memory_space<vmem>>, %arg3: memref<1x1x3136xf32, #tpu.memory_space<vmem>>) attributes {dimension_semantics = [#tpu.dimension_semantics<arbitrary>], iteration_bounds = array<i64: 4>, scalar_prefetch = 0 : i64, scratch_operands = 0 : i64, tpu.core_type = #tpu.core_type<tc>, window_params = [{transform_indices = @transform_0, window_bounds = array<i64: 1, 96, 3136>}, {transform_indices = @transform_1, window_bounds = array<i64: 1, 96, 3136>}, {transform_indices = @transform_2, window_bounds = array<i64: 1, 1, 3136>}]} {
    %get3A = arith.constant 0 : index
    %get3A_0 = arith.constant 0 : index
    %get3A_1 = arith.constant 0 : index
    %get3A_2 = vector.load %arg1[%get3A, %get3A_0, %get3A_1] : memref<1x96x3136xf32, #tpu.memory_space<vmem>>, vector<1x96x3136xf32>
    %get3A_3 = vector.shape_cast %get3A_2 : vector<1x96x3136xf32> to vector<96x3136xf32>
    %mul3A = arith.mulf %get3A_3, %get3A_3 : vector<96x3136xf32>
    %reduce_sum3A = arith.constant dense<0.000000e+00> : vector<3136xf32>
    %reduce_sum3A_4 = vector.multi_reduction <add>, %mul3A, %reduce_sum3A [0] : vector<96x3136xf32> to vector<3136xf32>
    %broadcast_in_dim3A = vector.shape_cast %reduce_sum3A_4 : vector<3136xf32> to vector<1x3136xf32>
    %sqrt3A = math.sqrt %broadcast_in_dim3A : vector<1x3136xf32>
    %max3A = arith.constant 9.99999996E-13 : f32
    %max3A_5 = vector.broadcast %max3A : f32 to vector<1x3136xf32>
    %max3A_6 = arith.maximumf %sqrt3A, %max3A_5 : vector<1x3136xf32>
    %div3A = vector.broadcast %max3A_6 : vector<1x3136xf32> to vector<96x3136xf32>
    %div3A_7 = arith.divf %get3A_3, %div3A : vector<96x3136xf32>
    %swap3A = arith.constant 0 : index
    %swap3A_8 = arith.constant 0 : index
    %swap3A_9 = arith.constant 0 : index
    %swap3A_10 = vector.load %arg2[%swap3A, %swap3A_8, %swap3A_9] : memref<1x96x3136xf32, #tpu.memory_space<vmem>>, vector<1x96x3136xf32>
    %swap3A_11 = vector.shape_cast %swap3A_10 : vector<1x96x3136xf32> to vector<96x3136xf32>
    %swap3A_12 = vector.shape_cast %div3A_7 : vector<96x3136xf32> to vector<1x96x3136xf32>
    tpu.vector_store %arg2[%swap3A, %swap3A_8, %swap3A_9], %swap3A_12 {strides = array<i32>} : memref<1x96x3136xf32, #tpu.memory_space<vmem>>, vector<1x96x3136xf32>,
    %mul3A_13 = arith.mulf %div3A_7, %div3A_7 : vector<96x3136xf32>
    %reduce_sum3A_14 = arith.constant dense<0.000000e+00> : vector<3136xf32>
    %reduce_sum3A_15 = vector.multi_reduction <add>, %mul3A_13, %reduce_sum3A_14 [0] : vector<96x3136xf32> to vector<3136xf32>
    %broadcast_in_dim3A_16 = vector.shape_cast %reduce_sum3A_15 : vector<3136xf32> to vector<1x3136xf32>
    %swap3A_17 = arith.constant 0 : index
    %swap3A_18 = arith.constant 0 : index
    %swap3A_19 = arith.constant 0 : index
    %swap3A_20 = vector.load %arg3[%swap3A_17, %swap3A_18, %swap3A_19] : memref<1x1x3136xf32, #tpu.memory_space<vmem>>, vector<1x1x3136xf32>
    %swap3A_21 = vector.shape_cast %swap3A_20 : vector<1x1x3136xf32> to vector<1x3136xf32>
    %swap3A_22 = vector.shape_cast %broadcast_in_dim3A_16 : vector<1x3136xf32> to vector<1x1x3136xf32>
    tpu.vector_store %arg3[%swap3A_17, %swap3A_18, %swap3A_19], %swap3A_22 {strides = array<i32>} : memref<1x1x3136xf32, #tpu.memory_space<vmem>>, vector<1x1x3136xf32>,
    return
  }
  func.func @transform_0(%arg0: i32) -> (i32, i32, i32) {
    %c0_i32 = arith.constant 0 : i32
    %c0_i32_0 = arith.constant 0 : i32
    %c0_i32_1 = arith.constant 0 : i32
    return %arg0, %c0_i32, %c0_i32_0 : i32, i32, i32
  }
  func.func @transform_1(%arg0: i32) -> (i32, i32, i32) {
    %c0_i32 = arith.constant 0 : i32
    %c0_i32_0 = arith.constant 0 : i32
    %c0_i32_1 = arith.constant 0 : i32
    return %arg0, %c0_i32, %c0_i32_0 : i32, i32, i32
  }
  func.func @transform_2(%arg0: i32) -> (i32, i32, i32) {
    %c0_i32 = arith.constant 0 : i32
    %c0_i32_0 = arith.constant 0 : i32
    %c0_i32_1 = arith.constant 0 : i32
    return %arg0, %c0_i32, %c0_i32_0 : i32, i32, i32
  }
}

module attributes {stable_mosaic.version = 14 : i64} {
  func.func @_k2_body(%arg0: i32, %arg1: i32, %arg2: memref<1x392x96xf32, #tpu.memory_space<vmem>>, %arg3: memref<1x96x3200xf32, #tpu.memory_space<vmem>>, %arg4: memref<1x392x1xf32, #tpu.memory_space<vmem>>, %arg5: memref<1x1x3200xf32, #tpu.memory_space<vmem>>, %arg6: memref<1x392x9xi32, #tpu.memory_space<vmem>>) attributes {dimension_semantics = [#tpu.dimension_semantics<parallel>, #tpu.dimension_semantics<parallel>], iteration_bounds = array<i64: 4, 8>, scalar_prefetch = 0 : i64, scratch_operands = 0 : i64, tpu.core_type = #tpu.core_type<tc>, window_params = [{transform_indices = @transform_0, window_bounds = array<i64: 1, 392, 96>}, {transform_indices = @transform_1, window_bounds = array<i64: 1, 96, 3200>}, {transform_indices = @transform_2, window_bounds = array<i64: 1, 392, 1>}, {transform_indices = @transform_3, window_bounds = array<i64: 1, 1, 3200>}, {transform_indices = @transform_4, window_bounds = array<i64: 1, 392, 9>}]} {
    %get3A = arith.constant 0 : index
    %get3A_0 = arith.constant 0 : index
    %get3A_1 = arith.constant 0 : index
    %get3A_2 = vector.load %arg2[%get3A, %get3A_0, %get3A_1] : memref<1x392x96xf32, #tpu.memory_space<vmem>>, vector<1x392x96xf32>
    %get3A_3 = vector.shape_cast %get3A_2 : vector<1x392x96xf32> to vector<392x96xf32>
    %get3A_4 = arith.constant 0 : index
    %get3A_5 = arith.constant 0 : index
    %get3A_6 = arith.constant 0 : index
    %get3A_7 = vector.load %arg3[%get3A_4, %get3A_5, %get3A_6] : memref<1x96x3200xf32, #tpu.memory_space<vmem>>, vector<1x96x3200xf32>
    %get3A_8 = vector.shape_cast %get3A_7 : vector<1x96x3200xf32> to vector<96x3200xf32>
    %get3A_9 = arith.constant 0 : index
    %get3A_10 = arith.constant 0 : index
    %get3A_11 = arith.constant 0 : index
    %get3A_12 = vector.load %arg4[%get3A_9, %get3A_10, %get3A_11] : memref<1x392x1xf32, #tpu.memory_space<vmem>>, vector<1x392x1xf32>
    %get3A_13 = vector.shape_cast %get3A_12 : vector<1x392x1xf32> to vector<392x1xf32>
    %get3A_14 = arith.constant 0 : index
    %get3A_15 = arith.constant 0 : index
    %get3A_16 = arith.constant 0 : index
    %get3A_17 = vector.load %arg5[%get3A_14, %get3A_15, %get3A_16] : memref<1x1x3200xf32, #tpu.memory_space<vmem>>, vector<1x1x3200xf32>
    %get3A_18 = vector.shape_cast %get3A_17 : vector<1x1x3200xf32> to vector<1x3200xf32>
    %dot_general3A = arith.constant dense<0.000000e+00> : vector<392x3200xf32>
    %dot_general3A_19 = tpu.matmul %get3A_3, %get3A_8, %dot_general3A {dimension_numbers = #tpu.dot_dimension_numbers<[1], [0], [0], [1], [0, 0, 1, 1], [], []>, transpose_lhs_hint = false} : vector<392x96xf32>, vector<96x3200xf32>, vector<392x3200xf32> -> vector<392x3200xf32>
    %add3A = vector.broadcast %get3A_13 : vector<392x1xf32> to vector<392x3200xf32>
    %add3A_20 = vector.broadcast %get3A_18 : vector<1x3200xf32> to vector<392x3200xf32>
    %add3A_21 = arith.addf %add3A, %add3A_20 : vector<392x3200xf32>
    %mul3A = arith.constant 2.000000e+00 : f32
    %mul3A_22 = vector.broadcast %mul3A : f32 to vector<392x3200xf32>
    %mul3A_23 = arith.mulf %mul3A_22, %dot_general3A_19 : vector<392x3200xf32>
    %sub3A = arith.subf %add3A_21, %mul3A_23 : vector<392x3200xf32>
    %slice3A = vector.extract_strided_slice %sub3A {offsets = [0, 0], sizes = [392, 128], strides = [1, 1]} : vector<392x3200xf32> to vector<392x128xf32>
    %slice3A_24 = vector.extract_strided_slice %sub3A {offsets = [0, 128], sizes = [392, 128], strides = [1, 1]} : vector<392x3200xf32> to vector<392x128xf32>
    %slice3A_25 = vector.extract_strided_slice %sub3A {offsets = [0, 256], sizes = [392, 128], strides = [1, 1]} : vector<392x3200xf32> to vector<392x128xf32>
    %slice3A_26 = vector.extract_strided_slice %sub3A {offsets = [0, 384], sizes = [392, 128], strides = [1, 1]} : vector<392x3200xf32> to vector<392x128xf32>
    %slice3A_27 = vector.extract_strided_slice %sub3A {offsets = [0, 512], sizes = [392, 128], strides = [1, 1]} : vector<392x3200xf32> to vector<392x128xf32>
    %slice3A_28 = vector.extract_strided_slice %sub3A {offsets = [0, 640], sizes = [392, 128], strides = [1, 1]} : vector<392x3200xf32> to vector<392x128xf32>
    %slice3A_29 = vector.extract_strided_slice %sub3A {offsets = [0, 768], sizes = [392, 128], strides = [1, 1]} : vector<392x3200xf32> to vector<392x128xf32>
    %slice3A_30 = vector.extract_strided_slice %sub3A {offsets = [0, 896], sizes = [392, 128], strides = [1, 1]} : vector<392x3200xf32> to vector<392x128xf32>
    %slice3A_31 = vector.extract_strided_slice %sub3A {offsets = [0, 1024], sizes = [392, 128], strides = [1, 1]} : vector<392x3200xf32> to vector<392x128xf32>
    %slice3A_32 = vector.extract_strided_slice %sub3A {offsets = [0, 1152], sizes = [392, 128], strides = [1, 1]} : vector<392x3200xf32> to vector<392x128xf32>
    %slice3A_33 = vector.extract_strided_slice %sub3A {offsets = [0, 1280], sizes = [392, 128], strides = [1, 1]} : vector<392x3200xf32> to vector<392x128xf32>
    %slice3A_34 = vector.extract_strided_slice %sub3A {offsets = [0, 1408], sizes = [392, 128], strides = [1, 1]} : vector<392x3200xf32> to vector<392x128xf32>
    %slice3A_35 = vector.extract_strided_slice %sub3A {offsets = [0, 1536], sizes = [392, 128], strides = [1, 1]} : vector<392x3200xf32> to vector<392x128xf32>
    %slice3A_36 = vector.extract_strided_slice %sub3A {offsets = [0, 1664], sizes = [392, 128], strides = [1, 1]} : vector<392x3200xf32> to vector<392x128xf32>
    %slice3A_37 = vector.extract_strided_slice %sub3A {offsets = [0, 1792], sizes = [392, 128], strides = [1, 1]} : vector<392x3200xf32> to vector<392x128xf32>
    %slice3A_38 = vector.extract_strided_slice %sub3A {offsets = [0, 1920], sizes = [392, 128], strides = [1, 1]} : vector<392x3200xf32> to vector<392x128xf32>
    %slice3A_39 = vector.extract_strided_slice %sub3A {offsets = [0, 2048], sizes = [392, 128], strides = [1, 1]} : vector<392x3200xf32> to vector<392x128xf32>
    %slice3A_40 = vector.extract_strided_slice %sub3A {offsets = [0, 2176], sizes = [392, 128], strides = [1, 1]} : vector<392x3200xf32> to vector<392x128xf32>
    %slice3A_41 = vector.extract_strided_slice %sub3A {offsets = [0, 2304], sizes = [392, 128], strides = [1, 1]} : vector<392x3200xf32> to vector<392x128xf32>
    %slice3A_42 = vector.extract_strided_slice %sub3A {offsets = [0, 2432], sizes = [392, 128], strides = [1, 1]} : vector<392x3200xf32> to vector<392x128xf32>
    %slice3A_43 = vector.extract_strided_slice %sub3A {offsets = [0, 2560], sizes = [392, 128], strides = [1, 1]} : vector<392x3200xf32> to vector<392x128xf32>
    %slice3A_44 = vector.extract_strided_slice %sub3A {offsets = [0, 2688], sizes = [392, 128], strides = [1, 1]} : vector<392x3200xf32> to vector<392x128xf32>
    %slice3A_45 = vector.extract_strided_slice %sub3A {offsets = [0, 2816], sizes = [392, 128], strides = [1, 1]} : vector<392x3200xf32> to vector<392x128xf32>
    %slice3A_46 = vector.extract_strided_slice %sub3A {offsets = [0, 2944], sizes = [392, 128], strides = [1, 1]} : vector<392x3200xf32> to vector<392x128xf32>
    %slice3A_47 = vector.extract_strided_slice %sub3A {offsets = [0, 3072], sizes = [392, 128], strides = [1, 1]} : vector<392x3200xf32> to vector<392x128xf32>
    %iota3A = tpu.iota {dimensions = array<i32: 1>} : vector<392x128xi32>
    %min3A = arith.minimumf %slice3A, %slice3A_24 : vector<392x128xf32>
    %min3A_48 = arith.minimumf %min3A, %slice3A_25 : vector<392x128xf32>
    %min3A_49 = arith.minimumf %min3A_48, %slice3A_26 : vector<392x128xf32>
    %min3A_50 = arith.minimumf %min3A_49, %slice3A_27 : vector<392x128xf32>
    %min3A_51 = arith.minimumf %min3A_50, %slice3A_28 : vector<392x128xf32>
    %min3A_52 = arith.minimumf %min3A_51, %slice3A_29 : vector<392x128xf32>
    %min3A_53 = arith.minimumf %min3A_52, %slice3A_30 : vector<392x128xf32>
    %min3A_54 = arith.minimumf %min3A_53, %slice3A_31 : vector<392x128xf32>
    %min3A_55 = arith.minimumf %min3A_54, %slice3A_32 : vector<392x128xf32>
    %min3A_56 = arith.minimumf %min3A_55, %slice3A_33 : vector<392x128xf32>
    %min3A_57 = arith.minimumf %min3A_56, %slice3A_34 : vector<392x128xf32>
    %min3A_58 = arith.minimumf %min3A_57, %slice3A_35 : vector<392x128xf32>
    %min3A_59 = arith.minimumf %min3A_58, %slice3A_36 : vector<392x128xf32>
    %min3A_60 = arith.minimumf %min3A_59, %slice3A_37 : vector<392x128xf32>
    %min3A_61 = arith.minimumf %min3A_60, %slice3A_38 : vector<392x128xf32>
    %min3A_62 = arith.minimumf %min3A_61, %slice3A_39 : vector<392x128xf32>
    %min3A_63 = arith.minimumf %min3A_62, %slice3A_40 : vector<392x128xf32>
    %min3A_64 = arith.minimumf %min3A_63, %slice3A_41 : vector<392x128xf32>
    %min3A_65 = arith.minimumf %min3A_64, %slice3A_42 : vector<392x128xf32>
    %min3A_66 = arith.minimumf %min3A_65, %slice3A_43 : vector<392x128xf32>
    %min3A_67 = arith.minimumf %min3A_66, %slice3A_44 : vector<392x128xf32>
    %min3A_68 = arith.minimumf %min3A_67, %slice3A_45 : vector<392x128xf32>
    %min3A_69 = arith.minimumf %min3A_68, %slice3A_46 : vector<392x128xf32>
    %min3A_70 = arith.minimumf %min3A_69, %slice3A_47 : vector<392x128xf32>
    %reduce_min3A = arith.constant dense<0x7F800000> : vector<392xf32>
    %reduce_min3A_71 = vector.multi_reduction <minimumf>, %min3A_70, %reduce_min3A [1] : vector<392x128xf32> to vector<392xf32>
    %broadcast_in_dim3A = vector.shape_cast %reduce_min3A_71 : vector<392xf32> to vector<392x1xf32>
    %eq3A = vector.broadcast %broadcast_in_dim3A : vector<392x1xf32> to vector<392x128xf32>
    %eq3A_72 = arith.cmpf oeq, %slice3A, %eq3A : vector<392x128xf32>
    %add3A_73 = arith.constant 0 : i32
    %add3A_74 = vector.broadcast %add3A_73 : i32 to vector<392x128xi32>
    %add3A_75 = arith.addi %iota3A, %add3A_74 : vector<392x128xi32>
    %jit3A = arith.constant 3200 : i32
    %broadcast_in_dim3A_76 = vector.broadcast %jit3A : i32 to vector<392x128xi32>
    %select_n3A = arith.select %eq3A_72, %add3A_75, %broadcast_in_dim3A_76 : vector<392x128xi1>, vector<392x128xi32>
    %eq3A_77 = vector.broadcast %broadcast_in_dim3A : vector<392x1xf32> to vector<392x128xf32>
    %eq3A_78 = arith.cmpf oeq, %slice3A_24, %eq3A_77 : vector<392x128xf32>
    %add3A_79 = arith.constant 128 : i32
    %add3A_80 = vector.broadcast %add3A_79 : i32 to vector<392x128xi32>
    %add3A_81 = arith.addi %iota3A, %add3A_80 : vector<392x128xi32>
    %jit3A_82 = arith.constant 3200 : i32
    %broadcast_in_dim3A_83 = vector.broadcast %jit3A_82 : i32 to vector<392x128xi32>
    %select_n3A_84 = arith.select %eq3A_78, %add3A_81, %broadcast_in_dim3A_83 : vector<392x128xi1>, vector<392x128xi32>
    %min3A_85 = arith.minsi %select_n3A, %select_n3A_84 : vector<392x128xi32>
    %eq3A_86 = vector.broadcast %broadcast_in_dim3A : vector<392x1xf32> to vector<392x128xf32>
    %eq3A_87 = arith.cmpf oeq, %slice3A_25, %eq3A_86 : vector<392x128xf32>
    %add3A_88 = arith.constant 256 : i32
    %add3A_89 = vector.broadcast %add3A_88 : i32 to vector<392x128xi32>
    %add3A_90 = arith.addi %iota3A, %add3A_89 : vector<392x128xi32>
    %jit3A_91 = arith.constant 3200 : i32
    %broadcast_in_dim3A_92 = vector.broadcast %jit3A_91 : i32 to vector<392x128xi32>
    %select_n3A_93 = arith.select %eq3A_87, %add3A_90, %broadcast_in_dim3A_92 : vector<392x128xi1>, vector<392x128xi32>
    %min3A_94 = arith.minsi %min3A_85, %select_n3A_93 : vector<392x128xi32>
    %eq3A_95 = vector.broadcast %broadcast_in_dim3A : vector<392x1xf32> to vector<392x128xf32>
    %eq3A_96 = arith.cmpf oeq, %slice3A_26, %eq3A_95 : vector<392x128xf32>
    %add3A_97 = arith.constant 384 : i32
    %add3A_98 = vector.broadcast %add3A_97 : i32 to vector<392x128xi32>
    %add3A_99 = arith.addi %iota3A, %add3A_98 : vector<392x128xi32>
    %jit3A_100 = arith.constant 3200 : i32
    %broadcast_in_dim3A_101 = vector.broadcast %jit3A_100 : i32 to vector<392x128xi32>
    %select_n3A_102 = arith.select %eq3A_96, %add3A_99, %broadcast_in_dim3A_101 : vector<392x128xi1>, vector<392x128xi32>
    %min3A_103 = arith.minsi %min3A_94, %select_n3A_102 : vector<392x128xi32>
    %eq3A_104 = vector.broadcast %broadcast_in_dim3A : vector<392x1xf32> to vector<392x128xf32>
    %eq3A_105 = arith.cmpf oeq, %slice3A_27, %eq3A_104 : vector<392x128xf32>
    %add3A_106 = arith.constant 512 : i32
    %add3A_107 = vector.broadcast %add3A_106 : i32 to vector<392x128xi32>
    %add3A_108 = arith.addi %iota3A, %add3A_107 : vector<392x128xi32>
    %jit3A_109 = arith.constant 3200 : i32
    %broadcast_in_dim3A_110 = vector.broadcast %jit3A_109 : i32 to vector<392x128xi32>
    %select_n3A_111 = arith.select %eq3A_105, %add3A_108, %broadcast_in_dim3A_110 : vector<392x128xi1>, vector<392x128xi32>
    %min3A_112 = arith.minsi %min3A_103, %select_n3A_111 : vector<392x128xi32>
    %eq3A_113 = vector.broadcast %broadcast_in_dim3A : vector<392x1xf32> to vector<392x128xf32>
    %eq3A_114 = arith.cmpf oeq, %slice3A_28, %eq3A_113 : vector<392x128xf32>
    %add3A_115 = arith.constant 640 : i32
    %add3A_116 = vector.broadcast %add3A_115 : i32 to vector<392x128xi32>
    %add3A_117 = arith.addi %iota3A, %add3A_116 : vector<392x128xi32>
    %jit3A_118 = arith.constant 3200 : i32
    %broadcast_in_dim3A_119 = vector.broadcast %jit3A_118 : i32 to vector<392x128xi32>
    %select_n3A_120 = arith.select %eq3A_114, %add3A_117, %broadcast_in_dim3A_119 : vector<392x128xi1>, vector<392x128xi32>
    %min3A_121 = arith.minsi %min3A_112, %select_n3A_120 : vector<392x128xi32>
    %eq3A_122 = vector.broadcast %broadcast_in_dim3A : vector<392x1xf32> to vector<392x128xf32>
    %eq3A_123 = arith.cmpf oeq, %slice3A_29, %eq3A_122 : vector<392x128xf32>
    %add3A_124 = arith.constant 768 : i32
    %add3A_125 = vector.broadcast %add3A_124 : i32 to vector<392x128xi32>
    %add3A_126 = arith.addi %iota3A, %add3A_125 : vector<392x128xi32>
    %jit3A_127 = arith.constant 3200 : i32
    %broadcast_in_dim3A_128 = vector.broadcast %jit3A_127 : i32 to vector<392x128xi32>
    %select_n3A_129 = arith.select %eq3A_123, %add3A_126, %broadcast_in_dim3A_128 : vector<392x128xi1>, vector<392x128xi32>
    %min3A_130 = arith.minsi %min3A_121, %select_n3A_129 : vector<392x128xi32>
    %eq3A_131 = vector.broadcast %broadcast_in_dim3A : vector<392x1xf32> to vector<392x128xf32>
    %eq3A_132 = arith.cmpf oeq, %slice3A_30, %eq3A_131 : vector<392x128xf32>
    %add3A_133 = arith.constant 896 : i32
    %add3A_134 = vector.broadcast %add3A_133 : i32 to vector<392x128xi32>
    %add3A_135 = arith.addi %iota3A, %add3A_134 : vector<392x128xi32>
    %jit3A_136 = arith.constant 3200 : i32
    %broadcast_in_dim3A_137 = vector.broadcast %jit3A_136 : i32 to vector<392x128xi32>
    %select_n3A_138 = arith.select %eq3A_132, %add3A_135, %broadcast_in_dim3A_137 : vector<392x128xi1>, vector<392x128xi32>
    %min3A_139 = arith.minsi %min3A_130, %select_n3A_138 : vector<392x128xi32>
    %eq3A_140 = vector.broadcast %broadcast_in_dim3A : vector<392x1xf32> to vector<392x128xf32>
    %eq3A_141 = arith.cmpf oeq, %slice3A_31, %eq3A_140 : vector<392x128xf32>
    %add3A_142 = arith.constant 1024 : i32
    %add3A_143 = vector.broadcast %add3A_142 : i32 to vector<392x128xi32>
    %add3A_144 = arith.addi %iota3A, %add3A_143 : vector<392x128xi32>
    %jit3A_145 = arith.constant 3200 : i32
    %broadcast_in_dim3A_146 = vector.broadcast %jit3A_145 : i32 to vector<392x128xi32>
    %select_n3A_147 = arith.select %eq3A_141, %add3A_144, %broadcast_in_dim3A_146 : vector<392x128xi1>, vector<392x128xi32>
    %min3A_148 = arith.minsi %min3A_139, %select_n3A_147 : vector<392x128xi32>
    %eq3A_149 = vector.broadcast %broadcast_in_dim3A : vector<392x1xf32> to vector<392x128xf32>
    %eq3A_150 = arith.cmpf oeq, %slice3A_32, %eq3A_149 : vector<392x128xf32>
    %add3A_151 = arith.constant 1152 : i32
    %add3A_152 = vector.broadcast %add3A_151 : i32 to vector<392x128xi32>
    %add3A_153 = arith.addi %iota3A, %add3A_152 : vector<392x128xi32>
    %jit3A_154 = arith.constant 3200 : i32
    %broadcast_in_dim3A_155 = vector.broadcast %jit3A_154 : i32 to vector<392x128xi32>
    %select_n3A_156 = arith.select %eq3A_150, %add3A_153, %broadcast_in_dim3A_155 : vector<392x128xi1>, vector<392x128xi32>
    %min3A_157 = arith.minsi %min3A_148, %select_n3A_156 : vector<392x128xi32>
    %eq3A_158 = vector.broadcast %broadcast_in_dim3A : vector<392x1xf32> to vector<392x128xf32>
    %eq3A_159 = arith.cmpf oeq, %slice3A_33, %eq3A_158 : vector<392x128xf32>
    %add3A_160 = arith.constant 1280 : i32
    %add3A_161 = vector.broadcast %add3A_160 : i32 to vector<392x128xi32>
    %add3A_162 = arith.addi %iota3A, %add3A_161 : vector<392x128xi32>
    %jit3A_163 = arith.constant 3200 : i32
    %broadcast_in_dim3A_164 = vector.broadcast %jit3A_163 : i32 to vector<392x128xi32>
    %select_n3A_165 = arith.select %eq3A_159, %add3A_162, %broadcast_in_dim3A_164 : vector<392x128xi1>, vector<392x128xi32>
    %min3A_166 = arith.minsi %min3A_157, %select_n3A_165 : vector<392x128xi32>
    %eq3A_167 = vector.broadcast %broadcast_in_dim3A : vector<392x1xf32> to vector<392x128xf32>
    %eq3A_168 = arith.cmpf oeq, %slice3A_34, %eq3A_167 : vector<392x128xf32>
    %add3A_169 = arith.constant 1408 : i32
    %add3A_170 = vector.broadcast %add3A_169 : i32 to vector<392x128xi32>
    %add3A_171 = arith.addi %iota3A, %add3A_170 : vector<392x128xi32>
    %jit3A_172 = arith.constant 3200 : i32
    %broadcast_in_dim3A_173 = vector.broadcast %jit3A_172 : i32 to vector<392x128xi32>
    %select_n3A_174 = arith.select %eq3A_168, %add3A_171, %broadcast_in_dim3A_173 : vector<392x128xi1>, vector<392x128xi32>
    %min3A_175 = arith.minsi %min3A_166, %select_n3A_174 : vector<392x128xi32>
    %eq3A_176 = vector.broadcast %broadcast_in_dim3A : vector<392x1xf32> to vector<392x128xf32>
    %eq3A_177 = arith.cmpf oeq, %slice3A_35, %eq3A_176 : vector<392x128xf32>
    %add3A_178 = arith.constant 1536 : i32
    %add3A_179 = vector.broadcast %add3A_178 : i32 to vector<392x128xi32>
    %add3A_180 = arith.addi %iota3A, %add3A_179 : vector<392x128xi32>
    %jit3A_181 = arith.constant 3200 : i32
    %broadcast_in_dim3A_182 = vector.broadcast %jit3A_181 : i32 to vector<392x128xi32>
    %select_n3A_183 = arith.select %eq3A_177, %add3A_180, %broadcast_in_dim3A_182 : vector<392x128xi1>, vector<392x128xi32>
    %min3A_184 = arith.minsi %min3A_175, %select_n3A_183 : vector<392x128xi32>
    %eq3A_185 = vector.broadcast %broadcast_in_dim3A : vector<392x1xf32> to vector<392x128xf32>
    %eq3A_186 = arith.cmpf oeq, %slice3A_36, %eq3A_185 : vector<392x128xf32>
    %add3A_187 = arith.constant 1664 : i32
    %add3A_188 = vector.broadcast %add3A_187 : i32 to vector<392x128xi32>
    %add3A_189 = arith.addi %iota3A, %add3A_188 : vector<392x128xi32>
    %jit3A_190 = arith.constant 3200 : i32
    %broadcast_in_dim3A_191 = vector.broadcast %jit3A_190 : i32 to vector<392x128xi32>
    %select_n3A_192 = arith.select %eq3A_186, %add3A_189, %broadcast_in_dim3A_191 : vector<392x128xi1>, vector<392x128xi32>
    %min3A_193 = arith.minsi %min3A_184, %select_n3A_192 : vector<392x128xi32>
    %eq3A_194 = vector.broadcast %broadcast_in_dim3A : vector<392x1xf32> to vector<392x128xf32>
    %eq3A_195 = arith.cmpf oeq, %slice3A_37, %eq3A_194 : vector<392x128xf32>
    %add3A_196 = arith.constant 1792 : i32
    %add3A_197 = vector.broadcast %add3A_196 : i32 to vector<392x128xi32>
    %add3A_198 = arith.addi %iota3A, %add3A_197 : vector<392x128xi32>
    %jit3A_199 = arith.constant 3200 : i32
    %broadcast_in_dim3A_200 = vector.broadcast %jit3A_199 : i32 to vector<392x128xi32>
    %select_n3A_201 = arith.select %eq3A_195, %add3A_198, %broadcast_in_dim3A_200 : vector<392x128xi1>, vector<392x128xi32>
    %min3A_202 = arith.minsi %min3A_193, %select_n3A_201 : vector<392x128xi32>
    %eq3A_203 = vector.broadcast %broadcast_in_dim3A : vector<392x1xf32> to vector<392x128xf32>
    %eq3A_204 = arith.cmpf oeq, %slice3A_38, %eq3A_203 : vector<392x128xf32>
    %add3A_205 = arith.constant 1920 : i32
    %add3A_206 = vector.broadcast %add3A_205 : i32 to vector<392x128xi32>
    %add3A_207 = arith.addi %iota3A, %add3A_206 : vector<392x128xi32>
    %jit3A_208 = arith.constant 3200 : i32
    %broadcast_in_dim3A_209 = vector.broadcast %jit3A_208 : i32 to vector<392x128xi32>
    %select_n3A_210 = arith.select %eq3A_204, %add3A_207, %broadcast_in_dim3A_209 : vector<392x128xi1>, vector<392x128xi32>
    %min3A_211 = arith.minsi %min3A_202, %select_n3A_210 : vector<392x128xi32>
    %eq3A_212 = vector.broadcast %broadcast_in_dim3A : vector<392x1xf32> to vector<392x128xf32>
    %eq3A_213 = arith.cmpf oeq, %slice3A_39, %eq3A_212 : vector<392x128xf32>
    %add3A_214 = arith.constant 2048 : i32
    %add3A_215 = vector.broadcast %add3A_214 : i32 to vector<392x128xi32>
    %add3A_216 = arith.addi %iota3A, %add3A_215 : vector<392x128xi32>
    %jit3A_217 = arith.constant 3200 : i32
    %broadcast_in_dim3A_218 = vector.broadcast %jit3A_217 : i32 to vector<392x128xi32>
    %select_n3A_219 = arith.select %eq3A_213, %add3A_216, %broadcast_in_dim3A_218 : vector<392x128xi1>, vector<392x128xi32>
    %min3A_220 = arith.minsi %min3A_211, %select_n3A_219 : vector<392x128xi32>
    %eq3A_221 = vector.broadcast %broadcast_in_dim3A : vector<392x1xf32> to vector<392x128xf32>
    %eq3A_222 = arith.cmpf oeq, %slice3A_40, %eq3A_221 : vector<392x128xf32>
    %add3A_223 = arith.constant 2176 : i32
    %add3A_224 = vector.broadcast %add3A_223 : i32 to vector<392x128xi32>
    %add3A_225 = arith.addi %iota3A, %add3A_224 : vector<392x128xi32>
    %jit3A_226 = arith.constant 3200 : i32
    %broadcast_in_dim3A_227 = vector.broadcast %jit3A_226 : i32 to vector<392x128xi32>
    %select_n3A_228 = arith.select %eq3A_222, %add3A_225, %broadcast_in_dim3A_227 : vector<392x128xi1>, vector<392x128xi32>
    %min3A_229 = arith.minsi %min3A_220, %select_n3A_228 : vector<392x128xi32>
    %eq3A_230 = vector.broadcast %broadcast_in_dim3A : vector<392x1xf32> to vector<392x128xf32>
    %eq3A_231 = arith.cmpf oeq, %slice3A_41, %eq3A_230 : vector<392x128xf32>
    %add3A_232 = arith.constant 2304 : i32
    %add3A_233 = vector.broadcast %add3A_232 : i32 to vector<392x128xi32>
    %add3A_234 = arith.addi %iota3A, %add3A_233 : vector<392x128xi32>
    %jit3A_235 = arith.constant 3200 : i32
    %broadcast_in_dim3A_236 = vector.broadcast %jit3A_235 : i32 to vector<392x128xi32>
    %select_n3A_237 = arith.select %eq3A_231, %add3A_234, %broadcast_in_dim3A_236 : vector<392x128xi1>, vector<392x128xi32>
    %min3A_238 = arith.minsi %min3A_229, %select_n3A_237 : vector<392x128xi32>
    %eq3A_239 = vector.broadcast %broadcast_in_dim3A : vector<392x1xf32> to vector<392x128xf32>
    %eq3A_240 = arith.cmpf oeq, %slice3A_42, %eq3A_239 : vector<392x128xf32>
    %add3A_241 = arith.constant 2432 : i32
    %add3A_242 = vector.broadcast %add3A_241 : i32 to vector<392x128xi32>
    %add3A_243 = arith.addi %iota3A, %add3A_242 : vector<392x128xi32>
    %jit3A_244 = arith.constant 3200 : i32
    %broadcast_in_dim3A_245 = vector.broadcast %jit3A_244 : i32 to vector<392x128xi32>
    %select_n3A_246 = arith.select %eq3A_240, %add3A_243, %broadcast_in_dim3A_245 : vector<392x128xi1>, vector<392x128xi32>
    %min3A_247 = arith.minsi %min3A_238, %select_n3A_246 : vector<392x128xi32>
    %eq3A_248 = vector.broadcast %broadcast_in_dim3A : vector<392x1xf32> to vector<392x128xf32>
    %eq3A_249 = arith.cmpf oeq, %slice3A_43, %eq3A_248 : vector<392x128xf32>
    %add3A_250 = arith.constant 2560 : i32
    %add3A_251 = vector.broadcast %add3A_250 : i32 to vector<392x128xi32>
    %add3A_252 = arith.addi %iota3A, %add3A_251 : vector<392x128xi32>
    %jit3A_253 = arith.constant 3200 : i32
    %broadcast_in_dim3A_254 = vector.broadcast %jit3A_253 : i32 to vector<392x128xi32>
    %select_n3A_255 = arith.select %eq3A_249, %add3A_252, %broadcast_in_dim3A_254 : vector<392x128xi1>, vector<392x128xi32>
    %min3A_256 = arith.minsi %min3A_247, %select_n3A_255 : vector<392x128xi32>
    %eq3A_257 = vector.broadcast %broadcast_in_dim3A : vector<392x1xf32> to vector<392x128xf32>
    %eq3A_258 = arith.cmpf oeq, %slice3A_44, %eq3A_257 : vector<392x128xf32>
    %add3A_259 = arith.constant 2688 : i32
    %add3A_260 = vector.broadcast %add3A_259 : i32 to vector<392x128xi32>
    %add3A_261 = arith.addi %iota3A, %add3A_260 : vector<392x128xi32>
    %jit3A_262 = arith.constant 3200 : i32
    %broadcast_in_dim3A_263 = vector.broadcast %jit3A_262 : i32 to vector<392x128xi32>
    %select_n3A_264 = arith.select %eq3A_258, %add3A_261, %broadcast_in_dim3A_263 : vector<392x128xi1>, vector<392x128xi32>
    %min3A_265 = arith.minsi %min3A_256, %select_n3A_264 : vector<392x128xi32>
    %eq3A_266 = vector.broadcast %broadcast_in_dim3A : vector<392x1xf32> to vector<392x128xf32>
    %eq3A_267 = arith.cmpf oeq, %slice3A_45, %eq3A_266 : vector<392x128xf32>
    %add3A_268 = arith.constant 2816 : i32
    %add3A_269 = vector.broadcast %add3A_268 : i32 to vector<392x128xi32>
    %add3A_270 = arith.addi %iota3A, %add3A_269 : vector<392x128xi32>
    %jit3A_271 = arith.constant 3200 : i32
    %broadcast_in_dim3A_272 = vector.broadcast %jit3A_271 : i32 to vector<392x128xi32>
    %select_n3A_273 = arith.select %eq3A_267, %add3A_270, %broadcast_in_dim3A_272 : vector<392x128xi1>, vector<392x128xi32>
    %min3A_274 = arith.minsi %min3A_265, %select_n3A_273 : vector<392x128xi32>
    %eq3A_275 = vector.broadcast %broadcast_in_dim3A : vector<392x1xf32> to vector<392x128xf32>
    %eq3A_276 = arith.cmpf oeq, %slice3A_46, %eq3A_275 : vector<392x128xf32>
    %add3A_277 = arith.constant 2944 : i32
    %add3A_278 = vector.broadcast %add3A_277 : i32 to vector<392x128xi32>
    %add3A_279 = arith.addi %iota3A, %add3A_278 : vector<392x128xi32>
    %jit3A_280 = arith.constant 3200 : i32
    %broadcast_in_dim3A_281 = vector.broadcast %jit3A_280 : i32 to vector<392x128xi32>
    %select_n3A_282 = arith.select %eq3A_276, %add3A_279, %broadcast_in_dim3A_281 : vector<392x128xi1>, vector<392x128xi32>
    %min3A_283 = arith.minsi %min3A_274, %select_n3A_282 : vector<392x128xi32>
    %eq3A_284 = vector.broadcast %broadcast_in_dim3A : vector<392x1xf32> to vector<392x128xf32>
    %eq3A_285 = arith.cmpf oeq, %slice3A_47, %eq3A_284 : vector<392x128xf32>
    %add3A_286 = arith.constant 3072 : i32
    %add3A_287 = vector.broadcast %add3A_286 : i32 to vector<392x128xi32>
    %add3A_288 = arith.addi %iota3A, %add3A_287 : vector<392x128xi32>
    %jit3A_289 = arith.constant 3200 : i32
    %broadcast_in_dim3A_290 = vector.broadcast %jit3A_289 : i32 to vector<392x128xi32>
    %select_n3A_291 = arith.select %eq3A_285, %add3A_288, %broadcast_in_dim3A_290 : vector<392x128xi1>, vector<392x128xi32>
    %min3A_292 = arith.minsi %min3A_283, %select_n3A_291 : vector<392x128xi32>
    %reduce_min3A_293 = arith.constant dense<2147483647> : vector<392xi32>
    %reduce_min3A_294 = vector.multi_reduction <minsi>, %min3A_292, %reduce_min3A_293 [1] : vector<392x128xi32> to vector<392xi32>
    %broadcast_in_dim3A_295 = vector.shape_cast %reduce_min3A_294 : vector<392xi32> to vector<392x1xi32>
    %squeeze3A = vector.shape_cast %broadcast_in_dim3A_295 : vector<392x1xi32> to vector<392xi32>
    %add3A_296 = arith.constant 0 : i32
    %add3A_297 = vector.broadcast %add3A_296 : i32 to vector<392x128xi32>
    %add3A_298 = arith.addi %iota3A, %add3A_297 : vector<392x128xi32>
    %eq3A_299 = vector.broadcast %broadcast_in_dim3A_295 : vector<392x1xi32> to vector<392x128xi32>
    %eq3A_300 = arith.cmpi eq, %add3A_298, %eq3A_299 : vector<392x128xi32>
    %jit3A_301 = arith.constant 0x7F800000 : f32
    %broadcast_in_dim3A_302 = vector.broadcast %jit3A_301 : f32 to vector<392x128xf32>
    %select_n3A_303 = arith.select %eq3A_300, %broadcast_in_dim3A_302, %slice3A : vector<392x128xi1>, vector<392x128xf32>
    %add3A_304 = arith.constant 128 : i32
    %add3A_305 = vector.broadcast %add3A_304 : i32 to vector<392x128xi32>
    %add3A_306 = arith.addi %iota3A, %add3A_305 : vector<392x128xi32>
    %eq3A_307 = vector.broadcast %broadcast_in_dim3A_295 : vector<392x1xi32> to vector<392x128xi32>
    %eq3A_308 = arith.cmpi eq, %add3A_306, %eq3A_307 : vector<392x128xi32>
    %jit3A_309 = arith.constant 0x7F800000 : f32
    %broadcast_in_dim3A_310 = vector.broadcast %jit3A_309 : f32 to vector<392x128xf32>
    %select_n3A_311 = arith.select %eq3A_308, %broadcast_in_dim3A_310, %slice3A_24 : vector<392x128xi1>, vector<392x128xf32>
    %add3A_312 = arith.constant 256 : i32
    %add3A_313 = vector.broadcast %add3A_312 : i32 to vector<392x128xi32>
    %add3A_314 = arith.addi %iota3A, %add3A_313 : vector<392x128xi32>
    %eq3A_315 = vector.broadcast %broadcast_in_dim3A_295 : vector<392x1xi32> to vector<392x128xi32>
    %eq3A_316 = arith.cmpi eq, %add3A_314, %eq3A_315 : vector<392x128xi32>
    %jit3A_317 = arith.constant 0x7F800000 : f32
    %broadcast_in_dim3A_318 = vector.broadcast %jit3A_317 : f32 to vector<392x128xf32>
    %select_n3A_319 = arith.select %eq3A_316, %broadcast_in_dim3A_318, %slice3A_25 : vector<392x128xi1>, vector<392x128xf32>
    %add3A_320 = arith.constant 384 : i32
    %add3A_321 = vector.broadcast %add3A_320 : i32 to vector<392x128xi32>
    %add3A_322 = arith.addi %iota3A, %add3A_321 : vector<392x128xi32>
    %eq3A_323 = vector.broadcast %broadcast_in_dim3A_295 : vector<392x1xi32> to vector<392x128xi32>
    %eq3A_324 = arith.cmpi eq, %add3A_322, %eq3A_323 : vector<392x128xi32>
    %jit3A_325 = arith.constant 0x7F800000 : f32
    %broadcast_in_dim3A_326 = vector.broadcast %jit3A_325 : f32 to vector<392x128xf32>
    %select_n3A_327 = arith.select %eq3A_324, %broadcast_in_dim3A_326, %slice3A_26 : vector<392x128xi1>, vector<392x128xf32>
    %add3A_328 = arith.constant 512 : i32
    %add3A_329 = vector.broadcast %add3A_328 : i32 to vector<392x128xi32>
    %add3A_330 = arith.addi %iota3A, %add3A_329 : vector<392x128xi32>
    %eq3A_331 = vector.broadcast %broadcast_in_dim3A_295 : vector<392x1xi32> to vector<392x128xi32>
    %eq3A_332 = arith.cmpi eq, %add3A_330, %eq3A_331 : vector<392x128xi32>
    %jit3A_333 = arith.constant 0x7F800000 : f32
    %broadcast_in_dim3A_334 = vector.broadcast %jit3A_333 : f32 to vector<392x128xf32>
    %select_n3A_335 = arith.select %eq3A_332, %broadcast_in_dim3A_334, %slice3A_27 : vector<392x128xi1>, vector<392x128xf32>
    %add3A_336 = arith.constant 640 : i32
    %add3A_337 = vector.broadcast %add3A_336 : i32 to vector<392x128xi32>
    %add3A_338 = arith.addi %iota3A, %add3A_337 : vector<392x128xi32>
    %eq3A_339 = vector.broadcast %broadcast_in_dim3A_295 : vector<392x1xi32> to vector<392x128xi32>
    %eq3A_340 = arith.cmpi eq, %add3A_338, %eq3A_339 : vector<392x128xi32>
    %jit3A_341 = arith.constant 0x7F800000 : f32
    %broadcast_in_dim3A_342 = vector.broadcast %jit3A_341 : f32 to vector<392x128xf32>
    %select_n3A_343 = arith.select %eq3A_340, %broadcast_in_dim3A_342, %slice3A_28 : vector<392x128xi1>, vector<392x128xf32>
    %add3A_344 = arith.constant 768 : i32
    %add3A_345 = vector.broadcast %add3A_344 : i32 to vector<392x128xi32>
    %add3A_346 = arith.addi %iota3A, %add3A_345 : vector<392x128xi32>
    %eq3A_347 = vector.broadcast %broadcast_in_dim3A_295 : vector<392x1xi32> to vector<392x128xi32>
    %eq3A_348 = arith.cmpi eq, %add3A_346, %eq3A_347 : vector<392x128xi32>
    %jit3A_349 = arith.constant 0x7F800000 : f32
    %broadcast_in_dim3A_350 = vector.broadcast %jit3A_349 : f32 to vector<392x128xf32>
    %select_n3A_351 = arith.select %eq3A_348, %broadcast_in_dim3A_350, %slice3A_29 : vector<392x128xi1>, vector<392x128xf32>
    %add3A_352 = arith.constant 896 : i32
    %add3A_353 = vector.broadcast %add3A_352 : i32 to vector<392x128xi32>
    %add3A_354 = arith.addi %iota3A, %add3A_353 : vector<392x128xi32>
    %eq3A_355 = vector.broadcast %broadcast_in_dim3A_295 : vector<392x1xi32> to vector<392x128xi32>
    %eq3A_356 = arith.cmpi eq, %add3A_354, %eq3A_355 : vector<392x128xi32>
    %jit3A_357 = arith.constant 0x7F800000 : f32
    %broadcast_in_dim3A_358 = vector.broadcast %jit3A_357 : f32 to vector<392x128xf32>
    %select_n3A_359 = arith.select %eq3A_356, %broadcast_in_dim3A_358, %slice3A_30 : vector<392x128xi1>, vector<392x128xf32>
    %add3A_360 = arith.constant 1024 : i32
    %add3A_361 = vector.broadcast %add3A_360 : i32 to vector<392x128xi32>
    %add3A_362 = arith.addi %iota3A, %add3A_361 : vector<392x128xi32>
    %eq3A_363 = vector.broadcast %broadcast_in_dim3A_295 : vector<392x1xi32> to vector<392x128xi32>
    %eq3A_364 = arith.cmpi eq, %add3A_362, %eq3A_363 : vector<392x128xi32>
    %jit3A_365 = arith.constant 0x7F800000 : f32
    %broadcast_in_dim3A_366 = vector.broadcast %jit3A_365 : f32 to vector<392x128xf32>
    %select_n3A_367 = arith.select %eq3A_364, %broadcast_in_dim3A_366, %slice3A_31 : vector<392x128xi1>, vector<392x128xf32>
    %add3A_368 = arith.constant 1152 : i32
    %add3A_369 = vector.broadcast %add3A_368 : i32 to vector<392x128xi32>
    %add3A_370 = arith.addi %iota3A, %add3A_369 : vector<392x128xi32>
    %eq3A_371 = vector.broadcast %broadcast_in_dim3A_295 : vector<392x1xi32> to vector<392x128xi32>
    %eq3A_372 = arith.cmpi eq, %add3A_370, %eq3A_371 : vector<392x128xi32>
    %jit3A_373 = arith.constant 0x7F800000 : f32
    %broadcast_in_dim3A_374 = vector.broadcast %jit3A_373 : f32 to vector<392x128xf32>
    %select_n3A_375 = arith.select %eq3A_372, %broadcast_in_dim3A_374, %slice3A_32 : vector<392x128xi1>, vector<392x128xf32>
    %add3A_376 = arith.constant 1280 : i32
    %add3A_377 = vector.broadcast %add3A_376 : i32 to vector<392x128xi32>
    %add3A_378 = arith.addi %iota3A, %add3A_377 : vector<392x128xi32>
    %eq3A_379 = vector.broadcast %broadcast_in_dim3A_295 : vector<392x1xi32> to vector<392x128xi32>
    %eq3A_380 = arith.cmpi eq, %add3A_378, %eq3A_379 : vector<392x128xi32>
    %jit3A_381 = arith.constant 0x7F800000 : f32
    %broadcast_in_dim3A_382 = vector.broadcast %jit3A_381 : f32 to vector<392x128xf32>
    %select_n3A_383 = arith.select %eq3A_380, %broadcast_in_dim3A_382, %slice3A_33 : vector<392x128xi1>, vector<392x128xf32>
    %add3A_384 = arith.constant 1408 : i32
    %add3A_385 = vector.broadcast %add3A_384 : i32 to vector<392x128xi32>
    %add3A_386 = arith.addi %iota3A, %add3A_385 : vector<392x128xi32>
    %eq3A_387 = vector.broadcast %broadcast_in_dim3A_295 : vector<392x1xi32> to vector<392x128xi32>
    %eq3A_388 = arith.cmpi eq, %add3A_386, %eq3A_387 : vector<392x128xi32>
    %jit3A_389 = arith.constant 0x7F800000 : f32
    %broadcast_in_dim3A_390 = vector.broadcast %jit3A_389 : f32 to vector<392x128xf32>
    %select_n3A_391 = arith.select %eq3A_388, %broadcast_in_dim3A_390, %slice3A_34 : vector<392x128xi1>, vector<392x128xf32>
    %add3A_392 = arith.constant 1536 : i32
    %add3A_393 = vector.broadcast %add3A_392 : i32 to vector<392x128xi32>
    %add3A_394 = arith.addi %iota3A, %add3A_393 : vector<392x128xi32>
    %eq3A_395 = vector.broadcast %broadcast_in_dim3A_295 : vector<392x1xi32> to vector<392x128xi32>
    %eq3A_396 = arith.cmpi eq, %add3A_394, %eq3A_395 : vector<392x128xi32>
    %jit3A_397 = arith.constant 0x7F800000 : f32
    %broadcast_in_dim3A_398 = vector.broadcast %jit3A_397 : f32 to vector<392x128xf32>
    %select_n3A_399 = arith.select %eq3A_396, %broadcast_in_dim3A_398, %slice3A_35 : vector<392x128xi1>, vector<392x128xf32>
    %add3A_400 = arith.constant 1664 : i32
    %add3A_401 = vector.broadcast %add3A_400 : i32 to vector<392x128xi32>
    %add3A_402 = arith.addi %iota3A, %add3A_401 : vector<392x128xi32>
    %eq3A_403 = vector.broadcast %broadcast_in_dim3A_295 : vector<392x1xi32> to vector<392x128xi32>
    %eq3A_404 = arith.cmpi eq, %add3A_402, %eq3A_403 : vector<392x128xi32>
    %jit3A_405 = arith.constant 0x7F800000 : f32
    %broadcast_in_dim3A_406 = vector.broadcast %jit3A_405 : f32 to vector<392x128xf32>
    %select_n3A_407 = arith.select %eq3A_404, %broadcast_in_dim3A_406, %slice3A_36 : vector<392x128xi1>, vector<392x128xf32>
    %add3A_408 = arith.constant 1792 : i32
    %add3A_409 = vector.broadcast %add3A_408 : i32 to vector<392x128xi32>
    %add3A_410 = arith.addi %iota3A, %add3A_409 : vector<392x128xi32>
    %eq3A_411 = vector.broadcast %broadcast_in_dim3A_295 : vector<392x1xi32> to vector<392x128xi32>
    %eq3A_412 = arith.cmpi eq, %add3A_410, %eq3A_411 : vector<392x128xi32>
    %jit3A_413 = arith.constant 0x7F800000 : f32
    %broadcast_in_dim3A_414 = vector.broadcast %jit3A_413 : f32 to vector<392x128xf32>
    %select_n3A_415 = arith.select %eq3A_412, %broadcast_in_dim3A_414, %slice3A_37 : vector<392x128xi1>, vector<392x128xf32>
    %add3A_416 = arith.constant 1920 : i32
    %add3A_417 = vector.broadcast %add3A_416 : i32 to vector<392x128xi32>
    %add3A_418 = arith.addi %iota3A, %add3A_417 : vector<392x128xi32>
    %eq3A_419 = vector.broadcast %broadcast_in_dim3A_295 : vector<392x1xi32> to vector<392x128xi32>
    %eq3A_420 = arith.cmpi eq, %add3A_418, %eq3A_419 : vector<392x128xi32>
    %jit3A_421 = arith.constant 0x7F800000 : f32
    %broadcast_in_dim3A_422 = vector.broadcast %jit3A_421 : f32 to vector<392x128xf32>
    %select_n3A_423 = arith.select %eq3A_420, %broadcast_in_dim3A_422, %slice3A_38 : vector<392x128xi1>, vector<392x128xf32>
    %add3A_424 = arith.constant 2048 : i32
    %add3A_425 = vector.broadcast %add3A_424 : i32 to vector<392x128xi32>
    %add3A_426 = arith.addi %iota3A, %add3A_425 : vector<392x128xi32>
    %eq3A_427 = vector.broadcast %broadcast_in_dim3A_295 : vector<392x1xi32> to vector<392x128xi32>
    %eq3A_428 = arith.cmpi eq, %add3A_426, %eq3A_427 : vector<392x128xi32>
    %jit3A_429 = arith.constant 0x7F800000 : f32
    %broadcast_in_dim3A_430 = vector.broadcast %jit3A_429 : f32 to vector<392x128xf32>
    %select_n3A_431 = arith.select %eq3A_428, %broadcast_in_dim3A_430, %slice3A_39 : vector<392x128xi1>, vector<392x128xf32>
    %add3A_432 = arith.constant 2176 : i32
    %add3A_433 = vector.broadcast %add3A_432 : i32 to vector<392x128xi32>
    %add3A_434 = arith.addi %iota3A, %add3A_433 : vector<392x128xi32>
    %eq3A_435 = vector.broadcast %broadcast_in_dim3A_295 : vector<392x1xi32> to vector<392x128xi32>
    %eq3A_436 = arith.cmpi eq, %add3A_434, %eq3A_435 : vector<392x128xi32>
    %jit3A_437 = arith.constant 0x7F800000 : f32
    %broadcast_in_dim3A_438 = vector.broadcast %jit3A_437 : f32 to vector<392x128xf32>
    %select_n3A_439 = arith.select %eq3A_436, %broadcast_in_dim3A_438, %slice3A_40 : vector<392x128xi1>, vector<392x128xf32>
    %add3A_440 = arith.constant 2304 : i32
    %add3A_441 = vector.broadcast %add3A_440 : i32 to vector<392x128xi32>
    %add3A_442 = arith.addi %iota3A, %add3A_441 : vector<392x128xi32>
    %eq3A_443 = vector.broadcast %broadcast_in_dim3A_295 : vector<392x1xi32> to vector<392x128xi32>
    %eq3A_444 = arith.cmpi eq, %add3A_442, %eq3A_443 : vector<392x128xi32>
    %jit3A_445 = arith.constant 0x7F800000 : f32
    %broadcast_in_dim3A_446 = vector.broadcast %jit3A_445 : f32 to vector<392x128xf32>
    %select_n3A_447 = arith.select %eq3A_444, %broadcast_in_dim3A_446, %slice3A_41 : vector<392x128xi1>, vector<392x128xf32>
    %add3A_448 = arith.constant 2432 : i32
    %add3A_449 = vector.broadcast %add3A_448 : i32 to vector<392x128xi32>
    %add3A_450 = arith.addi %iota3A, %add3A_449 : vector<392x128xi32>
    %eq3A_451 = vector.broadcast %broadcast_in_dim3A_295 : vector<392x1xi32> to vector<392x128xi32>
    %eq3A_452 = arith.cmpi eq, %add3A_450, %eq3A_451 : vector<392x128xi32>
    %jit3A_453 = arith.constant 0x7F800000 : f32
    %broadcast_in_dim3A_454 = vector.broadcast %jit3A_453 : f32 to vector<392x128xf32>
    %select_n3A_455 = arith.select %eq3A_452, %broadcast_in_dim3A_454, %slice3A_42 : vector<392x128xi1>, vector<392x128xf32>
    %add3A_456 = arith.constant 2560 : i32
    %add3A_457 = vector.broadcast %add3A_456 : i32 to vector<392x128xi32>
    %add3A_458 = arith.addi %iota3A, %add3A_457 : vector<392x128xi32>
    %eq3A_459 = vector.broadcast %broadcast_in_dim3A_295 : vector<392x1xi32> to vector<392x128xi32>
    %eq3A_460 = arith.cmpi eq, %add3A_458, %eq3A_459 : vector<392x128xi32>
    %jit3A_461 = arith.constant 0x7F800000 : f32
    %broadcast_in_dim3A_462 = vector.broadcast %jit3A_461 : f32 to vector<392x128xf32>
    %select_n3A_463 = arith.select %eq3A_460, %broadcast_in_dim3A_462, %slice3A_43 : vector<392x128xi1>, vector<392x128xf32>
    %add3A_464 = arith.constant 2688 : i32
    %add3A_465 = vector.broadcast %add3A_464 : i32 to vector<392x128xi32>
    %add3A_466 = arith.addi %iota3A, %add3A_465 : vector<392x128xi32>
    %eq3A_467 = vector.broadcast %broadcast_in_dim3A_295 : vector<392x1xi32> to vector<392x128xi32>
    %eq3A_468 = arith.cmpi eq, %add3A_466, %eq3A_467 : vector<392x128xi32>
    %jit3A_469 = arith.constant 0x7F800000 : f32
    %broadcast_in_dim3A_470 = vector.broadcast %jit3A_469 : f32 to vector<392x128xf32>
    %select_n3A_471 = arith.select %eq3A_468, %broadcast_in_dim3A_470, %slice3A_44 : vector<392x128xi1>, vector<392x128xf32>
    %add3A_472 = arith.constant 2816 : i32
    %add3A_473 = vector.broadcast %add3A_472 : i32 to vector<392x128xi32>
    %add3A_474 = arith.addi %iota3A, %add3A_473 : vector<392x128xi32>
    %eq3A_475 = vector.broadcast %broadcast_in_dim3A_295 : vector<392x1xi32> to vector<392x128xi32>
    %eq3A_476 = arith.cmpi eq, %add3A_474, %eq3A_475 : vector<392x128xi32>
    %jit3A_477 = arith.constant 0x7F800000 : f32
    %broadcast_in_dim3A_478 = vector.broadcast %jit3A_477 : f32 to vector<392x128xf32>
    %select_n3A_479 = arith.select %eq3A_476, %broadcast_in_dim3A_478, %slice3A_45 : vector<392x128xi1>, vector<392x128xf32>
    %add3A_480 = arith.constant 2944 : i32
    %add3A_481 = vector.broadcast %add3A_480 : i32 to vector<392x128xi32>
    %add3A_482 = arith.addi %iota3A, %add3A_481 : vector<392x128xi32>
    %eq3A_483 = vector.broadcast %broadcast_in_dim3A_295 : vector<392x1xi32> to vector<392x128xi32>
    %eq3A_484 = arith.cmpi eq, %add3A_482, %eq3A_483 : vector<392x128xi32>
    %jit3A_485 = arith.constant 0x7F800000 : f32
    %broadcast_in_dim3A_486 = vector.broadcast %jit3A_485 : f32 to vector<392x128xf32>
    %select_n3A_487 = arith.select %eq3A_484, %broadcast_in_dim3A_486, %slice3A_46 : vector<392x128xi1>, vector<392x128xf32>
    %add3A_488 = arith.constant 3072 : i32
    %add3A_489 = vector.broadcast %add3A_488 : i32 to vector<392x128xi32>
    %add3A_490 = arith.addi %iota3A, %add3A_489 : vector<392x128xi32>
    %eq3A_491 = vector.broadcast %broadcast_in_dim3A_295 : vector<392x1xi32> to vector<392x128xi32>
    %eq3A_492 = arith.cmpi eq, %add3A_490, %eq3A_491 : vector<392x128xi32>
    %jit3A_493 = arith.constant 0x7F800000 : f32
    %broadcast_in_dim3A_494 = vector.broadcast %jit3A_493 : f32 to vector<392x128xf32>
    %select_n3A_495 = arith.select %eq3A_492, %broadcast_in_dim3A_494, %slice3A_47 : vector<392x128xi1>, vector<392x128xf32>
    %min3A_496 = arith.minimumf %select_n3A_303, %select_n3A_311 : vector<392x128xf32>
    %min3A_497 = arith.minimumf %min3A_496, %select_n3A_319 : vector<392x128xf32>
    %min3A_498 = arith.minimumf %min3A_497, %select_n3A_327 : vector<392x128xf32>
    %min3A_499 = arith.minimumf %min3A_498, %select_n3A_335 : vector<392x128xf32>
    %min3A_500 = arith.minimumf %min3A_499, %select_n3A_343 : vector<392x128xf32>
    %min3A_501 = arith.minimumf %min3A_500, %select_n3A_351 : vector<392x128xf32>
    %min3A_502 = arith.minimumf %min3A_501, %select_n3A_359 : vector<392x128xf32>
    %min3A_503 = arith.minimumf %min3A_502, %select_n3A_367 : vector<392x128xf32>
    %min3A_504 = arith.minimumf %min3A_503, %select_n3A_375 : vector<392x128xf32>
    %min3A_505 = arith.minimumf %min3A_504, %select_n3A_383 : vector<392x128xf32>
    %min3A_506 = arith.minimumf %min3A_505, %select_n3A_391 : vector<392x128xf32>
    %min3A_507 = arith.minimumf %min3A_506, %select_n3A_399 : vector<392x128xf32>
    %min3A_508 = arith.minimumf %min3A_507, %select_n3A_407 : vector<392x128xf32>
    %min3A_509 = arith.minimumf %min3A_508, %select_n3A_415 : vector<392x128xf32>
    %min3A_510 = arith.minimumf %min3A_509, %select_n3A_423 : vector<392x128xf32>
    %min3A_511 = arith.minimumf %min3A_510, %select_n3A_431 : vector<392x128xf32>
    %min3A_512 = arith.minimumf %min3A_511, %select_n3A_439 : vector<392x128xf32>
    %min3A_513 = arith.minimumf %min3A_512, %select_n3A_447 : vector<392x128xf32>
    %min3A_514 = arith.minimumf %min3A_513, %select_n3A_455 : vector<392x128xf32>
    %min3A_515 = arith.minimumf %min3A_514, %select_n3A_463 : vector<392x128xf32>
    %min3A_516 = arith.minimumf %min3A_515, %select_n3A_471 : vector<392x128xf32>
    %min3A_517 = arith.minimumf %min3A_516, %select_n3A_479 : vector<392x128xf32>
    %min3A_518 = arith.minimumf %min3A_517, %select_n3A_487 : vector<392x128xf32>
    %min3A_519 = arith.minimumf %min3A_518, %select_n3A_495 : vector<392x128xf32>
    %reduce_min3A_520 = arith.constant dense<0x7F800000> : vector<392xf32>
    %reduce_min3A_521 = vector.multi_reduction <minimumf>, %min3A_519, %reduce_min3A_520 [1] : vector<392x128xf32> to vector<392xf32>
    %broadcast_in_dim3A_522 = vector.shape_cast %reduce_min3A_521 : vector<392xf32> to vector<392x1xf32>
    %eq3A_523 = vector.broadcast %broadcast_in_dim3A_522 : vector<392x1xf32> to vector<392x128xf32>
    %eq3A_524 = arith.cmpf oeq, %select_n3A_303, %eq3A_523 : vector<392x128xf32>
    %add3A_525 = arith.constant 0 : i32
    %add3A_526 = vector.broadcast %add3A_525 : i32 to vector<392x128xi32>
    %add3A_527 = arith.addi %iota3A, %add3A_526 : vector<392x128xi32>
    %jit3A_528 = arith.constant 3200 : i32
    %broadcast_in_dim3A_529 = vector.broadcast %jit3A_528 : i32 to vector<392x128xi32>
    %select_n3A_530 = arith.select %eq3A_524, %add3A_527, %broadcast_in_dim3A_529 : vector<392x128xi1>, vector<392x128xi32>
    %eq3A_531 = vector.broadcast %broadcast_in_dim3A_522 : vector<392x1xf32> to vector<392x128xf32>
    %eq3A_532 = arith.cmpf oeq, %select_n3A_311, %eq3A_531 : vector<392x128xf32>
    %add3A_533 = arith.constant 128 : i32
    %add3A_534 = vector.broadcast %add3A_533 : i32 to vector<392x128xi32>
    %add3A_535 = arith.addi %iota3A, %add3A_534 : vector<392x128xi32>
    %jit3A_536 = arith.constant 3200 : i32
    %broadcast_in_dim3A_537 = vector.broadcast %jit3A_536 : i32 to vector<392x128xi32>
    %select_n3A_538 = arith.select %eq3A_532, %add3A_535, %broadcast_in_dim3A_537 : vector<392x128xi1>, vector<392x128xi32>
    %min3A_539 = arith.minsi %select_n3A_530, %select_n3A_538 : vector<392x128xi32>
    %eq3A_540 = vector.broadcast %broadcast_in_dim3A_522 : vector<392x1xf32> to vector<392x128xf32>
    %eq3A_541 = arith.cmpf oeq, %select_n3A_319, %eq3A_540 : vector<392x128xf32>
    %add3A_542 = arith.constant 256 : i32
    %add3A_543 = vector.broadcast %add3A_542 : i32 to vector<392x128xi32>
    %add3A_544 = arith.addi %iota3A, %add3A_543 : vector<392x128xi32>
    %jit3A_545 = arith.constant 3200 : i32
    %broadcast_in_dim3A_546 = vector.broadcast %jit3A_545 : i32 to vector<392x128xi32>
    %select_n3A_547 = arith.select %eq3A_541, %add3A_544, %broadcast_in_dim3A_546 : vector<392x128xi1>, vector<392x128xi32>
    %min3A_548 = arith.minsi %min3A_539, %select_n3A_547 : vector<392x128xi32>
    %eq3A_549 = vector.broadcast %broadcast_in_dim3A_522 : vector<392x1xf32> to vector<392x128xf32>
    %eq3A_550 = arith.cmpf oeq, %select_n3A_327, %eq3A_549 : vector<392x128xf32>
    %add3A_551 = arith.constant 384 : i32
    %add3A_552 = vector.broadcast %add3A_551 : i32 to vector<392x128xi32>
    %add3A_553 = arith.addi %iota3A, %add3A_552 : vector<392x128xi32>
    %jit3A_554 = arith.constant 3200 : i32
    %broadcast_in_dim3A_555 = vector.broadcast %jit3A_554 : i32 to vector<392x128xi32>
    %select_n3A_556 = arith.select %eq3A_550, %add3A_553, %broadcast_in_dim3A_555 : vector<392x128xi1>, vector<392x128xi32>
    %min3A_557 = arith.minsi %min3A_548, %select_n3A_556 : vector<392x128xi32>
    %eq3A_558 = vector.broadcast %broadcast_in_dim3A_522 : vector<392x1xf32> to vector<392x128xf32>
    %eq3A_559 = arith.cmpf oeq, %select_n3A_335, %eq3A_558 : vector<392x128xf32>
    %add3A_560 = arith.constant 512 : i32
    %add3A_561 = vector.broadcast %add3A_560 : i32 to vector<392x128xi32>
    %add3A_562 = arith.addi %iota3A, %add3A_561 : vector<392x128xi32>
    %jit3A_563 = arith.constant 3200 : i32
    %broadcast_in_dim3A_564 = vector.broadcast %jit3A_563 : i32 to vector<392x128xi32>
    %select_n3A_565 = arith.select %eq3A_559, %add3A_562, %broadcast_in_dim3A_564 : vector<392x128xi1>, vector<392x128xi32>
    %min3A_566 = arith.minsi %min3A_557, %select_n3A_565 : vector<392x128xi32>
    %eq3A_567 = vector.broadcast %broadcast_in_dim3A_522 : vector<392x1xf32> to vector<392x128xf32>
    %eq3A_568 = arith.cmpf oeq, %select_n3A_343, %eq3A_567 : vector<392x128xf32>
    %add3A_569 = arith.constant 640 : i32
    %add3A_570 = vector.broadcast %add3A_569 : i32 to vector<392x128xi32>
    %add3A_571 = arith.addi %iota3A, %add3A_570 : vector<392x128xi32>
    %jit3A_572 = arith.constant 3200 : i32
    %broadcast_in_dim3A_573 = vector.broadcast %jit3A_572 : i32 to vector<392x128xi32>
    %select_n3A_574 = arith.select %eq3A_568, %add3A_571, %broadcast_in_dim3A_573 : vector<392x128xi1>, vector<392x128xi32>
    %min3A_575 = arith.minsi %min3A_566, %select_n3A_574 : vector<392x128xi32>
    %eq3A_576 = vector.broadcast %broadcast_in_dim3A_522 : vector<392x1xf32> to vector<392x128xf32>
    %eq3A_577 = arith.cmpf oeq, %select_n3A_351, %eq3A_576 : vector<392x128xf32>
    %add3A_578 = arith.constant 768 : i32
    %add3A_579 = vector.broadcast %add3A_578 : i32 to vector<392x128xi32>
    %add3A_580 = arith.addi %iota3A, %add3A_579 : vector<392x128xi32>
    %jit3A_581 = arith.constant 3200 : i32
    %broadcast_in_dim3A_582 = vector.broadcast %jit3A_581 : i32 to vector<392x128xi32>
    %select_n3A_583 = arith.select %eq3A_577, %add3A_580, %broadcast_in_dim3A_582 : vector<392x128xi1>, vector<392x128xi32>
    %min3A_584 = arith.minsi %min3A_575, %select_n3A_583 : vector<392x128xi32>
    %eq3A_585 = vector.broadcast %broadcast_in_dim3A_522 : vector<392x1xf32> to vector<392x128xf32>
    %eq3A_586 = arith.cmpf oeq, %select_n3A_359, %eq3A_585 : vector<392x128xf32>
    %add3A_587 = arith.constant 896 : i32
    %add3A_588 = vector.broadcast %add3A_587 : i32 to vector<392x128xi32>
    %add3A_589 = arith.addi %iota3A, %add3A_588 : vector<392x128xi32>
    %jit3A_590 = arith.constant 3200 : i32
    %broadcast_in_dim3A_591 = vector.broadcast %jit3A_590 : i32 to vector<392x128xi32>
    %select_n3A_592 = arith.select %eq3A_586, %add3A_589, %broadcast_in_dim3A_591 : vector<392x128xi1>, vector<392x128xi32>
    %min3A_593 = arith.minsi %min3A_584, %select_n3A_592 : vector<392x128xi32>
    %eq3A_594 = vector.broadcast %broadcast_in_dim3A_522 : vector<392x1xf32> to vector<392x128xf32>
    %eq3A_595 = arith.cmpf oeq, %select_n3A_367, %eq3A_594 : vector<392x128xf32>
    %add3A_596 = arith.constant 1024 : i32
    %add3A_597 = vector.broadcast %add3A_596 : i32 to vector<392x128xi32>
    %add3A_598 = arith.addi %iota3A, %add3A_597 : vector<392x128xi32>
    %jit3A_599 = arith.constant 3200 : i32
    %broadcast_in_dim3A_600 = vector.broadcast %jit3A_599 : i32 to vector<392x128xi32>
    %select_n3A_601 = arith.select %eq3A_595, %add3A_598, %broadcast_in_dim3A_600 : vector<392x128xi1>, vector<392x128xi32>
    %min3A_602 = arith.minsi %min3A_593, %select_n3A_601 : vector<392x128xi32>
    %eq3A_603 = vector.broadcast %broadcast_in_dim3A_522 : vector<392x1xf32> to vector<392x128xf32>
    %eq3A_604 = arith.cmpf oeq, %select_n3A_375, %eq3A_603 : vector<392x128xf32>
    %add3A_605 = arith.constant 1152 : i32
    %add3A_606 = vector.broadcast %add3A_605 : i32 to vector<392x128xi32>
    %add3A_607 = arith.addi %iota3A, %add3A_606 : vector<392x128xi32>
    %jit3A_608 = arith.constant 3200 : i32
    %broadcast_in_dim3A_609 = vector.broadcast %jit3A_608 : i32 to vector<392x128xi32>
    %select_n3A_610 = arith.select %eq3A_604, %add3A_607, %broadcast_in_dim3A_609 : vector<392x128xi1>, vector<392x128xi32>
    %min3A_611 = arith.minsi %min3A_602, %select_n3A_610 : vector<392x128xi32>
    %eq3A_612 = vector.broadcast %broadcast_in_dim3A_522 : vector<392x1xf32> to vector<392x128xf32>
    %eq3A_613 = arith.cmpf oeq, %select_n3A_383, %eq3A_612 : vector<392x128xf32>
    %add3A_614 = arith.constant 1280 : i32
    %add3A_615 = vector.broadcast %add3A_614 : i32 to vector<392x128xi32>
    %add3A_616 = arith.addi %iota3A, %add3A_615 : vector<392x128xi32>
    %jit3A_617 = arith.constant 3200 : i32
    %broadcast_in_dim3A_618 = vector.broadcast %jit3A_617 : i32 to vector<392x128xi32>
    %select_n3A_619 = arith.select %eq3A_613, %add3A_616, %broadcast_in_dim3A_618 : vector<392x128xi1>, vector<392x128xi32>
    %min3A_620 = arith.minsi %min3A_611, %select_n3A_619 : vector<392x128xi32>
    %eq3A_621 = vector.broadcast %broadcast_in_dim3A_522 : vector<392x1xf32> to vector<392x128xf32>
    %eq3A_622 = arith.cmpf oeq, %select_n3A_391, %eq3A_621 : vector<392x128xf32>
    %add3A_623 = arith.constant 1408 : i32
    %add3A_624 = vector.broadcast %add3A_623 : i32 to vector<392x128xi32>
    %add3A_625 = arith.addi %iota3A, %add3A_624 : vector<392x128xi32>
    %jit3A_626 = arith.constant 3200 : i32
    %broadcast_in_dim3A_627 = vector.broadcast %jit3A_626 : i32 to vector<392x128xi32>
    %select_n3A_628 = arith.select %eq3A_622, %add3A_625, %broadcast_in_dim3A_627 : vector<392x128xi1>, vector<392x128xi32>
    %min3A_629 = arith.minsi %min3A_620, %select_n3A_628 : vector<392x128xi32>
    %eq3A_630 = vector.broadcast %broadcast_in_dim3A_522 : vector<392x1xf32> to vector<392x128xf32>
    %eq3A_631 = arith.cmpf oeq, %select_n3A_399, %eq3A_630 : vector<392x128xf32>
    %add3A_632 = arith.constant 1536 : i32
    %add3A_633 = vector.broadcast %add3A_632 : i32 to vector<392x128xi32>
    %add3A_634 = arith.addi %iota3A, %add3A_633 : vector<392x128xi32>
    %jit3A_635 = arith.constant 3200 : i32
    %broadcast_in_dim3A_636 = vector.broadcast %jit3A_635 : i32 to vector<392x128xi32>
    %select_n3A_637 = arith.select %eq3A_631, %add3A_634, %broadcast_in_dim3A_636 : vector<392x128xi1>, vector<392x128xi32>
    %min3A_638 = arith.minsi %min3A_629, %select_n3A_637 : vector<392x128xi32>
    %eq3A_639 = vector.broadcast %broadcast_in_dim3A_522 : vector<392x1xf32> to vector<392x128xf32>
    %eq3A_640 = arith.cmpf oeq, %select_n3A_407, %eq3A_639 : vector<392x128xf32>
    %add3A_641 = arith.constant 1664 : i32
    %add3A_642 = vector.broadcast %add3A_641 : i32 to vector<392x128xi32>
    %add3A_643 = arith.addi %iota3A, %add3A_642 : vector<392x128xi32>
    %jit3A_644 = arith.constant 3200 : i32
    %broadcast_in_dim3A_645 = vector.broadcast %jit3A_644 : i32 to vector<392x128xi32>
    %select_n3A_646 = arith.select %eq3A_640, %add3A_643, %broadcast_in_dim3A_645 : vector<392x128xi1>, vector<392x128xi32>
    %min3A_647 = arith.minsi %min3A_638, %select_n3A_646 : vector<392x128xi32>
    %eq3A_648 = vector.broadcast %broadcast_in_dim3A_522 : vector<392x1xf32> to vector<392x128xf32>
    %eq3A_649 = arith.cmpf oeq, %select_n3A_415, %eq3A_648 : vector<392x128xf32>
    %add3A_650 = arith.constant 1792 : i32
    %add3A_651 = vector.broadcast %add3A_650 : i32 to vector<392x128xi32>
    %add3A_652 = arith.addi %iota3A, %add3A_651 : vector<392x128xi32>
    %jit3A_653 = arith.constant 3200 : i32
    %broadcast_in_dim3A_654 = vector.broadcast %jit3A_653 : i32 to vector<392x128xi32>
    %select_n3A_655 = arith.select %eq3A_649, %add3A_652, %broadcast_in_dim3A_654 : vector<392x128xi1>, vector<392x128xi32>
    %min3A_656 = arith.minsi %min3A_647, %select_n3A_655 : vector<392x128xi32>
    %eq3A_657 = vector.broadcast %broadcast_in_dim3A_522 : vector<392x1xf32> to vector<392x128xf32>
    %eq3A_658 = arith.cmpf oeq, %select_n3A_423, %eq3A_657 : vector<392x128xf32>
    %add3A_659 = arith.constant 1920 : i32
    %add3A_660 = vector.broadcast %add3A_659 : i32 to vector<392x128xi32>
    %add3A_661 = arith.addi %iota3A, %add3A_660 : vector<392x128xi32>
    %jit3A_662 = arith.constant 3200 : i32
    %broadcast_in_dim3A_663 = vector.broadcast %jit3A_662 : i32 to vector<392x128xi32>
    %select_n3A_664 = arith.select %eq3A_658, %add3A_661, %broadcast_in_dim3A_663 : vector<392x128xi1>, vector<392x128xi32>
    %min3A_665 = arith.minsi %min3A_656, %select_n3A_664 : vector<392x128xi32>
    %eq3A_666 = vector.broadcast %broadcast_in_dim3A_522 : vector<392x1xf32> to vector<392x128xf32>
    %eq3A_667 = arith.cmpf oeq, %select_n3A_431, %eq3A_666 : vector<392x128xf32>
    %add3A_668 = arith.constant 2048 : i32
    %add3A_669 = vector.broadcast %add3A_668 : i32 to vector<392x128xi32>
    %add3A_670 = arith.addi %iota3A, %add3A_669 : vector<392x128xi32>
    %jit3A_671 = arith.constant 3200 : i32
    %broadcast_in_dim3A_672 = vector.broadcast %jit3A_671 : i32 to vector<392x128xi32>
    %select_n3A_673 = arith.select %eq3A_667, %add3A_670, %broadcast_in_dim3A_672 : vector<392x128xi1>, vector<392x128xi32>
    %min3A_674 = arith.minsi %min3A_665, %select_n3A_673 : vector<392x128xi32>
    %eq3A_675 = vector.broadcast %broadcast_in_dim3A_522 : vector<392x1xf32> to vector<392x128xf32>
    %eq3A_676 = arith.cmpf oeq, %select_n3A_439, %eq3A_675 : vector<392x128xf32>
    %add3A_677 = arith.constant 2176 : i32
    %add3A_678 = vector.broadcast %add3A_677 : i32 to vector<392x128xi32>
    %add3A_679 = arith.addi %iota3A, %add3A_678 : vector<392x128xi32>
    %jit3A_680 = arith.constant 3200 : i32
    %broadcast_in_dim3A_681 = vector.broadcast %jit3A_680 : i32 to vector<392x128xi32>
    %select_n3A_682 = arith.select %eq3A_676, %add3A_679, %broadcast_in_dim3A_681 : vector<392x128xi1>, vector<392x128xi32>
    %min3A_683 = arith.minsi %min3A_674, %select_n3A_682 : vector<392x128xi32>
    %eq3A_684 = vector.broadcast %broadcast_in_dim3A_522 : vector<392x1xf32> to vector<392x128xf32>
    %eq3A_685 = arith.cmpf oeq, %select_n3A_447, %eq3A_684 : vector<392x128xf32>
    %add3A_686 = arith.constant 2304 : i32
    %add3A_687 = vector.broadcast %add3A_686 : i32 to vector<392x128xi32>
    %add3A_688 = arith.addi %iota3A, %add3A_687 : vector<392x128xi32>
    %jit3A_689 = arith.constant 3200 : i32
    %broadcast_in_dim3A_690 = vector.broadcast %jit3A_689 : i32 to vector<392x128xi32>
    %select_n3A_691 = arith.select %eq3A_685, %add3A_688, %broadcast_in_dim3A_690 : vector<392x128xi1>, vector<392x128xi32>
    %min3A_692 = arith.minsi %min3A_683, %select_n3A_691 : vector<392x128xi32>
    %eq3A_693 = vector.broadcast %broadcast_in_dim3A_522 : vector<392x1xf32> to vector<392x128xf32>
    %eq3A_694 = arith.cmpf oeq, %select_n3A_455, %eq3A_693 : vector<392x128xf32>
    %add3A_695 = arith.constant 2432 : i32
    %add3A_696 = vector.broadcast %add3A_695 : i32 to vector<392x128xi32>
    %add3A_697 = arith.addi %iota3A, %add3A_696 : vector<392x128xi32>
    %jit3A_698 = arith.constant 3200 : i32
    %broadcast_in_dim3A_699 = vector.broadcast %jit3A_698 : i32 to vector<392x128xi32>
    %select_n3A_700 = arith.select %eq3A_694, %add3A_697, %broadcast_in_dim3A_699 : vector<392x128xi1>, vector<392x128xi32>
    %min3A_701 = arith.minsi %min3A_692, %select_n3A_700 : vector<392x128xi32>
    %eq3A_702 = vector.broadcast %broadcast_in_dim3A_522 : vector<392x1xf32> to vector<392x128xf32>
    %eq3A_703 = arith.cmpf oeq, %select_n3A_463, %eq3A_702 : vector<392x128xf32>
    %add3A_704 = arith.constant 2560 : i32
    %add3A_705 = vector.broadcast %add3A_704 : i32 to vector<392x128xi32>
    %add3A_706 = arith.addi %iota3A, %add3A_705 : vector<392x128xi32>
    %jit3A_707 = arith.constant 3200 : i32
    %broadcast_in_dim3A_708 = vector.broadcast %jit3A_707 : i32 to vector<392x128xi32>
    %select_n3A_709 = arith.select %eq3A_703, %add3A_706, %broadcast_in_dim3A_708 : vector<392x128xi1>, vector<392x128xi32>
    %min3A_710 = arith.minsi %min3A_701, %select_n3A_709 : vector<392x128xi32>
    %eq3A_711 = vector.broadcast %broadcast_in_dim3A_522 : vector<392x1xf32> to vector<392x128xf32>
    %eq3A_712 = arith.cmpf oeq, %select_n3A_471, %eq3A_711 : vector<392x128xf32>
    %add3A_713 = arith.constant 2688 : i32
    %add3A_714 = vector.broadcast %add3A_713 : i32 to vector<392x128xi32>
    %add3A_715 = arith.addi %iota3A, %add3A_714 : vector<392x128xi32>
    %jit3A_716 = arith.constant 3200 : i32
    %broadcast_in_dim3A_717 = vector.broadcast %jit3A_716 : i32 to vector<392x128xi32>
    %select_n3A_718 = arith.select %eq3A_712, %add3A_715, %broadcast_in_dim3A_717 : vector<392x128xi1>, vector<392x128xi32>
    %min3A_719 = arith.minsi %min3A_710, %select_n3A_718 : vector<392x128xi32>
    %eq3A_720 = vector.broadcast %broadcast_in_dim3A_522 : vector<392x1xf32> to vector<392x128xf32>
    %eq3A_721 = arith.cmpf oeq, %select_n3A_479, %eq3A_720 : vector<392x128xf32>
    %add3A_722 = arith.constant 2816 : i32
    %add3A_723 = vector.broadcast %add3A_722 : i32 to vector<392x128xi32>
    %add3A_724 = arith.addi %iota3A, %add3A_723 : vector<392x128xi32>
    %jit3A_725 = arith.constant 3200 : i32
    %broadcast_in_dim3A_726 = vector.broadcast %jit3A_725 : i32 to vector<392x128xi32>
    %select_n3A_727 = arith.select %eq3A_721, %add3A_724, %broadcast_in_dim3A_726 : vector<392x128xi1>, vector<392x128xi32>
    %min3A_728 = arith.minsi %min3A_719, %select_n3A_727 : vector<392x128xi32>
    %eq3A_729 = vector.broadcast %broadcast_in_dim3A_522 : vector<392x1xf32> to vector<392x128xf32>
    %eq3A_730 = arith.cmpf oeq, %select_n3A_487, %eq3A_729 : vector<392x128xf32>
    %add3A_731 = arith.constant 2944 : i32
    %add3A_732 = vector.broadcast %add3A_731 : i32 to vector<392x128xi32>
    %add3A_733 = arith.addi %iota3A, %add3A_732 : vector<392x128xi32>
    %jit3A_734 = arith.constant 3200 : i32
    %broadcast_in_dim3A_735 = vector.broadcast %jit3A_734 : i32 to vector<392x128xi32>
    %select_n3A_736 = arith.select %eq3A_730, %add3A_733, %broadcast_in_dim3A_735 : vector<392x128xi1>, vector<392x128xi32>
    %min3A_737 = arith.minsi %min3A_728, %select_n3A_736 : vector<392x128xi32>
    %eq3A_738 = vector.broadcast %broadcast_in_dim3A_522 : vector<392x1xf32> to vector<392x128xf32>
    %eq3A_739 = arith.cmpf oeq, %select_n3A_495, %eq3A_738 : vector<392x128xf32>
    %add3A_740 = arith.constant 3072 : i32
    %add3A_741 = vector.broadcast %add3A_740 : i32 to vector<392x128xi32>
    %add3A_742 = arith.addi %iota3A, %add3A_741 : vector<392x128xi32>
    %jit3A_743 = arith.constant 3200 : i32
    %broadcast_in_dim3A_744 = vector.broadcast %jit3A_743 : i32 to vector<392x128xi32>
    %select_n3A_745 = arith.select %eq3A_739, %add3A_742, %broadcast_in_dim3A_744 : vector<392x128xi1>, vector<392x128xi32>
    %min3A_746 = arith.minsi %min3A_737, %select_n3A_745 : vector<392x128xi32>
    %reduce_min3A_747 = arith.constant dense<2147483647> : vector<392xi32>
    %reduce_min3A_748 = vector.multi_reduction <minsi>, %min3A_746, %reduce_min3A_747 [1] : vector<392x128xi32> to vector<392xi32>
    %broadcast_in_dim3A_749 = vector.shape_cast %reduce_min3A_748 : vector<392xi32> to vector<392x1xi32>
    %squeeze3A_750 = vector.shape_cast %broadcast_in_dim3A_749 : vector<392x1xi32> to vector<392xi32>
    %add3A_751 = arith.constant 0 : i32
    %add3A_752 = vector.broadcast %add3A_751 : i32 to vector<392x128xi32>
    %add3A_753 = arith.addi %iota3A, %add3A_752 : vector<392x128xi32>
    %eq3A_754 = vector.broadcast %broadcast_in_dim3A_749 : vector<392x1xi32> to vector<392x128xi32>
    %eq3A_755 = arith.cmpi eq, %add3A_753, %eq3A_754 : vector<392x128xi32>
    %jit3A_756 = arith.constant 0x7F800000 : f32
    %broadcast_in_dim3A_757 = vector.broadcast %jit3A_756 : f32 to vector<392x128xf32>
    %select_n3A_758 = arith.select %eq3A_755, %broadcast_in_dim3A_757, %select_n3A_303 : vector<392x128xi1>, vector<392x128xf32>
    %add3A_759 = arith.constant 128 : i32
    %add3A_760 = vector.broadcast %add3A_759 : i32 to vector<392x128xi32>
    %add3A_761 = arith.addi %iota3A, %add3A_760 : vector<392x128xi32>
    %eq3A_762 = vector.broadcast %broadcast_in_dim3A_749 : vector<392x1xi32> to vector<392x128xi32>
    %eq3A_763 = arith.cmpi eq, %add3A_761, %eq3A_762 : vector<392x128xi32>
    %jit3A_764 = arith.constant 0x7F800000 : f32
    %broadcast_in_dim3A_765 = vector.broadcast %jit3A_764 : f32 to vector<392x128xf32>
    %select_n3A_766 = arith.select %eq3A_763, %broadcast_in_dim3A_765, %select_n3A_311 : vector<392x128xi1>, vector<392x128xf32>
    %add3A_767 = arith.constant 256 : i32
    %add3A_768 = vector.broadcast %add3A_767 : i32 to vector<392x128xi32>
    %add3A_769 = arith.addi %iota3A, %add3A_768 : vector<392x128xi32>
    %eq3A_770 = vector.broadcast %broadcast_in_dim3A_749 : vector<392x1xi32> to vector<392x128xi32>
    %eq3A_771 = arith.cmpi eq, %add3A_769, %eq3A_770 : vector<392x128xi32>
    %jit3A_772 = arith.constant 0x7F800000 : f32
    %broadcast_in_dim3A_773 = vector.broadcast %jit3A_772 : f32 to vector<392x128xf32>
    %select_n3A_774 = arith.select %eq3A_771, %broadcast_in_dim3A_773, %select_n3A_319 : vector<392x128xi1>, vector<392x128xf32>
    %add3A_775 = arith.constant 384 : i32
    %add3A_776 = vector.broadcast %add3A_775 : i32 to vector<392x128xi32>
    %add3A_777 = arith.addi %iota3A, %add3A_776 : vector<392x128xi32>
    %eq3A_778 = vector.broadcast %broadcast_in_dim3A_749 : vector<392x1xi32> to vector<392x128xi32>
    %eq3A_779 = arith.cmpi eq, %add3A_777, %eq3A_778 : vector<392x128xi32>
    %jit3A_780 = arith.constant 0x7F800000 : f32
    %broadcast_in_dim3A_781 = vector.broadcast %jit3A_780 : f32 to vector<392x128xf32>
    %select_n3A_782 = arith.select %eq3A_779, %broadcast_in_dim3A_781, %select_n3A_327 : vector<392x128xi1>, vector<392x128xf32>
    %add3A_783 = arith.constant 512 : i32
    %add3A_784 = vector.broadcast %add3A_783 : i32 to vector<392x128xi32>
    %add3A_785 = arith.addi %iota3A, %add3A_784 : vector<392x128xi32>
    %eq3A_786 = vector.broadcast %broadcast_in_dim3A_749 : vector<392x1xi32> to vector<392x128xi32>
    %eq3A_787 = arith.cmpi eq, %add3A_785, %eq3A_786 : vector<392x128xi32>
    %jit3A_788 = arith.constant 0x7F800000 : f32
    %broadcast_in_dim3A_789 = vector.broadcast %jit3A_788 : f32 to vector<392x128xf32>
    %select_n3A_790 = arith.select %eq3A_787, %broadcast_in_dim3A_789, %select_n3A_335 : vector<392x128xi1>, vector<392x128xf32>
    %add3A_791 = arith.constant 640 : i32
    %add3A_792 = vector.broadcast %add3A_791 : i32 to vector<392x128xi32>
    %add3A_793 = arith.addi %iota3A, %add3A_792 : vector<392x128xi32>
    %eq3A_794 = vector.broadcast %broadcast_in_dim3A_749 : vector<392x1xi32> to vector<392x128xi32>
    %eq3A_795 = arith.cmpi eq, %add3A_793, %eq3A_794 : vector<392x128xi32>
    %jit3A_796 = arith.constant 0x7F800000 : f32
    %broadcast_in_dim3A_797 = vector.broadcast %jit3A_796 : f32 to vector<392x128xf32>
    %select_n3A_798 = arith.select %eq3A_795, %broadcast_in_dim3A_797, %select_n3A_343 : vector<392x128xi1>, vector<392x128xf32>
    %add3A_799 = arith.constant 768 : i32
    %add3A_800 = vector.broadcast %add3A_799 : i32 to vector<392x128xi32>
    %add3A_801 = arith.addi %iota3A, %add3A_800 : vector<392x128xi32>
    %eq3A_802 = vector.broadcast %broadcast_in_dim3A_749 : vector<392x1xi32> to vector<392x128xi32>
    %eq3A_803 = arith.cmpi eq, %add3A_801, %eq3A_802 : vector<392x128xi32>
    %jit3A_804 = arith.constant 0x7F800000 : f32
    %broadcast_in_dim3A_805 = vector.broadcast %jit3A_804 : f32 to vector<392x128xf32>
    %select_n3A_806 = arith.select %eq3A_803, %broadcast_in_dim3A_805, %select_n3A_351 : vector<392x128xi1>, vector<392x128xf32>
    %add3A_807 = arith.constant 896 : i32
    %add3A_808 = vector.broadcast %add3A_807 : i32 to vector<392x128xi32>
    %add3A_809 = arith.addi %iota3A, %add3A_808 : vector<392x128xi32>
    %eq3A_810 = vector.broadcast %broadcast_in_dim3A_749 : vector<392x1xi32> to vector<392x128xi32>
    %eq3A_811 = arith.cmpi eq, %add3A_809, %eq3A_810 : vector<392x128xi32>
    %jit3A_812 = arith.constant 0x7F800000 : f32
    %broadcast_in_dim3A_813 = vector.broadcast %jit3A_812 : f32 to vector<392x128xf32>
    %select_n3A_814 = arith.select %eq3A_811, %broadcast_in_dim3A_813, %select_n3A_359 : vector<392x128xi1>, vector<392x128xf32>
    %add3A_815 = arith.constant 1024 : i32
    %add3A_816 = vector.broadcast %add3A_815 : i32 to vector<392x128xi32>
    %add3A_817 = arith.addi %iota3A, %add3A_816 : vector<392x128xi32>
    %eq3A_818 = vector.broadcast %broadcast_in_dim3A_749 : vector<392x1xi32> to vector<392x128xi32>
    %eq3A_819 = arith.cmpi eq, %add3A_817, %eq3A_818 : vector<392x128xi32>
    %jit3A_820 = arith.constant 0x7F800000 : f32
    %broadcast_in_dim3A_821 = vector.broadcast %jit3A_820 : f32 to vector<392x128xf32>
    %select_n3A_822 = arith.select %eq3A_819, %broadcast_in_dim3A_821, %select_n3A_367 : vector<392x128xi1>, vector<392x128xf32>
    %add3A_823 = arith.constant 1152 : i32
    %add3A_824 = vector.broadcast %add3A_823 : i32 to vector<392x128xi32>
    %add3A_825 = arith.addi %iota3A, %add3A_824 : vector<392x128xi32>
    %eq3A_826 = vector.broadcast %broadcast_in_dim3A_749 : vector<392x1xi32> to vector<392x128xi32>
    %eq3A_827 = arith.cmpi eq, %add3A_825, %eq3A_826 : vector<392x128xi32>
    %jit3A_828 = arith.constant 0x7F800000 : f32
    %broadcast_in_dim3A_829 = vector.broadcast %jit3A_828 : f32 to vector<392x128xf32>
    %select_n3A_830 = arith.select %eq3A_827, %broadcast_in_dim3A_829, %select_n3A_375 : vector<392x128xi1>, vector<392x128xf32>
    %add3A_831 = arith.constant 1280 : i32
    %add3A_832 = vector.broadcast %add3A_831 : i32 to vector<392x128xi32>
    %add3A_833 = arith.addi %iota3A, %add3A_832 : vector<392x128xi32>
    %eq3A_834 = vector.broadcast %broadcast_in_dim3A_749 : vector<392x1xi32> to vector<392x128xi32>
    %eq3A_835 = arith.cmpi eq, %add3A_833, %eq3A_834 : vector<392x128xi32>
    %jit3A_836 = arith.constant 0x7F800000 : f32
    %broadcast_in_dim3A_837 = vector.broadcast %jit3A_836 : f32 to vector<392x128xf32>
    %select_n3A_838 = arith.select %eq3A_835, %broadcast_in_dim3A_837, %select_n3A_383 : vector<392x128xi1>, vector<392x128xf32>
    %add3A_839 = arith.constant 1408 : i32
    %add3A_840 = vector.broadcast %add3A_839 : i32 to vector<392x128xi32>
    %add3A_841 = arith.addi %iota3A, %add3A_840 : vector<392x128xi32>
    %eq3A_842 = vector.broadcast %broadcast_in_dim3A_749 : vector<392x1xi32> to vector<392x128xi32>
    %eq3A_843 = arith.cmpi eq, %add3A_841, %eq3A_842 : vector<392x128xi32>
    %jit3A_844 = arith.constant 0x7F800000 : f32
    %broadcast_in_dim3A_845 = vector.broadcast %jit3A_844 : f32 to vector<392x128xf32>
    %select_n3A_846 = arith.select %eq3A_843, %broadcast_in_dim3A_845, %select_n3A_391 : vector<392x128xi1>, vector<392x128xf32>
    %add3A_847 = arith.constant 1536 : i32
    %add3A_848 = vector.broadcast %add3A_847 : i32 to vector<392x128xi32>
    %add3A_849 = arith.addi %iota3A, %add3A_848 : vector<392x128xi32>
    %eq3A_850 = vector.broadcast %broadcast_in_dim3A_749 : vector<392x1xi32> to vector<392x128xi32>
    %eq3A_851 = arith.cmpi eq, %add3A_849, %eq3A_850 : vector<392x128xi32>
    %jit3A_852 = arith.constant 0x7F800000 : f32
    %broadcast_in_dim3A_853 = vector.broadcast %jit3A_852 : f32 to vector<392x128xf32>
    %select_n3A_854 = arith.select %eq3A_851, %broadcast_in_dim3A_853, %select_n3A_399 : vector<392x128xi1>, vector<392x128xf32>
    %add3A_855 = arith.constant 1664 : i32
    %add3A_856 = vector.broadcast %add3A_855 : i32 to vector<392x128xi32>
    %add3A_857 = arith.addi %iota3A, %add3A_856 : vector<392x128xi32>
    %eq3A_858 = vector.broadcast %broadcast_in_dim3A_749 : vector<392x1xi32> to vector<392x128xi32>
    %eq3A_859 = arith.cmpi eq, %add3A_857, %eq3A_858 : vector<392x128xi32>
    %jit3A_860 = arith.constant 0x7F800000 : f32
    %broadcast_in_dim3A_861 = vector.broadcast %jit3A_860 : f32 to vector<392x128xf32>
    %select_n3A_862 = arith.select %eq3A_859, %broadcast_in_dim3A_861, %select_n3A_407 : vector<392x128xi1>, vector<392x128xf32>
    %add3A_863 = arith.constant 1792 : i32
    %add3A_864 = vector.broadcast %add3A_863 : i32 to vector<392x128xi32>
    %add3A_865 = arith.addi %iota3A, %add3A_864 : vector<392x128xi32>
    %eq3A_866 = vector.broadcast %broadcast_in_dim3A_749 : vector<392x1xi32> to vector<392x128xi32>
    %eq3A_867 = arith.cmpi eq, %add3A_865, %eq3A_866 : vector<392x128xi32>
    %jit3A_868 = arith.constant 0x7F800000 : f32
    %broadcast_in_dim3A_869 = vector.broadcast %jit3A_868 : f32 to vector<392x128xf32>
    %select_n3A_870 = arith.select %eq3A_867, %broadcast_in_dim3A_869, %select_n3A_415 : vector<392x128xi1>, vector<392x128xf32>
    %add3A_871 = arith.constant 1920 : i32
    %add3A_872 = vector.broadcast %add3A_871 : i32 to vector<392x128xi32>
    %add3A_873 = arith.addi %iota3A, %add3A_872 : vector<392x128xi32>
    %eq3A_874 = vector.broadcast %broadcast_in_dim3A_749 : vector<392x1xi32> to vector<392x128xi32>
    %eq3A_875 = arith.cmpi eq, %add3A_873, %eq3A_874 : vector<392x128xi32>
    %jit3A_876 = arith.constant 0x7F800000 : f32
    %broadcast_in_dim3A_877 = vector.broadcast %jit3A_876 : f32 to vector<392x128xf32>
    %select_n3A_878 = arith.select %eq3A_875, %broadcast_in_dim3A_877, %select_n3A_423 : vector<392x128xi1>, vector<392x128xf32>
    %add3A_879 = arith.constant 2048 : i32
    %add3A_880 = vector.broadcast %add3A_879 : i32 to vector<392x128xi32>
    %add3A_881 = arith.addi %iota3A, %add3A_880 : vector<392x128xi32>
    %eq3A_882 = vector.broadcast %broadcast_in_dim3A_749 : vector<392x1xi32> to vector<392x128xi32>
    %eq3A_883 = arith.cmpi eq, %add3A_881, %eq3A_882 : vector<392x128xi32>
    %jit3A_884 = arith.constant 0x7F800000 : f32
    %broadcast_in_dim3A_885 = vector.broadcast %jit3A_884 : f32 to vector<392x128xf32>
    %select_n3A_886 = arith.select %eq3A_883, %broadcast_in_dim3A_885, %select_n3A_431 : vector<392x128xi1>, vector<392x128xf32>
    %add3A_887 = arith.constant 2176 : i32
    %add3A_888 = vector.broadcast %add3A_887 : i32 to vector<392x128xi32>
    %add3A_889 = arith.addi %iota3A, %add3A_888 : vector<392x128xi32>
    %eq3A_890 = vector.broadcast %broadcast_in_dim3A_749 : vector<392x1xi32> to vector<392x128xi32>
    %eq3A_891 = arith.cmpi eq, %add3A_889, %eq3A_890 : vector<392x128xi32>
    %jit3A_892 = arith.constant 0x7F800000 : f32
    %broadcast_in_dim3A_893 = vector.broadcast %jit3A_892 : f32 to vector<392x128xf32>
    %select_n3A_894 = arith.select %eq3A_891, %broadcast_in_dim3A_893, %select_n3A_439 : vector<392x128xi1>, vector<392x128xf32>
    %add3A_895 = arith.constant 2304 : i32
    %add3A_896 = vector.broadcast %add3A_895 : i32 to vector<392x128xi32>
    %add3A_897 = arith.addi %iota3A, %add3A_896 : vector<392x128xi32>
    %eq3A_898 = vector.broadcast %broadcast_in_dim3A_749 : vector<392x1xi32> to vector<392x128xi32>
    %eq3A_899 = arith.cmpi eq, %add3A_897, %eq3A_898 : vector<392x128xi32>
    %jit3A_900 = arith.constant 0x7F800000 : f32
    %broadcast_in_dim3A_901 = vector.broadcast %jit3A_900 : f32 to vector<392x128xf32>
    %select_n3A_902 = arith.select %eq3A_899, %broadcast_in_dim3A_901, %select_n3A_447 : vector<392x128xi1>, vector<392x128xf32>
    %add3A_903 = arith.constant 2432 : i32
    %add3A_904 = vector.broadcast %add3A_903 : i32 to vector<392x128xi32>
    %add3A_905 = arith.addi %iota3A, %add3A_904 : vector<392x128xi32>
    %eq3A_906 = vector.broadcast %broadcast_in_dim3A_749 : vector<392x1xi32> to vector<392x128xi32>
    %eq3A_907 = arith.cmpi eq, %add3A_905, %eq3A_906 : vector<392x128xi32>
    %jit3A_908 = arith.constant 0x7F800000 : f32
    %broadcast_in_dim3A_909 = vector.broadcast %jit3A_908 : f32 to vector<392x128xf32>
    %select_n3A_910 = arith.select %eq3A_907, %broadcast_in_dim3A_909, %select_n3A_455 : vector<392x128xi1>, vector<392x128xf32>
    %add3A_911 = arith.constant 2560 : i32
    %add3A_912 = vector.broadcast %add3A_911 : i32 to vector<392x128xi32>
    %add3A_913 = arith.addi %iota3A, %add3A_912 : vector<392x128xi32>
    %eq3A_914 = vector.broadcast %broadcast_in_dim3A_749 : vector<392x1xi32> to vector<392x128xi32>
    %eq3A_915 = arith.cmpi eq, %add3A_913, %eq3A_914 : vector<392x128xi32>
    %jit3A_916 = arith.constant 0x7F800000 : f32
    %broadcast_in_dim3A_917 = vector.broadcast %jit3A_916 : f32 to vector<392x128xf32>
    %select_n3A_918 = arith.select %eq3A_915, %broadcast_in_dim3A_917, %select_n3A_463 : vector<392x128xi1>, vector<392x128xf32>
    %add3A_919 = arith.constant 2688 : i32
    %add3A_920 = vector.broadcast %add3A_919 : i32 to vector<392x128xi32>
    %add3A_921 = arith.addi %iota3A, %add3A_920 : vector<392x128xi32>
    %eq3A_922 = vector.broadcast %broadcast_in_dim3A_749 : vector<392x1xi32> to vector<392x128xi32>
    %eq3A_923 = arith.cmpi eq, %add3A_921, %eq3A_922 : vector<392x128xi32>
    %jit3A_924 = arith.constant 0x7F800000 : f32
    %broadcast_in_dim3A_925 = vector.broadcast %jit3A_924 : f32 to vector<392x128xf32>
    %select_n3A_926 = arith.select %eq3A_923, %broadcast_in_dim3A_925, %select_n3A_471 : vector<392x128xi1>, vector<392x128xf32>
    %add3A_927 = arith.constant 2816 : i32
    %add3A_928 = vector.broadcast %add3A_927 : i32 to vector<392x128xi32>
    %add3A_929 = arith.addi %iota3A, %add3A_928 : vector<392x128xi32>
    %eq3A_930 = vector.broadcast %broadcast_in_dim3A_749 : vector<392x1xi32> to vector<392x128xi32>
    %eq3A_931 = arith.cmpi eq, %add3A_929, %eq3A_930 : vector<392x128xi32>
    %jit3A_932 = arith.constant 0x7F800000 : f32
    %broadcast_in_dim3A_933 = vector.broadcast %jit3A_932 : f32 to vector<392x128xf32>
    %select_n3A_934 = arith.select %eq3A_931, %broadcast_in_dim3A_933, %select_n3A_479 : vector<392x128xi1>, vector<392x128xf32>
    %add3A_935 = arith.constant 2944 : i32
    %add3A_936 = vector.broadcast %add3A_935 : i32 to vector<392x128xi32>
    %add3A_937 = arith.addi %iota3A, %add3A_936 : vector<392x128xi32>
    %eq3A_938 = vector.broadcast %broadcast_in_dim3A_749 : vector<392x1xi32> to vector<392x128xi32>
    %eq3A_939 = arith.cmpi eq, %add3A_937, %eq3A_938 : vector<392x128xi32>
    %jit3A_940 = arith.constant 0x7F800000 : f32
    %broadcast_in_dim3A_941 = vector.broadcast %jit3A_940 : f32 to vector<392x128xf32>
    %select_n3A_942 = arith.select %eq3A_939, %broadcast_in_dim3A_941, %select_n3A_487 : vector<392x128xi1>, vector<392x128xf32>
    %add3A_943 = arith.constant 3072 : i32
    %add3A_944 = vector.broadcast %add3A_943 : i32 to vector<392x128xi32>
    %add3A_945 = arith.addi %iota3A, %add3A_944 : vector<392x128xi32>
    %eq3A_946 = vector.broadcast %broadcast_in_dim3A_749 : vector<392x1xi32> to vector<392x128xi32>
    %eq3A_947 = arith.cmpi eq, %add3A_945, %eq3A_946 : vector<392x128xi32>
    %jit3A_948 = arith.constant 0x7F800000 : f32
    %broadcast_in_dim3A_949 = vector.broadcast %jit3A_948 : f32 to vector<392x128xf32>
    %select_n3A_950 = arith.select %eq3A_947, %broadcast_in_dim3A_949, %select_n3A_495 : vector<392x128xi1>, vector<392x128xf32>
    %min3A_951 = arith.minimumf %select_n3A_758, %select_n3A_766 : vector<392x128xf32>
    %min3A_952 = arith.minimumf %min3A_951, %select_n3A_774 : vector<392x128xf32>
    %min3A_953 = arith.minimumf %min3A_952, %select_n3A_782 : vector<392x128xf32>
    %min3A_954 = arith.minimumf %min3A_953, %select_n3A_790 : vector<392x128xf32>
    %min3A_955 = arith.minimumf %min3A_954, %select_n3A_798 : vector<392x128xf32>
    %min3A_956 = arith.minimumf %min3A_955, %select_n3A_806 : vector<392x128xf32>
    %min3A_957 = arith.minimumf %min3A_956, %select_n3A_814 : vector<392x128xf32>
    %min3A_958 = arith.minimumf %min3A_957, %select_n3A_822 : vector<392x128xf32>
    %min3A_959 = arith.minimumf %min3A_958, %select_n3A_830 : vector<392x128xf32>
    %min3A_960 = arith.minimumf %min3A_959, %select_n3A_838 : vector<392x128xf32>
    %min3A_961 = arith.minimumf %min3A_960, %select_n3A_846 : vector<392x128xf32>
    %min3A_962 = arith.minimumf %min3A_961, %select_n3A_854 : vector<392x128xf32>
    %min3A_963 = arith.minimumf %min3A_962, %select_n3A_862 : vector<392x128xf32>
    %min3A_964 = arith.minimumf %min3A_963, %select_n3A_870 : vector<392x128xf32>
    %min3A_965 = arith.minimumf %min3A_964, %select_n3A_878 : vector<392x128xf32>
    %min3A_966 = arith.minimumf %min3A_965, %select_n3A_886 : vector<392x128xf32>
    %min3A_967 = arith.minimumf %min3A_966, %select_n3A_894 : vector<392x128xf32>
    %min3A_968 = arith.minimumf %min3A_967, %select_n3A_902 : vector<392x128xf32>
    %min3A_969 = arith.minimumf %min3A_968, %select_n3A_910 : vector<392x128xf32>
    %min3A_970 = arith.minimumf %min3A_969, %select_n3A_918 : vector<392x128xf32>
    %min3A_971 = arith.minimumf %min3A_970, %select_n3A_926 : vector<392x128xf32>
    %min3A_972 = arith.minimumf %min3A_971, %select_n3A_934 : vector<392x128xf32>
    %min3A_973 = arith.minimumf %min3A_972, %select_n3A_942 : vector<392x128xf32>
    %min3A_974 = arith.minimumf %min3A_973, %select_n3A_950 : vector<392x128xf32>
    %reduce_min3A_975 = arith.constant dense<0x7F800000> : vector<392xf32>
    %reduce_min3A_976 = vector.multi_reduction <minimumf>, %min3A_974, %reduce_min3A_975 [1] : vector<392x128xf32> to vector<392xf32>
    %broadcast_in_dim3A_977 = vector.shape_cast %reduce_min3A_976 : vector<392xf32> to vector<392x1xf32>
    %eq3A_978 = vector.broadcast %broadcast_in_dim3A_977 : vector<392x1xf32> to vector<392x128xf32>
    %eq3A_979 = arith.cmpf oeq, %select_n3A_758, %eq3A_978 : vector<392x128xf32>
    %add3A_980 = arith.constant 0 : i32
    %add3A_981 = vector.broadcast %add3A_980 : i32 to vector<392x128xi32>
    %add3A_982 = arith.addi %iota3A, %add3A_981 : vector<392x128xi32>
    %jit3A_983 = arith.constant 3200 : i32
    %broadcast_in_dim3A_984 = vector.broadcast %jit3A_983 : i32 to vector<392x128xi32>
    %select_n3A_985 = arith.select %eq3A_979, %add3A_982, %broadcast_in_dim3A_984 : vector<392x128xi1>, vector<392x128xi32>
    %eq3A_986 = vector.broadcast %broadcast_in_dim3A_977 : vector<392x1xf32> to vector<392x128xf32>
    %eq3A_987 = arith.cmpf oeq, %select_n3A_766, %eq3A_986 : vector<392x128xf32>
    %add3A_988 = arith.constant 128 : i32
    %add3A_989 = vector.broadcast %add3A_988 : i32 to vector<392x128xi32>
    %add3A_990 = arith.addi %iota3A, %add3A_989 : vector<392x128xi32>
    %jit3A_991 = arith.constant 3200 : i32
    %broadcast_in_dim3A_992 = vector.broadcast %jit3A_991 : i32 to vector<392x128xi32>
    %select_n3A_993 = arith.select %eq3A_987, %add3A_990, %broadcast_in_dim3A_992 : vector<392x128xi1>, vector<392x128xi32>
    %min3A_994 = arith.minsi %select_n3A_985, %select_n3A_993 : vector<392x128xi32>
    %eq3A_995 = vector.broadcast %broadcast_in_dim3A_977 : vector<392x1xf32> to vector<392x128xf32>
    %eq3A_996 = arith.cmpf oeq, %select_n3A_774, %eq3A_995 : vector<392x128xf32>
    %add3A_997 = arith.constant 256 : i32
    %add3A_998 = vector.broadcast %add3A_997 : i32 to vector<392x128xi32>
    %add3A_999 = arith.addi %iota3A, %add3A_998 : vector<392x128xi32>
    %jit3A_1000 = arith.constant 3200 : i32
    %broadcast_in_dim3A_1001 = vector.broadcast %jit3A_1000 : i32 to vector<392x128xi32>
    %select_n3A_1002 = arith.select %eq3A_996, %add3A_999, %broadcast_in_dim3A_1001 : vector<392x128xi1>, vector<392x128xi32>
    %min3A_1003 = arith.minsi %min3A_994, %select_n3A_1002 : vector<392x128xi32>
    %eq3A_1004 = vector.broadcast %broadcast_in_dim3A_977 : vector<392x1xf32> to vector<392x128xf32>
    %eq3A_1005 = arith.cmpf oeq, %select_n3A_782, %eq3A_1004 : vector<392x128xf32>
    %add3A_1006 = arith.constant 384 : i32
    %add3A_1007 = vector.broadcast %add3A_1006 : i32 to vector<392x128xi32>
    %add3A_1008 = arith.addi %iota3A, %add3A_1007 : vector<392x128xi32>
    %jit3A_1009 = arith.constant 3200 : i32
    %broadcast_in_dim3A_1010 = vector.broadcast %jit3A_1009 : i32 to vector<392x128xi32>
    %select_n3A_1011 = arith.select %eq3A_1005, %add3A_1008, %broadcast_in_dim3A_1010 : vector<392x128xi1>, vector<392x128xi32>
    %min3A_1012 = arith.minsi %min3A_1003, %select_n3A_1011 : vector<392x128xi32>
    %eq3A_1013 = vector.broadcast %broadcast_in_dim3A_977 : vector<392x1xf32> to vector<392x128xf32>
    %eq3A_1014 = arith.cmpf oeq, %select_n3A_790, %eq3A_1013 : vector<392x128xf32>
    %add3A_1015 = arith.constant 512 : i32
    %add3A_1016 = vector.broadcast %add3A_1015 : i32 to vector<392x128xi32>
    %add3A_1017 = arith.addi %iota3A, %add3A_1016 : vector<392x128xi32>
    %jit3A_1018 = arith.constant 3200 : i32
    %broadcast_in_dim3A_1019 = vector.broadcast %jit3A_1018 : i32 to vector<392x128xi32>
    %select_n3A_1020 = arith.select %eq3A_1014, %add3A_1017, %broadcast_in_dim3A_1019 : vector<392x128xi1>, vector<392x128xi32>
    %min3A_1021 = arith.minsi %min3A_1012, %select_n3A_1020 : vector<392x128xi32>
    %eq3A_1022 = vector.broadcast %broadcast_in_dim3A_977 : vector<392x1xf32> to vector<392x128xf32>
    %eq3A_1023 = arith.cmpf oeq, %select_n3A_798, %eq3A_1022 : vector<392x128xf32>
    %add3A_1024 = arith.constant 640 : i32
    %add3A_1025 = vector.broadcast %add3A_1024 : i32 to vector<392x128xi32>
    %add3A_1026 = arith.addi %iota3A, %add3A_1025 : vector<392x128xi32>
    %jit3A_1027 = arith.constant 3200 : i32
    %broadcast_in_dim3A_1028 = vector.broadcast %jit3A_1027 : i32 to vector<392x128xi32>
    %select_n3A_1029 = arith.select %eq3A_1023, %add3A_1026, %broadcast_in_dim3A_1028 : vector<392x128xi1>, vector<392x128xi32>
    %min3A_1030 = arith.minsi %min3A_1021, %select_n3A_1029 : vector<392x128xi32>
    %eq3A_1031 = vector.broadcast %broadcast_in_dim3A_977 : vector<392x1xf32> to vector<392x128xf32>
    %eq3A_1032 = arith.cmpf oeq, %select_n3A_806, %eq3A_1031 : vector<392x128xf32>
    %add3A_1033 = arith.constant 768 : i32
    %add3A_1034 = vector.broadcast %add3A_1033 : i32 to vector<392x128xi32>
    %add3A_1035 = arith.addi %iota3A, %add3A_1034 : vector<392x128xi32>
    %jit3A_1036 = arith.constant 3200 : i32
    %broadcast_in_dim3A_1037 = vector.broadcast %jit3A_1036 : i32 to vector<392x128xi32>
    %select_n3A_1038 = arith.select %eq3A_1032, %add3A_1035, %broadcast_in_dim3A_1037 : vector<392x128xi1>, vector<392x128xi32>
    %min3A_1039 = arith.minsi %min3A_1030, %select_n3A_1038 : vector<392x128xi32>
    %eq3A_1040 = vector.broadcast %broadcast_in_dim3A_977 : vector<392x1xf32> to vector<392x128xf32>
    %eq3A_1041 = arith.cmpf oeq, %select_n3A_814, %eq3A_1040 : vector<392x128xf32>
    %add3A_1042 = arith.constant 896 : i32
    %add3A_1043 = vector.broadcast %add3A_1042 : i32 to vector<392x128xi32>
    %add3A_1044 = arith.addi %iota3A, %add3A_1043 : vector<392x128xi32>
    %jit3A_1045 = arith.constant 3200 : i32
    %broadcast_in_dim3A_1046 = vector.broadcast %jit3A_1045 : i32 to vector<392x128xi32>
    %select_n3A_1047 = arith.select %eq3A_1041, %add3A_1044, %broadcast_in_dim3A_1046 : vector<392x128xi1>, vector<392x128xi32>
    %min3A_1048 = arith.minsi %min3A_1039, %select_n3A_1047 : vector<392x128xi32>
    %eq3A_1049 = vector.broadcast %broadcast_in_dim3A_977 : vector<392x1xf32> to vector<392x128xf32>
    %eq3A_1050 = arith.cmpf oeq, %select_n3A_822, %eq3A_1049 : vector<392x128xf32>
    %add3A_1051 = arith.constant 1024 : i32
    %add3A_1052 = vector.broadcast %add3A_1051 : i32 to vector<392x128xi32>
    %add3A_1053 = arith.addi %iota3A, %add3A_1052 : vector<392x128xi32>
    %jit3A_1054 = arith.constant 3200 : i32
    %broadcast_in_dim3A_1055 = vector.broadcast %jit3A_1054 : i32 to vector<392x128xi32>
    %select_n3A_1056 = arith.select %eq3A_1050, %add3A_1053, %broadcast_in_dim3A_1055 : vector<392x128xi1>, vector<392x128xi32>
    %min3A_1057 = arith.minsi %min3A_1048, %select_n3A_1056 : vector<392x128xi32>
    %eq3A_1058 = vector.broadcast %broadcast_in_dim3A_977 : vector<392x1xf32> to vector<392x128xf32>
    %eq3A_1059 = arith.cmpf oeq, %select_n3A_830, %eq3A_1058 : vector<392x128xf32>
    %add3A_1060 = arith.constant 1152 : i32
    %add3A_1061 = vector.broadcast %add3A_1060 : i32 to vector<392x128xi32>
    %add3A_1062 = arith.addi %iota3A, %add3A_1061 : vector<392x128xi32>
    %jit3A_1063 = arith.constant 3200 : i32
    %broadcast_in_dim3A_1064 = vector.broadcast %jit3A_1063 : i32 to vector<392x128xi32>
    %select_n3A_1065 = arith.select %eq3A_1059, %add3A_1062, %broadcast_in_dim3A_1064 : vector<392x128xi1>, vector<392x128xi32>
    %min3A_1066 = arith.minsi %min3A_1057, %select_n3A_1065 : vector<392x128xi32>
    %eq3A_1067 = vector.broadcast %broadcast_in_dim3A_977 : vector<392x1xf32> to vector<392x128xf32>
    %eq3A_1068 = arith.cmpf oeq, %select_n3A_838, %eq3A_1067 : vector<392x128xf32>
    %add3A_1069 = arith.constant 1280 : i32
    %add3A_1070 = vector.broadcast %add3A_1069 : i32 to vector<392x128xi32>
    %add3A_1071 = arith.addi %iota3A, %add3A_1070 : vector<392x128xi32>
    %jit3A_1072 = arith.constant 3200 : i32
    %broadcast_in_dim3A_1073 = vector.broadcast %jit3A_1072 : i32 to vector<392x128xi32>
    %select_n3A_1074 = arith.select %eq3A_1068, %add3A_1071, %broadcast_in_dim3A_1073 : vector<392x128xi1>, vector<392x128xi32>
    %min3A_1075 = arith.minsi %min3A_1066, %select_n3A_1074 : vector<392x128xi32>
    %eq3A_1076 = vector.broadcast %broadcast_in_dim3A_977 : vector<392x1xf32> to vector<392x128xf32>
    %eq3A_1077 = arith.cmpf oeq, %select_n3A_846, %eq3A_1076 : vector<392x128xf32>
    %add3A_1078 = arith.constant 1408 : i32
    %add3A_1079 = vector.broadcast %add3A_1078 : i32 to vector<392x128xi32>
    %add3A_1080 = arith.addi %iota3A, %add3A_1079 : vector<392x128xi32>
    %jit3A_1081 = arith.constant 3200 : i32
    %broadcast_in_dim3A_1082 = vector.broadcast %jit3A_1081 : i32 to vector<392x128xi32>
    %select_n3A_1083 = arith.select %eq3A_1077, %add3A_1080, %broadcast_in_dim3A_1082 : vector<392x128xi1>, vector<392x128xi32>
    %min3A_1084 = arith.minsi %min3A_1075, %select_n3A_1083 : vector<392x128xi32>
    %eq3A_1085 = vector.broadcast %broadcast_in_dim3A_977 : vector<392x1xf32> to vector<392x128xf32>
    %eq3A_1086 = arith.cmpf oeq, %select_n3A_854, %eq3A_1085 : vector<392x128xf32>
    %add3A_1087 = arith.constant 1536 : i32
    %add3A_1088 = vector.broadcast %add3A_1087 : i32 to vector<392x128xi32>
    %add3A_1089 = arith.addi %iota3A, %add3A_1088 : vector<392x128xi32>
    %jit3A_1090 = arith.constant 3200 : i32
    %broadcast_in_dim3A_1091 = vector.broadcast %jit3A_1090 : i32 to vector<392x128xi32>
    %select_n3A_1092 = arith.select %eq3A_1086, %add3A_1089, %broadcast_in_dim3A_1091 : vector<392x128xi1>, vector<392x128xi32>
    %min3A_1093 = arith.minsi %min3A_1084, %select_n3A_1092 : vector<392x128xi32>
    %eq3A_1094 = vector.broadcast %broadcast_in_dim3A_977 : vector<392x1xf32> to vector<392x128xf32>
    %eq3A_1095 = arith.cmpf oeq, %select_n3A_862, %eq3A_1094 : vector<392x128xf32>
    %add3A_1096 = arith.constant 1664 : i32
    %add3A_1097 = vector.broadcast %add3A_1096 : i32 to vector<392x128xi32>
    %add3A_1098 = arith.addi %iota3A, %add3A_1097 : vector<392x128xi32>
    %jit3A_1099 = arith.constant 3200 : i32
    %broadcast_in_dim3A_1100 = vector.broadcast %jit3A_1099 : i32 to vector<392x128xi32>
    %select_n3A_1101 = arith.select %eq3A_1095, %add3A_1098, %broadcast_in_dim3A_1100 : vector<392x128xi1>, vector<392x128xi32>
    %min3A_1102 = arith.minsi %min3A_1093, %select_n3A_1101 : vector<392x128xi32>
    %eq3A_1103 = vector.broadcast %broadcast_in_dim3A_977 : vector<392x1xf32> to vector<392x128xf32>
    %eq3A_1104 = arith.cmpf oeq, %select_n3A_870, %eq3A_1103 : vector<392x128xf32>
    %add3A_1105 = arith.constant 1792 : i32
    %add3A_1106 = vector.broadcast %add3A_1105 : i32 to vector<392x128xi32>
    %add3A_1107 = arith.addi %iota3A, %add3A_1106 : vector<392x128xi32>
    %jit3A_1108 = arith.constant 3200 : i32
    %broadcast_in_dim3A_1109 = vector.broadcast %jit3A_1108 : i32 to vector<392x128xi32>
    %select_n3A_1110 = arith.select %eq3A_1104, %add3A_1107, %broadcast_in_dim3A_1109 : vector<392x128xi1>, vector<392x128xi32>
    %min3A_1111 = arith.minsi %min3A_1102, %select_n3A_1110 : vector<392x128xi32>
    %eq3A_1112 = vector.broadcast %broadcast_in_dim3A_977 : vector<392x1xf32> to vector<392x128xf32>
    %eq3A_1113 = arith.cmpf oeq, %select_n3A_878, %eq3A_1112 : vector<392x128xf32>
    %add3A_1114 = arith.constant 1920 : i32
    %add3A_1115 = vector.broadcast %add3A_1114 : i32 to vector<392x128xi32>
    %add3A_1116 = arith.addi %iota3A, %add3A_1115 : vector<392x128xi32>
    %jit3A_1117 = arith.constant 3200 : i32
    %broadcast_in_dim3A_1118 = vector.broadcast %jit3A_1117 : i32 to vector<392x128xi32>
    %select_n3A_1119 = arith.select %eq3A_1113, %add3A_1116, %broadcast_in_dim3A_1118 : vector<392x128xi1>, vector<392x128xi32>
    %min3A_1120 = arith.minsi %min3A_1111, %select_n3A_1119 : vector<392x128xi32>
    %eq3A_1121 = vector.broadcast %broadcast_in_dim3A_977 : vector<392x1xf32> to vector<392x128xf32>
    %eq3A_1122 = arith.cmpf oeq, %select_n3A_886, %eq3A_1121 : vector<392x128xf32>
    %add3A_1123 = arith.constant 2048 : i32
    %add3A_1124 = vector.broadcast %add3A_1123 : i32 to vector<392x128xi32>
    %add3A_1125 = arith.addi %iota3A, %add3A_1124 : vector<392x128xi32>
    %jit3A_1126 = arith.constant 3200 : i32
    %broadcast_in_dim3A_1127 = vector.broadcast %jit3A_1126 : i32 to vector<392x128xi32>
    %select_n3A_1128 = arith.select %eq3A_1122, %add3A_1125, %broadcast_in_dim3A_1127 : vector<392x128xi1>, vector<392x128xi32>
    %min3A_1129 = arith.minsi %min3A_1120, %select_n3A_1128 : vector<392x128xi32>
    %eq3A_1130 = vector.broadcast %broadcast_in_dim3A_977 : vector<392x1xf32> to vector<392x128xf32>
    %eq3A_1131 = arith.cmpf oeq, %select_n3A_894, %eq3A_1130 : vector<392x128xf32>
    %add3A_1132 = arith.constant 2176 : i32
    %add3A_1133 = vector.broadcast %add3A_1132 : i32 to vector<392x128xi32>
    %add3A_1134 = arith.addi %iota3A, %add3A_1133 : vector<392x128xi32>
    %jit3A_1135 = arith.constant 3200 : i32
    %broadcast_in_dim3A_1136 = vector.broadcast %jit3A_1135 : i32 to vector<392x128xi32>
    %select_n3A_1137 = arith.select %eq3A_1131, %add3A_1134, %broadcast_in_dim3A_1136 : vector<392x128xi1>, vector<392x128xi32>
    %min3A_1138 = arith.minsi %min3A_1129, %select_n3A_1137 : vector<392x128xi32>
    %eq3A_1139 = vector.broadcast %broadcast_in_dim3A_977 : vector<392x1xf32> to vector<392x128xf32>
    %eq3A_1140 = arith.cmpf oeq, %select_n3A_902, %eq3A_1139 : vector<392x128xf32>
    %add3A_1141 = arith.constant 2304 : i32
    %add3A_1142 = vector.broadcast %add3A_1141 : i32 to vector<392x128xi32>
    %add3A_1143 = arith.addi %iota3A, %add3A_1142 : vector<392x128xi32>
    %jit3A_1144 = arith.constant 3200 : i32
    %broadcast_in_dim3A_1145 = vector.broadcast %jit3A_1144 : i32 to vector<392x128xi32>
    %select_n3A_1146 = arith.select %eq3A_1140, %add3A_1143, %broadcast_in_dim3A_1145 : vector<392x128xi1>, vector<392x128xi32>
    %min3A_1147 = arith.minsi %min3A_1138, %select_n3A_1146 : vector<392x128xi32>
    %eq3A_1148 = vector.broadcast %broadcast_in_dim3A_977 : vector<392x1xf32> to vector<392x128xf32>
    %eq3A_1149 = arith.cmpf oeq, %select_n3A_910, %eq3A_1148 : vector<392x128xf32>
    %add3A_1150 = arith.constant 2432 : i32
    %add3A_1151 = vector.broadcast %add3A_1150 : i32 to vector<392x128xi32>
    %add3A_1152 = arith.addi %iota3A, %add3A_1151 : vector<392x128xi32>
    %jit3A_1153 = arith.constant 3200 : i32
    %broadcast_in_dim3A_1154 = vector.broadcast %jit3A_1153 : i32 to vector<392x128xi32>
    %select_n3A_1155 = arith.select %eq3A_1149, %add3A_1152, %broadcast_in_dim3A_1154 : vector<392x128xi1>, vector<392x128xi32>
    %min3A_1156 = arith.minsi %min3A_1147, %select_n3A_1155 : vector<392x128xi32>
    %eq3A_1157 = vector.broadcast %broadcast_in_dim3A_977 : vector<392x1xf32> to vector<392x128xf32>
    %eq3A_1158 = arith.cmpf oeq, %select_n3A_918, %eq3A_1157 : vector<392x128xf32>
    %add3A_1159 = arith.constant 2560 : i32
    %add3A_1160 = vector.broadcast %add3A_1159 : i32 to vector<392x128xi32>
    %add3A_1161 = arith.addi %iota3A, %add3A_1160 : vector<392x128xi32>
    %jit3A_1162 = arith.constant 3200 : i32
    %broadcast_in_dim3A_1163 = vector.broadcast %jit3A_1162 : i32 to vector<392x128xi32>
    %select_n3A_1164 = arith.select %eq3A_1158, %add3A_1161, %broadcast_in_dim3A_1163 : vector<392x128xi1>, vector<392x128xi32>
    %min3A_1165 = arith.minsi %min3A_1156, %select_n3A_1164 : vector<392x128xi32>
    %eq3A_1166 = vector.broadcast %broadcast_in_dim3A_977 : vector<392x1xf32> to vector<392x128xf32>
    %eq3A_1167 = arith.cmpf oeq, %select_n3A_926, %eq3A_1166 : vector<392x128xf32>
    %add3A_1168 = arith.constant 2688 : i32
    %add3A_1169 = vector.broadcast %add3A_1168 : i32 to vector<392x128xi32>
    %add3A_1170 = arith.addi %iota3A, %add3A_1169 : vector<392x128xi32>
    %jit3A_1171 = arith.constant 3200 : i32
    %broadcast_in_dim3A_1172 = vector.broadcast %jit3A_1171 : i32 to vector<392x128xi32>
    %select_n3A_1173 = arith.select %eq3A_1167, %add3A_1170, %broadcast_in_dim3A_1172 : vector<392x128xi1>, vector<392x128xi32>
    %min3A_1174 = arith.minsi %min3A_1165, %select_n3A_1173 : vector<392x128xi32>
    %eq3A_1175 = vector.broadcast %broadcast_in_dim3A_977 : vector<392x1xf32> to vector<392x128xf32>
    %eq3A_1176 = arith.cmpf oeq, %select_n3A_934, %eq3A_1175 : vector<392x128xf32>
    %add3A_1177 = arith.constant 2816 : i32
    %add3A_1178 = vector.broadcast %add3A_1177 : i32 to vector<392x128xi32>
    %add3A_1179 = arith.addi %iota3A, %add3A_1178 : vector<392x128xi32>
    %jit3A_1180 = arith.constant 3200 : i32
    %broadcast_in_dim3A_1181 = vector.broadcast %jit3A_1180 : i32 to vector<392x128xi32>
    %select_n3A_1182 = arith.select %eq3A_1176, %add3A_1179, %broadcast_in_dim3A_1181 : vector<392x128xi1>, vector<392x128xi32>
    %min3A_1183 = arith.minsi %min3A_1174, %select_n3A_1182 : vector<392x128xi32>
    %eq3A_1184 = vector.broadcast %broadcast_in_dim3A_977 : vector<392x1xf32> to vector<392x128xf32>
    %eq3A_1185 = arith.cmpf oeq, %select_n3A_942, %eq3A_1184 : vector<392x128xf32>
    %add3A_1186 = arith.constant 2944 : i32
    %add3A_1187 = vector.broadcast %add3A_1186 : i32 to vector<392x128xi32>
    %add3A_1188 = arith.addi %iota3A, %add3A_1187 : vector<392x128xi32>
    %jit3A_1189 = arith.constant 3200 : i32
    %broadcast_in_dim3A_1190 = vector.broadcast %jit3A_1189 : i32 to vector<392x128xi32>
    %select_n3A_1191 = arith.select %eq3A_1185, %add3A_1188, %broadcast_in_dim3A_1190 : vector<392x128xi1>, vector<392x128xi32>
    %min3A_1192 = arith.minsi %min3A_1183, %select_n3A_1191 : vector<392x128xi32>
    %eq3A_1193 = vector.broadcast %broadcast_in_dim3A_977 : vector<392x1xf32> to vector<392x128xf32>
    %eq3A_1194 = arith.cmpf oeq, %select_n3A_950, %eq3A_1193 : vector<392x128xf32>
    %add3A_1195 = arith.constant 3072 : i32
    %add3A_1196 = vector.broadcast %add3A_1195 : i32 to vector<392x128xi32>
    %add3A_1197 = arith.addi %iota3A, %add3A_1196 : vector<392x128xi32>
    %jit3A_1198 = arith.constant 3200 : i32
    %broadcast_in_dim3A_1199 = vector.broadcast %jit3A_1198 : i32 to vector<392x128xi32>
    %select_n3A_1200 = arith.select %eq3A_1194, %add3A_1197, %broadcast_in_dim3A_1199 : vector<392x128xi1>, vector<392x128xi32>
    %min3A_1201 = arith.minsi %min3A_1192, %select_n3A_1200 : vector<392x128xi32>
    %reduce_min3A_1202 = arith.constant dense<2147483647> : vector<392xi32>
    %reduce_min3A_1203 = vector.multi_reduction <minsi>, %min3A_1201, %reduce_min3A_1202 [1] : vector<392x128xi32> to vector<392xi32>
    %broadcast_in_dim3A_1204 = vector.shape_cast %reduce_min3A_1203 : vector<392xi32> to vector<392x1xi32>
    %squeeze3A_1205 = vector.shape_cast %broadcast_in_dim3A_1204 : vector<392x1xi32> to vector<392xi32>
    %add3A_1206 = arith.constant 0 : i32
    %add3A_1207 = vector.broadcast %add3A_1206 : i32 to vector<392x128xi32>
    %add3A_1208 = arith.addi %iota3A, %add3A_1207 : vector<392x128xi32>
    %eq3A_1209 = vector.broadcast %broadcast_in_dim3A_1204 : vector<392x1xi32> to vector<392x128xi32>
    %eq3A_1210 = arith.cmpi eq, %add3A_1208, %eq3A_1209 : vector<392x128xi32>
    %jit3A_1211 = arith.constant 0x7F800000 : f32
    %broadcast_in_dim3A_1212 = vector.broadcast %jit3A_1211 : f32 to vector<392x128xf32>
    %select_n3A_1213 = arith.select %eq3A_1210, %broadcast_in_dim3A_1212, %select_n3A_758 : vector<392x128xi1>, vector<392x128xf32>
    %add3A_1214 = arith.constant 128 : i32
    %add3A_1215 = vector.broadcast %add3A_1214 : i32 to vector<392x128xi32>
    %add3A_1216 = arith.addi %iota3A, %add3A_1215 : vector<392x128xi32>
    %eq3A_1217 = vector.broadcast %broadcast_in_dim3A_1204 : vector<392x1xi32> to vector<392x128xi32>
    %eq3A_1218 = arith.cmpi eq, %add3A_1216, %eq3A_1217 : vector<392x128xi32>
    %jit3A_1219 = arith.constant 0x7F800000 : f32
    %broadcast_in_dim3A_1220 = vector.broadcast %jit3A_1219 : f32 to vector<392x128xf32>
    %select_n3A_1221 = arith.select %eq3A_1218, %broadcast_in_dim3A_1220, %select_n3A_766 : vector<392x128xi1>, vector<392x128xf32>
    %add3A_1222 = arith.constant 256 : i32
    %add3A_1223 = vector.broadcast %add3A_1222 : i32 to vector<392x128xi32>
    %add3A_1224 = arith.addi %iota3A, %add3A_1223 : vector<392x128xi32>
    %eq3A_1225 = vector.broadcast %broadcast_in_dim3A_1204 : vector<392x1xi32> to vector<392x128xi32>
    %eq3A_1226 = arith.cmpi eq, %add3A_1224, %eq3A_1225 : vector<392x128xi32>
    %jit3A_1227 = arith.constant 0x7F800000 : f32
    %broadcast_in_dim3A_1228 = vector.broadcast %jit3A_1227 : f32 to vector<392x128xf32>
    %select_n3A_1229 = arith.select %eq3A_1226, %broadcast_in_dim3A_1228, %select_n3A_774 : vector<392x128xi1>, vector<392x128xf32>
    %add3A_1230 = arith.constant 384 : i32
    %add3A_1231 = vector.broadcast %add3A_1230 : i32 to vector<392x128xi32>
    %add3A_1232 = arith.addi %iota3A, %add3A_1231 : vector<392x128xi32>
    %eq3A_1233 = vector.broadcast %broadcast_in_dim3A_1204 : vector<392x1xi32> to vector<392x128xi32>
    %eq3A_1234 = arith.cmpi eq, %add3A_1232, %eq3A_1233 : vector<392x128xi32>
    %jit3A_1235 = arith.constant 0x7F800000 : f32
    %broadcast_in_dim3A_1236 = vector.broadcast %jit3A_1235 : f32 to vector<392x128xf32>
    %select_n3A_1237 = arith.select %eq3A_1234, %broadcast_in_dim3A_1236, %select_n3A_782 : vector<392x128xi1>, vector<392x128xf32>
    %add3A_1238 = arith.constant 512 : i32
    %add3A_1239 = vector.broadcast %add3A_1238 : i32 to vector<392x128xi32>
    %add3A_1240 = arith.addi %iota3A, %add3A_1239 : vector<392x128xi32>
    %eq3A_1241 = vector.broadcast %broadcast_in_dim3A_1204 : vector<392x1xi32> to vector<392x128xi32>
    %eq3A_1242 = arith.cmpi eq, %add3A_1240, %eq3A_1241 : vector<392x128xi32>
    %jit3A_1243 = arith.constant 0x7F800000 : f32
    %broadcast_in_dim3A_1244 = vector.broadcast %jit3A_1243 : f32 to vector<392x128xf32>
    %select_n3A_1245 = arith.select %eq3A_1242, %broadcast_in_dim3A_1244, %select_n3A_790 : vector<392x128xi1>, vector<392x128xf32>
    %add3A_1246 = arith.constant 640 : i32
    %add3A_1247 = vector.broadcast %add3A_1246 : i32 to vector<392x128xi32>
    %add3A_1248 = arith.addi %iota3A, %add3A_1247 : vector<392x128xi32>
    %eq3A_1249 = vector.broadcast %broadcast_in_dim3A_1204 : vector<392x1xi32> to vector<392x128xi32>
    %eq3A_1250 = arith.cmpi eq, %add3A_1248, %eq3A_1249 : vector<392x128xi32>
    %jit3A_1251 = arith.constant 0x7F800000 : f32
    %broadcast_in_dim3A_1252 = vector.broadcast %jit3A_1251 : f32 to vector<392x128xf32>
    %select_n3A_1253 = arith.select %eq3A_1250, %broadcast_in_dim3A_1252, %select_n3A_798 : vector<392x128xi1>, vector<392x128xf32>
    %add3A_1254 = arith.constant 768 : i32
    %add3A_1255 = vector.broadcast %add3A_1254 : i32 to vector<392x128xi32>
    %add3A_1256 = arith.addi %iota3A, %add3A_1255 : vector<392x128xi32>
    %eq3A_1257 = vector.broadcast %broadcast_in_dim3A_1204 : vector<392x1xi32> to vector<392x128xi32>
    %eq3A_1258 = arith.cmpi eq, %add3A_1256, %eq3A_1257 : vector<392x128xi32>
    %jit3A_1259 = arith.constant 0x7F800000 : f32
    %broadcast_in_dim3A_1260 = vector.broadcast %jit3A_1259 : f32 to vector<392x128xf32>
    %select_n3A_1261 = arith.select %eq3A_1258, %broadcast_in_dim3A_1260, %select_n3A_806 : vector<392x128xi1>, vector<392x128xf32>
    %add3A_1262 = arith.constant 896 : i32
    %add3A_1263 = vector.broadcast %add3A_1262 : i32 to vector<392x128xi32>
    %add3A_1264 = arith.addi %iota3A, %add3A_1263 : vector<392x128xi32>
    %eq3A_1265 = vector.broadcast %broadcast_in_dim3A_1204 : vector<392x1xi32> to vector<392x128xi32>
    %eq3A_1266 = arith.cmpi eq, %add3A_1264, %eq3A_1265 : vector<392x128xi32>
    %jit3A_1267 = arith.constant 0x7F800000 : f32
    %broadcast_in_dim3A_1268 = vector.broadcast %jit3A_1267 : f32 to vector<392x128xf32>
    %select_n3A_1269 = arith.select %eq3A_1266, %broadcast_in_dim3A_1268, %select_n3A_814 : vector<392x128xi1>, vector<392x128xf32>
    %add3A_1270 = arith.constant 1024 : i32
    %add3A_1271 = vector.broadcast %add3A_1270 : i32 to vector<392x128xi32>
    %add3A_1272 = arith.addi %iota3A, %add3A_1271 : vector<392x128xi32>
    %eq3A_1273 = vector.broadcast %broadcast_in_dim3A_1204 : vector<392x1xi32> to vector<392x128xi32>
    %eq3A_1274 = arith.cmpi eq, %add3A_1272, %eq3A_1273 : vector<392x128xi32>
    %jit3A_1275 = arith.constant 0x7F800000 : f32
    %broadcast_in_dim3A_1276 = vector.broadcast %jit3A_1275 : f32 to vector<392x128xf32>
    %select_n3A_1277 = arith.select %eq3A_1274, %broadcast_in_dim3A_1276, %select_n3A_822 : vector<392x128xi1>, vector<392x128xf32>
    %add3A_1278 = arith.constant 1152 : i32
    %add3A_1279 = vector.broadcast %add3A_1278 : i32 to vector<392x128xi32>
    %add3A_1280 = arith.addi %iota3A, %add3A_1279 : vector<392x128xi32>
    %eq3A_1281 = vector.broadcast %broadcast_in_dim3A_1204 : vector<392x1xi32> to vector<392x128xi32>
    %eq3A_1282 = arith.cmpi eq, %add3A_1280, %eq3A_1281 : vector<392x128xi32>
    %jit3A_1283 = arith.constant 0x7F800000 : f32
    %broadcast_in_dim3A_1284 = vector.broadcast %jit3A_1283 : f32 to vector<392x128xf32>
    %select_n3A_1285 = arith.select %eq3A_1282, %broadcast_in_dim3A_1284, %select_n3A_830 : vector<392x128xi1>, vector<392x128xf32>
    %add3A_1286 = arith.constant 1280 : i32
    %add3A_1287 = vector.broadcast %add3A_1286 : i32 to vector<392x128xi32>
    %add3A_1288 = arith.addi %iota3A, %add3A_1287 : vector<392x128xi32>
    %eq3A_1289 = vector.broadcast %broadcast_in_dim3A_1204 : vector<392x1xi32> to vector<392x128xi32>
    %eq3A_1290 = arith.cmpi eq, %add3A_1288, %eq3A_1289 : vector<392x128xi32>
    %jit3A_1291 = arith.constant 0x7F800000 : f32
    %broadcast_in_dim3A_1292 = vector.broadcast %jit3A_1291 : f32 to vector<392x128xf32>
    %select_n3A_1293 = arith.select %eq3A_1290, %broadcast_in_dim3A_1292, %select_n3A_838 : vector<392x128xi1>, vector<392x128xf32>
    %add3A_1294 = arith.constant 1408 : i32
    %add3A_1295 = vector.broadcast %add3A_1294 : i32 to vector<392x128xi32>
    %add3A_1296 = arith.addi %iota3A, %add3A_1295 : vector<392x128xi32>
    %eq3A_1297 = vector.broadcast %broadcast_in_dim3A_1204 : vector<392x1xi32> to vector<392x128xi32>
    %eq3A_1298 = arith.cmpi eq, %add3A_1296, %eq3A_1297 : vector<392x128xi32>
    %jit3A_1299 = arith.constant 0x7F800000 : f32
    %broadcast_in_dim3A_1300 = vector.broadcast %jit3A_1299 : f32 to vector<392x128xf32>
    %select_n3A_1301 = arith.select %eq3A_1298, %broadcast_in_dim3A_1300, %select_n3A_846 : vector<392x128xi1>, vector<392x128xf32>
    %add3A_1302 = arith.constant 1536 : i32
    %add3A_1303 = vector.broadcast %add3A_1302 : i32 to vector<392x128xi32>
    %add3A_1304 = arith.addi %iota3A, %add3A_1303 : vector<392x128xi32>
    %eq3A_1305 = vector.broadcast %broadcast_in_dim3A_1204 : vector<392x1xi32> to vector<392x128xi32>
    %eq3A_1306 = arith.cmpi eq, %add3A_1304, %eq3A_1305 : vector<392x128xi32>
    %jit3A_1307 = arith.constant 0x7F800000 : f32
    %broadcast_in_dim3A_1308 = vector.broadcast %jit3A_1307 : f32 to vector<392x128xf32>
    %select_n3A_1309 = arith.select %eq3A_1306, %broadcast_in_dim3A_1308, %select_n3A_854 : vector<392x128xi1>, vector<392x128xf32>
    %add3A_1310 = arith.constant 1664 : i32
    %add3A_1311 = vector.broadcast %add3A_1310 : i32 to vector<392x128xi32>
    %add3A_1312 = arith.addi %iota3A, %add3A_1311 : vector<392x128xi32>
    %eq3A_1313 = vector.broadcast %broadcast_in_dim3A_1204 : vector<392x1xi32> to vector<392x128xi32>
    %eq3A_1314 = arith.cmpi eq, %add3A_1312, %eq3A_1313 : vector<392x128xi32>
    %jit3A_1315 = arith.constant 0x7F800000 : f32
    %broadcast_in_dim3A_1316 = vector.broadcast %jit3A_1315 : f32 to vector<392x128xf32>
    %select_n3A_1317 = arith.select %eq3A_1314, %broadcast_in_dim3A_1316, %select_n3A_862 : vector<392x128xi1>, vector<392x128xf32>
    %add3A_1318 = arith.constant 1792 : i32
    %add3A_1319 = vector.broadcast %add3A_1318 : i32 to vector<392x128xi32>
    %add3A_1320 = arith.addi %iota3A, %add3A_1319 : vector<392x128xi32>
    %eq3A_1321 = vector.broadcast %broadcast_in_dim3A_1204 : vector<392x1xi32> to vector<392x128xi32>
    %eq3A_1322 = arith.cmpi eq, %add3A_1320, %eq3A_1321 : vector<392x128xi32>
    %jit3A_1323 = arith.constant 0x7F800000 : f32
    %broadcast_in_dim3A_1324 = vector.broadcast %jit3A_1323 : f32 to vector<392x128xf32>
    %select_n3A_1325 = arith.select %eq3A_1322, %broadcast_in_dim3A_1324, %select_n3A_870 : vector<392x128xi1>, vector<392x128xf32>
    %add3A_1326 = arith.constant 1920 : i32
    %add3A_1327 = vector.broadcast %add3A_1326 : i32 to vector<392x128xi32>
    %add3A_1328 = arith.addi %iota3A, %add3A_1327 : vector<392x128xi32>
    %eq3A_1329 = vector.broadcast %broadcast_in_dim3A_1204 : vector<392x1xi32> to vector<392x128xi32>
    %eq3A_1330 = arith.cmpi eq, %add3A_1328, %eq3A_1329 : vector<392x128xi32>
    %jit3A_1331 = arith.constant 0x7F800000 : f32
    %broadcast_in_dim3A_1332 = vector.broadcast %jit3A_1331 : f32 to vector<392x128xf32>
    %select_n3A_1333 = arith.select %eq3A_1330, %broadcast_in_dim3A_1332, %select_n3A_878 : vector<392x128xi1>, vector<392x128xf32>
    %add3A_1334 = arith.constant 2048 : i32
    %add3A_1335 = vector.broadcast %add3A_1334 : i32 to vector<392x128xi32>
    %add3A_1336 = arith.addi %iota3A, %add3A_1335 : vector<392x128xi32>
    %eq3A_1337 = vector.broadcast %broadcast_in_dim3A_1204 : vector<392x1xi32> to vector<392x128xi32>
    %eq3A_1338 = arith.cmpi eq, %add3A_1336, %eq3A_1337 : vector<392x128xi32>
    %jit3A_1339 = arith.constant 0x7F800000 : f32
    %broadcast_in_dim3A_1340 = vector.broadcast %jit3A_1339 : f32 to vector<392x128xf32>
    %select_n3A_1341 = arith.select %eq3A_1338, %broadcast_in_dim3A_1340, %select_n3A_886 : vector<392x128xi1>, vector<392x128xf32>
    %add3A_1342 = arith.constant 2176 : i32
    %add3A_1343 = vector.broadcast %add3A_1342 : i32 to vector<392x128xi32>
    %add3A_1344 = arith.addi %iota3A, %add3A_1343 : vector<392x128xi32>
    %eq3A_1345 = vector.broadcast %broadcast_in_dim3A_1204 : vector<392x1xi32> to vector<392x128xi32>
    %eq3A_1346 = arith.cmpi eq, %add3A_1344, %eq3A_1345 : vector<392x128xi32>
    %jit3A_1347 = arith.constant 0x7F800000 : f32
    %broadcast_in_dim3A_1348 = vector.broadcast %jit3A_1347 : f32 to vector<392x128xf32>
    %select_n3A_1349 = arith.select %eq3A_1346, %broadcast_in_dim3A_1348, %select_n3A_894 : vector<392x128xi1>, vector<392x128xf32>
    %add3A_1350 = arith.constant 2304 : i32
    %add3A_1351 = vector.broadcast %add3A_1350 : i32 to vector<392x128xi32>
    %add3A_1352 = arith.addi %iota3A, %add3A_1351 : vector<392x128xi32>
    %eq3A_1353 = vector.broadcast %broadcast_in_dim3A_1204 : vector<392x1xi32> to vector<392x128xi32>
    %eq3A_1354 = arith.cmpi eq, %add3A_1352, %eq3A_1353 : vector<392x128xi32>
    %jit3A_1355 = arith.constant 0x7F800000 : f32
    %broadcast_in_dim3A_1356 = vector.broadcast %jit3A_1355 : f32 to vector<392x128xf32>
    %select_n3A_1357 = arith.select %eq3A_1354, %broadcast_in_dim3A_1356, %select_n3A_902 : vector<392x128xi1>, vector<392x128xf32>
    %add3A_1358 = arith.constant 2432 : i32
    %add3A_1359 = vector.broadcast %add3A_1358 : i32 to vector<392x128xi32>
    %add3A_1360 = arith.addi %iota3A, %add3A_1359 : vector<392x128xi32>
    %eq3A_1361 = vector.broadcast %broadcast_in_dim3A_1204 : vector<392x1xi32> to vector<392x128xi32>
    %eq3A_1362 = arith.cmpi eq, %add3A_1360, %eq3A_1361 : vector<392x128xi32>
    %jit3A_1363 = arith.constant 0x7F800000 : f32
    %broadcast_in_dim3A_1364 = vector.broadcast %jit3A_1363 : f32 to vector<392x128xf32>
    %select_n3A_1365 = arith.select %eq3A_1362, %broadcast_in_dim3A_1364, %select_n3A_910 : vector<392x128xi1>, vector<392x128xf32>
    %add3A_1366 = arith.constant 2560 : i32
    %add3A_1367 = vector.broadcast %add3A_1366 : i32 to vector<392x128xi32>
    %add3A_1368 = arith.addi %iota3A, %add3A_1367 : vector<392x128xi32>
    %eq3A_1369 = vector.broadcast %broadcast_in_dim3A_1204 : vector<392x1xi32> to vector<392x128xi32>
    %eq3A_1370 = arith.cmpi eq, %add3A_1368, %eq3A_1369 : vector<392x128xi32>
    %jit3A_1371 = arith.constant 0x7F800000 : f32
    %broadcast_in_dim3A_1372 = vector.broadcast %jit3A_1371 : f32 to vector<392x128xf32>
    %select_n3A_1373 = arith.select %eq3A_1370, %broadcast_in_dim3A_1372, %select_n3A_918 : vector<392x128xi1>, vector<392x128xf32>
    %add3A_1374 = arith.constant 2688 : i32
    %add3A_1375 = vector.broadcast %add3A_1374 : i32 to vector<392x128xi32>
    %add3A_1376 = arith.addi %iota3A, %add3A_1375 : vector<392x128xi32>
    %eq3A_1377 = vector.broadcast %broadcast_in_dim3A_1204 : vector<392x1xi32> to vector<392x128xi32>
    %eq3A_1378 = arith.cmpi eq, %add3A_1376, %eq3A_1377 : vector<392x128xi32>
    %jit3A_1379 = arith.constant 0x7F800000 : f32
    %broadcast_in_dim3A_1380 = vector.broadcast %jit3A_1379 : f32 to vector<392x128xf32>
    %select_n3A_1381 = arith.select %eq3A_1378, %broadcast_in_dim3A_1380, %select_n3A_926 : vector<392x128xi1>, vector<392x128xf32>
    %add3A_1382 = arith.constant 2816 : i32
    %add3A_1383 = vector.broadcast %add3A_1382 : i32 to vector<392x128xi32>
    %add3A_1384 = arith.addi %iota3A, %add3A_1383 : vector<392x128xi32>
    %eq3A_1385 = vector.broadcast %broadcast_in_dim3A_1204 : vector<392x1xi32> to vector<392x128xi32>
    %eq3A_1386 = arith.cmpi eq, %add3A_1384, %eq3A_1385 : vector<392x128xi32>
    %jit3A_1387 = arith.constant 0x7F800000 : f32
    %broadcast_in_dim3A_1388 = vector.broadcast %jit3A_1387 : f32 to vector<392x128xf32>
    %select_n3A_1389 = arith.select %eq3A_1386, %broadcast_in_dim3A_1388, %select_n3A_934 : vector<392x128xi1>, vector<392x128xf32>
    %add3A_1390 = arith.constant 2944 : i32
    %add3A_1391 = vector.broadcast %add3A_1390 : i32 to vector<392x128xi32>
    %add3A_1392 = arith.addi %iota3A, %add3A_1391 : vector<392x128xi32>
    %eq3A_1393 = vector.broadcast %broadcast_in_dim3A_1204 : vector<392x1xi32> to vector<392x128xi32>
    %eq3A_1394 = arith.cmpi eq, %add3A_1392, %eq3A_1393 : vector<392x128xi32>
    %jit3A_1395 = arith.constant 0x7F800000 : f32
    %broadcast_in_dim3A_1396 = vector.broadcast %jit3A_1395 : f32 to vector<392x128xf32>
    %select_n3A_1397 = arith.select %eq3A_1394, %broadcast_in_dim3A_1396, %select_n3A_942 : vector<392x128xi1>, vector<392x128xf32>
    %add3A_1398 = arith.constant 3072 : i32
    %add3A_1399 = vector.broadcast %add3A_1398 : i32 to vector<392x128xi32>
    %add3A_1400 = arith.addi %iota3A, %add3A_1399 : vector<392x128xi32>
    %eq3A_1401 = vector.broadcast %broadcast_in_dim3A_1204 : vector<392x1xi32> to vector<392x128xi32>
    %eq3A_1402 = arith.cmpi eq, %add3A_1400, %eq3A_1401 : vector<392x128xi32>
    %jit3A_1403 = arith.constant 0x7F800000 : f32
    %broadcast_in_dim3A_1404 = vector.broadcast %jit3A_1403 : f32 to vector<392x128xf32>
    %select_n3A_1405 = arith.select %eq3A_1402, %broadcast_in_dim3A_1404, %select_n3A_950 : vector<392x128xi1>, vector<392x128xf32>
    %min3A_1406 = arith.minimumf %select_n3A_1213, %select_n3A_1221 : vector<392x128xf32>
    %min3A_1407 = arith.minimumf %min3A_1406, %select_n3A_1229 : vector<392x128xf32>
    %min3A_1408 = arith.minimumf %min3A_1407, %select_n3A_1237 : vector<392x128xf32>
    %min3A_1409 = arith.minimumf %min3A_1408, %select_n3A_1245 : vector<392x128xf32>
    %min3A_1410 = arith.minimumf %min3A_1409, %select_n3A_1253 : vector<392x128xf32>
    %min3A_1411 = arith.minimumf %min3A_1410, %select_n3A_1261 : vector<392x128xf32>
    %min3A_1412 = arith.minimumf %min3A_1411, %select_n3A_1269 : vector<392x128xf32>
    %min3A_1413 = arith.minimumf %min3A_1412, %select_n3A_1277 : vector<392x128xf32>
    %min3A_1414 = arith.minimumf %min3A_1413, %select_n3A_1285 : vector<392x128xf32>
    %min3A_1415 = arith.minimumf %min3A_1414, %select_n3A_1293 : vector<392x128xf32>
    %min3A_1416 = arith.minimumf %min3A_1415, %select_n3A_1301 : vector<392x128xf32>
    %min3A_1417 = arith.minimumf %min3A_1416, %select_n3A_1309 : vector<392x128xf32>
    %min3A_1418 = arith.minimumf %min3A_1417, %select_n3A_1317 : vector<392x128xf32>
    %min3A_1419 = arith.minimumf %min3A_1418, %select_n3A_1325 : vector<392x128xf32>
    %min3A_1420 = arith.minimumf %min3A_1419, %select_n3A_1333 : vector<392x128xf32>
    %min3A_1421 = arith.minimumf %min3A_1420, %select_n3A_1341 : vector<392x128xf32>
    %min3A_1422 = arith.minimumf %min3A_1421, %select_n3A_1349 : vector<392x128xf32>
    %min3A_1423 = arith.minimumf %min3A_1422, %select_n3A_1357 : vector<392x128xf32>
    %min3A_1424 = arith.minimumf %min3A_1423, %select_n3A_1365 : vector<392x128xf32>
    %min3A_1425 = arith.minimumf %min3A_1424, %select_n3A_1373 : vector<392x128xf32>
    %min3A_1426 = arith.minimumf %min3A_1425, %select_n3A_1381 : vector<392x128xf32>
    %min3A_1427 = arith.minimumf %min3A_1426, %select_n3A_1389 : vector<392x128xf32>
    %min3A_1428 = arith.minimumf %min3A_1427, %select_n3A_1397 : vector<392x128xf32>
    %min3A_1429 = arith.minimumf %min3A_1428, %select_n3A_1405 : vector<392x128xf32>
    %reduce_min3A_1430 = arith.constant dense<0x7F800000> : vector<392xf32>
    %reduce_min3A_1431 = vector.multi_reduction <minimumf>, %min3A_1429, %reduce_min3A_1430 [1] : vector<392x128xf32> to vector<392xf32>
    %broadcast_in_dim3A_1432 = vector.shape_cast %reduce_min3A_1431 : vector<392xf32> to vector<392x1xf32>
    %eq3A_1433 = vector.broadcast %broadcast_in_dim3A_1432 : vector<392x1xf32> to vector<392x128xf32>
    %eq3A_1434 = arith.cmpf oeq, %select_n3A_1213, %eq3A_1433 : vector<392x128xf32>
    %add3A_1435 = arith.constant 0 : i32
    %add3A_1436 = vector.broadcast %add3A_1435 : i32 to vector<392x128xi32>
    %add3A_1437 = arith.addi %iota3A, %add3A_1436 : vector<392x128xi32>
    %jit3A_1438 = arith.constant 3200 : i32
    %broadcast_in_dim3A_1439 = vector.broadcast %jit3A_1438 : i32 to vector<392x128xi32>
    %select_n3A_1440 = arith.select %eq3A_1434, %add3A_1437, %broadcast_in_dim3A_1439 : vector<392x128xi1>, vector<392x128xi32>
    %eq3A_1441 = vector.broadcast %broadcast_in_dim3A_1432 : vector<392x1xf32> to vector<392x128xf32>
    %eq3A_1442 = arith.cmpf oeq, %select_n3A_1221, %eq3A_1441 : vector<392x128xf32>
    %add3A_1443 = arith.constant 128 : i32
    %add3A_1444 = vector.broadcast %add3A_1443 : i32 to vector<392x128xi32>
    %add3A_1445 = arith.addi %iota3A, %add3A_1444 : vector<392x128xi32>
    %jit3A_1446 = arith.constant 3200 : i32
    %broadcast_in_dim3A_1447 = vector.broadcast %jit3A_1446 : i32 to vector<392x128xi32>
    %select_n3A_1448 = arith.select %eq3A_1442, %add3A_1445, %broadcast_in_dim3A_1447 : vector<392x128xi1>, vector<392x128xi32>
    %min3A_1449 = arith.minsi %select_n3A_1440, %select_n3A_1448 : vector<392x128xi32>
    %eq3A_1450 = vector.broadcast %broadcast_in_dim3A_1432 : vector<392x1xf32> to vector<392x128xf32>
    %eq3A_1451 = arith.cmpf oeq, %select_n3A_1229, %eq3A_1450 : vector<392x128xf32>
    %add3A_1452 = arith.constant 256 : i32
    %add3A_1453 = vector.broadcast %add3A_1452 : i32 to vector<392x128xi32>
    %add3A_1454 = arith.addi %iota3A, %add3A_1453 : vector<392x128xi32>
    %jit3A_1455 = arith.constant 3200 : i32
    %broadcast_in_dim3A_1456 = vector.broadcast %jit3A_1455 : i32 to vector<392x128xi32>
    %select_n3A_1457 = arith.select %eq3A_1451, %add3A_1454, %broadcast_in_dim3A_1456 : vector<392x128xi1>, vector<392x128xi32>
    %min3A_1458 = arith.minsi %min3A_1449, %select_n3A_1457 : vector<392x128xi32>
    %eq3A_1459 = vector.broadcast %broadcast_in_dim3A_1432 : vector<392x1xf32> to vector<392x128xf32>
    %eq3A_1460 = arith.cmpf oeq, %select_n3A_1237, %eq3A_1459 : vector<392x128xf32>
    %add3A_1461 = arith.constant 384 : i32
    %add3A_1462 = vector.broadcast %add3A_1461 : i32 to vector<392x128xi32>
    %add3A_1463 = arith.addi %iota3A, %add3A_1462 : vector<392x128xi32>
    %jit3A_1464 = arith.constant 3200 : i32
    %broadcast_in_dim3A_1465 = vector.broadcast %jit3A_1464 : i32 to vector<392x128xi32>
    %select_n3A_1466 = arith.select %eq3A_1460, %add3A_1463, %broadcast_in_dim3A_1465 : vector<392x128xi1>, vector<392x128xi32>
    %min3A_1467 = arith.minsi %min3A_1458, %select_n3A_1466 : vector<392x128xi32>
    %eq3A_1468 = vector.broadcast %broadcast_in_dim3A_1432 : vector<392x1xf32> to vector<392x128xf32>
    %eq3A_1469 = arith.cmpf oeq, %select_n3A_1245, %eq3A_1468 : vector<392x128xf32>
    %add3A_1470 = arith.constant 512 : i32
    %add3A_1471 = vector.broadcast %add3A_1470 : i32 to vector<392x128xi32>
    %add3A_1472 = arith.addi %iota3A, %add3A_1471 : vector<392x128xi32>
    %jit3A_1473 = arith.constant 3200 : i32
    %broadcast_in_dim3A_1474 = vector.broadcast %jit3A_1473 : i32 to vector<392x128xi32>
    %select_n3A_1475 = arith.select %eq3A_1469, %add3A_1472, %broadcast_in_dim3A_1474 : vector<392x128xi1>, vector<392x128xi32>
    %min3A_1476 = arith.minsi %min3A_1467, %select_n3A_1475 : vector<392x128xi32>
    %eq3A_1477 = vector.broadcast %broadcast_in_dim3A_1432 : vector<392x1xf32> to vector<392x128xf32>
    %eq3A_1478 = arith.cmpf oeq, %select_n3A_1253, %eq3A_1477 : vector<392x128xf32>
    %add3A_1479 = arith.constant 640 : i32
    %add3A_1480 = vector.broadcast %add3A_1479 : i32 to vector<392x128xi32>
    %add3A_1481 = arith.addi %iota3A, %add3A_1480 : vector<392x128xi32>
    %jit3A_1482 = arith.constant 3200 : i32
    %broadcast_in_dim3A_1483 = vector.broadcast %jit3A_1482 : i32 to vector<392x128xi32>
    %select_n3A_1484 = arith.select %eq3A_1478, %add3A_1481, %broadcast_in_dim3A_1483 : vector<392x128xi1>, vector<392x128xi32>
    %min3A_1485 = arith.minsi %min3A_1476, %select_n3A_1484 : vector<392x128xi32>
    %eq3A_1486 = vector.broadcast %broadcast_in_dim3A_1432 : vector<392x1xf32> to vector<392x128xf32>
    %eq3A_1487 = arith.cmpf oeq, %select_n3A_1261, %eq3A_1486 : vector<392x128xf32>
    %add3A_1488 = arith.constant 768 : i32
    %add3A_1489 = vector.broadcast %add3A_1488 : i32 to vector<392x128xi32>
    %add3A_1490 = arith.addi %iota3A, %add3A_1489 : vector<392x128xi32>
    %jit3A_1491 = arith.constant 3200 : i32
    %broadcast_in_dim3A_1492 = vector.broadcast %jit3A_1491 : i32 to vector<392x128xi32>
    %select_n3A_1493 = arith.select %eq3A_1487, %add3A_1490, %broadcast_in_dim3A_1492 : vector<392x128xi1>, vector<392x128xi32>
    %min3A_1494 = arith.minsi %min3A_1485, %select_n3A_1493 : vector<392x128xi32>
    %eq3A_1495 = vector.broadcast %broadcast_in_dim3A_1432 : vector<392x1xf32> to vector<392x128xf32>
    %eq3A_1496 = arith.cmpf oeq, %select_n3A_1269, %eq3A_1495 : vector<392x128xf32>
    %add3A_1497 = arith.constant 896 : i32
    %add3A_1498 = vector.broadcast %add3A_1497 : i32 to vector<392x128xi32>
    %add3A_1499 = arith.addi %iota3A, %add3A_1498 : vector<392x128xi32>
    %jit3A_1500 = arith.constant 3200 : i32
    %broadcast_in_dim3A_1501 = vector.broadcast %jit3A_1500 : i32 to vector<392x128xi32>
    %select_n3A_1502 = arith.select %eq3A_1496, %add3A_1499, %broadcast_in_dim3A_1501 : vector<392x128xi1>, vector<392x128xi32>
    %min3A_1503 = arith.minsi %min3A_1494, %select_n3A_1502 : vector<392x128xi32>
    %eq3A_1504 = vector.broadcast %broadcast_in_dim3A_1432 : vector<392x1xf32> to vector<392x128xf32>
    %eq3A_1505 = arith.cmpf oeq, %select_n3A_1277, %eq3A_1504 : vector<392x128xf32>
    %add3A_1506 = arith.constant 1024 : i32
    %add3A_1507 = vector.broadcast %add3A_1506 : i32 to vector<392x128xi32>
    %add3A_1508 = arith.addi %iota3A, %add3A_1507 : vector<392x128xi32>
    %jit3A_1509 = arith.constant 3200 : i32
    %broadcast_in_dim3A_1510 = vector.broadcast %jit3A_1509 : i32 to vector<392x128xi32>
    %select_n3A_1511 = arith.select %eq3A_1505, %add3A_1508, %broadcast_in_dim3A_1510 : vector<392x128xi1>, vector<392x128xi32>
    %min3A_1512 = arith.minsi %min3A_1503, %select_n3A_1511 : vector<392x128xi32>
    %eq3A_1513 = vector.broadcast %broadcast_in_dim3A_1432 : vector<392x1xf32> to vector<392x128xf32>
    %eq3A_1514 = arith.cmpf oeq, %select_n3A_1285, %eq3A_1513 : vector<392x128xf32>
    %add3A_1515 = arith.constant 1152 : i32
    %add3A_1516 = vector.broadcast %add3A_1515 : i32 to vector<392x128xi32>
    %add3A_1517 = arith.addi %iota3A, %add3A_1516 : vector<392x128xi32>
    %jit3A_1518 = arith.constant 3200 : i32
    %broadcast_in_dim3A_1519 = vector.broadcast %jit3A_1518 : i32 to vector<392x128xi32>
    %select_n3A_1520 = arith.select %eq3A_1514, %add3A_1517, %broadcast_in_dim3A_1519 : vector<392x128xi1>, vector<392x128xi32>
    %min3A_1521 = arith.minsi %min3A_1512, %select_n3A_1520 : vector<392x128xi32>
    %eq3A_1522 = vector.broadcast %broadcast_in_dim3A_1432 : vector<392x1xf32> to vector<392x128xf32>
    %eq3A_1523 = arith.cmpf oeq, %select_n3A_1293, %eq3A_1522 : vector<392x128xf32>
    %add3A_1524 = arith.constant 1280 : i32
    %add3A_1525 = vector.broadcast %add3A_1524 : i32 to vector<392x128xi32>
    %add3A_1526 = arith.addi %iota3A, %add3A_1525 : vector<392x128xi32>
    %jit3A_1527 = arith.constant 3200 : i32
    %broadcast_in_dim3A_1528 = vector.broadcast %jit3A_1527 : i32 to vector<392x128xi32>
    %select_n3A_1529 = arith.select %eq3A_1523, %add3A_1526, %broadcast_in_dim3A_1528 : vector<392x128xi1>, vector<392x128xi32>
    %min3A_1530 = arith.minsi %min3A_1521, %select_n3A_1529 : vector<392x128xi32>
    %eq3A_1531 = vector.broadcast %broadcast_in_dim3A_1432 : vector<392x1xf32> to vector<392x128xf32>
    %eq3A_1532 = arith.cmpf oeq, %select_n3A_1301, %eq3A_1531 : vector<392x128xf32>
    %add3A_1533 = arith.constant 1408 : i32
    %add3A_1534 = vector.broadcast %add3A_1533 : i32 to vector<392x128xi32>
    %add3A_1535 = arith.addi %iota3A, %add3A_1534 : vector<392x128xi32>
    %jit3A_1536 = arith.constant 3200 : i32
    %broadcast_in_dim3A_1537 = vector.broadcast %jit3A_1536 : i32 to vector<392x128xi32>
    %select_n3A_1538 = arith.select %eq3A_1532, %add3A_1535, %broadcast_in_dim3A_1537 : vector<392x128xi1>, vector<392x128xi32>
    %min3A_1539 = arith.minsi %min3A_1530, %select_n3A_1538 : vector<392x128xi32>
    %eq3A_1540 = vector.broadcast %broadcast_in_dim3A_1432 : vector<392x1xf32> to vector<392x128xf32>
    %eq3A_1541 = arith.cmpf oeq, %select_n3A_1309, %eq3A_1540 : vector<392x128xf32>
    %add3A_1542 = arith.constant 1536 : i32
    %add3A_1543 = vector.broadcast %add3A_1542 : i32 to vector<392x128xi32>
    %add3A_1544 = arith.addi %iota3A, %add3A_1543 : vector<392x128xi32>
    %jit3A_1545 = arith.constant 3200 : i32
    %broadcast_in_dim3A_1546 = vector.broadcast %jit3A_1545 : i32 to vector<392x128xi32>
    %select_n3A_1547 = arith.select %eq3A_1541, %add3A_1544, %broadcast_in_dim3A_1546 : vector<392x128xi1>, vector<392x128xi32>
    %min3A_1548 = arith.minsi %min3A_1539, %select_n3A_1547 : vector<392x128xi32>
    %eq3A_1549 = vector.broadcast %broadcast_in_dim3A_1432 : vector<392x1xf32> to vector<392x128xf32>
    %eq3A_1550 = arith.cmpf oeq, %select_n3A_1317, %eq3A_1549 : vector<392x128xf32>
    %add3A_1551 = arith.constant 1664 : i32
    %add3A_1552 = vector.broadcast %add3A_1551 : i32 to vector<392x128xi32>
    %add3A_1553 = arith.addi %iota3A, %add3A_1552 : vector<392x128xi32>
    %jit3A_1554 = arith.constant 3200 : i32
    %broadcast_in_dim3A_1555 = vector.broadcast %jit3A_1554 : i32 to vector<392x128xi32>
    %select_n3A_1556 = arith.select %eq3A_1550, %add3A_1553, %broadcast_in_dim3A_1555 : vector<392x128xi1>, vector<392x128xi32>
    %min3A_1557 = arith.minsi %min3A_1548, %select_n3A_1556 : vector<392x128xi32>
    %eq3A_1558 = vector.broadcast %broadcast_in_dim3A_1432 : vector<392x1xf32> to vector<392x128xf32>
    %eq3A_1559 = arith.cmpf oeq, %select_n3A_1325, %eq3A_1558 : vector<392x128xf32>
    %add3A_1560 = arith.constant 1792 : i32
    %add3A_1561 = vector.broadcast %add3A_1560 : i32 to vector<392x128xi32>
    %add3A_1562 = arith.addi %iota3A, %add3A_1561 : vector<392x128xi32>
    %jit3A_1563 = arith.constant 3200 : i32
    %broadcast_in_dim3A_1564 = vector.broadcast %jit3A_1563 : i32 to vector<392x128xi32>
    %select_n3A_1565 = arith.select %eq3A_1559, %add3A_1562, %broadcast_in_dim3A_1564 : vector<392x128xi1>, vector<392x128xi32>
    %min3A_1566 = arith.minsi %min3A_1557, %select_n3A_1565 : vector<392x128xi32>
    %eq3A_1567 = vector.broadcast %broadcast_in_dim3A_1432 : vector<392x1xf32> to vector<392x128xf32>
    %eq3A_1568 = arith.cmpf oeq, %select_n3A_1333, %eq3A_1567 : vector<392x128xf32>
    %add3A_1569 = arith.constant 1920 : i32
    %add3A_1570 = vector.broadcast %add3A_1569 : i32 to vector<392x128xi32>
    %add3A_1571 = arith.addi %iota3A, %add3A_1570 : vector<392x128xi32>
    %jit3A_1572 = arith.constant 3200 : i32
    %broadcast_in_dim3A_1573 = vector.broadcast %jit3A_1572 : i32 to vector<392x128xi32>
    %select_n3A_1574 = arith.select %eq3A_1568, %add3A_1571, %broadcast_in_dim3A_1573 : vector<392x128xi1>, vector<392x128xi32>
    %min3A_1575 = arith.minsi %min3A_1566, %select_n3A_1574 : vector<392x128xi32>
    %eq3A_1576 = vector.broadcast %broadcast_in_dim3A_1432 : vector<392x1xf32> to vector<392x128xf32>
    %eq3A_1577 = arith.cmpf oeq, %select_n3A_1341, %eq3A_1576 : vector<392x128xf32>
    %add3A_1578 = arith.constant 2048 : i32
    %add3A_1579 = vector.broadcast %add3A_1578 : i32 to vector<392x128xi32>
    %add3A_1580 = arith.addi %iota3A, %add3A_1579 : vector<392x128xi32>
    %jit3A_1581 = arith.constant 3200 : i32
    %broadcast_in_dim3A_1582 = vector.broadcast %jit3A_1581 : i32 to vector<392x128xi32>
    %select_n3A_1583 = arith.select %eq3A_1577, %add3A_1580, %broadcast_in_dim3A_1582 : vector<392x128xi1>, vector<392x128xi32>
    %min3A_1584 = arith.minsi %min3A_1575, %select_n3A_1583 : vector<392x128xi32>
    %eq3A_1585 = vector.broadcast %broadcast_in_dim3A_1432 : vector<392x1xf32> to vector<392x128xf32>
    %eq3A_1586 = arith.cmpf oeq, %select_n3A_1349, %eq3A_1585 : vector<392x128xf32>
    %add3A_1587 = arith.constant 2176 : i32
    %add3A_1588 = vector.broadcast %add3A_1587 : i32 to vector<392x128xi32>
    %add3A_1589 = arith.addi %iota3A, %add3A_1588 : vector<392x128xi32>
    %jit3A_1590 = arith.constant 3200 : i32
    %broadcast_in_dim3A_1591 = vector.broadcast %jit3A_1590 : i32 to vector<392x128xi32>
    %select_n3A_1592 = arith.select %eq3A_1586, %add3A_1589, %broadcast_in_dim3A_1591 : vector<392x128xi1>, vector<392x128xi32>
    %min3A_1593 = arith.minsi %min3A_1584, %select_n3A_1592 : vector<392x128xi32>
    %eq3A_1594 = vector.broadcast %broadcast_in_dim3A_1432 : vector<392x1xf32> to vector<392x128xf32>
    %eq3A_1595 = arith.cmpf oeq, %select_n3A_1357, %eq3A_1594 : vector<392x128xf32>
    %add3A_1596 = arith.constant 2304 : i32
    %add3A_1597 = vector.broadcast %add3A_1596 : i32 to vector<392x128xi32>
    %add3A_1598 = arith.addi %iota3A, %add3A_1597 : vector<392x128xi32>
    %jit3A_1599 = arith.constant 3200 : i32
    %broadcast_in_dim3A_1600 = vector.broadcast %jit3A_1599 : i32 to vector<392x128xi32>
    %select_n3A_1601 = arith.select %eq3A_1595, %add3A_1598, %broadcast_in_dim3A_1600 : vector<392x128xi1>, vector<392x128xi32>
    %min3A_1602 = arith.minsi %min3A_1593, %select_n3A_1601 : vector<392x128xi32>
    %eq3A_1603 = vector.broadcast %broadcast_in_dim3A_1432 : vector<392x1xf32> to vector<392x128xf32>
    %eq3A_1604 = arith.cmpf oeq, %select_n3A_1365, %eq3A_1603 : vector<392x128xf32>
    %add3A_1605 = arith.constant 2432 : i32
    %add3A_1606 = vector.broadcast %add3A_1605 : i32 to vector<392x128xi32>
    %add3A_1607 = arith.addi %iota3A, %add3A_1606 : vector<392x128xi32>
    %jit3A_1608 = arith.constant 3200 : i32
    %broadcast_in_dim3A_1609 = vector.broadcast %jit3A_1608 : i32 to vector<392x128xi32>
    %select_n3A_1610 = arith.select %eq3A_1604, %add3A_1607, %broadcast_in_dim3A_1609 : vector<392x128xi1>, vector<392x128xi32>
    %min3A_1611 = arith.minsi %min3A_1602, %select_n3A_1610 : vector<392x128xi32>
    %eq3A_1612 = vector.broadcast %broadcast_in_dim3A_1432 : vector<392x1xf32> to vector<392x128xf32>
    %eq3A_1613 = arith.cmpf oeq, %select_n3A_1373, %eq3A_1612 : vector<392x128xf32>
    %add3A_1614 = arith.constant 2560 : i32
    %add3A_1615 = vector.broadcast %add3A_1614 : i32 to vector<392x128xi32>
    %add3A_1616 = arith.addi %iota3A, %add3A_1615 : vector<392x128xi32>
    %jit3A_1617 = arith.constant 3200 : i32
    %broadcast_in_dim3A_1618 = vector.broadcast %jit3A_1617 : i32 to vector<392x128xi32>
    %select_n3A_1619 = arith.select %eq3A_1613, %add3A_1616, %broadcast_in_dim3A_1618 : vector<392x128xi1>, vector<392x128xi32>
    %min3A_1620 = arith.minsi %min3A_1611, %select_n3A_1619 : vector<392x128xi32>
    %eq3A_1621 = vector.broadcast %broadcast_in_dim3A_1432 : vector<392x1xf32> to vector<392x128xf32>
    %eq3A_1622 = arith.cmpf oeq, %select_n3A_1381, %eq3A_1621 : vector<392x128xf32>
    %add3A_1623 = arith.constant 2688 : i32
    %add3A_1624 = vector.broadcast %add3A_1623 : i32 to vector<392x128xi32>
    %add3A_1625 = arith.addi %iota3A, %add3A_1624 : vector<392x128xi32>
    %jit3A_1626 = arith.constant 3200 : i32
    %broadcast_in_dim3A_1627 = vector.broadcast %jit3A_1626 : i32 to vector<392x128xi32>
    %select_n3A_1628 = arith.select %eq3A_1622, %add3A_1625, %broadcast_in_dim3A_1627 : vector<392x128xi1>, vector<392x128xi32>
    %min3A_1629 = arith.minsi %min3A_1620, %select_n3A_1628 : vector<392x128xi32>
    %eq3A_1630 = vector.broadcast %broadcast_in_dim3A_1432 : vector<392x1xf32> to vector<392x128xf32>
    %eq3A_1631 = arith.cmpf oeq, %select_n3A_1389, %eq3A_1630 : vector<392x128xf32>
    %add3A_1632 = arith.constant 2816 : i32
    %add3A_1633 = vector.broadcast %add3A_1632 : i32 to vector<392x128xi32>
    %add3A_1634 = arith.addi %iota3A, %add3A_1633 : vector<392x128xi32>
    %jit3A_1635 = arith.constant 3200 : i32
    %broadcast_in_dim3A_1636 = vector.broadcast %jit3A_1635 : i32 to vector<392x128xi32>
    %select_n3A_1637 = arith.select %eq3A_1631, %add3A_1634, %broadcast_in_dim3A_1636 : vector<392x128xi1>, vector<392x128xi32>
    %min3A_1638 = arith.minsi %min3A_1629, %select_n3A_1637 : vector<392x128xi32>
    %eq3A_1639 = vector.broadcast %broadcast_in_dim3A_1432 : vector<392x1xf32> to vector<392x128xf32>
    %eq3A_1640 = arith.cmpf oeq, %select_n3A_1397, %eq3A_1639 : vector<392x128xf32>
    %add3A_1641 = arith.constant 2944 : i32
    %add3A_1642 = vector.broadcast %add3A_1641 : i32 to vector<392x128xi32>
    %add3A_1643 = arith.addi %iota3A, %add3A_1642 : vector<392x128xi32>
    %jit3A_1644 = arith.constant 3200 : i32
    %broadcast_in_dim3A_1645 = vector.broadcast %jit3A_1644 : i32 to vector<392x128xi32>
    %select_n3A_1646 = arith.select %eq3A_1640, %add3A_1643, %broadcast_in_dim3A_1645 : vector<392x128xi1>, vector<392x128xi32>
    %min3A_1647 = arith.minsi %min3A_1638, %select_n3A_1646 : vector<392x128xi32>
    %eq3A_1648 = vector.broadcast %broadcast_in_dim3A_1432 : vector<392x1xf32> to vector<392x128xf32>
    %eq3A_1649 = arith.cmpf oeq, %select_n3A_1405, %eq3A_1648 : vector<392x128xf32>
    %add3A_1650 = arith.constant 3072 : i32
    %add3A_1651 = vector.broadcast %add3A_1650 : i32 to vector<392x128xi32>
    %add3A_1652 = arith.addi %iota3A, %add3A_1651 : vector<392x128xi32>
    %jit3A_1653 = arith.constant 3200 : i32
    %broadcast_in_dim3A_1654 = vector.broadcast %jit3A_1653 : i32 to vector<392x128xi32>
    %select_n3A_1655 = arith.select %eq3A_1649, %add3A_1652, %broadcast_in_dim3A_1654 : vector<392x128xi1>, vector<392x128xi32>
    %min3A_1656 = arith.minsi %min3A_1647, %select_n3A_1655 : vector<392x128xi32>
    %reduce_min3A_1657 = arith.constant dense<2147483647> : vector<392xi32>
    %reduce_min3A_1658 = vector.multi_reduction <minsi>, %min3A_1656, %reduce_min3A_1657 [1] : vector<392x128xi32> to vector<392xi32>
    %broadcast_in_dim3A_1659 = vector.shape_cast %reduce_min3A_1658 : vector<392xi32> to vector<392x1xi32>
    %squeeze3A_1660 = vector.shape_cast %broadcast_in_dim3A_1659 : vector<392x1xi32> to vector<392xi32>
    %add3A_1661 = arith.constant 0 : i32
    %add3A_1662 = vector.broadcast %add3A_1661 : i32 to vector<392x128xi32>
    %add3A_1663 = arith.addi %iota3A, %add3A_1662 : vector<392x128xi32>
    %eq3A_1664 = vector.broadcast %broadcast_in_dim3A_1659 : vector<392x1xi32> to vector<392x128xi32>
    %eq3A_1665 = arith.cmpi eq, %add3A_1663, %eq3A_1664 : vector<392x128xi32>
    %jit3A_1666 = arith.constant 0x7F800000 : f32
    %broadcast_in_dim3A_1667 = vector.broadcast %jit3A_1666 : f32 to vector<392x128xf32>
    %select_n3A_1668 = arith.select %eq3A_1665, %broadcast_in_dim3A_1667, %select_n3A_1213 : vector<392x128xi1>, vector<392x128xf32>
    %add3A_1669 = arith.constant 128 : i32
    %add3A_1670 = vector.broadcast %add3A_1669 : i32 to vector<392x128xi32>
    %add3A_1671 = arith.addi %iota3A, %add3A_1670 : vector<392x128xi32>
    %eq3A_1672 = vector.broadcast %broadcast_in_dim3A_1659 : vector<392x1xi32> to vector<392x128xi32>
    %eq3A_1673 = arith.cmpi eq, %add3A_1671, %eq3A_1672 : vector<392x128xi32>
    %jit3A_1674 = arith.constant 0x7F800000 : f32
    %broadcast_in_dim3A_1675 = vector.broadcast %jit3A_1674 : f32 to vector<392x128xf32>
    %select_n3A_1676 = arith.select %eq3A_1673, %broadcast_in_dim3A_1675, %select_n3A_1221 : vector<392x128xi1>, vector<392x128xf32>
    %add3A_1677 = arith.constant 256 : i32
    %add3A_1678 = vector.broadcast %add3A_1677 : i32 to vector<392x128xi32>
    %add3A_1679 = arith.addi %iota3A, %add3A_1678 : vector<392x128xi32>
    %eq3A_1680 = vector.broadcast %broadcast_in_dim3A_1659 : vector<392x1xi32> to vector<392x128xi32>
    %eq3A_1681 = arith.cmpi eq, %add3A_1679, %eq3A_1680 : vector<392x128xi32>
    %jit3A_1682 = arith.constant 0x7F800000 : f32
    %broadcast_in_dim3A_1683 = vector.broadcast %jit3A_1682 : f32 to vector<392x128xf32>
    %select_n3A_1684 = arith.select %eq3A_1681, %broadcast_in_dim3A_1683, %select_n3A_1229 : vector<392x128xi1>, vector<392x128xf32>
    %add3A_1685 = arith.constant 384 : i32
    %add3A_1686 = vector.broadcast %add3A_1685 : i32 to vector<392x128xi32>
    %add3A_1687 = arith.addi %iota3A, %add3A_1686 : vector<392x128xi32>
    %eq3A_1688 = vector.broadcast %broadcast_in_dim3A_1659 : vector<392x1xi32> to vector<392x128xi32>
    %eq3A_1689 = arith.cmpi eq, %add3A_1687, %eq3A_1688 : vector<392x128xi32>
    %jit3A_1690 = arith.constant 0x7F800000 : f32
    %broadcast_in_dim3A_1691 = vector.broadcast %jit3A_1690 : f32 to vector<392x128xf32>
    %select_n3A_1692 = arith.select %eq3A_1689, %broadcast_in_dim3A_1691, %select_n3A_1237 : vector<392x128xi1>, vector<392x128xf32>
    %add3A_1693 = arith.constant 512 : i32
    %add3A_1694 = vector.broadcast %add3A_1693 : i32 to vector<392x128xi32>
    %add3A_1695 = arith.addi %iota3A, %add3A_1694 : vector<392x128xi32>
    %eq3A_1696 = vector.broadcast %broadcast_in_dim3A_1659 : vector<392x1xi32> to vector<392x128xi32>
    %eq3A_1697 = arith.cmpi eq, %add3A_1695, %eq3A_1696 : vector<392x128xi32>
    %jit3A_1698 = arith.constant 0x7F800000 : f32
    %broadcast_in_dim3A_1699 = vector.broadcast %jit3A_1698 : f32 to vector<392x128xf32>
    %select_n3A_1700 = arith.select %eq3A_1697, %broadcast_in_dim3A_1699, %select_n3A_1245 : vector<392x128xi1>, vector<392x128xf32>
    %add3A_1701 = arith.constant 640 : i32
    %add3A_1702 = vector.broadcast %add3A_1701 : i32 to vector<392x128xi32>
    %add3A_1703 = arith.addi %iota3A, %add3A_1702 : vector<392x128xi32>
    %eq3A_1704 = vector.broadcast %broadcast_in_dim3A_1659 : vector<392x1xi32> to vector<392x128xi32>
    %eq3A_1705 = arith.cmpi eq, %add3A_1703, %eq3A_1704 : vector<392x128xi32>
    %jit3A_1706 = arith.constant 0x7F800000 : f32
    %broadcast_in_dim3A_1707 = vector.broadcast %jit3A_1706 : f32 to vector<392x128xf32>
    %select_n3A_1708 = arith.select %eq3A_1705, %broadcast_in_dim3A_1707, %select_n3A_1253 : vector<392x128xi1>, vector<392x128xf32>
    %add3A_1709 = arith.constant 768 : i32
    %add3A_1710 = vector.broadcast %add3A_1709 : i32 to vector<392x128xi32>
    %add3A_1711 = arith.addi %iota3A, %add3A_1710 : vector<392x128xi32>
    %eq3A_1712 = vector.broadcast %broadcast_in_dim3A_1659 : vector<392x1xi32> to vector<392x128xi32>
    %eq3A_1713 = arith.cmpi eq, %add3A_1711, %eq3A_1712 : vector<392x128xi32>
    %jit3A_1714 = arith.constant 0x7F800000 : f32
    %broadcast_in_dim3A_1715 = vector.broadcast %jit3A_1714 : f32 to vector<392x128xf32>
    %select_n3A_1716 = arith.select %eq3A_1713, %broadcast_in_dim3A_1715, %select_n3A_1261 : vector<392x128xi1>, vector<392x128xf32>
    %add3A_1717 = arith.constant 896 : i32
    %add3A_1718 = vector.broadcast %add3A_1717 : i32 to vector<392x128xi32>
    %add3A_1719 = arith.addi %iota3A, %add3A_1718 : vector<392x128xi32>
    %eq3A_1720 = vector.broadcast %broadcast_in_dim3A_1659 : vector<392x1xi32> to vector<392x128xi32>
    %eq3A_1721 = arith.cmpi eq, %add3A_1719, %eq3A_1720 : vector<392x128xi32>
    %jit3A_1722 = arith.constant 0x7F800000 : f32
    %broadcast_in_dim3A_1723 = vector.broadcast %jit3A_1722 : f32 to vector<392x128xf32>
    %select_n3A_1724 = arith.select %eq3A_1721, %broadcast_in_dim3A_1723, %select_n3A_1269 : vector<392x128xi1>, vector<392x128xf32>
    %add3A_1725 = arith.constant 1024 : i32
    %add3A_1726 = vector.broadcast %add3A_1725 : i32 to vector<392x128xi32>
    %add3A_1727 = arith.addi %iota3A, %add3A_1726 : vector<392x128xi32>
    %eq3A_1728 = vector.broadcast %broadcast_in_dim3A_1659 : vector<392x1xi32> to vector<392x128xi32>
    %eq3A_1729 = arith.cmpi eq, %add3A_1727, %eq3A_1728 : vector<392x128xi32>
    %jit3A_1730 = arith.constant 0x7F800000 : f32
    %broadcast_in_dim3A_1731 = vector.broadcast %jit3A_1730 : f32 to vector<392x128xf32>
    %select_n3A_1732 = arith.select %eq3A_1729, %broadcast_in_dim3A_1731, %select_n3A_1277 : vector<392x128xi1>, vector<392x128xf32>
    %add3A_1733 = arith.constant 1152 : i32
    %add3A_1734 = vector.broadcast %add3A_1733 : i32 to vector<392x128xi32>
    %add3A_1735 = arith.addi %iota3A, %add3A_1734 : vector<392x128xi32>
    %eq3A_1736 = vector.broadcast %broadcast_in_dim3A_1659 : vector<392x1xi32> to vector<392x128xi32>
    %eq3A_1737 = arith.cmpi eq, %add3A_1735, %eq3A_1736 : vector<392x128xi32>
    %jit3A_1738 = arith.constant 0x7F800000 : f32
    %broadcast_in_dim3A_1739 = vector.broadcast %jit3A_1738 : f32 to vector<392x128xf32>
    %select_n3A_1740 = arith.select %eq3A_1737, %broadcast_in_dim3A_1739, %select_n3A_1285 : vector<392x128xi1>, vector<392x128xf32>
    %add3A_1741 = arith.constant 1280 : i32
    %add3A_1742 = vector.broadcast %add3A_1741 : i32 to vector<392x128xi32>
    %add3A_1743 = arith.addi %iota3A, %add3A_1742 : vector<392x128xi32>
    %eq3A_1744 = vector.broadcast %broadcast_in_dim3A_1659 : vector<392x1xi32> to vector<392x128xi32>
    %eq3A_1745 = arith.cmpi eq, %add3A_1743, %eq3A_1744 : vector<392x128xi32>
    %jit3A_1746 = arith.constant 0x7F800000 : f32
    %broadcast_in_dim3A_1747 = vector.broadcast %jit3A_1746 : f32 to vector<392x128xf32>
    %select_n3A_1748 = arith.select %eq3A_1745, %broadcast_in_dim3A_1747, %select_n3A_1293 : vector<392x128xi1>, vector<392x128xf32>
    %add3A_1749 = arith.constant 1408 : i32
    %add3A_1750 = vector.broadcast %add3A_1749 : i32 to vector<392x128xi32>
    %add3A_1751 = arith.addi %iota3A, %add3A_1750 : vector<392x128xi32>
    %eq3A_1752 = vector.broadcast %broadcast_in_dim3A_1659 : vector<392x1xi32> to vector<392x128xi32>
    %eq3A_1753 = arith.cmpi eq, %add3A_1751, %eq3A_1752 : vector<392x128xi32>
    %jit3A_1754 = arith.constant 0x7F800000 : f32
    %broadcast_in_dim3A_1755 = vector.broadcast %jit3A_1754 : f32 to vector<392x128xf32>
    %select_n3A_1756 = arith.select %eq3A_1753, %broadcast_in_dim3A_1755, %select_n3A_1301 : vector<392x128xi1>, vector<392x128xf32>
    %add3A_1757 = arith.constant 1536 : i32
    %add3A_1758 = vector.broadcast %add3A_1757 : i32 to vector<392x128xi32>
    %add3A_1759 = arith.addi %iota3A, %add3A_1758 : vector<392x128xi32>
    %eq3A_1760 = vector.broadcast %broadcast_in_dim3A_1659 : vector<392x1xi32> to vector<392x128xi32>
    %eq3A_1761 = arith.cmpi eq, %add3A_1759, %eq3A_1760 : vector<392x128xi32>
    %jit3A_1762 = arith.constant 0x7F800000 : f32
    %broadcast_in_dim3A_1763 = vector.broadcast %jit3A_1762 : f32 to vector<392x128xf32>
    %select_n3A_1764 = arith.select %eq3A_1761, %broadcast_in_dim3A_1763, %select_n3A_1309 : vector<392x128xi1>, vector<392x128xf32>
    %add3A_1765 = arith.constant 1664 : i32
    %add3A_1766 = vector.broadcast %add3A_1765 : i32 to vector<392x128xi32>
    %add3A_1767 = arith.addi %iota3A, %add3A_1766 : vector<392x128xi32>
    %eq3A_1768 = vector.broadcast %broadcast_in_dim3A_1659 : vector<392x1xi32> to vector<392x128xi32>
    %eq3A_1769 = arith.cmpi eq, %add3A_1767, %eq3A_1768 : vector<392x128xi32>
    %jit3A_1770 = arith.constant 0x7F800000 : f32
    %broadcast_in_dim3A_1771 = vector.broadcast %jit3A_1770 : f32 to vector<392x128xf32>
    %select_n3A_1772 = arith.select %eq3A_1769, %broadcast_in_dim3A_1771, %select_n3A_1317 : vector<392x128xi1>, vector<392x128xf32>
    %add3A_1773 = arith.constant 1792 : i32
    %add3A_1774 = vector.broadcast %add3A_1773 : i32 to vector<392x128xi32>
    %add3A_1775 = arith.addi %iota3A, %add3A_1774 : vector<392x128xi32>
    %eq3A_1776 = vector.broadcast %broadcast_in_dim3A_1659 : vector<392x1xi32> to vector<392x128xi32>
    %eq3A_1777 = arith.cmpi eq, %add3A_1775, %eq3A_1776 : vector<392x128xi32>
    %jit3A_1778 = arith.constant 0x7F800000 : f32
    %broadcast_in_dim3A_1779 = vector.broadcast %jit3A_1778 : f32 to vector<392x128xf32>
    %select_n3A_1780 = arith.select %eq3A_1777, %broadcast_in_dim3A_1779, %select_n3A_1325 : vector<392x128xi1>, vector<392x128xf32>
    %add3A_1781 = arith.constant 1920 : i32
    %add3A_1782 = vector.broadcast %add3A_1781 : i32 to vector<392x128xi32>
    %add3A_1783 = arith.addi %iota3A, %add3A_1782 : vector<392x128xi32>
    %eq3A_1784 = vector.broadcast %broadcast_in_dim3A_1659 : vector<392x1xi32> to vector<392x128xi32>
    %eq3A_1785 = arith.cmpi eq, %add3A_1783, %eq3A_1784 : vector<392x128xi32>
    %jit3A_1786 = arith.constant 0x7F800000 : f32
    %broadcast_in_dim3A_1787 = vector.broadcast %jit3A_1786 : f32 to vector<392x128xf32>
    %select_n3A_1788 = arith.select %eq3A_1785, %broadcast_in_dim3A_1787, %select_n3A_1333 : vector<392x128xi1>, vector<392x128xf32>
    %add3A_1789 = arith.constant 2048 : i32
    %add3A_1790 = vector.broadcast %add3A_1789 : i32 to vector<392x128xi32>
    %add3A_1791 = arith.addi %iota3A, %add3A_1790 : vector<392x128xi32>
    %eq3A_1792 = vector.broadcast %broadcast_in_dim3A_1659 : vector<392x1xi32> to vector<392x128xi32>
    %eq3A_1793 = arith.cmpi eq, %add3A_1791, %eq3A_1792 : vector<392x128xi32>
    %jit3A_1794 = arith.constant 0x7F800000 : f32
    %broadcast_in_dim3A_1795 = vector.broadcast %jit3A_1794 : f32 to vector<392x128xf32>
    %select_n3A_1796 = arith.select %eq3A_1793, %broadcast_in_dim3A_1795, %select_n3A_1341 : vector<392x128xi1>, vector<392x128xf32>
    %add3A_1797 = arith.constant 2176 : i32
    %add3A_1798 = vector.broadcast %add3A_1797 : i32 to vector<392x128xi32>
    %add3A_1799 = arith.addi %iota3A, %add3A_1798 : vector<392x128xi32>
    %eq3A_1800 = vector.broadcast %broadcast_in_dim3A_1659 : vector<392x1xi32> to vector<392x128xi32>
    %eq3A_1801 = arith.cmpi eq, %add3A_1799, %eq3A_1800 : vector<392x128xi32>
    %jit3A_1802 = arith.constant 0x7F800000 : f32
    %broadcast_in_dim3A_1803 = vector.broadcast %jit3A_1802 : f32 to vector<392x128xf32>
    %select_n3A_1804 = arith.select %eq3A_1801, %broadcast_in_dim3A_1803, %select_n3A_1349 : vector<392x128xi1>, vector<392x128xf32>
    %add3A_1805 = arith.constant 2304 : i32
    %add3A_1806 = vector.broadcast %add3A_1805 : i32 to vector<392x128xi32>
    %add3A_1807 = arith.addi %iota3A, %add3A_1806 : vector<392x128xi32>
    %eq3A_1808 = vector.broadcast %broadcast_in_dim3A_1659 : vector<392x1xi32> to vector<392x128xi32>
    %eq3A_1809 = arith.cmpi eq, %add3A_1807, %eq3A_1808 : vector<392x128xi32>
    %jit3A_1810 = arith.constant 0x7F800000 : f32
    %broadcast_in_dim3A_1811 = vector.broadcast %jit3A_1810 : f32 to vector<392x128xf32>
    %select_n3A_1812 = arith.select %eq3A_1809, %broadcast_in_dim3A_1811, %select_n3A_1357 : vector<392x128xi1>, vector<392x128xf32>
    %add3A_1813 = arith.constant 2432 : i32
    %add3A_1814 = vector.broadcast %add3A_1813 : i32 to vector<392x128xi32>
    %add3A_1815 = arith.addi %iota3A, %add3A_1814 : vector<392x128xi32>
    %eq3A_1816 = vector.broadcast %broadcast_in_dim3A_1659 : vector<392x1xi32> to vector<392x128xi32>
    %eq3A_1817 = arith.cmpi eq, %add3A_1815, %eq3A_1816 : vector<392x128xi32>
    %jit3A_1818 = arith.constant 0x7F800000 : f32
    %broadcast_in_dim3A_1819 = vector.broadcast %jit3A_1818 : f32 to vector<392x128xf32>
    %select_n3A_1820 = arith.select %eq3A_1817, %broadcast_in_dim3A_1819, %select_n3A_1365 : vector<392x128xi1>, vector<392x128xf32>
    %add3A_1821 = arith.constant 2560 : i32
    %add3A_1822 = vector.broadcast %add3A_1821 : i32 to vector<392x128xi32>
    %add3A_1823 = arith.addi %iota3A, %add3A_1822 : vector<392x128xi32>
    %eq3A_1824 = vector.broadcast %broadcast_in_dim3A_1659 : vector<392x1xi32> to vector<392x128xi32>
    %eq3A_1825 = arith.cmpi eq, %add3A_1823, %eq3A_1824 : vector<392x128xi32>
    %jit3A_1826 = arith.constant 0x7F800000 : f32
    %broadcast_in_dim3A_1827 = vector.broadcast %jit3A_1826 : f32 to vector<392x128xf32>
    %select_n3A_1828 = arith.select %eq3A_1825, %broadcast_in_dim3A_1827, %select_n3A_1373 : vector<392x128xi1>, vector<392x128xf32>
    %add3A_1829 = arith.constant 2688 : i32
    %add3A_1830 = vector.broadcast %add3A_1829 : i32 to vector<392x128xi32>
    %add3A_1831 = arith.addi %iota3A, %add3A_1830 : vector<392x128xi32>
    %eq3A_1832 = vector.broadcast %broadcast_in_dim3A_1659 : vector<392x1xi32> to vector<392x128xi32>
    %eq3A_1833 = arith.cmpi eq, %add3A_1831, %eq3A_1832 : vector<392x128xi32>
    %jit3A_1834 = arith.constant 0x7F800000 : f32
    %broadcast_in_dim3A_1835 = vector.broadcast %jit3A_1834 : f32 to vector<392x128xf32>
    %select_n3A_1836 = arith.select %eq3A_1833, %broadcast_in_dim3A_1835, %select_n3A_1381 : vector<392x128xi1>, vector<392x128xf32>
    %add3A_1837 = arith.constant 2816 : i32
    %add3A_1838 = vector.broadcast %add3A_1837 : i32 to vector<392x128xi32>
    %add3A_1839 = arith.addi %iota3A, %add3A_1838 : vector<392x128xi32>
    %eq3A_1840 = vector.broadcast %broadcast_in_dim3A_1659 : vector<392x1xi32> to vector<392x128xi32>
    %eq3A_1841 = arith.cmpi eq, %add3A_1839, %eq3A_1840 : vector<392x128xi32>
    %jit3A_1842 = arith.constant 0x7F800000 : f32
    %broadcast_in_dim3A_1843 = vector.broadcast %jit3A_1842 : f32 to vector<392x128xf32>
    %select_n3A_1844 = arith.select %eq3A_1841, %broadcast_in_dim3A_1843, %select_n3A_1389 : vector<392x128xi1>, vector<392x128xf32>
    %add3A_1845 = arith.constant 2944 : i32
    %add3A_1846 = vector.broadcast %add3A_1845 : i32 to vector<392x128xi32>
    %add3A_1847 = arith.addi %iota3A, %add3A_1846 : vector<392x128xi32>
    %eq3A_1848 = vector.broadcast %broadcast_in_dim3A_1659 : vector<392x1xi32> to vector<392x128xi32>
    %eq3A_1849 = arith.cmpi eq, %add3A_1847, %eq3A_1848 : vector<392x128xi32>
    %jit3A_1850 = arith.constant 0x7F800000 : f32
    %broadcast_in_dim3A_1851 = vector.broadcast %jit3A_1850 : f32 to vector<392x128xf32>
    %select_n3A_1852 = arith.select %eq3A_1849, %broadcast_in_dim3A_1851, %select_n3A_1397 : vector<392x128xi1>, vector<392x128xf32>
    %add3A_1853 = arith.constant 3072 : i32
    %add3A_1854 = vector.broadcast %add3A_1853 : i32 to vector<392x128xi32>
    %add3A_1855 = arith.addi %iota3A, %add3A_1854 : vector<392x128xi32>
    %eq3A_1856 = vector.broadcast %broadcast_in_dim3A_1659 : vector<392x1xi32> to vector<392x128xi32>
    %eq3A_1857 = arith.cmpi eq, %add3A_1855, %eq3A_1856 : vector<392x128xi32>
    %jit3A_1858 = arith.constant 0x7F800000 : f32
    %broadcast_in_dim3A_1859 = vector.broadcast %jit3A_1858 : f32 to vector<392x128xf32>
    %select_n3A_1860 = arith.select %eq3A_1857, %broadcast_in_dim3A_1859, %select_n3A_1405 : vector<392x128xi1>, vector<392x128xf32>
    %min3A_1861 = arith.minimumf %select_n3A_1668, %select_n3A_1676 : vector<392x128xf32>
    %min3A_1862 = arith.minimumf %min3A_1861, %select_n3A_1684 : vector<392x128xf32>
    %min3A_1863 = arith.minimumf %min3A_1862, %select_n3A_1692 : vector<392x128xf32>
    %min3A_1864 = arith.minimumf %min3A_1863, %select_n3A_1700 : vector<392x128xf32>
    %min3A_1865 = arith.minimumf %min3A_1864, %select_n3A_1708 : vector<392x128xf32>
    %min3A_1866 = arith.minimumf %min3A_1865, %select_n3A_1716 : vector<392x128xf32>
    %min3A_1867 = arith.minimumf %min3A_1866, %select_n3A_1724 : vector<392x128xf32>
    %min3A_1868 = arith.minimumf %min3A_1867, %select_n3A_1732 : vector<392x128xf32>
    %min3A_1869 = arith.minimumf %min3A_1868, %select_n3A_1740 : vector<392x128xf32>
    %min3A_1870 = arith.minimumf %min3A_1869, %select_n3A_1748 : vector<392x128xf32>
    %min3A_1871 = arith.minimumf %min3A_1870, %select_n3A_1756 : vector<392x128xf32>
    %min3A_1872 = arith.minimumf %min3A_1871, %select_n3A_1764 : vector<392x128xf32>
    %min3A_1873 = arith.minimumf %min3A_1872, %select_n3A_1772 : vector<392x128xf32>
    %min3A_1874 = arith.minimumf %min3A_1873, %select_n3A_1780 : vector<392x128xf32>
    %min3A_1875 = arith.minimumf %min3A_1874, %select_n3A_1788 : vector<392x128xf32>
    %min3A_1876 = arith.minimumf %min3A_1875, %select_n3A_1796 : vector<392x128xf32>
    %min3A_1877 = arith.minimumf %min3A_1876, %select_n3A_1804 : vector<392x128xf32>
    %min3A_1878 = arith.minimumf %min3A_1877, %select_n3A_1812 : vector<392x128xf32>
    %min3A_1879 = arith.minimumf %min3A_1878, %select_n3A_1820 : vector<392x128xf32>
    %min3A_1880 = arith.minimumf %min3A_1879, %select_n3A_1828 : vector<392x128xf32>
    %min3A_1881 = arith.minimumf %min3A_1880, %select_n3A_1836 : vector<392x128xf32>
    %min3A_1882 = arith.minimumf %min3A_1881, %select_n3A_1844 : vector<392x128xf32>
    %min3A_1883 = arith.minimumf %min3A_1882, %select_n3A_1852 : vector<392x128xf32>
    %min3A_1884 = arith.minimumf %min3A_1883, %select_n3A_1860 : vector<392x128xf32>
    %reduce_min3A_1885 = arith.constant dense<0x7F800000> : vector<392xf32>
    %reduce_min3A_1886 = vector.multi_reduction <minimumf>, %min3A_1884, %reduce_min3A_1885 [1] : vector<392x128xf32> to vector<392xf32>
    %broadcast_in_dim3A_1887 = vector.shape_cast %reduce_min3A_1886 : vector<392xf32> to vector<392x1xf32>
    %eq3A_1888 = vector.broadcast %broadcast_in_dim3A_1887 : vector<392x1xf32> to vector<392x128xf32>
    %eq3A_1889 = arith.cmpf oeq, %select_n3A_1668, %eq3A_1888 : vector<392x128xf32>
    %add3A_1890 = arith.constant 0 : i32
    %add3A_1891 = vector.broadcast %add3A_1890 : i32 to vector<392x128xi32>
    %add3A_1892 = arith.addi %iota3A, %add3A_1891 : vector<392x128xi32>
    %jit3A_1893 = arith.constant 3200 : i32
    %broadcast_in_dim3A_1894 = vector.broadcast %jit3A_1893 : i32 to vector<392x128xi32>
    %select_n3A_1895 = arith.select %eq3A_1889, %add3A_1892, %broadcast_in_dim3A_1894 : vector<392x128xi1>, vector<392x128xi32>
    %eq3A_1896 = vector.broadcast %broadcast_in_dim3A_1887 : vector<392x1xf32> to vector<392x128xf32>
    %eq3A_1897 = arith.cmpf oeq, %select_n3A_1676, %eq3A_1896 : vector<392x128xf32>
    %add3A_1898 = arith.constant 128 : i32
    %add3A_1899 = vector.broadcast %add3A_1898 : i32 to vector<392x128xi32>
    %add3A_1900 = arith.addi %iota3A, %add3A_1899 : vector<392x128xi32>
    %jit3A_1901 = arith.constant 3200 : i32
    %broadcast_in_dim3A_1902 = vector.broadcast %jit3A_1901 : i32 to vector<392x128xi32>
    %select_n3A_1903 = arith.select %eq3A_1897, %add3A_1900, %broadcast_in_dim3A_1902 : vector<392x128xi1>, vector<392x128xi32>
    %min3A_1904 = arith.minsi %select_n3A_1895, %select_n3A_1903 : vector<392x128xi32>
    %eq3A_1905 = vector.broadcast %broadcast_in_dim3A_1887 : vector<392x1xf32> to vector<392x128xf32>
    %eq3A_1906 = arith.cmpf oeq, %select_n3A_1684, %eq3A_1905 : vector<392x128xf32>
    %add3A_1907 = arith.constant 256 : i32
    %add3A_1908 = vector.broadcast %add3A_1907 : i32 to vector<392x128xi32>
    %add3A_1909 = arith.addi %iota3A, %add3A_1908 : vector<392x128xi32>
    %jit3A_1910 = arith.constant 3200 : i32
    %broadcast_in_dim3A_1911 = vector.broadcast %jit3A_1910 : i32 to vector<392x128xi32>
    %select_n3A_1912 = arith.select %eq3A_1906, %add3A_1909, %broadcast_in_dim3A_1911 : vector<392x128xi1>, vector<392x128xi32>
    %min3A_1913 = arith.minsi %min3A_1904, %select_n3A_1912 : vector<392x128xi32>
    %eq3A_1914 = vector.broadcast %broadcast_in_dim3A_1887 : vector<392x1xf32> to vector<392x128xf32>
    %eq3A_1915 = arith.cmpf oeq, %select_n3A_1692, %eq3A_1914 : vector<392x128xf32>
    %add3A_1916 = arith.constant 384 : i32
    %add3A_1917 = vector.broadcast %add3A_1916 : i32 to vector<392x128xi32>
    %add3A_1918 = arith.addi %iota3A, %add3A_1917 : vector<392x128xi32>
    %jit3A_1919 = arith.constant 3200 : i32
    %broadcast_in_dim3A_1920 = vector.broadcast %jit3A_1919 : i32 to vector<392x128xi32>
    %select_n3A_1921 = arith.select %eq3A_1915, %add3A_1918, %broadcast_in_dim3A_1920 : vector<392x128xi1>, vector<392x128xi32>
    %min3A_1922 = arith.minsi %min3A_1913, %select_n3A_1921 : vector<392x128xi32>
    %eq3A_1923 = vector.broadcast %broadcast_in_dim3A_1887 : vector<392x1xf32> to vector<392x128xf32>
    %eq3A_1924 = arith.cmpf oeq, %select_n3A_1700, %eq3A_1923 : vector<392x128xf32>
    %add3A_1925 = arith.constant 512 : i32
    %add3A_1926 = vector.broadcast %add3A_1925 : i32 to vector<392x128xi32>
    %add3A_1927 = arith.addi %iota3A, %add3A_1926 : vector<392x128xi32>
    %jit3A_1928 = arith.constant 3200 : i32
    %broadcast_in_dim3A_1929 = vector.broadcast %jit3A_1928 : i32 to vector<392x128xi32>
    %select_n3A_1930 = arith.select %eq3A_1924, %add3A_1927, %broadcast_in_dim3A_1929 : vector<392x128xi1>, vector<392x128xi32>
    %min3A_1931 = arith.minsi %min3A_1922, %select_n3A_1930 : vector<392x128xi32>
    %eq3A_1932 = vector.broadcast %broadcast_in_dim3A_1887 : vector<392x1xf32> to vector<392x128xf32>
    %eq3A_1933 = arith.cmpf oeq, %select_n3A_1708, %eq3A_1932 : vector<392x128xf32>
    %add3A_1934 = arith.constant 640 : i32
    %add3A_1935 = vector.broadcast %add3A_1934 : i32 to vector<392x128xi32>
    %add3A_1936 = arith.addi %iota3A, %add3A_1935 : vector<392x128xi32>
    %jit3A_1937 = arith.constant 3200 : i32
    %broadcast_in_dim3A_1938 = vector.broadcast %jit3A_1937 : i32 to vector<392x128xi32>
    %select_n3A_1939 = arith.select %eq3A_1933, %add3A_1936, %broadcast_in_dim3A_1938 : vector<392x128xi1>, vector<392x128xi32>
    %min3A_1940 = arith.minsi %min3A_1931, %select_n3A_1939 : vector<392x128xi32>
    %eq3A_1941 = vector.broadcast %broadcast_in_dim3A_1887 : vector<392x1xf32> to vector<392x128xf32>
    %eq3A_1942 = arith.cmpf oeq, %select_n3A_1716, %eq3A_1941 : vector<392x128xf32>
    %add3A_1943 = arith.constant 768 : i32
    %add3A_1944 = vector.broadcast %add3A_1943 : i32 to vector<392x128xi32>
    %add3A_1945 = arith.addi %iota3A, %add3A_1944 : vector<392x128xi32>
    %jit3A_1946 = arith.constant 3200 : i32
    %broadcast_in_dim3A_1947 = vector.broadcast %jit3A_1946 : i32 to vector<392x128xi32>
    %select_n3A_1948 = arith.select %eq3A_1942, %add3A_1945, %broadcast_in_dim3A_1947 : vector<392x128xi1>, vector<392x128xi32>
    %min3A_1949 = arith.minsi %min3A_1940, %select_n3A_1948 : vector<392x128xi32>
    %eq3A_1950 = vector.broadcast %broadcast_in_dim3A_1887 : vector<392x1xf32> to vector<392x128xf32>
    %eq3A_1951 = arith.cmpf oeq, %select_n3A_1724, %eq3A_1950 : vector<392x128xf32>
    %add3A_1952 = arith.constant 896 : i32
    %add3A_1953 = vector.broadcast %add3A_1952 : i32 to vector<392x128xi32>
    %add3A_1954 = arith.addi %iota3A, %add3A_1953 : vector<392x128xi32>
    %jit3A_1955 = arith.constant 3200 : i32
    %broadcast_in_dim3A_1956 = vector.broadcast %jit3A_1955 : i32 to vector<392x128xi32>
    %select_n3A_1957 = arith.select %eq3A_1951, %add3A_1954, %broadcast_in_dim3A_1956 : vector<392x128xi1>, vector<392x128xi32>
    %min3A_1958 = arith.minsi %min3A_1949, %select_n3A_1957 : vector<392x128xi32>
    %eq3A_1959 = vector.broadcast %broadcast_in_dim3A_1887 : vector<392x1xf32> to vector<392x128xf32>
    %eq3A_1960 = arith.cmpf oeq, %select_n3A_1732, %eq3A_1959 : vector<392x128xf32>
    %add3A_1961 = arith.constant 1024 : i32
    %add3A_1962 = vector.broadcast %add3A_1961 : i32 to vector<392x128xi32>
    %add3A_1963 = arith.addi %iota3A, %add3A_1962 : vector<392x128xi32>
    %jit3A_1964 = arith.constant 3200 : i32
    %broadcast_in_dim3A_1965 = vector.broadcast %jit3A_1964 : i32 to vector<392x128xi32>
    %select_n3A_1966 = arith.select %eq3A_1960, %add3A_1963, %broadcast_in_dim3A_1965 : vector<392x128xi1>, vector<392x128xi32>
    %min3A_1967 = arith.minsi %min3A_1958, %select_n3A_1966 : vector<392x128xi32>
    %eq3A_1968 = vector.broadcast %broadcast_in_dim3A_1887 : vector<392x1xf32> to vector<392x128xf32>
    %eq3A_1969 = arith.cmpf oeq, %select_n3A_1740, %eq3A_1968 : vector<392x128xf32>
    %add3A_1970 = arith.constant 1152 : i32
    %add3A_1971 = vector.broadcast %add3A_1970 : i32 to vector<392x128xi32>
    %add3A_1972 = arith.addi %iota3A, %add3A_1971 : vector<392x128xi32>
    %jit3A_1973 = arith.constant 3200 : i32
    %broadcast_in_dim3A_1974 = vector.broadcast %jit3A_1973 : i32 to vector<392x128xi32>
    %select_n3A_1975 = arith.select %eq3A_1969, %add3A_1972, %broadcast_in_dim3A_1974 : vector<392x128xi1>, vector<392x128xi32>
    %min3A_1976 = arith.minsi %min3A_1967, %select_n3A_1975 : vector<392x128xi32>
    %eq3A_1977 = vector.broadcast %broadcast_in_dim3A_1887 : vector<392x1xf32> to vector<392x128xf32>
    %eq3A_1978 = arith.cmpf oeq, %select_n3A_1748, %eq3A_1977 : vector<392x128xf32>
    %add3A_1979 = arith.constant 1280 : i32
    %add3A_1980 = vector.broadcast %add3A_1979 : i32 to vector<392x128xi32>
    %add3A_1981 = arith.addi %iota3A, %add3A_1980 : vector<392x128xi32>
    %jit3A_1982 = arith.constant 3200 : i32
    %broadcast_in_dim3A_1983 = vector.broadcast %jit3A_1982 : i32 to vector<392x128xi32>
    %select_n3A_1984 = arith.select %eq3A_1978, %add3A_1981, %broadcast_in_dim3A_1983 : vector<392x128xi1>, vector<392x128xi32>
    %min3A_1985 = arith.minsi %min3A_1976, %select_n3A_1984 : vector<392x128xi32>
    %eq3A_1986 = vector.broadcast %broadcast_in_dim3A_1887 : vector<392x1xf32> to vector<392x128xf32>
    %eq3A_1987 = arith.cmpf oeq, %select_n3A_1756, %eq3A_1986 : vector<392x128xf32>
    %add3A_1988 = arith.constant 1408 : i32
    %add3A_1989 = vector.broadcast %add3A_1988 : i32 to vector<392x128xi32>
    %add3A_1990 = arith.addi %iota3A, %add3A_1989 : vector<392x128xi32>
    %jit3A_1991 = arith.constant 3200 : i32
    %broadcast_in_dim3A_1992 = vector.broadcast %jit3A_1991 : i32 to vector<392x128xi32>
    %select_n3A_1993 = arith.select %eq3A_1987, %add3A_1990, %broadcast_in_dim3A_1992 : vector<392x128xi1>, vector<392x128xi32>
    %min3A_1994 = arith.minsi %min3A_1985, %select_n3A_1993 : vector<392x128xi32>
    %eq3A_1995 = vector.broadcast %broadcast_in_dim3A_1887 : vector<392x1xf32> to vector<392x128xf32>
    %eq3A_1996 = arith.cmpf oeq, %select_n3A_1764, %eq3A_1995 : vector<392x128xf32>
    %add3A_1997 = arith.constant 1536 : i32
    %add3A_1998 = vector.broadcast %add3A_1997 : i32 to vector<392x128xi32>
    %add3A_1999 = arith.addi %iota3A, %add3A_1998 : vector<392x128xi32>
    %jit3A_2000 = arith.constant 3200 : i32
    %broadcast_in_dim3A_2001 = vector.broadcast %jit3A_2000 : i32 to vector<392x128xi32>
    %select_n3A_2002 = arith.select %eq3A_1996, %add3A_1999, %broadcast_in_dim3A_2001 : vector<392x128xi1>, vector<392x128xi32>
    %min3A_2003 = arith.minsi %min3A_1994, %select_n3A_2002 : vector<392x128xi32>
    %eq3A_2004 = vector.broadcast %broadcast_in_dim3A_1887 : vector<392x1xf32> to vector<392x128xf32>
    %eq3A_2005 = arith.cmpf oeq, %select_n3A_1772, %eq3A_2004 : vector<392x128xf32>
    %add3A_2006 = arith.constant 1664 : i32
    %add3A_2007 = vector.broadcast %add3A_2006 : i32 to vector<392x128xi32>
    %add3A_2008 = arith.addi %iota3A, %add3A_2007 : vector<392x128xi32>
    %jit3A_2009 = arith.constant 3200 : i32
    %broadcast_in_dim3A_2010 = vector.broadcast %jit3A_2009 : i32 to vector<392x128xi32>
    %select_n3A_2011 = arith.select %eq3A_2005, %add3A_2008, %broadcast_in_dim3A_2010 : vector<392x128xi1>, vector<392x128xi32>
    %min3A_2012 = arith.minsi %min3A_2003, %select_n3A_2011 : vector<392x128xi32>
    %eq3A_2013 = vector.broadcast %broadcast_in_dim3A_1887 : vector<392x1xf32> to vector<392x128xf32>
    %eq3A_2014 = arith.cmpf oeq, %select_n3A_1780, %eq3A_2013 : vector<392x128xf32>
    %add3A_2015 = arith.constant 1792 : i32
    %add3A_2016 = vector.broadcast %add3A_2015 : i32 to vector<392x128xi32>
    %add3A_2017 = arith.addi %iota3A, %add3A_2016 : vector<392x128xi32>
    %jit3A_2018 = arith.constant 3200 : i32
    %broadcast_in_dim3A_2019 = vector.broadcast %jit3A_2018 : i32 to vector<392x128xi32>
    %select_n3A_2020 = arith.select %eq3A_2014, %add3A_2017, %broadcast_in_dim3A_2019 : vector<392x128xi1>, vector<392x128xi32>
    %min3A_2021 = arith.minsi %min3A_2012, %select_n3A_2020 : vector<392x128xi32>
    %eq3A_2022 = vector.broadcast %broadcast_in_dim3A_1887 : vector<392x1xf32> to vector<392x128xf32>
    %eq3A_2023 = arith.cmpf oeq, %select_n3A_1788, %eq3A_2022 : vector<392x128xf32>
    %add3A_2024 = arith.constant 1920 : i32
    %add3A_2025 = vector.broadcast %add3A_2024 : i32 to vector<392x128xi32>
    %add3A_2026 = arith.addi %iota3A, %add3A_2025 : vector<392x128xi32>
    %jit3A_2027 = arith.constant 3200 : i32
    %broadcast_in_dim3A_2028 = vector.broadcast %jit3A_2027 : i32 to vector<392x128xi32>
    %select_n3A_2029 = arith.select %eq3A_2023, %add3A_2026, %broadcast_in_dim3A_2028 : vector<392x128xi1>, vector<392x128xi32>
    %min3A_2030 = arith.minsi %min3A_2021, %select_n3A_2029 : vector<392x128xi32>
    %eq3A_2031 = vector.broadcast %broadcast_in_dim3A_1887 : vector<392x1xf32> to vector<392x128xf32>
    %eq3A_2032 = arith.cmpf oeq, %select_n3A_1796, %eq3A_2031 : vector<392x128xf32>
    %add3A_2033 = arith.constant 2048 : i32
    %add3A_2034 = vector.broadcast %add3A_2033 : i32 to vector<392x128xi32>
    %add3A_2035 = arith.addi %iota3A, %add3A_2034 : vector<392x128xi32>
    %jit3A_2036 = arith.constant 3200 : i32
    %broadcast_in_dim3A_2037 = vector.broadcast %jit3A_2036 : i32 to vector<392x128xi32>
    %select_n3A_2038 = arith.select %eq3A_2032, %add3A_2035, %broadcast_in_dim3A_2037 : vector<392x128xi1>, vector<392x128xi32>
    %min3A_2039 = arith.minsi %min3A_2030, %select_n3A_2038 : vector<392x128xi32>
    %eq3A_2040 = vector.broadcast %broadcast_in_dim3A_1887 : vector<392x1xf32> to vector<392x128xf32>
    %eq3A_2041 = arith.cmpf oeq, %select_n3A_1804, %eq3A_2040 : vector<392x128xf32>
    %add3A_2042 = arith.constant 2176 : i32
    %add3A_2043 = vector.broadcast %add3A_2042 : i32 to vector<392x128xi32>
    %add3A_2044 = arith.addi %iota3A, %add3A_2043 : vector<392x128xi32>
    %jit3A_2045 = arith.constant 3200 : i32
    %broadcast_in_dim3A_2046 = vector.broadcast %jit3A_2045 : i32 to vector<392x128xi32>
    %select_n3A_2047 = arith.select %eq3A_2041, %add3A_2044, %broadcast_in_dim3A_2046 : vector<392x128xi1>, vector<392x128xi32>
    %min3A_2048 = arith.minsi %min3A_2039, %select_n3A_2047 : vector<392x128xi32>
    %eq3A_2049 = vector.broadcast %broadcast_in_dim3A_1887 : vector<392x1xf32> to vector<392x128xf32>
    %eq3A_2050 = arith.cmpf oeq, %select_n3A_1812, %eq3A_2049 : vector<392x128xf32>
    %add3A_2051 = arith.constant 2304 : i32
    %add3A_2052 = vector.broadcast %add3A_2051 : i32 to vector<392x128xi32>
    %add3A_2053 = arith.addi %iota3A, %add3A_2052 : vector<392x128xi32>
    %jit3A_2054 = arith.constant 3200 : i32
    %broadcast_in_dim3A_2055 = vector.broadcast %jit3A_2054 : i32 to vector<392x128xi32>
    %select_n3A_2056 = arith.select %eq3A_2050, %add3A_2053, %broadcast_in_dim3A_2055 : vector<392x128xi1>, vector<392x128xi32>
    %min3A_2057 = arith.minsi %min3A_2048, %select_n3A_2056 : vector<392x128xi32>
    %eq3A_2058 = vector.broadcast %broadcast_in_dim3A_1887 : vector<392x1xf32> to vector<392x128xf32>
    %eq3A_2059 = arith.cmpf oeq, %select_n3A_1820, %eq3A_2058 : vector<392x128xf32>
    %add3A_2060 = arith.constant 2432 : i32
    %add3A_2061 = vector.broadcast %add3A_2060 : i32 to vector<392x128xi32>
    %add3A_2062 = arith.addi %iota3A, %add3A_2061 : vector<392x128xi32>
    %jit3A_2063 = arith.constant 3200 : i32
    %broadcast_in_dim3A_2064 = vector.broadcast %jit3A_2063 : i32 to vector<392x128xi32>
    %select_n3A_2065 = arith.select %eq3A_2059, %add3A_2062, %broadcast_in_dim3A_2064 : vector<392x128xi1>, vector<392x128xi32>
    %min3A_2066 = arith.minsi %min3A_2057, %select_n3A_2065 : vector<392x128xi32>
    %eq3A_2067 = vector.broadcast %broadcast_in_dim3A_1887 : vector<392x1xf32> to vector<392x128xf32>
    %eq3A_2068 = arith.cmpf oeq, %select_n3A_1828, %eq3A_2067 : vector<392x128xf32>
    %add3A_2069 = arith.constant 2560 : i32
    %add3A_2070 = vector.broadcast %add3A_2069 : i32 to vector<392x128xi32>
    %add3A_2071 = arith.addi %iota3A, %add3A_2070 : vector<392x128xi32>
    %jit3A_2072 = arith.constant 3200 : i32
    %broadcast_in_dim3A_2073 = vector.broadcast %jit3A_2072 : i32 to vector<392x128xi32>
    %select_n3A_2074 = arith.select %eq3A_2068, %add3A_2071, %broadcast_in_dim3A_2073 : vector<392x128xi1>, vector<392x128xi32>
    %min3A_2075 = arith.minsi %min3A_2066, %select_n3A_2074 : vector<392x128xi32>
    %eq3A_2076 = vector.broadcast %broadcast_in_dim3A_1887 : vector<392x1xf32> to vector<392x128xf32>
    %eq3A_2077 = arith.cmpf oeq, %select_n3A_1836, %eq3A_2076 : vector<392x128xf32>
    %add3A_2078 = arith.constant 2688 : i32
    %add3A_2079 = vector.broadcast %add3A_2078 : i32 to vector<392x128xi32>
    %add3A_2080 = arith.addi %iota3A, %add3A_2079 : vector<392x128xi32>
    %jit3A_2081 = arith.constant 3200 : i32
    %broadcast_in_dim3A_2082 = vector.broadcast %jit3A_2081 : i32 to vector<392x128xi32>
    %select_n3A_2083 = arith.select %eq3A_2077, %add3A_2080, %broadcast_in_dim3A_2082 : vector<392x128xi1>, vector<392x128xi32>
    %min3A_2084 = arith.minsi %min3A_2075, %select_n3A_2083 : vector<392x128xi32>
    %eq3A_2085 = vector.broadcast %broadcast_in_dim3A_1887 : vector<392x1xf32> to vector<392x128xf32>
    %eq3A_2086 = arith.cmpf oeq, %select_n3A_1844, %eq3A_2085 : vector<392x128xf32>
    %add3A_2087 = arith.constant 2816 : i32
    %add3A_2088 = vector.broadcast %add3A_2087 : i32 to vector<392x128xi32>
    %add3A_2089 = arith.addi %iota3A, %add3A_2088 : vector<392x128xi32>
    %jit3A_2090 = arith.constant 3200 : i32
    %broadcast_in_dim3A_2091 = vector.broadcast %jit3A_2090 : i32 to vector<392x128xi32>
    %select_n3A_2092 = arith.select %eq3A_2086, %add3A_2089, %broadcast_in_dim3A_2091 : vector<392x128xi1>, vector<392x128xi32>
    %min3A_2093 = arith.minsi %min3A_2084, %select_n3A_2092 : vector<392x128xi32>
    %eq3A_2094 = vector.broadcast %broadcast_in_dim3A_1887 : vector<392x1xf32> to vector<392x128xf32>
    %eq3A_2095 = arith.cmpf oeq, %select_n3A_1852, %eq3A_2094 : vector<392x128xf32>
    %add3A_2096 = arith.constant 2944 : i32
    %add3A_2097 = vector.broadcast %add3A_2096 : i32 to vector<392x128xi32>
    %add3A_2098 = arith.addi %iota3A, %add3A_2097 : vector<392x128xi32>
    %jit3A_2099 = arith.constant 3200 : i32
    %broadcast_in_dim3A_2100 = vector.broadcast %jit3A_2099 : i32 to vector<392x128xi32>
    %select_n3A_2101 = arith.select %eq3A_2095, %add3A_2098, %broadcast_in_dim3A_2100 : vector<392x128xi1>, vector<392x128xi32>
    %min3A_2102 = arith.minsi %min3A_2093, %select_n3A_2101 : vector<392x128xi32>
    %eq3A_2103 = vector.broadcast %broadcast_in_dim3A_1887 : vector<392x1xf32> to vector<392x128xf32>
    %eq3A_2104 = arith.cmpf oeq, %select_n3A_1860, %eq3A_2103 : vector<392x128xf32>
    %add3A_2105 = arith.constant 3072 : i32
    %add3A_2106 = vector.broadcast %add3A_2105 : i32 to vector<392x128xi32>
    %add3A_2107 = arith.addi %iota3A, %add3A_2106 : vector<392x128xi32>
    %jit3A_2108 = arith.constant 3200 : i32
    %broadcast_in_dim3A_2109 = vector.broadcast %jit3A_2108 : i32 to vector<392x128xi32>
    %select_n3A_2110 = arith.select %eq3A_2104, %add3A_2107, %broadcast_in_dim3A_2109 : vector<392x128xi1>, vector<392x128xi32>
    %min3A_2111 = arith.minsi %min3A_2102, %select_n3A_2110 : vector<392x128xi32>
    %reduce_min3A_2112 = arith.constant dense<2147483647> : vector<392xi32>
    %reduce_min3A_2113 = vector.multi_reduction <minsi>, %min3A_2111, %reduce_min3A_2112 [1] : vector<392x128xi32> to vector<392xi32>
    %broadcast_in_dim3A_2114 = vector.shape_cast %reduce_min3A_2113 : vector<392xi32> to vector<392x1xi32>
    %squeeze3A_2115 = vector.shape_cast %broadcast_in_dim3A_2114 : vector<392x1xi32> to vector<392xi32>
    %add3A_2116 = arith.constant 0 : i32
    %add3A_2117 = vector.broadcast %add3A_2116 : i32 to vector<392x128xi32>
    %add3A_2118 = arith.addi %iota3A, %add3A_2117 : vector<392x128xi32>
    %eq3A_2119 = vector.broadcast %broadcast_in_dim3A_2114 : vector<392x1xi32> to vector<392x128xi32>
    %eq3A_2120 = arith.cmpi eq, %add3A_2118, %eq3A_2119 : vector<392x128xi32>
    %jit3A_2121 = arith.constant 0x7F800000 : f32
    %broadcast_in_dim3A_2122 = vector.broadcast %jit3A_2121 : f32 to vector<392x128xf32>
    %select_n3A_2123 = arith.select %eq3A_2120, %broadcast_in_dim3A_2122, %select_n3A_1668 : vector<392x128xi1>, vector<392x128xf32>
    %add3A_2124 = arith.constant 128 : i32
    %add3A_2125 = vector.broadcast %add3A_2124 : i32 to vector<392x128xi32>
    %add3A_2126 = arith.addi %iota3A, %add3A_2125 : vector<392x128xi32>
    %eq3A_2127 = vector.broadcast %broadcast_in_dim3A_2114 : vector<392x1xi32> to vector<392x128xi32>
    %eq3A_2128 = arith.cmpi eq, %add3A_2126, %eq3A_2127 : vector<392x128xi32>
    %jit3A_2129 = arith.constant 0x7F800000 : f32
    %broadcast_in_dim3A_2130 = vector.broadcast %jit3A_2129 : f32 to vector<392x128xf32>
    %select_n3A_2131 = arith.select %eq3A_2128, %broadcast_in_dim3A_2130, %select_n3A_1676 : vector<392x128xi1>, vector<392x128xf32>
    %add3A_2132 = arith.constant 256 : i32
    %add3A_2133 = vector.broadcast %add3A_2132 : i32 to vector<392x128xi32>
    %add3A_2134 = arith.addi %iota3A, %add3A_2133 : vector<392x128xi32>
    %eq3A_2135 = vector.broadcast %broadcast_in_dim3A_2114 : vector<392x1xi32> to vector<392x128xi32>
    %eq3A_2136 = arith.cmpi eq, %add3A_2134, %eq3A_2135 : vector<392x128xi32>
    %jit3A_2137 = arith.constant 0x7F800000 : f32
    %broadcast_in_dim3A_2138 = vector.broadcast %jit3A_2137 : f32 to vector<392x128xf32>
    %select_n3A_2139 = arith.select %eq3A_2136, %broadcast_in_dim3A_2138, %select_n3A_1684 : vector<392x128xi1>, vector<392x128xf32>
    %add3A_2140 = arith.constant 384 : i32
    %add3A_2141 = vector.broadcast %add3A_2140 : i32 to vector<392x128xi32>
    %add3A_2142 = arith.addi %iota3A, %add3A_2141 : vector<392x128xi32>
    %eq3A_2143 = vector.broadcast %broadcast_in_dim3A_2114 : vector<392x1xi32> to vector<392x128xi32>
    %eq3A_2144 = arith.cmpi eq, %add3A_2142, %eq3A_2143 : vector<392x128xi32>
    %jit3A_2145 = arith.constant 0x7F800000 : f32
    %broadcast_in_dim3A_2146 = vector.broadcast %jit3A_2145 : f32 to vector<392x128xf32>
    %select_n3A_2147 = arith.select %eq3A_2144, %broadcast_in_dim3A_2146, %select_n3A_1692 : vector<392x128xi1>, vector<392x128xf32>
    %add3A_2148 = arith.constant 512 : i32
    %add3A_2149 = vector.broadcast %add3A_2148 : i32 to vector<392x128xi32>
    %add3A_2150 = arith.addi %iota3A, %add3A_2149 : vector<392x128xi32>
    %eq3A_2151 = vector.broadcast %broadcast_in_dim3A_2114 : vector<392x1xi32> to vector<392x128xi32>
    %eq3A_2152 = arith.cmpi eq, %add3A_2150, %eq3A_2151 : vector<392x128xi32>
    %jit3A_2153 = arith.constant 0x7F800000 : f32
    %broadcast_in_dim3A_2154 = vector.broadcast %jit3A_2153 : f32 to vector<392x128xf32>
    %select_n3A_2155 = arith.select %eq3A_2152, %broadcast_in_dim3A_2154, %select_n3A_1700 : vector<392x128xi1>, vector<392x128xf32>
    %add3A_2156 = arith.constant 640 : i32
    %add3A_2157 = vector.broadcast %add3A_2156 : i32 to vector<392x128xi32>
    %add3A_2158 = arith.addi %iota3A, %add3A_2157 : vector<392x128xi32>
    %eq3A_2159 = vector.broadcast %broadcast_in_dim3A_2114 : vector<392x1xi32> to vector<392x128xi32>
    %eq3A_2160 = arith.cmpi eq, %add3A_2158, %eq3A_2159 : vector<392x128xi32>
    %jit3A_2161 = arith.constant 0x7F800000 : f32
    %broadcast_in_dim3A_2162 = vector.broadcast %jit3A_2161 : f32 to vector<392x128xf32>
    %select_n3A_2163 = arith.select %eq3A_2160, %broadcast_in_dim3A_2162, %select_n3A_1708 : vector<392x128xi1>, vector<392x128xf32>
    %add3A_2164 = arith.constant 768 : i32
    %add3A_2165 = vector.broadcast %add3A_2164 : i32 to vector<392x128xi32>
    %add3A_2166 = arith.addi %iota3A, %add3A_2165 : vector<392x128xi32>
    %eq3A_2167 = vector.broadcast %broadcast_in_dim3A_2114 : vector<392x1xi32> to vector<392x128xi32>
    %eq3A_2168 = arith.cmpi eq, %add3A_2166, %eq3A_2167 : vector<392x128xi32>
    %jit3A_2169 = arith.constant 0x7F800000 : f32
    %broadcast_in_dim3A_2170 = vector.broadcast %jit3A_2169 : f32 to vector<392x128xf32>
    %select_n3A_2171 = arith.select %eq3A_2168, %broadcast_in_dim3A_2170, %select_n3A_1716 : vector<392x128xi1>, vector<392x128xf32>
    %add3A_2172 = arith.constant 896 : i32
    %add3A_2173 = vector.broadcast %add3A_2172 : i32 to vector<392x128xi32>
    %add3A_2174 = arith.addi %iota3A, %add3A_2173 : vector<392x128xi32>
    %eq3A_2175 = vector.broadcast %broadcast_in_dim3A_2114 : vector<392x1xi32> to vector<392x128xi32>
    %eq3A_2176 = arith.cmpi eq, %add3A_2174, %eq3A_2175 : vector<392x128xi32>
    %jit3A_2177 = arith.constant 0x7F800000 : f32
    %broadcast_in_dim3A_2178 = vector.broadcast %jit3A_2177 : f32 to vector<392x128xf32>
    %select_n3A_2179 = arith.select %eq3A_2176, %broadcast_in_dim3A_2178, %select_n3A_1724 : vector<392x128xi1>, vector<392x128xf32>
    %add3A_2180 = arith.constant 1024 : i32
    %add3A_2181 = vector.broadcast %add3A_2180 : i32 to vector<392x128xi32>
    %add3A_2182 = arith.addi %iota3A, %add3A_2181 : vector<392x128xi32>
    %eq3A_2183 = vector.broadcast %broadcast_in_dim3A_2114 : vector<392x1xi32> to vector<392x128xi32>
    %eq3A_2184 = arith.cmpi eq, %add3A_2182, %eq3A_2183 : vector<392x128xi32>
    %jit3A_2185 = arith.constant 0x7F800000 : f32
    %broadcast_in_dim3A_2186 = vector.broadcast %jit3A_2185 : f32 to vector<392x128xf32>
    %select_n3A_2187 = arith.select %eq3A_2184, %broadcast_in_dim3A_2186, %select_n3A_1732 : vector<392x128xi1>, vector<392x128xf32>
    %add3A_2188 = arith.constant 1152 : i32
    %add3A_2189 = vector.broadcast %add3A_2188 : i32 to vector<392x128xi32>
    %add3A_2190 = arith.addi %iota3A, %add3A_2189 : vector<392x128xi32>
    %eq3A_2191 = vector.broadcast %broadcast_in_dim3A_2114 : vector<392x1xi32> to vector<392x128xi32>
    %eq3A_2192 = arith.cmpi eq, %add3A_2190, %eq3A_2191 : vector<392x128xi32>
    %jit3A_2193 = arith.constant 0x7F800000 : f32
    %broadcast_in_dim3A_2194 = vector.broadcast %jit3A_2193 : f32 to vector<392x128xf32>
    %select_n3A_2195 = arith.select %eq3A_2192, %broadcast_in_dim3A_2194, %select_n3A_1740 : vector<392x128xi1>, vector<392x128xf32>
    %add3A_2196 = arith.constant 1280 : i32
    %add3A_2197 = vector.broadcast %add3A_2196 : i32 to vector<392x128xi32>
    %add3A_2198 = arith.addi %iota3A, %add3A_2197 : vector<392x128xi32>
    %eq3A_2199 = vector.broadcast %broadcast_in_dim3A_2114 : vector<392x1xi32> to vector<392x128xi32>
    %eq3A_2200 = arith.cmpi eq, %add3A_2198, %eq3A_2199 : vector<392x128xi32>
    %jit3A_2201 = arith.constant 0x7F800000 : f32
    %broadcast_in_dim3A_2202 = vector.broadcast %jit3A_2201 : f32 to vector<392x128xf32>
    %select_n3A_2203 = arith.select %eq3A_2200, %broadcast_in_dim3A_2202, %select_n3A_1748 : vector<392x128xi1>, vector<392x128xf32>
    %add3A_2204 = arith.constant 1408 : i32
    %add3A_2205 = vector.broadcast %add3A_2204 : i32 to vector<392x128xi32>
    %add3A_2206 = arith.addi %iota3A, %add3A_2205 : vector<392x128xi32>
    %eq3A_2207 = vector.broadcast %broadcast_in_dim3A_2114 : vector<392x1xi32> to vector<392x128xi32>
    %eq3A_2208 = arith.cmpi eq, %add3A_2206, %eq3A_2207 : vector<392x128xi32>
    %jit3A_2209 = arith.constant 0x7F800000 : f32
    %broadcast_in_dim3A_2210 = vector.broadcast %jit3A_2209 : f32 to vector<392x128xf32>
    %select_n3A_2211 = arith.select %eq3A_2208, %broadcast_in_dim3A_2210, %select_n3A_1756 : vector<392x128xi1>, vector<392x128xf32>
    %add3A_2212 = arith.constant 1536 : i32
    %add3A_2213 = vector.broadcast %add3A_2212 : i32 to vector<392x128xi32>
    %add3A_2214 = arith.addi %iota3A, %add3A_2213 : vector<392x128xi32>
    %eq3A_2215 = vector.broadcast %broadcast_in_dim3A_2114 : vector<392x1xi32> to vector<392x128xi32>
    %eq3A_2216 = arith.cmpi eq, %add3A_2214, %eq3A_2215 : vector<392x128xi32>
    %jit3A_2217 = arith.constant 0x7F800000 : f32
    %broadcast_in_dim3A_2218 = vector.broadcast %jit3A_2217 : f32 to vector<392x128xf32>
    %select_n3A_2219 = arith.select %eq3A_2216, %broadcast_in_dim3A_2218, %select_n3A_1764 : vector<392x128xi1>, vector<392x128xf32>
    %add3A_2220 = arith.constant 1664 : i32
    %add3A_2221 = vector.broadcast %add3A_2220 : i32 to vector<392x128xi32>
    %add3A_2222 = arith.addi %iota3A, %add3A_2221 : vector<392x128xi32>
    %eq3A_2223 = vector.broadcast %broadcast_in_dim3A_2114 : vector<392x1xi32> to vector<392x128xi32>
    %eq3A_2224 = arith.cmpi eq, %add3A_2222, %eq3A_2223 : vector<392x128xi32>
    %jit3A_2225 = arith.constant 0x7F800000 : f32
    %broadcast_in_dim3A_2226 = vector.broadcast %jit3A_2225 : f32 to vector<392x128xf32>
    %select_n3A_2227 = arith.select %eq3A_2224, %broadcast_in_dim3A_2226, %select_n3A_1772 : vector<392x128xi1>, vector<392x128xf32>
    %add3A_2228 = arith.constant 1792 : i32
    %add3A_2229 = vector.broadcast %add3A_2228 : i32 to vector<392x128xi32>
    %add3A_2230 = arith.addi %iota3A, %add3A_2229 : vector<392x128xi32>
    %eq3A_2231 = vector.broadcast %broadcast_in_dim3A_2114 : vector<392x1xi32> to vector<392x128xi32>
    %eq3A_2232 = arith.cmpi eq, %add3A_2230, %eq3A_2231 : vector<392x128xi32>
    %jit3A_2233 = arith.constant 0x7F800000 : f32
    %broadcast_in_dim3A_2234 = vector.broadcast %jit3A_2233 : f32 to vector<392x128xf32>
    %select_n3A_2235 = arith.select %eq3A_2232, %broadcast_in_dim3A_2234, %select_n3A_1780 : vector<392x128xi1>, vector<392x128xf32>
    %add3A_2236 = arith.constant 1920 : i32
    %add3A_2237 = vector.broadcast %add3A_2236 : i32 to vector<392x128xi32>
    %add3A_2238 = arith.addi %iota3A, %add3A_2237 : vector<392x128xi32>
    %eq3A_2239 = vector.broadcast %broadcast_in_dim3A_2114 : vector<392x1xi32> to vector<392x128xi32>
    %eq3A_2240 = arith.cmpi eq, %add3A_2238, %eq3A_2239 : vector<392x128xi32>
    %jit3A_2241 = arith.constant 0x7F800000 : f32
    %broadcast_in_dim3A_2242 = vector.broadcast %jit3A_2241 : f32 to vector<392x128xf32>
    %select_n3A_2243 = arith.select %eq3A_2240, %broadcast_in_dim3A_2242, %select_n3A_1788 : vector<392x128xi1>, vector<392x128xf32>
    %add3A_2244 = arith.constant 2048 : i32
    %add3A_2245 = vector.broadcast %add3A_2244 : i32 to vector<392x128xi32>
    %add3A_2246 = arith.addi %iota3A, %add3A_2245 : vector<392x128xi32>
    %eq3A_2247 = vector.broadcast %broadcast_in_dim3A_2114 : vector<392x1xi32> to vector<392x128xi32>
    %eq3A_2248 = arith.cmpi eq, %add3A_2246, %eq3A_2247 : vector<392x128xi32>
    %jit3A_2249 = arith.constant 0x7F800000 : f32
    %broadcast_in_dim3A_2250 = vector.broadcast %jit3A_2249 : f32 to vector<392x128xf32>
    %select_n3A_2251 = arith.select %eq3A_2248, %broadcast_in_dim3A_2250, %select_n3A_1796 : vector<392x128xi1>, vector<392x128xf32>
    %add3A_2252 = arith.constant 2176 : i32
    %add3A_2253 = vector.broadcast %add3A_2252 : i32 to vector<392x128xi32>
    %add3A_2254 = arith.addi %iota3A, %add3A_2253 : vector<392x128xi32>
    %eq3A_2255 = vector.broadcast %broadcast_in_dim3A_2114 : vector<392x1xi32> to vector<392x128xi32>
    %eq3A_2256 = arith.cmpi eq, %add3A_2254, %eq3A_2255 : vector<392x128xi32>
    %jit3A_2257 = arith.constant 0x7F800000 : f32
    %broadcast_in_dim3A_2258 = vector.broadcast %jit3A_2257 : f32 to vector<392x128xf32>
    %select_n3A_2259 = arith.select %eq3A_2256, %broadcast_in_dim3A_2258, %select_n3A_1804 : vector<392x128xi1>, vector<392x128xf32>
    %add3A_2260 = arith.constant 2304 : i32
    %add3A_2261 = vector.broadcast %add3A_2260 : i32 to vector<392x128xi32>
    %add3A_2262 = arith.addi %iota3A, %add3A_2261 : vector<392x128xi32>
    %eq3A_2263 = vector.broadcast %broadcast_in_dim3A_2114 : vector<392x1xi32> to vector<392x128xi32>
    %eq3A_2264 = arith.cmpi eq, %add3A_2262, %eq3A_2263 : vector<392x128xi32>
    %jit3A_2265 = arith.constant 0x7F800000 : f32
    %broadcast_in_dim3A_2266 = vector.broadcast %jit3A_2265 : f32 to vector<392x128xf32>
    %select_n3A_2267 = arith.select %eq3A_2264, %broadcast_in_dim3A_2266, %select_n3A_1812 : vector<392x128xi1>, vector<392x128xf32>
    %add3A_2268 = arith.constant 2432 : i32
    %add3A_2269 = vector.broadcast %add3A_2268 : i32 to vector<392x128xi32>
    %add3A_2270 = arith.addi %iota3A, %add3A_2269 : vector<392x128xi32>
    %eq3A_2271 = vector.broadcast %broadcast_in_dim3A_2114 : vector<392x1xi32> to vector<392x128xi32>
    %eq3A_2272 = arith.cmpi eq, %add3A_2270, %eq3A_2271 : vector<392x128xi32>
    %jit3A_2273 = arith.constant 0x7F800000 : f32
    %broadcast_in_dim3A_2274 = vector.broadcast %jit3A_2273 : f32 to vector<392x128xf32>
    %select_n3A_2275 = arith.select %eq3A_2272, %broadcast_in_dim3A_2274, %select_n3A_1820 : vector<392x128xi1>, vector<392x128xf32>
    %add3A_2276 = arith.constant 2560 : i32
    %add3A_2277 = vector.broadcast %add3A_2276 : i32 to vector<392x128xi32>
    %add3A_2278 = arith.addi %iota3A, %add3A_2277 : vector<392x128xi32>
    %eq3A_2279 = vector.broadcast %broadcast_in_dim3A_2114 : vector<392x1xi32> to vector<392x128xi32>
    %eq3A_2280 = arith.cmpi eq, %add3A_2278, %eq3A_2279 : vector<392x128xi32>
    %jit3A_2281 = arith.constant 0x7F800000 : f32
    %broadcast_in_dim3A_2282 = vector.broadcast %jit3A_2281 : f32 to vector<392x128xf32>
    %select_n3A_2283 = arith.select %eq3A_2280, %broadcast_in_dim3A_2282, %select_n3A_1828 : vector<392x128xi1>, vector<392x128xf32>
    %add3A_2284 = arith.constant 2688 : i32
    %add3A_2285 = vector.broadcast %add3A_2284 : i32 to vector<392x128xi32>
    %add3A_2286 = arith.addi %iota3A, %add3A_2285 : vector<392x128xi32>
    %eq3A_2287 = vector.broadcast %broadcast_in_dim3A_2114 : vector<392x1xi32> to vector<392x128xi32>
    %eq3A_2288 = arith.cmpi eq, %add3A_2286, %eq3A_2287 : vector<392x128xi32>
    %jit3A_2289 = arith.constant 0x7F800000 : f32
    %broadcast_in_dim3A_2290 = vector.broadcast %jit3A_2289 : f32 to vector<392x128xf32>
    %select_n3A_2291 = arith.select %eq3A_2288, %broadcast_in_dim3A_2290, %select_n3A_1836 : vector<392x128xi1>, vector<392x128xf32>
    %add3A_2292 = arith.constant 2816 : i32
    %add3A_2293 = vector.broadcast %add3A_2292 : i32 to vector<392x128xi32>
    %add3A_2294 = arith.addi %iota3A, %add3A_2293 : vector<392x128xi32>
    %eq3A_2295 = vector.broadcast %broadcast_in_dim3A_2114 : vector<392x1xi32> to vector<392x128xi32>
    %eq3A_2296 = arith.cmpi eq, %add3A_2294, %eq3A_2295 : vector<392x128xi32>
    %jit3A_2297 = arith.constant 0x7F800000 : f32
    %broadcast_in_dim3A_2298 = vector.broadcast %jit3A_2297 : f32 to vector<392x128xf32>
    %select_n3A_2299 = arith.select %eq3A_2296, %broadcast_in_dim3A_2298, %select_n3A_1844 : vector<392x128xi1>, vector<392x128xf32>
    %add3A_2300 = arith.constant 2944 : i32
    %add3A_2301 = vector.broadcast %add3A_2300 : i32 to vector<392x128xi32>
    %add3A_2302 = arith.addi %iota3A, %add3A_2301 : vector<392x128xi32>
    %eq3A_2303 = vector.broadcast %broadcast_in_dim3A_2114 : vector<392x1xi32> to vector<392x128xi32>
    %eq3A_2304 = arith.cmpi eq, %add3A_2302, %eq3A_2303 : vector<392x128xi32>
    %jit3A_2305 = arith.constant 0x7F800000 : f32
    %broadcast_in_dim3A_2306 = vector.broadcast %jit3A_2305 : f32 to vector<392x128xf32>
    %select_n3A_2307 = arith.select %eq3A_2304, %broadcast_in_dim3A_2306, %select_n3A_1852 : vector<392x128xi1>, vector<392x128xf32>
    %add3A_2308 = arith.constant 3072 : i32
    %add3A_2309 = vector.broadcast %add3A_2308 : i32 to vector<392x128xi32>
    %add3A_2310 = arith.addi %iota3A, %add3A_2309 : vector<392x128xi32>
    %eq3A_2311 = vector.broadcast %broadcast_in_dim3A_2114 : vector<392x1xi32> to vector<392x128xi32>
    %eq3A_2312 = arith.cmpi eq, %add3A_2310, %eq3A_2311 : vector<392x128xi32>
    %jit3A_2313 = arith.constant 0x7F800000 : f32
    %broadcast_in_dim3A_2314 = vector.broadcast %jit3A_2313 : f32 to vector<392x128xf32>
    %select_n3A_2315 = arith.select %eq3A_2312, %broadcast_in_dim3A_2314, %select_n3A_1860 : vector<392x128xi1>, vector<392x128xf32>
    %min3A_2316 = arith.minimumf %select_n3A_2123, %select_n3A_2131 : vector<392x128xf32>
    %min3A_2317 = arith.minimumf %min3A_2316, %select_n3A_2139 : vector<392x128xf32>
    %min3A_2318 = arith.minimumf %min3A_2317, %select_n3A_2147 : vector<392x128xf32>
    %min3A_2319 = arith.minimumf %min3A_2318, %select_n3A_2155 : vector<392x128xf32>
    %min3A_2320 = arith.minimumf %min3A_2319, %select_n3A_2163 : vector<392x128xf32>
    %min3A_2321 = arith.minimumf %min3A_2320, %select_n3A_2171 : vector<392x128xf32>
    %min3A_2322 = arith.minimumf %min3A_2321, %select_n3A_2179 : vector<392x128xf32>
    %min3A_2323 = arith.minimumf %min3A_2322, %select_n3A_2187 : vector<392x128xf32>
    %min3A_2324 = arith.minimumf %min3A_2323, %select_n3A_2195 : vector<392x128xf32>
    %min3A_2325 = arith.minimumf %min3A_2324, %select_n3A_2203 : vector<392x128xf32>
    %min3A_2326 = arith.minimumf %min3A_2325, %select_n3A_2211 : vector<392x128xf32>
    %min3A_2327 = arith.minimumf %min3A_2326, %select_n3A_2219 : vector<392x128xf32>
    %min3A_2328 = arith.minimumf %min3A_2327, %select_n3A_2227 : vector<392x128xf32>
    %min3A_2329 = arith.minimumf %min3A_2328, %select_n3A_2235 : vector<392x128xf32>
    %min3A_2330 = arith.minimumf %min3A_2329, %select_n3A_2243 : vector<392x128xf32>
    %min3A_2331 = arith.minimumf %min3A_2330, %select_n3A_2251 : vector<392x128xf32>
    %min3A_2332 = arith.minimumf %min3A_2331, %select_n3A_2259 : vector<392x128xf32>
    %min3A_2333 = arith.minimumf %min3A_2332, %select_n3A_2267 : vector<392x128xf32>
    %min3A_2334 = arith.minimumf %min3A_2333, %select_n3A_2275 : vector<392x128xf32>
    %min3A_2335 = arith.minimumf %min3A_2334, %select_n3A_2283 : vector<392x128xf32>
    %min3A_2336 = arith.minimumf %min3A_2335, %select_n3A_2291 : vector<392x128xf32>
    %min3A_2337 = arith.minimumf %min3A_2336, %select_n3A_2299 : vector<392x128xf32>
    %min3A_2338 = arith.minimumf %min3A_2337, %select_n3A_2307 : vector<392x128xf32>
    %min3A_2339 = arith.minimumf %min3A_2338, %select_n3A_2315 : vector<392x128xf32>
    %reduce_min3A_2340 = arith.constant dense<0x7F800000> : vector<392xf32>
    %reduce_min3A_2341 = vector.multi_reduction <minimumf>, %min3A_2339, %reduce_min3A_2340 [1] : vector<392x128xf32> to vector<392xf32>
    %broadcast_in_dim3A_2342 = vector.shape_cast %reduce_min3A_2341 : vector<392xf32> to vector<392x1xf32>
    %eq3A_2343 = vector.broadcast %broadcast_in_dim3A_2342 : vector<392x1xf32> to vector<392x128xf32>
    %eq3A_2344 = arith.cmpf oeq, %select_n3A_2123, %eq3A_2343 : vector<392x128xf32>
    %add3A_2345 = arith.constant 0 : i32
    %add3A_2346 = vector.broadcast %add3A_2345 : i32 to vector<392x128xi32>
    %add3A_2347 = arith.addi %iota3A, %add3A_2346 : vector<392x128xi32>
    %jit3A_2348 = arith.constant 3200 : i32
    %broadcast_in_dim3A_2349 = vector.broadcast %jit3A_2348 : i32 to vector<392x128xi32>
    %select_n3A_2350 = arith.select %eq3A_2344, %add3A_2347, %broadcast_in_dim3A_2349 : vector<392x128xi1>, vector<392x128xi32>
    %eq3A_2351 = vector.broadcast %broadcast_in_dim3A_2342 : vector<392x1xf32> to vector<392x128xf32>
    %eq3A_2352 = arith.cmpf oeq, %select_n3A_2131, %eq3A_2351 : vector<392x128xf32>
    %add3A_2353 = arith.constant 128 : i32
    %add3A_2354 = vector.broadcast %add3A_2353 : i32 to vector<392x128xi32>
    %add3A_2355 = arith.addi %iota3A, %add3A_2354 : vector<392x128xi32>
    %jit3A_2356 = arith.constant 3200 : i32
    %broadcast_in_dim3A_2357 = vector.broadcast %jit3A_2356 : i32 to vector<392x128xi32>
    %select_n3A_2358 = arith.select %eq3A_2352, %add3A_2355, %broadcast_in_dim3A_2357 : vector<392x128xi1>, vector<392x128xi32>
    %min3A_2359 = arith.minsi %select_n3A_2350, %select_n3A_2358 : vector<392x128xi32>
    %eq3A_2360 = vector.broadcast %broadcast_in_dim3A_2342 : vector<392x1xf32> to vector<392x128xf32>
    %eq3A_2361 = arith.cmpf oeq, %select_n3A_2139, %eq3A_2360 : vector<392x128xf32>
    %add3A_2362 = arith.constant 256 : i32
    %add3A_2363 = vector.broadcast %add3A_2362 : i32 to vector<392x128xi32>
    %add3A_2364 = arith.addi %iota3A, %add3A_2363 : vector<392x128xi32>
    %jit3A_2365 = arith.constant 3200 : i32
    %broadcast_in_dim3A_2366 = vector.broadcast %jit3A_2365 : i32 to vector<392x128xi32>
    %select_n3A_2367 = arith.select %eq3A_2361, %add3A_2364, %broadcast_in_dim3A_2366 : vector<392x128xi1>, vector<392x128xi32>
    %min3A_2368 = arith.minsi %min3A_2359, %select_n3A_2367 : vector<392x128xi32>
    %eq3A_2369 = vector.broadcast %broadcast_in_dim3A_2342 : vector<392x1xf32> to vector<392x128xf32>
    %eq3A_2370 = arith.cmpf oeq, %select_n3A_2147, %eq3A_2369 : vector<392x128xf32>
    %add3A_2371 = arith.constant 384 : i32
    %add3A_2372 = vector.broadcast %add3A_2371 : i32 to vector<392x128xi32>
    %add3A_2373 = arith.addi %iota3A, %add3A_2372 : vector<392x128xi32>
    %jit3A_2374 = arith.constant 3200 : i32
    %broadcast_in_dim3A_2375 = vector.broadcast %jit3A_2374 : i32 to vector<392x128xi32>
    %select_n3A_2376 = arith.select %eq3A_2370, %add3A_2373, %broadcast_in_dim3A_2375 : vector<392x128xi1>, vector<392x128xi32>
    %min3A_2377 = arith.minsi %min3A_2368, %select_n3A_2376 : vector<392x128xi32>
    %eq3A_2378 = vector.broadcast %broadcast_in_dim3A_2342 : vector<392x1xf32> to vector<392x128xf32>
    %eq3A_2379 = arith.cmpf oeq, %select_n3A_2155, %eq3A_2378 : vector<392x128xf32>
    %add3A_2380 = arith.constant 512 : i32
    %add3A_2381 = vector.broadcast %add3A_2380 : i32 to vector<392x128xi32>
    %add3A_2382 = arith.addi %iota3A, %add3A_2381 : vector<392x128xi32>
    %jit3A_2383 = arith.constant 3200 : i32
    %broadcast_in_dim3A_2384 = vector.broadcast %jit3A_2383 : i32 to vector<392x128xi32>
    %select_n3A_2385 = arith.select %eq3A_2379, %add3A_2382, %broadcast_in_dim3A_2384 : vector<392x128xi1>, vector<392x128xi32>
    %min3A_2386 = arith.minsi %min3A_2377, %select_n3A_2385 : vector<392x128xi32>
    %eq3A_2387 = vector.broadcast %broadcast_in_dim3A_2342 : vector<392x1xf32> to vector<392x128xf32>
    %eq3A_2388 = arith.cmpf oeq, %select_n3A_2163, %eq3A_2387 : vector<392x128xf32>
    %add3A_2389 = arith.constant 640 : i32
    %add3A_2390 = vector.broadcast %add3A_2389 : i32 to vector<392x128xi32>
    %add3A_2391 = arith.addi %iota3A, %add3A_2390 : vector<392x128xi32>
    %jit3A_2392 = arith.constant 3200 : i32
    %broadcast_in_dim3A_2393 = vector.broadcast %jit3A_2392 : i32 to vector<392x128xi32>
    %select_n3A_2394 = arith.select %eq3A_2388, %add3A_2391, %broadcast_in_dim3A_2393 : vector<392x128xi1>, vector<392x128xi32>
    %min3A_2395 = arith.minsi %min3A_2386, %select_n3A_2394 : vector<392x128xi32>
    %eq3A_2396 = vector.broadcast %broadcast_in_dim3A_2342 : vector<392x1xf32> to vector<392x128xf32>
    %eq3A_2397 = arith.cmpf oeq, %select_n3A_2171, %eq3A_2396 : vector<392x128xf32>
    %add3A_2398 = arith.constant 768 : i32
    %add3A_2399 = vector.broadcast %add3A_2398 : i32 to vector<392x128xi32>
    %add3A_2400 = arith.addi %iota3A, %add3A_2399 : vector<392x128xi32>
    %jit3A_2401 = arith.constant 3200 : i32
    %broadcast_in_dim3A_2402 = vector.broadcast %jit3A_2401 : i32 to vector<392x128xi32>
    %select_n3A_2403 = arith.select %eq3A_2397, %add3A_2400, %broadcast_in_dim3A_2402 : vector<392x128xi1>, vector<392x128xi32>
    %min3A_2404 = arith.minsi %min3A_2395, %select_n3A_2403 : vector<392x128xi32>
    %eq3A_2405 = vector.broadcast %broadcast_in_dim3A_2342 : vector<392x1xf32> to vector<392x128xf32>
    %eq3A_2406 = arith.cmpf oeq, %select_n3A_2179, %eq3A_2405 : vector<392x128xf32>
    %add3A_2407 = arith.constant 896 : i32
    %add3A_2408 = vector.broadcast %add3A_2407 : i32 to vector<392x128xi32>
    %add3A_2409 = arith.addi %iota3A, %add3A_2408 : vector<392x128xi32>
    %jit3A_2410 = arith.constant 3200 : i32
    %broadcast_in_dim3A_2411 = vector.broadcast %jit3A_2410 : i32 to vector<392x128xi32>
    %select_n3A_2412 = arith.select %eq3A_2406, %add3A_2409, %broadcast_in_dim3A_2411 : vector<392x128xi1>, vector<392x128xi32>
    %min3A_2413 = arith.minsi %min3A_2404, %select_n3A_2412 : vector<392x128xi32>
    %eq3A_2414 = vector.broadcast %broadcast_in_dim3A_2342 : vector<392x1xf32> to vector<392x128xf32>
    %eq3A_2415 = arith.cmpf oeq, %select_n3A_2187, %eq3A_2414 : vector<392x128xf32>
    %add3A_2416 = arith.constant 1024 : i32
    %add3A_2417 = vector.broadcast %add3A_2416 : i32 to vector<392x128xi32>
    %add3A_2418 = arith.addi %iota3A, %add3A_2417 : vector<392x128xi32>
    %jit3A_2419 = arith.constant 3200 : i32
    %broadcast_in_dim3A_2420 = vector.broadcast %jit3A_2419 : i32 to vector<392x128xi32>
    %select_n3A_2421 = arith.select %eq3A_2415, %add3A_2418, %broadcast_in_dim3A_2420 : vector<392x128xi1>, vector<392x128xi32>
    %min3A_2422 = arith.minsi %min3A_2413, %select_n3A_2421 : vector<392x128xi32>
    %eq3A_2423 = vector.broadcast %broadcast_in_dim3A_2342 : vector<392x1xf32> to vector<392x128xf32>
    %eq3A_2424 = arith.cmpf oeq, %select_n3A_2195, %eq3A_2423 : vector<392x128xf32>
    %add3A_2425 = arith.constant 1152 : i32
    %add3A_2426 = vector.broadcast %add3A_2425 : i32 to vector<392x128xi32>
    %add3A_2427 = arith.addi %iota3A, %add3A_2426 : vector<392x128xi32>
    %jit3A_2428 = arith.constant 3200 : i32
    %broadcast_in_dim3A_2429 = vector.broadcast %jit3A_2428 : i32 to vector<392x128xi32>
    %select_n3A_2430 = arith.select %eq3A_2424, %add3A_2427, %broadcast_in_dim3A_2429 : vector<392x128xi1>, vector<392x128xi32>
    %min3A_2431 = arith.minsi %min3A_2422, %select_n3A_2430 : vector<392x128xi32>
    %eq3A_2432 = vector.broadcast %broadcast_in_dim3A_2342 : vector<392x1xf32> to vector<392x128xf32>
    %eq3A_2433 = arith.cmpf oeq, %select_n3A_2203, %eq3A_2432 : vector<392x128xf32>
    %add3A_2434 = arith.constant 1280 : i32
    %add3A_2435 = vector.broadcast %add3A_2434 : i32 to vector<392x128xi32>
    %add3A_2436 = arith.addi %iota3A, %add3A_2435 : vector<392x128xi32>
    %jit3A_2437 = arith.constant 3200 : i32
    %broadcast_in_dim3A_2438 = vector.broadcast %jit3A_2437 : i32 to vector<392x128xi32>
    %select_n3A_2439 = arith.select %eq3A_2433, %add3A_2436, %broadcast_in_dim3A_2438 : vector<392x128xi1>, vector<392x128xi32>
    %min3A_2440 = arith.minsi %min3A_2431, %select_n3A_2439 : vector<392x128xi32>
    %eq3A_2441 = vector.broadcast %broadcast_in_dim3A_2342 : vector<392x1xf32> to vector<392x128xf32>
    %eq3A_2442 = arith.cmpf oeq, %select_n3A_2211, %eq3A_2441 : vector<392x128xf32>
    %add3A_2443 = arith.constant 1408 : i32
    %add3A_2444 = vector.broadcast %add3A_2443 : i32 to vector<392x128xi32>
    %add3A_2445 = arith.addi %iota3A, %add3A_2444 : vector<392x128xi32>
    %jit3A_2446 = arith.constant 3200 : i32
    %broadcast_in_dim3A_2447 = vector.broadcast %jit3A_2446 : i32 to vector<392x128xi32>
    %select_n3A_2448 = arith.select %eq3A_2442, %add3A_2445, %broadcast_in_dim3A_2447 : vector<392x128xi1>, vector<392x128xi32>
    %min3A_2449 = arith.minsi %min3A_2440, %select_n3A_2448 : vector<392x128xi32>
    %eq3A_2450 = vector.broadcast %broadcast_in_dim3A_2342 : vector<392x1xf32> to vector<392x128xf32>
    %eq3A_2451 = arith.cmpf oeq, %select_n3A_2219, %eq3A_2450 : vector<392x128xf32>
    %add3A_2452 = arith.constant 1536 : i32
    %add3A_2453 = vector.broadcast %add3A_2452 : i32 to vector<392x128xi32>
    %add3A_2454 = arith.addi %iota3A, %add3A_2453 : vector<392x128xi32>
    %jit3A_2455 = arith.constant 3200 : i32
    %broadcast_in_dim3A_2456 = vector.broadcast %jit3A_2455 : i32 to vector<392x128xi32>
    %select_n3A_2457 = arith.select %eq3A_2451, %add3A_2454, %broadcast_in_dim3A_2456 : vector<392x128xi1>, vector<392x128xi32>
    %min3A_2458 = arith.minsi %min3A_2449, %select_n3A_2457 : vector<392x128xi32>
    %eq3A_2459 = vector.broadcast %broadcast_in_dim3A_2342 : vector<392x1xf32> to vector<392x128xf32>
    %eq3A_2460 = arith.cmpf oeq, %select_n3A_2227, %eq3A_2459 : vector<392x128xf32>
    %add3A_2461 = arith.constant 1664 : i32
    %add3A_2462 = vector.broadcast %add3A_2461 : i32 to vector<392x128xi32>
    %add3A_2463 = arith.addi %iota3A, %add3A_2462 : vector<392x128xi32>
    %jit3A_2464 = arith.constant 3200 : i32
    %broadcast_in_dim3A_2465 = vector.broadcast %jit3A_2464 : i32 to vector<392x128xi32>
    %select_n3A_2466 = arith.select %eq3A_2460, %add3A_2463, %broadcast_in_dim3A_2465 : vector<392x128xi1>, vector<392x128xi32>
    %min3A_2467 = arith.minsi %min3A_2458, %select_n3A_2466 : vector<392x128xi32>
    %eq3A_2468 = vector.broadcast %broadcast_in_dim3A_2342 : vector<392x1xf32> to vector<392x128xf32>
    %eq3A_2469 = arith.cmpf oeq, %select_n3A_2235, %eq3A_2468 : vector<392x128xf32>
    %add3A_2470 = arith.constant 1792 : i32
    %add3A_2471 = vector.broadcast %add3A_2470 : i32 to vector<392x128xi32>
    %add3A_2472 = arith.addi %iota3A, %add3A_2471 : vector<392x128xi32>
    %jit3A_2473 = arith.constant 3200 : i32
    %broadcast_in_dim3A_2474 = vector.broadcast %jit3A_2473 : i32 to vector<392x128xi32>
    %select_n3A_2475 = arith.select %eq3A_2469, %add3A_2472, %broadcast_in_dim3A_2474 : vector<392x128xi1>, vector<392x128xi32>
    %min3A_2476 = arith.minsi %min3A_2467, %select_n3A_2475 : vector<392x128xi32>
    %eq3A_2477 = vector.broadcast %broadcast_in_dim3A_2342 : vector<392x1xf32> to vector<392x128xf32>
    %eq3A_2478 = arith.cmpf oeq, %select_n3A_2243, %eq3A_2477 : vector<392x128xf32>
    %add3A_2479 = arith.constant 1920 : i32
    %add3A_2480 = vector.broadcast %add3A_2479 : i32 to vector<392x128xi32>
    %add3A_2481 = arith.addi %iota3A, %add3A_2480 : vector<392x128xi32>
    %jit3A_2482 = arith.constant 3200 : i32
    %broadcast_in_dim3A_2483 = vector.broadcast %jit3A_2482 : i32 to vector<392x128xi32>
    %select_n3A_2484 = arith.select %eq3A_2478, %add3A_2481, %broadcast_in_dim3A_2483 : vector<392x128xi1>, vector<392x128xi32>
    %min3A_2485 = arith.minsi %min3A_2476, %select_n3A_2484 : vector<392x128xi32>
    %eq3A_2486 = vector.broadcast %broadcast_in_dim3A_2342 : vector<392x1xf32> to vector<392x128xf32>
    %eq3A_2487 = arith.cmpf oeq, %select_n3A_2251, %eq3A_2486 : vector<392x128xf32>
    %add3A_2488 = arith.constant 2048 : i32
    %add3A_2489 = vector.broadcast %add3A_2488 : i32 to vector<392x128xi32>
    %add3A_2490 = arith.addi %iota3A, %add3A_2489 : vector<392x128xi32>
    %jit3A_2491 = arith.constant 3200 : i32
    %broadcast_in_dim3A_2492 = vector.broadcast %jit3A_2491 : i32 to vector<392x128xi32>
    %select_n3A_2493 = arith.select %eq3A_2487, %add3A_2490, %broadcast_in_dim3A_2492 : vector<392x128xi1>, vector<392x128xi32>
    %min3A_2494 = arith.minsi %min3A_2485, %select_n3A_2493 : vector<392x128xi32>
    %eq3A_2495 = vector.broadcast %broadcast_in_dim3A_2342 : vector<392x1xf32> to vector<392x128xf32>
    %eq3A_2496 = arith.cmpf oeq, %select_n3A_2259, %eq3A_2495 : vector<392x128xf32>
    %add3A_2497 = arith.constant 2176 : i32
    %add3A_2498 = vector.broadcast %add3A_2497 : i32 to vector<392x128xi32>
    %add3A_2499 = arith.addi %iota3A, %add3A_2498 : vector<392x128xi32>
    %jit3A_2500 = arith.constant 3200 : i32
    %broadcast_in_dim3A_2501 = vector.broadcast %jit3A_2500 : i32 to vector<392x128xi32>
    %select_n3A_2502 = arith.select %eq3A_2496, %add3A_2499, %broadcast_in_dim3A_2501 : vector<392x128xi1>, vector<392x128xi32>
    %min3A_2503 = arith.minsi %min3A_2494, %select_n3A_2502 : vector<392x128xi32>
    %eq3A_2504 = vector.broadcast %broadcast_in_dim3A_2342 : vector<392x1xf32> to vector<392x128xf32>
    %eq3A_2505 = arith.cmpf oeq, %select_n3A_2267, %eq3A_2504 : vector<392x128xf32>
    %add3A_2506 = arith.constant 2304 : i32
    %add3A_2507 = vector.broadcast %add3A_2506 : i32 to vector<392x128xi32>
    %add3A_2508 = arith.addi %iota3A, %add3A_2507 : vector<392x128xi32>
    %jit3A_2509 = arith.constant 3200 : i32
    %broadcast_in_dim3A_2510 = vector.broadcast %jit3A_2509 : i32 to vector<392x128xi32>
    %select_n3A_2511 = arith.select %eq3A_2505, %add3A_2508, %broadcast_in_dim3A_2510 : vector<392x128xi1>, vector<392x128xi32>
    %min3A_2512 = arith.minsi %min3A_2503, %select_n3A_2511 : vector<392x128xi32>
    %eq3A_2513 = vector.broadcast %broadcast_in_dim3A_2342 : vector<392x1xf32> to vector<392x128xf32>
    %eq3A_2514 = arith.cmpf oeq, %select_n3A_2275, %eq3A_2513 : vector<392x128xf32>
    %add3A_2515 = arith.constant 2432 : i32
    %add3A_2516 = vector.broadcast %add3A_2515 : i32 to vector<392x128xi32>
    %add3A_2517 = arith.addi %iota3A, %add3A_2516 : vector<392x128xi32>
    %jit3A_2518 = arith.constant 3200 : i32
    %broadcast_in_dim3A_2519 = vector.broadcast %jit3A_2518 : i32 to vector<392x128xi32>
    %select_n3A_2520 = arith.select %eq3A_2514, %add3A_2517, %broadcast_in_dim3A_2519 : vector<392x128xi1>, vector<392x128xi32>
    %min3A_2521 = arith.minsi %min3A_2512, %select_n3A_2520 : vector<392x128xi32>
    %eq3A_2522 = vector.broadcast %broadcast_in_dim3A_2342 : vector<392x1xf32> to vector<392x128xf32>
    %eq3A_2523 = arith.cmpf oeq, %select_n3A_2283, %eq3A_2522 : vector<392x128xf32>
    %add3A_2524 = arith.constant 2560 : i32
    %add3A_2525 = vector.broadcast %add3A_2524 : i32 to vector<392x128xi32>
    %add3A_2526 = arith.addi %iota3A, %add3A_2525 : vector<392x128xi32>
    %jit3A_2527 = arith.constant 3200 : i32
    %broadcast_in_dim3A_2528 = vector.broadcast %jit3A_2527 : i32 to vector<392x128xi32>
    %select_n3A_2529 = arith.select %eq3A_2523, %add3A_2526, %broadcast_in_dim3A_2528 : vector<392x128xi1>, vector<392x128xi32>
    %min3A_2530 = arith.minsi %min3A_2521, %select_n3A_2529 : vector<392x128xi32>
    %eq3A_2531 = vector.broadcast %broadcast_in_dim3A_2342 : vector<392x1xf32> to vector<392x128xf32>
    %eq3A_2532 = arith.cmpf oeq, %select_n3A_2291, %eq3A_2531 : vector<392x128xf32>
    %add3A_2533 = arith.constant 2688 : i32
    %add3A_2534 = vector.broadcast %add3A_2533 : i32 to vector<392x128xi32>
    %add3A_2535 = arith.addi %iota3A, %add3A_2534 : vector<392x128xi32>
    %jit3A_2536 = arith.constant 3200 : i32
    %broadcast_in_dim3A_2537 = vector.broadcast %jit3A_2536 : i32 to vector<392x128xi32>
    %select_n3A_2538 = arith.select %eq3A_2532, %add3A_2535, %broadcast_in_dim3A_2537 : vector<392x128xi1>, vector<392x128xi32>
    %min3A_2539 = arith.minsi %min3A_2530, %select_n3A_2538 : vector<392x128xi32>
    %eq3A_2540 = vector.broadcast %broadcast_in_dim3A_2342 : vector<392x1xf32> to vector<392x128xf32>
    %eq3A_2541 = arith.cmpf oeq, %select_n3A_2299, %eq3A_2540 : vector<392x128xf32>
    %add3A_2542 = arith.constant 2816 : i32
    %add3A_2543 = vector.broadcast %add3A_2542 : i32 to vector<392x128xi32>
    %add3A_2544 = arith.addi %iota3A, %add3A_2543 : vector<392x128xi32>
    %jit3A_2545 = arith.constant 3200 : i32
    %broadcast_in_dim3A_2546 = vector.broadcast %jit3A_2545 : i32 to vector<392x128xi32>
    %select_n3A_2547 = arith.select %eq3A_2541, %add3A_2544, %broadcast_in_dim3A_2546 : vector<392x128xi1>, vector<392x128xi32>
    %min3A_2548 = arith.minsi %min3A_2539, %select_n3A_2547 : vector<392x128xi32>
    %eq3A_2549 = vector.broadcast %broadcast_in_dim3A_2342 : vector<392x1xf32> to vector<392x128xf32>
    %eq3A_2550 = arith.cmpf oeq, %select_n3A_2307, %eq3A_2549 : vector<392x128xf32>
    %add3A_2551 = arith.constant 2944 : i32
    %add3A_2552 = vector.broadcast %add3A_2551 : i32 to vector<392x128xi32>
    %add3A_2553 = arith.addi %iota3A, %add3A_2552 : vector<392x128xi32>
    %jit3A_2554 = arith.constant 3200 : i32
    %broadcast_in_dim3A_2555 = vector.broadcast %jit3A_2554 : i32 to vector<392x128xi32>
    %select_n3A_2556 = arith.select %eq3A_2550, %add3A_2553, %broadcast_in_dim3A_2555 : vector<392x128xi1>, vector<392x128xi32>
    %min3A_2557 = arith.minsi %min3A_2548, %select_n3A_2556 : vector<392x128xi32>
    %eq3A_2558 = vector.broadcast %broadcast_in_dim3A_2342 : vector<392x1xf32> to vector<392x128xf32>
    %eq3A_2559 = arith.cmpf oeq, %select_n3A_2315, %eq3A_2558 : vector<392x128xf32>
    %add3A_2560 = arith.constant 3072 : i32
    %add3A_2561 = vector.broadcast %add3A_2560 : i32 to vector<392x128xi32>
    %add3A_2562 = arith.addi %iota3A, %add3A_2561 : vector<392x128xi32>
    %jit3A_2563 = arith.constant 3200 : i32
    %broadcast_in_dim3A_2564 = vector.broadcast %jit3A_2563 : i32 to vector<392x128xi32>
    %select_n3A_2565 = arith.select %eq3A_2559, %add3A_2562, %broadcast_in_dim3A_2564 : vector<392x128xi1>, vector<392x128xi32>
    %min3A_2566 = arith.minsi %min3A_2557, %select_n3A_2565 : vector<392x128xi32>
    %reduce_min3A_2567 = arith.constant dense<2147483647> : vector<392xi32>
    %reduce_min3A_2568 = vector.multi_reduction <minsi>, %min3A_2566, %reduce_min3A_2567 [1] : vector<392x128xi32> to vector<392xi32>
    %broadcast_in_dim3A_2569 = vector.shape_cast %reduce_min3A_2568 : vector<392xi32> to vector<392x1xi32>
    %squeeze3A_2570 = vector.shape_cast %broadcast_in_dim3A_2569 : vector<392x1xi32> to vector<392xi32>
    %add3A_2571 = arith.constant 0 : i32
    %add3A_2572 = vector.broadcast %add3A_2571 : i32 to vector<392x128xi32>
    %add3A_2573 = arith.addi %iota3A, %add3A_2572 : vector<392x128xi32>
    %eq3A_2574 = vector.broadcast %broadcast_in_dim3A_2569 : vector<392x1xi32> to vector<392x128xi32>
    %eq3A_2575 = arith.cmpi eq, %add3A_2573, %eq3A_2574 : vector<392x128xi32>
    %jit3A_2576 = arith.constant 0x7F800000 : f32
    %broadcast_in_dim3A_2577 = vector.broadcast %jit3A_2576 : f32 to vector<392x128xf32>
    %select_n3A_2578 = arith.select %eq3A_2575, %broadcast_in_dim3A_2577, %select_n3A_2123 : vector<392x128xi1>, vector<392x128xf32>
    %add3A_2579 = arith.constant 128 : i32
    %add3A_2580 = vector.broadcast %add3A_2579 : i32 to vector<392x128xi32>
    %add3A_2581 = arith.addi %iota3A, %add3A_2580 : vector<392x128xi32>
    %eq3A_2582 = vector.broadcast %broadcast_in_dim3A_2569 : vector<392x1xi32> to vector<392x128xi32>
    %eq3A_2583 = arith.cmpi eq, %add3A_2581, %eq3A_2582 : vector<392x128xi32>
    %jit3A_2584 = arith.constant 0x7F800000 : f32
    %broadcast_in_dim3A_2585 = vector.broadcast %jit3A_2584 : f32 to vector<392x128xf32>
    %select_n3A_2586 = arith.select %eq3A_2583, %broadcast_in_dim3A_2585, %select_n3A_2131 : vector<392x128xi1>, vector<392x128xf32>
    %add3A_2587 = arith.constant 256 : i32
    %add3A_2588 = vector.broadcast %add3A_2587 : i32 to vector<392x128xi32>
    %add3A_2589 = arith.addi %iota3A, %add3A_2588 : vector<392x128xi32>
    %eq3A_2590 = vector.broadcast %broadcast_in_dim3A_2569 : vector<392x1xi32> to vector<392x128xi32>
    %eq3A_2591 = arith.cmpi eq, %add3A_2589, %eq3A_2590 : vector<392x128xi32>
    %jit3A_2592 = arith.constant 0x7F800000 : f32
    %broadcast_in_dim3A_2593 = vector.broadcast %jit3A_2592 : f32 to vector<392x128xf32>
    %select_n3A_2594 = arith.select %eq3A_2591, %broadcast_in_dim3A_2593, %select_n3A_2139 : vector<392x128xi1>, vector<392x128xf32>
    %add3A_2595 = arith.constant 384 : i32
    %add3A_2596 = vector.broadcast %add3A_2595 : i32 to vector<392x128xi32>
    %add3A_2597 = arith.addi %iota3A, %add3A_2596 : vector<392x128xi32>
    %eq3A_2598 = vector.broadcast %broadcast_in_dim3A_2569 : vector<392x1xi32> to vector<392x128xi32>
    %eq3A_2599 = arith.cmpi eq, %add3A_2597, %eq3A_2598 : vector<392x128xi32>
    %jit3A_2600 = arith.constant 0x7F800000 : f32
    %broadcast_in_dim3A_2601 = vector.broadcast %jit3A_2600 : f32 to vector<392x128xf32>
    %select_n3A_2602 = arith.select %eq3A_2599, %broadcast_in_dim3A_2601, %select_n3A_2147 : vector<392x128xi1>, vector<392x128xf32>
    %add3A_2603 = arith.constant 512 : i32
    %add3A_2604 = vector.broadcast %add3A_2603 : i32 to vector<392x128xi32>
    %add3A_2605 = arith.addi %iota3A, %add3A_2604 : vector<392x128xi32>
    %eq3A_2606 = vector.broadcast %broadcast_in_dim3A_2569 : vector<392x1xi32> to vector<392x128xi32>
    %eq3A_2607 = arith.cmpi eq, %add3A_2605, %eq3A_2606 : vector<392x128xi32>
    %jit3A_2608 = arith.constant 0x7F800000 : f32
    %broadcast_in_dim3A_2609 = vector.broadcast %jit3A_2608 : f32 to vector<392x128xf32>
    %select_n3A_2610 = arith.select %eq3A_2607, %broadcast_in_dim3A_2609, %select_n3A_2155 : vector<392x128xi1>, vector<392x128xf32>
    %add3A_2611 = arith.constant 640 : i32
    %add3A_2612 = vector.broadcast %add3A_2611 : i32 to vector<392x128xi32>
    %add3A_2613 = arith.addi %iota3A, %add3A_2612 : vector<392x128xi32>
    %eq3A_2614 = vector.broadcast %broadcast_in_dim3A_2569 : vector<392x1xi32> to vector<392x128xi32>
    %eq3A_2615 = arith.cmpi eq, %add3A_2613, %eq3A_2614 : vector<392x128xi32>
    %jit3A_2616 = arith.constant 0x7F800000 : f32
    %broadcast_in_dim3A_2617 = vector.broadcast %jit3A_2616 : f32 to vector<392x128xf32>
    %select_n3A_2618 = arith.select %eq3A_2615, %broadcast_in_dim3A_2617, %select_n3A_2163 : vector<392x128xi1>, vector<392x128xf32>
    %add3A_2619 = arith.constant 768 : i32
    %add3A_2620 = vector.broadcast %add3A_2619 : i32 to vector<392x128xi32>
    %add3A_2621 = arith.addi %iota3A, %add3A_2620 : vector<392x128xi32>
    %eq3A_2622 = vector.broadcast %broadcast_in_dim3A_2569 : vector<392x1xi32> to vector<392x128xi32>
    %eq3A_2623 = arith.cmpi eq, %add3A_2621, %eq3A_2622 : vector<392x128xi32>
    %jit3A_2624 = arith.constant 0x7F800000 : f32
    %broadcast_in_dim3A_2625 = vector.broadcast %jit3A_2624 : f32 to vector<392x128xf32>
    %select_n3A_2626 = arith.select %eq3A_2623, %broadcast_in_dim3A_2625, %select_n3A_2171 : vector<392x128xi1>, vector<392x128xf32>
    %add3A_2627 = arith.constant 896 : i32
    %add3A_2628 = vector.broadcast %add3A_2627 : i32 to vector<392x128xi32>
    %add3A_2629 = arith.addi %iota3A, %add3A_2628 : vector<392x128xi32>
    %eq3A_2630 = vector.broadcast %broadcast_in_dim3A_2569 : vector<392x1xi32> to vector<392x128xi32>
    %eq3A_2631 = arith.cmpi eq, %add3A_2629, %eq3A_2630 : vector<392x128xi32>
    %jit3A_2632 = arith.constant 0x7F800000 : f32
    %broadcast_in_dim3A_2633 = vector.broadcast %jit3A_2632 : f32 to vector<392x128xf32>
    %select_n3A_2634 = arith.select %eq3A_2631, %broadcast_in_dim3A_2633, %select_n3A_2179 : vector<392x128xi1>, vector<392x128xf32>
    %add3A_2635 = arith.constant 1024 : i32
    %add3A_2636 = vector.broadcast %add3A_2635 : i32 to vector<392x128xi32>
    %add3A_2637 = arith.addi %iota3A, %add3A_2636 : vector<392x128xi32>
    %eq3A_2638 = vector.broadcast %broadcast_in_dim3A_2569 : vector<392x1xi32> to vector<392x128xi32>
    %eq3A_2639 = arith.cmpi eq, %add3A_2637, %eq3A_2638 : vector<392x128xi32>
    %jit3A_2640 = arith.constant 0x7F800000 : f32
    %broadcast_in_dim3A_2641 = vector.broadcast %jit3A_2640 : f32 to vector<392x128xf32>
    %select_n3A_2642 = arith.select %eq3A_2639, %broadcast_in_dim3A_2641, %select_n3A_2187 : vector<392x128xi1>, vector<392x128xf32>
    %add3A_2643 = arith.constant 1152 : i32
    %add3A_2644 = vector.broadcast %add3A_2643 : i32 to vector<392x128xi32>
    %add3A_2645 = arith.addi %iota3A, %add3A_2644 : vector<392x128xi32>
    %eq3A_2646 = vector.broadcast %broadcast_in_dim3A_2569 : vector<392x1xi32> to vector<392x128xi32>
    %eq3A_2647 = arith.cmpi eq, %add3A_2645, %eq3A_2646 : vector<392x128xi32>
    %jit3A_2648 = arith.constant 0x7F800000 : f32
    %broadcast_in_dim3A_2649 = vector.broadcast %jit3A_2648 : f32 to vector<392x128xf32>
    %select_n3A_2650 = arith.select %eq3A_2647, %broadcast_in_dim3A_2649, %select_n3A_2195 : vector<392x128xi1>, vector<392x128xf32>
    %add3A_2651 = arith.constant 1280 : i32
    %add3A_2652 = vector.broadcast %add3A_2651 : i32 to vector<392x128xi32>
    %add3A_2653 = arith.addi %iota3A, %add3A_2652 : vector<392x128xi32>
    %eq3A_2654 = vector.broadcast %broadcast_in_dim3A_2569 : vector<392x1xi32> to vector<392x128xi32>
    %eq3A_2655 = arith.cmpi eq, %add3A_2653, %eq3A_2654 : vector<392x128xi32>
    %jit3A_2656 = arith.constant 0x7F800000 : f32
    %broadcast_in_dim3A_2657 = vector.broadcast %jit3A_2656 : f32 to vector<392x128xf32>
    %select_n3A_2658 = arith.select %eq3A_2655, %broadcast_in_dim3A_2657, %select_n3A_2203 : vector<392x128xi1>, vector<392x128xf32>
    %add3A_2659 = arith.constant 1408 : i32
    %add3A_2660 = vector.broadcast %add3A_2659 : i32 to vector<392x128xi32>
    %add3A_2661 = arith.addi %iota3A, %add3A_2660 : vector<392x128xi32>
    %eq3A_2662 = vector.broadcast %broadcast_in_dim3A_2569 : vector<392x1xi32> to vector<392x128xi32>
    %eq3A_2663 = arith.cmpi eq, %add3A_2661, %eq3A_2662 : vector<392x128xi32>
    %jit3A_2664 = arith.constant 0x7F800000 : f32
    %broadcast_in_dim3A_2665 = vector.broadcast %jit3A_2664 : f32 to vector<392x128xf32>
    %select_n3A_2666 = arith.select %eq3A_2663, %broadcast_in_dim3A_2665, %select_n3A_2211 : vector<392x128xi1>, vector<392x128xf32>
    %add3A_2667 = arith.constant 1536 : i32
    %add3A_2668 = vector.broadcast %add3A_2667 : i32 to vector<392x128xi32>
    %add3A_2669 = arith.addi %iota3A, %add3A_2668 : vector<392x128xi32>
    %eq3A_2670 = vector.broadcast %broadcast_in_dim3A_2569 : vector<392x1xi32> to vector<392x128xi32>
    %eq3A_2671 = arith.cmpi eq, %add3A_2669, %eq3A_2670 : vector<392x128xi32>
    %jit3A_2672 = arith.constant 0x7F800000 : f32
    %broadcast_in_dim3A_2673 = vector.broadcast %jit3A_2672 : f32 to vector<392x128xf32>
    %select_n3A_2674 = arith.select %eq3A_2671, %broadcast_in_dim3A_2673, %select_n3A_2219 : vector<392x128xi1>, vector<392x128xf32>
    %add3A_2675 = arith.constant 1664 : i32
    %add3A_2676 = vector.broadcast %add3A_2675 : i32 to vector<392x128xi32>
    %add3A_2677 = arith.addi %iota3A, %add3A_2676 : vector<392x128xi32>
    %eq3A_2678 = vector.broadcast %broadcast_in_dim3A_2569 : vector<392x1xi32> to vector<392x128xi32>
    %eq3A_2679 = arith.cmpi eq, %add3A_2677, %eq3A_2678 : vector<392x128xi32>
    %jit3A_2680 = arith.constant 0x7F800000 : f32
    %broadcast_in_dim3A_2681 = vector.broadcast %jit3A_2680 : f32 to vector<392x128xf32>
    %select_n3A_2682 = arith.select %eq3A_2679, %broadcast_in_dim3A_2681, %select_n3A_2227 : vector<392x128xi1>, vector<392x128xf32>
    %add3A_2683 = arith.constant 1792 : i32
    %add3A_2684 = vector.broadcast %add3A_2683 : i32 to vector<392x128xi32>
    %add3A_2685 = arith.addi %iota3A, %add3A_2684 : vector<392x128xi32>
    %eq3A_2686 = vector.broadcast %broadcast_in_dim3A_2569 : vector<392x1xi32> to vector<392x128xi32>
    %eq3A_2687 = arith.cmpi eq, %add3A_2685, %eq3A_2686 : vector<392x128xi32>
    %jit3A_2688 = arith.constant 0x7F800000 : f32
    %broadcast_in_dim3A_2689 = vector.broadcast %jit3A_2688 : f32 to vector<392x128xf32>
    %select_n3A_2690 = arith.select %eq3A_2687, %broadcast_in_dim3A_2689, %select_n3A_2235 : vector<392x128xi1>, vector<392x128xf32>
    %add3A_2691 = arith.constant 1920 : i32
    %add3A_2692 = vector.broadcast %add3A_2691 : i32 to vector<392x128xi32>
    %add3A_2693 = arith.addi %iota3A, %add3A_2692 : vector<392x128xi32>
    %eq3A_2694 = vector.broadcast %broadcast_in_dim3A_2569 : vector<392x1xi32> to vector<392x128xi32>
    %eq3A_2695 = arith.cmpi eq, %add3A_2693, %eq3A_2694 : vector<392x128xi32>
    %jit3A_2696 = arith.constant 0x7F800000 : f32
    %broadcast_in_dim3A_2697 = vector.broadcast %jit3A_2696 : f32 to vector<392x128xf32>
    %select_n3A_2698 = arith.select %eq3A_2695, %broadcast_in_dim3A_2697, %select_n3A_2243 : vector<392x128xi1>, vector<392x128xf32>
    %add3A_2699 = arith.constant 2048 : i32
    %add3A_2700 = vector.broadcast %add3A_2699 : i32 to vector<392x128xi32>
    %add3A_2701 = arith.addi %iota3A, %add3A_2700 : vector<392x128xi32>
    %eq3A_2702 = vector.broadcast %broadcast_in_dim3A_2569 : vector<392x1xi32> to vector<392x128xi32>
    %eq3A_2703 = arith.cmpi eq, %add3A_2701, %eq3A_2702 : vector<392x128xi32>
    %jit3A_2704 = arith.constant 0x7F800000 : f32
    %broadcast_in_dim3A_2705 = vector.broadcast %jit3A_2704 : f32 to vector<392x128xf32>
    %select_n3A_2706 = arith.select %eq3A_2703, %broadcast_in_dim3A_2705, %select_n3A_2251 : vector<392x128xi1>, vector<392x128xf32>
    %add3A_2707 = arith.constant 2176 : i32
    %add3A_2708 = vector.broadcast %add3A_2707 : i32 to vector<392x128xi32>
    %add3A_2709 = arith.addi %iota3A, %add3A_2708 : vector<392x128xi32>
    %eq3A_2710 = vector.broadcast %broadcast_in_dim3A_2569 : vector<392x1xi32> to vector<392x128xi32>
    %eq3A_2711 = arith.cmpi eq, %add3A_2709, %eq3A_2710 : vector<392x128xi32>
    %jit3A_2712 = arith.constant 0x7F800000 : f32
    %broadcast_in_dim3A_2713 = vector.broadcast %jit3A_2712 : f32 to vector<392x128xf32>
    %select_n3A_2714 = arith.select %eq3A_2711, %broadcast_in_dim3A_2713, %select_n3A_2259 : vector<392x128xi1>, vector<392x128xf32>
    %add3A_2715 = arith.constant 2304 : i32
    %add3A_2716 = vector.broadcast %add3A_2715 : i32 to vector<392x128xi32>
    %add3A_2717 = arith.addi %iota3A, %add3A_2716 : vector<392x128xi32>
    %eq3A_2718 = vector.broadcast %broadcast_in_dim3A_2569 : vector<392x1xi32> to vector<392x128xi32>
    %eq3A_2719 = arith.cmpi eq, %add3A_2717, %eq3A_2718 : vector<392x128xi32>
    %jit3A_2720 = arith.constant 0x7F800000 : f32
    %broadcast_in_dim3A_2721 = vector.broadcast %jit3A_2720 : f32 to vector<392x128xf32>
    %select_n3A_2722 = arith.select %eq3A_2719, %broadcast_in_dim3A_2721, %select_n3A_2267 : vector<392x128xi1>, vector<392x128xf32>
    %add3A_2723 = arith.constant 2432 : i32
    %add3A_2724 = vector.broadcast %add3A_2723 : i32 to vector<392x128xi32>
    %add3A_2725 = arith.addi %iota3A, %add3A_2724 : vector<392x128xi32>
    %eq3A_2726 = vector.broadcast %broadcast_in_dim3A_2569 : vector<392x1xi32> to vector<392x128xi32>
    %eq3A_2727 = arith.cmpi eq, %add3A_2725, %eq3A_2726 : vector<392x128xi32>
    %jit3A_2728 = arith.constant 0x7F800000 : f32
    %broadcast_in_dim3A_2729 = vector.broadcast %jit3A_2728 : f32 to vector<392x128xf32>
    %select_n3A_2730 = arith.select %eq3A_2727, %broadcast_in_dim3A_2729, %select_n3A_2275 : vector<392x128xi1>, vector<392x128xf32>
    %add3A_2731 = arith.constant 2560 : i32
    %add3A_2732 = vector.broadcast %add3A_2731 : i32 to vector<392x128xi32>
    %add3A_2733 = arith.addi %iota3A, %add3A_2732 : vector<392x128xi32>
    %eq3A_2734 = vector.broadcast %broadcast_in_dim3A_2569 : vector<392x1xi32> to vector<392x128xi32>
    %eq3A_2735 = arith.cmpi eq, %add3A_2733, %eq3A_2734 : vector<392x128xi32>
    %jit3A_2736 = arith.constant 0x7F800000 : f32
    %broadcast_in_dim3A_2737 = vector.broadcast %jit3A_2736 : f32 to vector<392x128xf32>
    %select_n3A_2738 = arith.select %eq3A_2735, %broadcast_in_dim3A_2737, %select_n3A_2283 : vector<392x128xi1>, vector<392x128xf32>
    %add3A_2739 = arith.constant 2688 : i32
    %add3A_2740 = vector.broadcast %add3A_2739 : i32 to vector<392x128xi32>
    %add3A_2741 = arith.addi %iota3A, %add3A_2740 : vector<392x128xi32>
    %eq3A_2742 = vector.broadcast %broadcast_in_dim3A_2569 : vector<392x1xi32> to vector<392x128xi32>
    %eq3A_2743 = arith.cmpi eq, %add3A_2741, %eq3A_2742 : vector<392x128xi32>
    %jit3A_2744 = arith.constant 0x7F800000 : f32
    %broadcast_in_dim3A_2745 = vector.broadcast %jit3A_2744 : f32 to vector<392x128xf32>
    %select_n3A_2746 = arith.select %eq3A_2743, %broadcast_in_dim3A_2745, %select_n3A_2291 : vector<392x128xi1>, vector<392x128xf32>
    %add3A_2747 = arith.constant 2816 : i32
    %add3A_2748 = vector.broadcast %add3A_2747 : i32 to vector<392x128xi32>
    %add3A_2749 = arith.addi %iota3A, %add3A_2748 : vector<392x128xi32>
    %eq3A_2750 = vector.broadcast %broadcast_in_dim3A_2569 : vector<392x1xi32> to vector<392x128xi32>
    %eq3A_2751 = arith.cmpi eq, %add3A_2749, %eq3A_2750 : vector<392x128xi32>
    %jit3A_2752 = arith.constant 0x7F800000 : f32
    %broadcast_in_dim3A_2753 = vector.broadcast %jit3A_2752 : f32 to vector<392x128xf32>
    %select_n3A_2754 = arith.select %eq3A_2751, %broadcast_in_dim3A_2753, %select_n3A_2299 : vector<392x128xi1>, vector<392x128xf32>
    %add3A_2755 = arith.constant 2944 : i32
    %add3A_2756 = vector.broadcast %add3A_2755 : i32 to vector<392x128xi32>
    %add3A_2757 = arith.addi %iota3A, %add3A_2756 : vector<392x128xi32>
    %eq3A_2758 = vector.broadcast %broadcast_in_dim3A_2569 : vector<392x1xi32> to vector<392x128xi32>
    %eq3A_2759 = arith.cmpi eq, %add3A_2757, %eq3A_2758 : vector<392x128xi32>
    %jit3A_2760 = arith.constant 0x7F800000 : f32
    %broadcast_in_dim3A_2761 = vector.broadcast %jit3A_2760 : f32 to vector<392x128xf32>
    %select_n3A_2762 = arith.select %eq3A_2759, %broadcast_in_dim3A_2761, %select_n3A_2307 : vector<392x128xi1>, vector<392x128xf32>
    %add3A_2763 = arith.constant 3072 : i32
    %add3A_2764 = vector.broadcast %add3A_2763 : i32 to vector<392x128xi32>
    %add3A_2765 = arith.addi %iota3A, %add3A_2764 : vector<392x128xi32>
    %eq3A_2766 = vector.broadcast %broadcast_in_dim3A_2569 : vector<392x1xi32> to vector<392x128xi32>
    %eq3A_2767 = arith.cmpi eq, %add3A_2765, %eq3A_2766 : vector<392x128xi32>
    %jit3A_2768 = arith.constant 0x7F800000 : f32
    %broadcast_in_dim3A_2769 = vector.broadcast %jit3A_2768 : f32 to vector<392x128xf32>
    %select_n3A_2770 = arith.select %eq3A_2767, %broadcast_in_dim3A_2769, %select_n3A_2315 : vector<392x128xi1>, vector<392x128xf32>
    %min3A_2771 = arith.minimumf %select_n3A_2578, %select_n3A_2586 : vector<392x128xf32>
    %min3A_2772 = arith.minimumf %min3A_2771, %select_n3A_2594 : vector<392x128xf32>
    %min3A_2773 = arith.minimumf %min3A_2772, %select_n3A_2602 : vector<392x128xf32>
    %min3A_2774 = arith.minimumf %min3A_2773, %select_n3A_2610 : vector<392x128xf32>
    %min3A_2775 = arith.minimumf %min3A_2774, %select_n3A_2618 : vector<392x128xf32>
    %min3A_2776 = arith.minimumf %min3A_2775, %select_n3A_2626 : vector<392x128xf32>
    %min3A_2777 = arith.minimumf %min3A_2776, %select_n3A_2634 : vector<392x128xf32>
    %min3A_2778 = arith.minimumf %min3A_2777, %select_n3A_2642 : vector<392x128xf32>
    %min3A_2779 = arith.minimumf %min3A_2778, %select_n3A_2650 : vector<392x128xf32>
    %min3A_2780 = arith.minimumf %min3A_2779, %select_n3A_2658 : vector<392x128xf32>
    %min3A_2781 = arith.minimumf %min3A_2780, %select_n3A_2666 : vector<392x128xf32>
    %min3A_2782 = arith.minimumf %min3A_2781, %select_n3A_2674 : vector<392x128xf32>
    %min3A_2783 = arith.minimumf %min3A_2782, %select_n3A_2682 : vector<392x128xf32>
    %min3A_2784 = arith.minimumf %min3A_2783, %select_n3A_2690 : vector<392x128xf32>
    %min3A_2785 = arith.minimumf %min3A_2784, %select_n3A_2698 : vector<392x128xf32>
    %min3A_2786 = arith.minimumf %min3A_2785, %select_n3A_2706 : vector<392x128xf32>
    %min3A_2787 = arith.minimumf %min3A_2786, %select_n3A_2714 : vector<392x128xf32>
    %min3A_2788 = arith.minimumf %min3A_2787, %select_n3A_2722 : vector<392x128xf32>
    %min3A_2789 = arith.minimumf %min3A_2788, %select_n3A_2730 : vector<392x128xf32>
    %min3A_2790 = arith.minimumf %min3A_2789, %select_n3A_2738 : vector<392x128xf32>
    %min3A_2791 = arith.minimumf %min3A_2790, %select_n3A_2746 : vector<392x128xf32>
    %min3A_2792 = arith.minimumf %min3A_2791, %select_n3A_2754 : vector<392x128xf32>
    %min3A_2793 = arith.minimumf %min3A_2792, %select_n3A_2762 : vector<392x128xf32>
    %min3A_2794 = arith.minimumf %min3A_2793, %select_n3A_2770 : vector<392x128xf32>
    %reduce_min3A_2795 = arith.constant dense<0x7F800000> : vector<392xf32>
    %reduce_min3A_2796 = vector.multi_reduction <minimumf>, %min3A_2794, %reduce_min3A_2795 [1] : vector<392x128xf32> to vector<392xf32>
    %broadcast_in_dim3A_2797 = vector.shape_cast %reduce_min3A_2796 : vector<392xf32> to vector<392x1xf32>
    %eq3A_2798 = vector.broadcast %broadcast_in_dim3A_2797 : vector<392x1xf32> to vector<392x128xf32>
    %eq3A_2799 = arith.cmpf oeq, %select_n3A_2578, %eq3A_2798 : vector<392x128xf32>
    %add3A_2800 = arith.constant 0 : i32
    %add3A_2801 = vector.broadcast %add3A_2800 : i32 to vector<392x128xi32>
    %add3A_2802 = arith.addi %iota3A, %add3A_2801 : vector<392x128xi32>
    %jit3A_2803 = arith.constant 3200 : i32
    %broadcast_in_dim3A_2804 = vector.broadcast %jit3A_2803 : i32 to vector<392x128xi32>
    %select_n3A_2805 = arith.select %eq3A_2799, %add3A_2802, %broadcast_in_dim3A_2804 : vector<392x128xi1>, vector<392x128xi32>
    %eq3A_2806 = vector.broadcast %broadcast_in_dim3A_2797 : vector<392x1xf32> to vector<392x128xf32>
    %eq3A_2807 = arith.cmpf oeq, %select_n3A_2586, %eq3A_2806 : vector<392x128xf32>
    %add3A_2808 = arith.constant 128 : i32
    %add3A_2809 = vector.broadcast %add3A_2808 : i32 to vector<392x128xi32>
    %add3A_2810 = arith.addi %iota3A, %add3A_2809 : vector<392x128xi32>
    %jit3A_2811 = arith.constant 3200 : i32
    %broadcast_in_dim3A_2812 = vector.broadcast %jit3A_2811 : i32 to vector<392x128xi32>
    %select_n3A_2813 = arith.select %eq3A_2807, %add3A_2810, %broadcast_in_dim3A_2812 : vector<392x128xi1>, vector<392x128xi32>
    %min3A_2814 = arith.minsi %select_n3A_2805, %select_n3A_2813 : vector<392x128xi32>
    %eq3A_2815 = vector.broadcast %broadcast_in_dim3A_2797 : vector<392x1xf32> to vector<392x128xf32>
    %eq3A_2816 = arith.cmpf oeq, %select_n3A_2594, %eq3A_2815 : vector<392x128xf32>
    %add3A_2817 = arith.constant 256 : i32
    %add3A_2818 = vector.broadcast %add3A_2817 : i32 to vector<392x128xi32>
    %add3A_2819 = arith.addi %iota3A, %add3A_2818 : vector<392x128xi32>
    %jit3A_2820 = arith.constant 3200 : i32
    %broadcast_in_dim3A_2821 = vector.broadcast %jit3A_2820 : i32 to vector<392x128xi32>
    %select_n3A_2822 = arith.select %eq3A_2816, %add3A_2819, %broadcast_in_dim3A_2821 : vector<392x128xi1>, vector<392x128xi32>
    %min3A_2823 = arith.minsi %min3A_2814, %select_n3A_2822 : vector<392x128xi32>
    %eq3A_2824 = vector.broadcast %broadcast_in_dim3A_2797 : vector<392x1xf32> to vector<392x128xf32>
    %eq3A_2825 = arith.cmpf oeq, %select_n3A_2602, %eq3A_2824 : vector<392x128xf32>
    %add3A_2826 = arith.constant 384 : i32
    %add3A_2827 = vector.broadcast %add3A_2826 : i32 to vector<392x128xi32>
    %add3A_2828 = arith.addi %iota3A, %add3A_2827 : vector<392x128xi32>
    %jit3A_2829 = arith.constant 3200 : i32
    %broadcast_in_dim3A_2830 = vector.broadcast %jit3A_2829 : i32 to vector<392x128xi32>
    %select_n3A_2831 = arith.select %eq3A_2825, %add3A_2828, %broadcast_in_dim3A_2830 : vector<392x128xi1>, vector<392x128xi32>
    %min3A_2832 = arith.minsi %min3A_2823, %select_n3A_2831 : vector<392x128xi32>
    %eq3A_2833 = vector.broadcast %broadcast_in_dim3A_2797 : vector<392x1xf32> to vector<392x128xf32>
    %eq3A_2834 = arith.cmpf oeq, %select_n3A_2610, %eq3A_2833 : vector<392x128xf32>
    %add3A_2835 = arith.constant 512 : i32
    %add3A_2836 = vector.broadcast %add3A_2835 : i32 to vector<392x128xi32>
    %add3A_2837 = arith.addi %iota3A, %add3A_2836 : vector<392x128xi32>
    %jit3A_2838 = arith.constant 3200 : i32
    %broadcast_in_dim3A_2839 = vector.broadcast %jit3A_2838 : i32 to vector<392x128xi32>
    %select_n3A_2840 = arith.select %eq3A_2834, %add3A_2837, %broadcast_in_dim3A_2839 : vector<392x128xi1>, vector<392x128xi32>
    %min3A_2841 = arith.minsi %min3A_2832, %select_n3A_2840 : vector<392x128xi32>
    %eq3A_2842 = vector.broadcast %broadcast_in_dim3A_2797 : vector<392x1xf32> to vector<392x128xf32>
    %eq3A_2843 = arith.cmpf oeq, %select_n3A_2618, %eq3A_2842 : vector<392x128xf32>
    %add3A_2844 = arith.constant 640 : i32
    %add3A_2845 = vector.broadcast %add3A_2844 : i32 to vector<392x128xi32>
    %add3A_2846 = arith.addi %iota3A, %add3A_2845 : vector<392x128xi32>
    %jit3A_2847 = arith.constant 3200 : i32
    %broadcast_in_dim3A_2848 = vector.broadcast %jit3A_2847 : i32 to vector<392x128xi32>
    %select_n3A_2849 = arith.select %eq3A_2843, %add3A_2846, %broadcast_in_dim3A_2848 : vector<392x128xi1>, vector<392x128xi32>
    %min3A_2850 = arith.minsi %min3A_2841, %select_n3A_2849 : vector<392x128xi32>
    %eq3A_2851 = vector.broadcast %broadcast_in_dim3A_2797 : vector<392x1xf32> to vector<392x128xf32>
    %eq3A_2852 = arith.cmpf oeq, %select_n3A_2626, %eq3A_2851 : vector<392x128xf32>
    %add3A_2853 = arith.constant 768 : i32
    %add3A_2854 = vector.broadcast %add3A_2853 : i32 to vector<392x128xi32>
    %add3A_2855 = arith.addi %iota3A, %add3A_2854 : vector<392x128xi32>
    %jit3A_2856 = arith.constant 3200 : i32
    %broadcast_in_dim3A_2857 = vector.broadcast %jit3A_2856 : i32 to vector<392x128xi32>
    %select_n3A_2858 = arith.select %eq3A_2852, %add3A_2855, %broadcast_in_dim3A_2857 : vector<392x128xi1>, vector<392x128xi32>
    %min3A_2859 = arith.minsi %min3A_2850, %select_n3A_2858 : vector<392x128xi32>
    %eq3A_2860 = vector.broadcast %broadcast_in_dim3A_2797 : vector<392x1xf32> to vector<392x128xf32>
    %eq3A_2861 = arith.cmpf oeq, %select_n3A_2634, %eq3A_2860 : vector<392x128xf32>
    %add3A_2862 = arith.constant 896 : i32
    %add3A_2863 = vector.broadcast %add3A_2862 : i32 to vector<392x128xi32>
    %add3A_2864 = arith.addi %iota3A, %add3A_2863 : vector<392x128xi32>
    %jit3A_2865 = arith.constant 3200 : i32
    %broadcast_in_dim3A_2866 = vector.broadcast %jit3A_2865 : i32 to vector<392x128xi32>
    %select_n3A_2867 = arith.select %eq3A_2861, %add3A_2864, %broadcast_in_dim3A_2866 : vector<392x128xi1>, vector<392x128xi32>
    %min3A_2868 = arith.minsi %min3A_2859, %select_n3A_2867 : vector<392x128xi32>
    %eq3A_2869 = vector.broadcast %broadcast_in_dim3A_2797 : vector<392x1xf32> to vector<392x128xf32>
    %eq3A_2870 = arith.cmpf oeq, %select_n3A_2642, %eq3A_2869 : vector<392x128xf32>
    %add3A_2871 = arith.constant 1024 : i32
    %add3A_2872 = vector.broadcast %add3A_2871 : i32 to vector<392x128xi32>
    %add3A_2873 = arith.addi %iota3A, %add3A_2872 : vector<392x128xi32>
    %jit3A_2874 = arith.constant 3200 : i32
    %broadcast_in_dim3A_2875 = vector.broadcast %jit3A_2874 : i32 to vector<392x128xi32>
    %select_n3A_2876 = arith.select %eq3A_2870, %add3A_2873, %broadcast_in_dim3A_2875 : vector<392x128xi1>, vector<392x128xi32>
    %min3A_2877 = arith.minsi %min3A_2868, %select_n3A_2876 : vector<392x128xi32>
    %eq3A_2878 = vector.broadcast %broadcast_in_dim3A_2797 : vector<392x1xf32> to vector<392x128xf32>
    %eq3A_2879 = arith.cmpf oeq, %select_n3A_2650, %eq3A_2878 : vector<392x128xf32>
    %add3A_2880 = arith.constant 1152 : i32
    %add3A_2881 = vector.broadcast %add3A_2880 : i32 to vector<392x128xi32>
    %add3A_2882 = arith.addi %iota3A, %add3A_2881 : vector<392x128xi32>
    %jit3A_2883 = arith.constant 3200 : i32
    %broadcast_in_dim3A_2884 = vector.broadcast %jit3A_2883 : i32 to vector<392x128xi32>
    %select_n3A_2885 = arith.select %eq3A_2879, %add3A_2882, %broadcast_in_dim3A_2884 : vector<392x128xi1>, vector<392x128xi32>
    %min3A_2886 = arith.minsi %min3A_2877, %select_n3A_2885 : vector<392x128xi32>
    %eq3A_2887 = vector.broadcast %broadcast_in_dim3A_2797 : vector<392x1xf32> to vector<392x128xf32>
    %eq3A_2888 = arith.cmpf oeq, %select_n3A_2658, %eq3A_2887 : vector<392x128xf32>
    %add3A_2889 = arith.constant 1280 : i32
    %add3A_2890 = vector.broadcast %add3A_2889 : i32 to vector<392x128xi32>
    %add3A_2891 = arith.addi %iota3A, %add3A_2890 : vector<392x128xi32>
    %jit3A_2892 = arith.constant 3200 : i32
    %broadcast_in_dim3A_2893 = vector.broadcast %jit3A_2892 : i32 to vector<392x128xi32>
    %select_n3A_2894 = arith.select %eq3A_2888, %add3A_2891, %broadcast_in_dim3A_2893 : vector<392x128xi1>, vector<392x128xi32>
    %min3A_2895 = arith.minsi %min3A_2886, %select_n3A_2894 : vector<392x128xi32>
    %eq3A_2896 = vector.broadcast %broadcast_in_dim3A_2797 : vector<392x1xf32> to vector<392x128xf32>
    %eq3A_2897 = arith.cmpf oeq, %select_n3A_2666, %eq3A_2896 : vector<392x128xf32>
    %add3A_2898 = arith.constant 1408 : i32
    %add3A_2899 = vector.broadcast %add3A_2898 : i32 to vector<392x128xi32>
    %add3A_2900 = arith.addi %iota3A, %add3A_2899 : vector<392x128xi32>
    %jit3A_2901 = arith.constant 3200 : i32
    %broadcast_in_dim3A_2902 = vector.broadcast %jit3A_2901 : i32 to vector<392x128xi32>
    %select_n3A_2903 = arith.select %eq3A_2897, %add3A_2900, %broadcast_in_dim3A_2902 : vector<392x128xi1>, vector<392x128xi32>
    %min3A_2904 = arith.minsi %min3A_2895, %select_n3A_2903 : vector<392x128xi32>
    %eq3A_2905 = vector.broadcast %broadcast_in_dim3A_2797 : vector<392x1xf32> to vector<392x128xf32>
    %eq3A_2906 = arith.cmpf oeq, %select_n3A_2674, %eq3A_2905 : vector<392x128xf32>
    %add3A_2907 = arith.constant 1536 : i32
    %add3A_2908 = vector.broadcast %add3A_2907 : i32 to vector<392x128xi32>
    %add3A_2909 = arith.addi %iota3A, %add3A_2908 : vector<392x128xi32>
    %jit3A_2910 = arith.constant 3200 : i32
    %broadcast_in_dim3A_2911 = vector.broadcast %jit3A_2910 : i32 to vector<392x128xi32>
    %select_n3A_2912 = arith.select %eq3A_2906, %add3A_2909, %broadcast_in_dim3A_2911 : vector<392x128xi1>, vector<392x128xi32>
    %min3A_2913 = arith.minsi %min3A_2904, %select_n3A_2912 : vector<392x128xi32>
    %eq3A_2914 = vector.broadcast %broadcast_in_dim3A_2797 : vector<392x1xf32> to vector<392x128xf32>
    %eq3A_2915 = arith.cmpf oeq, %select_n3A_2682, %eq3A_2914 : vector<392x128xf32>
    %add3A_2916 = arith.constant 1664 : i32
    %add3A_2917 = vector.broadcast %add3A_2916 : i32 to vector<392x128xi32>
    %add3A_2918 = arith.addi %iota3A, %add3A_2917 : vector<392x128xi32>
    %jit3A_2919 = arith.constant 3200 : i32
    %broadcast_in_dim3A_2920 = vector.broadcast %jit3A_2919 : i32 to vector<392x128xi32>
    %select_n3A_2921 = arith.select %eq3A_2915, %add3A_2918, %broadcast_in_dim3A_2920 : vector<392x128xi1>, vector<392x128xi32>
    %min3A_2922 = arith.minsi %min3A_2913, %select_n3A_2921 : vector<392x128xi32>
    %eq3A_2923 = vector.broadcast %broadcast_in_dim3A_2797 : vector<392x1xf32> to vector<392x128xf32>
    %eq3A_2924 = arith.cmpf oeq, %select_n3A_2690, %eq3A_2923 : vector<392x128xf32>
    %add3A_2925 = arith.constant 1792 : i32
    %add3A_2926 = vector.broadcast %add3A_2925 : i32 to vector<392x128xi32>
    %add3A_2927 = arith.addi %iota3A, %add3A_2926 : vector<392x128xi32>
    %jit3A_2928 = arith.constant 3200 : i32
    %broadcast_in_dim3A_2929 = vector.broadcast %jit3A_2928 : i32 to vector<392x128xi32>
    %select_n3A_2930 = arith.select %eq3A_2924, %add3A_2927, %broadcast_in_dim3A_2929 : vector<392x128xi1>, vector<392x128xi32>
    %min3A_2931 = arith.minsi %min3A_2922, %select_n3A_2930 : vector<392x128xi32>
    %eq3A_2932 = vector.broadcast %broadcast_in_dim3A_2797 : vector<392x1xf32> to vector<392x128xf32>
    %eq3A_2933 = arith.cmpf oeq, %select_n3A_2698, %eq3A_2932 : vector<392x128xf32>
    %add3A_2934 = arith.constant 1920 : i32
    %add3A_2935 = vector.broadcast %add3A_2934 : i32 to vector<392x128xi32>
    %add3A_2936 = arith.addi %iota3A, %add3A_2935 : vector<392x128xi32>
    %jit3A_2937 = arith.constant 3200 : i32
    %broadcast_in_dim3A_2938 = vector.broadcast %jit3A_2937 : i32 to vector<392x128xi32>
    %select_n3A_2939 = arith.select %eq3A_2933, %add3A_2936, %broadcast_in_dim3A_2938 : vector<392x128xi1>, vector<392x128xi32>
    %min3A_2940 = arith.minsi %min3A_2931, %select_n3A_2939 : vector<392x128xi32>
    %eq3A_2941 = vector.broadcast %broadcast_in_dim3A_2797 : vector<392x1xf32> to vector<392x128xf32>
    %eq3A_2942 = arith.cmpf oeq, %select_n3A_2706, %eq3A_2941 : vector<392x128xf32>
    %add3A_2943 = arith.constant 2048 : i32
    %add3A_2944 = vector.broadcast %add3A_2943 : i32 to vector<392x128xi32>
    %add3A_2945 = arith.addi %iota3A, %add3A_2944 : vector<392x128xi32>
    %jit3A_2946 = arith.constant 3200 : i32
    %broadcast_in_dim3A_2947 = vector.broadcast %jit3A_2946 : i32 to vector<392x128xi32>
    %select_n3A_2948 = arith.select %eq3A_2942, %add3A_2945, %broadcast_in_dim3A_2947 : vector<392x128xi1>, vector<392x128xi32>
    %min3A_2949 = arith.minsi %min3A_2940, %select_n3A_2948 : vector<392x128xi32>
    %eq3A_2950 = vector.broadcast %broadcast_in_dim3A_2797 : vector<392x1xf32> to vector<392x128xf32>
    %eq3A_2951 = arith.cmpf oeq, %select_n3A_2714, %eq3A_2950 : vector<392x128xf32>
    %add3A_2952 = arith.constant 2176 : i32
    %add3A_2953 = vector.broadcast %add3A_2952 : i32 to vector<392x128xi32>
    %add3A_2954 = arith.addi %iota3A, %add3A_2953 : vector<392x128xi32>
    %jit3A_2955 = arith.constant 3200 : i32
    %broadcast_in_dim3A_2956 = vector.broadcast %jit3A_2955 : i32 to vector<392x128xi32>
    %select_n3A_2957 = arith.select %eq3A_2951, %add3A_2954, %broadcast_in_dim3A_2956 : vector<392x128xi1>, vector<392x128xi32>
    %min3A_2958 = arith.minsi %min3A_2949, %select_n3A_2957 : vector<392x128xi32>
    %eq3A_2959 = vector.broadcast %broadcast_in_dim3A_2797 : vector<392x1xf32> to vector<392x128xf32>
    %eq3A_2960 = arith.cmpf oeq, %select_n3A_2722, %eq3A_2959 : vector<392x128xf32>
    %add3A_2961 = arith.constant 2304 : i32
    %add3A_2962 = vector.broadcast %add3A_2961 : i32 to vector<392x128xi32>
    %add3A_2963 = arith.addi %iota3A, %add3A_2962 : vector<392x128xi32>
    %jit3A_2964 = arith.constant 3200 : i32
    %broadcast_in_dim3A_2965 = vector.broadcast %jit3A_2964 : i32 to vector<392x128xi32>
    %select_n3A_2966 = arith.select %eq3A_2960, %add3A_2963, %broadcast_in_dim3A_2965 : vector<392x128xi1>, vector<392x128xi32>
    %min3A_2967 = arith.minsi %min3A_2958, %select_n3A_2966 : vector<392x128xi32>
    %eq3A_2968 = vector.broadcast %broadcast_in_dim3A_2797 : vector<392x1xf32> to vector<392x128xf32>
    %eq3A_2969 = arith.cmpf oeq, %select_n3A_2730, %eq3A_2968 : vector<392x128xf32>
    %add3A_2970 = arith.constant 2432 : i32
    %add3A_2971 = vector.broadcast %add3A_2970 : i32 to vector<392x128xi32>
    %add3A_2972 = arith.addi %iota3A, %add3A_2971 : vector<392x128xi32>
    %jit3A_2973 = arith.constant 3200 : i32
    %broadcast_in_dim3A_2974 = vector.broadcast %jit3A_2973 : i32 to vector<392x128xi32>
    %select_n3A_2975 = arith.select %eq3A_2969, %add3A_2972, %broadcast_in_dim3A_2974 : vector<392x128xi1>, vector<392x128xi32>
    %min3A_2976 = arith.minsi %min3A_2967, %select_n3A_2975 : vector<392x128xi32>
    %eq3A_2977 = vector.broadcast %broadcast_in_dim3A_2797 : vector<392x1xf32> to vector<392x128xf32>
    %eq3A_2978 = arith.cmpf oeq, %select_n3A_2738, %eq3A_2977 : vector<392x128xf32>
    %add3A_2979 = arith.constant 2560 : i32
    %add3A_2980 = vector.broadcast %add3A_2979 : i32 to vector<392x128xi32>
    %add3A_2981 = arith.addi %iota3A, %add3A_2980 : vector<392x128xi32>
    %jit3A_2982 = arith.constant 3200 : i32
    %broadcast_in_dim3A_2983 = vector.broadcast %jit3A_2982 : i32 to vector<392x128xi32>
    %select_n3A_2984 = arith.select %eq3A_2978, %add3A_2981, %broadcast_in_dim3A_2983 : vector<392x128xi1>, vector<392x128xi32>
    %min3A_2985 = arith.minsi %min3A_2976, %select_n3A_2984 : vector<392x128xi32>
    %eq3A_2986 = vector.broadcast %broadcast_in_dim3A_2797 : vector<392x1xf32> to vector<392x128xf32>
    %eq3A_2987 = arith.cmpf oeq, %select_n3A_2746, %eq3A_2986 : vector<392x128xf32>
    %add3A_2988 = arith.constant 2688 : i32
    %add3A_2989 = vector.broadcast %add3A_2988 : i32 to vector<392x128xi32>
    %add3A_2990 = arith.addi %iota3A, %add3A_2989 : vector<392x128xi32>
    %jit3A_2991 = arith.constant 3200 : i32
    %broadcast_in_dim3A_2992 = vector.broadcast %jit3A_2991 : i32 to vector<392x128xi32>
    %select_n3A_2993 = arith.select %eq3A_2987, %add3A_2990, %broadcast_in_dim3A_2992 : vector<392x128xi1>, vector<392x128xi32>
    %min3A_2994 = arith.minsi %min3A_2985, %select_n3A_2993 : vector<392x128xi32>
    %eq3A_2995 = vector.broadcast %broadcast_in_dim3A_2797 : vector<392x1xf32> to vector<392x128xf32>
    %eq3A_2996 = arith.cmpf oeq, %select_n3A_2754, %eq3A_2995 : vector<392x128xf32>
    %add3A_2997 = arith.constant 2816 : i32
    %add3A_2998 = vector.broadcast %add3A_2997 : i32 to vector<392x128xi32>
    %add3A_2999 = arith.addi %iota3A, %add3A_2998 : vector<392x128xi32>
    %jit3A_3000 = arith.constant 3200 : i32
    %broadcast_in_dim3A_3001 = vector.broadcast %jit3A_3000 : i32 to vector<392x128xi32>
    %select_n3A_3002 = arith.select %eq3A_2996, %add3A_2999, %broadcast_in_dim3A_3001 : vector<392x128xi1>, vector<392x128xi32>
    %min3A_3003 = arith.minsi %min3A_2994, %select_n3A_3002 : vector<392x128xi32>
    %eq3A_3004 = vector.broadcast %broadcast_in_dim3A_2797 : vector<392x1xf32> to vector<392x128xf32>
    %eq3A_3005 = arith.cmpf oeq, %select_n3A_2762, %eq3A_3004 : vector<392x128xf32>
    %add3A_3006 = arith.constant 2944 : i32
    %add3A_3007 = vector.broadcast %add3A_3006 : i32 to vector<392x128xi32>
    %add3A_3008 = arith.addi %iota3A, %add3A_3007 : vector<392x128xi32>
    %jit3A_3009 = arith.constant 3200 : i32
    %broadcast_in_dim3A_3010 = vector.broadcast %jit3A_3009 : i32 to vector<392x128xi32>
    %select_n3A_3011 = arith.select %eq3A_3005, %add3A_3008, %broadcast_in_dim3A_3010 : vector<392x128xi1>, vector<392x128xi32>
    %min3A_3012 = arith.minsi %min3A_3003, %select_n3A_3011 : vector<392x128xi32>
    %eq3A_3013 = vector.broadcast %broadcast_in_dim3A_2797 : vector<392x1xf32> to vector<392x128xf32>
    %eq3A_3014 = arith.cmpf oeq, %select_n3A_2770, %eq3A_3013 : vector<392x128xf32>
    %add3A_3015 = arith.constant 3072 : i32
    %add3A_3016 = vector.broadcast %add3A_3015 : i32 to vector<392x128xi32>
    %add3A_3017 = arith.addi %iota3A, %add3A_3016 : vector<392x128xi32>
    %jit3A_3018 = arith.constant 3200 : i32
    %broadcast_in_dim3A_3019 = vector.broadcast %jit3A_3018 : i32 to vector<392x128xi32>
    %select_n3A_3020 = arith.select %eq3A_3014, %add3A_3017, %broadcast_in_dim3A_3019 : vector<392x128xi1>, vector<392x128xi32>
    %min3A_3021 = arith.minsi %min3A_3012, %select_n3A_3020 : vector<392x128xi32>
    %reduce_min3A_3022 = arith.constant dense<2147483647> : vector<392xi32>
    %reduce_min3A_3023 = vector.multi_reduction <minsi>, %min3A_3021, %reduce_min3A_3022 [1] : vector<392x128xi32> to vector<392xi32>
    %broadcast_in_dim3A_3024 = vector.shape_cast %reduce_min3A_3023 : vector<392xi32> to vector<392x1xi32>
    %squeeze3A_3025 = vector.shape_cast %broadcast_in_dim3A_3024 : vector<392x1xi32> to vector<392xi32>
    %add3A_3026 = arith.constant 0 : i32
    %add3A_3027 = vector.broadcast %add3A_3026 : i32 to vector<392x128xi32>
    %add3A_3028 = arith.addi %iota3A, %add3A_3027 : vector<392x128xi32>
    %eq3A_3029 = vector.broadcast %broadcast_in_dim3A_3024 : vector<392x1xi32> to vector<392x128xi32>
    %eq3A_3030 = arith.cmpi eq, %add3A_3028, %eq3A_3029 : vector<392x128xi32>
    %jit3A_3031 = arith.constant 0x7F800000 : f32
    %broadcast_in_dim3A_3032 = vector.broadcast %jit3A_3031 : f32 to vector<392x128xf32>
    %select_n3A_3033 = arith.select %eq3A_3030, %broadcast_in_dim3A_3032, %select_n3A_2578 : vector<392x128xi1>, vector<392x128xf32>
    %add3A_3034 = arith.constant 128 : i32
    %add3A_3035 = vector.broadcast %add3A_3034 : i32 to vector<392x128xi32>
    %add3A_3036 = arith.addi %iota3A, %add3A_3035 : vector<392x128xi32>
    %eq3A_3037 = vector.broadcast %broadcast_in_dim3A_3024 : vector<392x1xi32> to vector<392x128xi32>
    %eq3A_3038 = arith.cmpi eq, %add3A_3036, %eq3A_3037 : vector<392x128xi32>
    %jit3A_3039 = arith.constant 0x7F800000 : f32
    %broadcast_in_dim3A_3040 = vector.broadcast %jit3A_3039 : f32 to vector<392x128xf32>
    %select_n3A_3041 = arith.select %eq3A_3038, %broadcast_in_dim3A_3040, %select_n3A_2586 : vector<392x128xi1>, vector<392x128xf32>
    %add3A_3042 = arith.constant 256 : i32
    %add3A_3043 = vector.broadcast %add3A_3042 : i32 to vector<392x128xi32>
    %add3A_3044 = arith.addi %iota3A, %add3A_3043 : vector<392x128xi32>
    %eq3A_3045 = vector.broadcast %broadcast_in_dim3A_3024 : vector<392x1xi32> to vector<392x128xi32>
    %eq3A_3046 = arith.cmpi eq, %add3A_3044, %eq3A_3045 : vector<392x128xi32>
    %jit3A_3047 = arith.constant 0x7F800000 : f32
    %broadcast_in_dim3A_3048 = vector.broadcast %jit3A_3047 : f32 to vector<392x128xf32>
    %select_n3A_3049 = arith.select %eq3A_3046, %broadcast_in_dim3A_3048, %select_n3A_2594 : vector<392x128xi1>, vector<392x128xf32>
    %add3A_3050 = arith.constant 384 : i32
    %add3A_3051 = vector.broadcast %add3A_3050 : i32 to vector<392x128xi32>
    %add3A_3052 = arith.addi %iota3A, %add3A_3051 : vector<392x128xi32>
    %eq3A_3053 = vector.broadcast %broadcast_in_dim3A_3024 : vector<392x1xi32> to vector<392x128xi32>
    %eq3A_3054 = arith.cmpi eq, %add3A_3052, %eq3A_3053 : vector<392x128xi32>
    %jit3A_3055 = arith.constant 0x7F800000 : f32
    %broadcast_in_dim3A_3056 = vector.broadcast %jit3A_3055 : f32 to vector<392x128xf32>
    %select_n3A_3057 = arith.select %eq3A_3054, %broadcast_in_dim3A_3056, %select_n3A_2602 : vector<392x128xi1>, vector<392x128xf32>
    %add3A_3058 = arith.constant 512 : i32
    %add3A_3059 = vector.broadcast %add3A_3058 : i32 to vector<392x128xi32>
    %add3A_3060 = arith.addi %iota3A, %add3A_3059 : vector<392x128xi32>
    %eq3A_3061 = vector.broadcast %broadcast_in_dim3A_3024 : vector<392x1xi32> to vector<392x128xi32>
    %eq3A_3062 = arith.cmpi eq, %add3A_3060, %eq3A_3061 : vector<392x128xi32>
    %jit3A_3063 = arith.constant 0x7F800000 : f32
    %broadcast_in_dim3A_3064 = vector.broadcast %jit3A_3063 : f32 to vector<392x128xf32>
    %select_n3A_3065 = arith.select %eq3A_3062, %broadcast_in_dim3A_3064, %select_n3A_2610 : vector<392x128xi1>, vector<392x128xf32>
    %add3A_3066 = arith.constant 640 : i32
    %add3A_3067 = vector.broadcast %add3A_3066 : i32 to vector<392x128xi32>
    %add3A_3068 = arith.addi %iota3A, %add3A_3067 : vector<392x128xi32>
    %eq3A_3069 = vector.broadcast %broadcast_in_dim3A_3024 : vector<392x1xi32> to vector<392x128xi32>
    %eq3A_3070 = arith.cmpi eq, %add3A_3068, %eq3A_3069 : vector<392x128xi32>
    %jit3A_3071 = arith.constant 0x7F800000 : f32
    %broadcast_in_dim3A_3072 = vector.broadcast %jit3A_3071 : f32 to vector<392x128xf32>
    %select_n3A_3073 = arith.select %eq3A_3070, %broadcast_in_dim3A_3072, %select_n3A_2618 : vector<392x128xi1>, vector<392x128xf32>
    %add3A_3074 = arith.constant 768 : i32
    %add3A_3075 = vector.broadcast %add3A_3074 : i32 to vector<392x128xi32>
    %add3A_3076 = arith.addi %iota3A, %add3A_3075 : vector<392x128xi32>
    %eq3A_3077 = vector.broadcast %broadcast_in_dim3A_3024 : vector<392x1xi32> to vector<392x128xi32>
    %eq3A_3078 = arith.cmpi eq, %add3A_3076, %eq3A_3077 : vector<392x128xi32>
    %jit3A_3079 = arith.constant 0x7F800000 : f32
    %broadcast_in_dim3A_3080 = vector.broadcast %jit3A_3079 : f32 to vector<392x128xf32>
    %select_n3A_3081 = arith.select %eq3A_3078, %broadcast_in_dim3A_3080, %select_n3A_2626 : vector<392x128xi1>, vector<392x128xf32>
    %add3A_3082 = arith.constant 896 : i32
    %add3A_3083 = vector.broadcast %add3A_3082 : i32 to vector<392x128xi32>
    %add3A_3084 = arith.addi %iota3A, %add3A_3083 : vector<392x128xi32>
    %eq3A_3085 = vector.broadcast %broadcast_in_dim3A_3024 : vector<392x1xi32> to vector<392x128xi32>
    %eq3A_3086 = arith.cmpi eq, %add3A_3084, %eq3A_3085 : vector<392x128xi32>
    %jit3A_3087 = arith.constant 0x7F800000 : f32
    %broadcast_in_dim3A_3088 = vector.broadcast %jit3A_3087 : f32 to vector<392x128xf32>
    %select_n3A_3089 = arith.select %eq3A_3086, %broadcast_in_dim3A_3088, %select_n3A_2634 : vector<392x128xi1>, vector<392x128xf32>
    %add3A_3090 = arith.constant 1024 : i32
    %add3A_3091 = vector.broadcast %add3A_3090 : i32 to vector<392x128xi32>
    %add3A_3092 = arith.addi %iota3A, %add3A_3091 : vector<392x128xi32>
    %eq3A_3093 = vector.broadcast %broadcast_in_dim3A_3024 : vector<392x1xi32> to vector<392x128xi32>
    %eq3A_3094 = arith.cmpi eq, %add3A_3092, %eq3A_3093 : vector<392x128xi32>
    %jit3A_3095 = arith.constant 0x7F800000 : f32
    %broadcast_in_dim3A_3096 = vector.broadcast %jit3A_3095 : f32 to vector<392x128xf32>
    %select_n3A_3097 = arith.select %eq3A_3094, %broadcast_in_dim3A_3096, %select_n3A_2642 : vector<392x128xi1>, vector<392x128xf32>
    %add3A_3098 = arith.constant 1152 : i32
    %add3A_3099 = vector.broadcast %add3A_3098 : i32 to vector<392x128xi32>
    %add3A_3100 = arith.addi %iota3A, %add3A_3099 : vector<392x128xi32>
    %eq3A_3101 = vector.broadcast %broadcast_in_dim3A_3024 : vector<392x1xi32> to vector<392x128xi32>
    %eq3A_3102 = arith.cmpi eq, %add3A_3100, %eq3A_3101 : vector<392x128xi32>
    %jit3A_3103 = arith.constant 0x7F800000 : f32
    %broadcast_in_dim3A_3104 = vector.broadcast %jit3A_3103 : f32 to vector<392x128xf32>
    %select_n3A_3105 = arith.select %eq3A_3102, %broadcast_in_dim3A_3104, %select_n3A_2650 : vector<392x128xi1>, vector<392x128xf32>
    %add3A_3106 = arith.constant 1280 : i32
    %add3A_3107 = vector.broadcast %add3A_3106 : i32 to vector<392x128xi32>
    %add3A_3108 = arith.addi %iota3A, %add3A_3107 : vector<392x128xi32>
    %eq3A_3109 = vector.broadcast %broadcast_in_dim3A_3024 : vector<392x1xi32> to vector<392x128xi32>
    %eq3A_3110 = arith.cmpi eq, %add3A_3108, %eq3A_3109 : vector<392x128xi32>
    %jit3A_3111 = arith.constant 0x7F800000 : f32
    %broadcast_in_dim3A_3112 = vector.broadcast %jit3A_3111 : f32 to vector<392x128xf32>
    %select_n3A_3113 = arith.select %eq3A_3110, %broadcast_in_dim3A_3112, %select_n3A_2658 : vector<392x128xi1>, vector<392x128xf32>
    %add3A_3114 = arith.constant 1408 : i32
    %add3A_3115 = vector.broadcast %add3A_3114 : i32 to vector<392x128xi32>
    %add3A_3116 = arith.addi %iota3A, %add3A_3115 : vector<392x128xi32>
    %eq3A_3117 = vector.broadcast %broadcast_in_dim3A_3024 : vector<392x1xi32> to vector<392x128xi32>
    %eq3A_3118 = arith.cmpi eq, %add3A_3116, %eq3A_3117 : vector<392x128xi32>
    %jit3A_3119 = arith.constant 0x7F800000 : f32
    %broadcast_in_dim3A_3120 = vector.broadcast %jit3A_3119 : f32 to vector<392x128xf32>
    %select_n3A_3121 = arith.select %eq3A_3118, %broadcast_in_dim3A_3120, %select_n3A_2666 : vector<392x128xi1>, vector<392x128xf32>
    %add3A_3122 = arith.constant 1536 : i32
    %add3A_3123 = vector.broadcast %add3A_3122 : i32 to vector<392x128xi32>
    %add3A_3124 = arith.addi %iota3A, %add3A_3123 : vector<392x128xi32>
    %eq3A_3125 = vector.broadcast %broadcast_in_dim3A_3024 : vector<392x1xi32> to vector<392x128xi32>
    %eq3A_3126 = arith.cmpi eq, %add3A_3124, %eq3A_3125 : vector<392x128xi32>
    %jit3A_3127 = arith.constant 0x7F800000 : f32
    %broadcast_in_dim3A_3128 = vector.broadcast %jit3A_3127 : f32 to vector<392x128xf32>
    %select_n3A_3129 = arith.select %eq3A_3126, %broadcast_in_dim3A_3128, %select_n3A_2674 : vector<392x128xi1>, vector<392x128xf32>
    %add3A_3130 = arith.constant 1664 : i32
    %add3A_3131 = vector.broadcast %add3A_3130 : i32 to vector<392x128xi32>
    %add3A_3132 = arith.addi %iota3A, %add3A_3131 : vector<392x128xi32>
    %eq3A_3133 = vector.broadcast %broadcast_in_dim3A_3024 : vector<392x1xi32> to vector<392x128xi32>
    %eq3A_3134 = arith.cmpi eq, %add3A_3132, %eq3A_3133 : vector<392x128xi32>
    %jit3A_3135 = arith.constant 0x7F800000 : f32
    %broadcast_in_dim3A_3136 = vector.broadcast %jit3A_3135 : f32 to vector<392x128xf32>
    %select_n3A_3137 = arith.select %eq3A_3134, %broadcast_in_dim3A_3136, %select_n3A_2682 : vector<392x128xi1>, vector<392x128xf32>
    %add3A_3138 = arith.constant 1792 : i32
    %add3A_3139 = vector.broadcast %add3A_3138 : i32 to vector<392x128xi32>
    %add3A_3140 = arith.addi %iota3A, %add3A_3139 : vector<392x128xi32>
    %eq3A_3141 = vector.broadcast %broadcast_in_dim3A_3024 : vector<392x1xi32> to vector<392x128xi32>
    %eq3A_3142 = arith.cmpi eq, %add3A_3140, %eq3A_3141 : vector<392x128xi32>
    %jit3A_3143 = arith.constant 0x7F800000 : f32
    %broadcast_in_dim3A_3144 = vector.broadcast %jit3A_3143 : f32 to vector<392x128xf32>
    %select_n3A_3145 = arith.select %eq3A_3142, %broadcast_in_dim3A_3144, %select_n3A_2690 : vector<392x128xi1>, vector<392x128xf32>
    %add3A_3146 = arith.constant 1920 : i32
    %add3A_3147 = vector.broadcast %add3A_3146 : i32 to vector<392x128xi32>
    %add3A_3148 = arith.addi %iota3A, %add3A_3147 : vector<392x128xi32>
    %eq3A_3149 = vector.broadcast %broadcast_in_dim3A_3024 : vector<392x1xi32> to vector<392x128xi32>
    %eq3A_3150 = arith.cmpi eq, %add3A_3148, %eq3A_3149 : vector<392x128xi32>
    %jit3A_3151 = arith.constant 0x7F800000 : f32
    %broadcast_in_dim3A_3152 = vector.broadcast %jit3A_3151 : f32 to vector<392x128xf32>
    %select_n3A_3153 = arith.select %eq3A_3150, %broadcast_in_dim3A_3152, %select_n3A_2698 : vector<392x128xi1>, vector<392x128xf32>
    %add3A_3154 = arith.constant 2048 : i32
    %add3A_3155 = vector.broadcast %add3A_3154 : i32 to vector<392x128xi32>
    %add3A_3156 = arith.addi %iota3A, %add3A_3155 : vector<392x128xi32>
    %eq3A_3157 = vector.broadcast %broadcast_in_dim3A_3024 : vector<392x1xi32> to vector<392x128xi32>
    %eq3A_3158 = arith.cmpi eq, %add3A_3156, %eq3A_3157 : vector<392x128xi32>
    %jit3A_3159 = arith.constant 0x7F800000 : f32
    %broadcast_in_dim3A_3160 = vector.broadcast %jit3A_3159 : f32 to vector<392x128xf32>
    %select_n3A_3161 = arith.select %eq3A_3158, %broadcast_in_dim3A_3160, %select_n3A_2706 : vector<392x128xi1>, vector<392x128xf32>
    %add3A_3162 = arith.constant 2176 : i32
    %add3A_3163 = vector.broadcast %add3A_3162 : i32 to vector<392x128xi32>
    %add3A_3164 = arith.addi %iota3A, %add3A_3163 : vector<392x128xi32>
    %eq3A_3165 = vector.broadcast %broadcast_in_dim3A_3024 : vector<392x1xi32> to vector<392x128xi32>
    %eq3A_3166 = arith.cmpi eq, %add3A_3164, %eq3A_3165 : vector<392x128xi32>
    %jit3A_3167 = arith.constant 0x7F800000 : f32
    %broadcast_in_dim3A_3168 = vector.broadcast %jit3A_3167 : f32 to vector<392x128xf32>
    %select_n3A_3169 = arith.select %eq3A_3166, %broadcast_in_dim3A_3168, %select_n3A_2714 : vector<392x128xi1>, vector<392x128xf32>
    %add3A_3170 = arith.constant 2304 : i32
    %add3A_3171 = vector.broadcast %add3A_3170 : i32 to vector<392x128xi32>
    %add3A_3172 = arith.addi %iota3A, %add3A_3171 : vector<392x128xi32>
    %eq3A_3173 = vector.broadcast %broadcast_in_dim3A_3024 : vector<392x1xi32> to vector<392x128xi32>
    %eq3A_3174 = arith.cmpi eq, %add3A_3172, %eq3A_3173 : vector<392x128xi32>
    %jit3A_3175 = arith.constant 0x7F800000 : f32
    %broadcast_in_dim3A_3176 = vector.broadcast %jit3A_3175 : f32 to vector<392x128xf32>
    %select_n3A_3177 = arith.select %eq3A_3174, %broadcast_in_dim3A_3176, %select_n3A_2722 : vector<392x128xi1>, vector<392x128xf32>
    %add3A_3178 = arith.constant 2432 : i32
    %add3A_3179 = vector.broadcast %add3A_3178 : i32 to vector<392x128xi32>
    %add3A_3180 = arith.addi %iota3A, %add3A_3179 : vector<392x128xi32>
    %eq3A_3181 = vector.broadcast %broadcast_in_dim3A_3024 : vector<392x1xi32> to vector<392x128xi32>
    %eq3A_3182 = arith.cmpi eq, %add3A_3180, %eq3A_3181 : vector<392x128xi32>
    %jit3A_3183 = arith.constant 0x7F800000 : f32
    %broadcast_in_dim3A_3184 = vector.broadcast %jit3A_3183 : f32 to vector<392x128xf32>
    %select_n3A_3185 = arith.select %eq3A_3182, %broadcast_in_dim3A_3184, %select_n3A_2730 : vector<392x128xi1>, vector<392x128xf32>
    %add3A_3186 = arith.constant 2560 : i32
    %add3A_3187 = vector.broadcast %add3A_3186 : i32 to vector<392x128xi32>
    %add3A_3188 = arith.addi %iota3A, %add3A_3187 : vector<392x128xi32>
    %eq3A_3189 = vector.broadcast %broadcast_in_dim3A_3024 : vector<392x1xi32> to vector<392x128xi32>
    %eq3A_3190 = arith.cmpi eq, %add3A_3188, %eq3A_3189 : vector<392x128xi32>
    %jit3A_3191 = arith.constant 0x7F800000 : f32
    %broadcast_in_dim3A_3192 = vector.broadcast %jit3A_3191 : f32 to vector<392x128xf32>
    %select_n3A_3193 = arith.select %eq3A_3190, %broadcast_in_dim3A_3192, %select_n3A_2738 : vector<392x128xi1>, vector<392x128xf32>
    %add3A_3194 = arith.constant 2688 : i32
    %add3A_3195 = vector.broadcast %add3A_3194 : i32 to vector<392x128xi32>
    %add3A_3196 = arith.addi %iota3A, %add3A_3195 : vector<392x128xi32>
    %eq3A_3197 = vector.broadcast %broadcast_in_dim3A_3024 : vector<392x1xi32> to vector<392x128xi32>
    %eq3A_3198 = arith.cmpi eq, %add3A_3196, %eq3A_3197 : vector<392x128xi32>
    %jit3A_3199 = arith.constant 0x7F800000 : f32
    %broadcast_in_dim3A_3200 = vector.broadcast %jit3A_3199 : f32 to vector<392x128xf32>
    %select_n3A_3201 = arith.select %eq3A_3198, %broadcast_in_dim3A_3200, %select_n3A_2746 : vector<392x128xi1>, vector<392x128xf32>
    %add3A_3202 = arith.constant 2816 : i32
    %add3A_3203 = vector.broadcast %add3A_3202 : i32 to vector<392x128xi32>
    %add3A_3204 = arith.addi %iota3A, %add3A_3203 : vector<392x128xi32>
    %eq3A_3205 = vector.broadcast %broadcast_in_dim3A_3024 : vector<392x1xi32> to vector<392x128xi32>
    %eq3A_3206 = arith.cmpi eq, %add3A_3204, %eq3A_3205 : vector<392x128xi32>
    %jit3A_3207 = arith.constant 0x7F800000 : f32
    %broadcast_in_dim3A_3208 = vector.broadcast %jit3A_3207 : f32 to vector<392x128xf32>
    %select_n3A_3209 = arith.select %eq3A_3206, %broadcast_in_dim3A_3208, %select_n3A_2754 : vector<392x128xi1>, vector<392x128xf32>
    %add3A_3210 = arith.constant 2944 : i32
    %add3A_3211 = vector.broadcast %add3A_3210 : i32 to vector<392x128xi32>
    %add3A_3212 = arith.addi %iota3A, %add3A_3211 : vector<392x128xi32>
    %eq3A_3213 = vector.broadcast %broadcast_in_dim3A_3024 : vector<392x1xi32> to vector<392x128xi32>
    %eq3A_3214 = arith.cmpi eq, %add3A_3212, %eq3A_3213 : vector<392x128xi32>
    %jit3A_3215 = arith.constant 0x7F800000 : f32
    %broadcast_in_dim3A_3216 = vector.broadcast %jit3A_3215 : f32 to vector<392x128xf32>
    %select_n3A_3217 = arith.select %eq3A_3214, %broadcast_in_dim3A_3216, %select_n3A_2762 : vector<392x128xi1>, vector<392x128xf32>
    %add3A_3218 = arith.constant 3072 : i32
    %add3A_3219 = vector.broadcast %add3A_3218 : i32 to vector<392x128xi32>
    %add3A_3220 = arith.addi %iota3A, %add3A_3219 : vector<392x128xi32>
    %eq3A_3221 = vector.broadcast %broadcast_in_dim3A_3024 : vector<392x1xi32> to vector<392x128xi32>
    %eq3A_3222 = arith.cmpi eq, %add3A_3220, %eq3A_3221 : vector<392x128xi32>
    %jit3A_3223 = arith.constant 0x7F800000 : f32
    %broadcast_in_dim3A_3224 = vector.broadcast %jit3A_3223 : f32 to vector<392x128xf32>
    %select_n3A_3225 = arith.select %eq3A_3222, %broadcast_in_dim3A_3224, %select_n3A_2770 : vector<392x128xi1>, vector<392x128xf32>
    %min3A_3226 = arith.minimumf %select_n3A_3033, %select_n3A_3041 : vector<392x128xf32>
    %min3A_3227 = arith.minimumf %min3A_3226, %select_n3A_3049 : vector<392x128xf32>
    %min3A_3228 = arith.minimumf %min3A_3227, %select_n3A_3057 : vector<392x128xf32>
    %min3A_3229 = arith.minimumf %min3A_3228, %select_n3A_3065 : vector<392x128xf32>
    %min3A_3230 = arith.minimumf %min3A_3229, %select_n3A_3073 : vector<392x128xf32>
    %min3A_3231 = arith.minimumf %min3A_3230, %select_n3A_3081 : vector<392x128xf32>
    %min3A_3232 = arith.minimumf %min3A_3231, %select_n3A_3089 : vector<392x128xf32>
    %min3A_3233 = arith.minimumf %min3A_3232, %select_n3A_3097 : vector<392x128xf32>
    %min3A_3234 = arith.minimumf %min3A_3233, %select_n3A_3105 : vector<392x128xf32>
    %min3A_3235 = arith.minimumf %min3A_3234, %select_n3A_3113 : vector<392x128xf32>
    %min3A_3236 = arith.minimumf %min3A_3235, %select_n3A_3121 : vector<392x128xf32>
    %min3A_3237 = arith.minimumf %min3A_3236, %select_n3A_3129 : vector<392x128xf32>
    %min3A_3238 = arith.minimumf %min3A_3237, %select_n3A_3137 : vector<392x128xf32>
    %min3A_3239 = arith.minimumf %min3A_3238, %select_n3A_3145 : vector<392x128xf32>
    %min3A_3240 = arith.minimumf %min3A_3239, %select_n3A_3153 : vector<392x128xf32>
    %min3A_3241 = arith.minimumf %min3A_3240, %select_n3A_3161 : vector<392x128xf32>
    %min3A_3242 = arith.minimumf %min3A_3241, %select_n3A_3169 : vector<392x128xf32>
    %min3A_3243 = arith.minimumf %min3A_3242, %select_n3A_3177 : vector<392x128xf32>
    %min3A_3244 = arith.minimumf %min3A_3243, %select_n3A_3185 : vector<392x128xf32>
    %min3A_3245 = arith.minimumf %min3A_3244, %select_n3A_3193 : vector<392x128xf32>
    %min3A_3246 = arith.minimumf %min3A_3245, %select_n3A_3201 : vector<392x128xf32>
    %min3A_3247 = arith.minimumf %min3A_3246, %select_n3A_3209 : vector<392x128xf32>
    %min3A_3248 = arith.minimumf %min3A_3247, %select_n3A_3217 : vector<392x128xf32>
    %min3A_3249 = arith.minimumf %min3A_3248, %select_n3A_3225 : vector<392x128xf32>
    %reduce_min3A_3250 = arith.constant dense<0x7F800000> : vector<392xf32>
    %reduce_min3A_3251 = vector.multi_reduction <minimumf>, %min3A_3249, %reduce_min3A_3250 [1] : vector<392x128xf32> to vector<392xf32>
    %broadcast_in_dim3A_3252 = vector.shape_cast %reduce_min3A_3251 : vector<392xf32> to vector<392x1xf32>
    %eq3A_3253 = vector.broadcast %broadcast_in_dim3A_3252 : vector<392x1xf32> to vector<392x128xf32>
    %eq3A_3254 = arith.cmpf oeq, %select_n3A_3033, %eq3A_3253 : vector<392x128xf32>
    %add3A_3255 = arith.constant 0 : i32
    %add3A_3256 = vector.broadcast %add3A_3255 : i32 to vector<392x128xi32>
    %add3A_3257 = arith.addi %iota3A, %add3A_3256 : vector<392x128xi32>
    %jit3A_3258 = arith.constant 3200 : i32
    %broadcast_in_dim3A_3259 = vector.broadcast %jit3A_3258 : i32 to vector<392x128xi32>
    %select_n3A_3260 = arith.select %eq3A_3254, %add3A_3257, %broadcast_in_dim3A_3259 : vector<392x128xi1>, vector<392x128xi32>
    %eq3A_3261 = vector.broadcast %broadcast_in_dim3A_3252 : vector<392x1xf32> to vector<392x128xf32>
    %eq3A_3262 = arith.cmpf oeq, %select_n3A_3041, %eq3A_3261 : vector<392x128xf32>
    %add3A_3263 = arith.constant 128 : i32
    %add3A_3264 = vector.broadcast %add3A_3263 : i32 to vector<392x128xi32>
    %add3A_3265 = arith.addi %iota3A, %add3A_3264 : vector<392x128xi32>
    %jit3A_3266 = arith.constant 3200 : i32
    %broadcast_in_dim3A_3267 = vector.broadcast %jit3A_3266 : i32 to vector<392x128xi32>
    %select_n3A_3268 = arith.select %eq3A_3262, %add3A_3265, %broadcast_in_dim3A_3267 : vector<392x128xi1>, vector<392x128xi32>
    %min3A_3269 = arith.minsi %select_n3A_3260, %select_n3A_3268 : vector<392x128xi32>
    %eq3A_3270 = vector.broadcast %broadcast_in_dim3A_3252 : vector<392x1xf32> to vector<392x128xf32>
    %eq3A_3271 = arith.cmpf oeq, %select_n3A_3049, %eq3A_3270 : vector<392x128xf32>
    %add3A_3272 = arith.constant 256 : i32
    %add3A_3273 = vector.broadcast %add3A_3272 : i32 to vector<392x128xi32>
    %add3A_3274 = arith.addi %iota3A, %add3A_3273 : vector<392x128xi32>
    %jit3A_3275 = arith.constant 3200 : i32
    %broadcast_in_dim3A_3276 = vector.broadcast %jit3A_3275 : i32 to vector<392x128xi32>
    %select_n3A_3277 = arith.select %eq3A_3271, %add3A_3274, %broadcast_in_dim3A_3276 : vector<392x128xi1>, vector<392x128xi32>
    %min3A_3278 = arith.minsi %min3A_3269, %select_n3A_3277 : vector<392x128xi32>
    %eq3A_3279 = vector.broadcast %broadcast_in_dim3A_3252 : vector<392x1xf32> to vector<392x128xf32>
    %eq3A_3280 = arith.cmpf oeq, %select_n3A_3057, %eq3A_3279 : vector<392x128xf32>
    %add3A_3281 = arith.constant 384 : i32
    %add3A_3282 = vector.broadcast %add3A_3281 : i32 to vector<392x128xi32>
    %add3A_3283 = arith.addi %iota3A, %add3A_3282 : vector<392x128xi32>
    %jit3A_3284 = arith.constant 3200 : i32
    %broadcast_in_dim3A_3285 = vector.broadcast %jit3A_3284 : i32 to vector<392x128xi32>
    %select_n3A_3286 = arith.select %eq3A_3280, %add3A_3283, %broadcast_in_dim3A_3285 : vector<392x128xi1>, vector<392x128xi32>
    %min3A_3287 = arith.minsi %min3A_3278, %select_n3A_3286 : vector<392x128xi32>
    %eq3A_3288 = vector.broadcast %broadcast_in_dim3A_3252 : vector<392x1xf32> to vector<392x128xf32>
    %eq3A_3289 = arith.cmpf oeq, %select_n3A_3065, %eq3A_3288 : vector<392x128xf32>
    %add3A_3290 = arith.constant 512 : i32
    %add3A_3291 = vector.broadcast %add3A_3290 : i32 to vector<392x128xi32>
    %add3A_3292 = arith.addi %iota3A, %add3A_3291 : vector<392x128xi32>
    %jit3A_3293 = arith.constant 3200 : i32
    %broadcast_in_dim3A_3294 = vector.broadcast %jit3A_3293 : i32 to vector<392x128xi32>
    %select_n3A_3295 = arith.select %eq3A_3289, %add3A_3292, %broadcast_in_dim3A_3294 : vector<392x128xi1>, vector<392x128xi32>
    %min3A_3296 = arith.minsi %min3A_3287, %select_n3A_3295 : vector<392x128xi32>
    %eq3A_3297 = vector.broadcast %broadcast_in_dim3A_3252 : vector<392x1xf32> to vector<392x128xf32>
    %eq3A_3298 = arith.cmpf oeq, %select_n3A_3073, %eq3A_3297 : vector<392x128xf32>
    %add3A_3299 = arith.constant 640 : i32
    %add3A_3300 = vector.broadcast %add3A_3299 : i32 to vector<392x128xi32>
    %add3A_3301 = arith.addi %iota3A, %add3A_3300 : vector<392x128xi32>
    %jit3A_3302 = arith.constant 3200 : i32
    %broadcast_in_dim3A_3303 = vector.broadcast %jit3A_3302 : i32 to vector<392x128xi32>
    %select_n3A_3304 = arith.select %eq3A_3298, %add3A_3301, %broadcast_in_dim3A_3303 : vector<392x128xi1>, vector<392x128xi32>
    %min3A_3305 = arith.minsi %min3A_3296, %select_n3A_3304 : vector<392x128xi32>
    %eq3A_3306 = vector.broadcast %broadcast_in_dim3A_3252 : vector<392x1xf32> to vector<392x128xf32>
    %eq3A_3307 = arith.cmpf oeq, %select_n3A_3081, %eq3A_3306 : vector<392x128xf32>
    %add3A_3308 = arith.constant 768 : i32
    %add3A_3309 = vector.broadcast %add3A_3308 : i32 to vector<392x128xi32>
    %add3A_3310 = arith.addi %iota3A, %add3A_3309 : vector<392x128xi32>
    %jit3A_3311 = arith.constant 3200 : i32
    %broadcast_in_dim3A_3312 = vector.broadcast %jit3A_3311 : i32 to vector<392x128xi32>
    %select_n3A_3313 = arith.select %eq3A_3307, %add3A_3310, %broadcast_in_dim3A_3312 : vector<392x128xi1>, vector<392x128xi32>
    %min3A_3314 = arith.minsi %min3A_3305, %select_n3A_3313 : vector<392x128xi32>
    %eq3A_3315 = vector.broadcast %broadcast_in_dim3A_3252 : vector<392x1xf32> to vector<392x128xf32>
    %eq3A_3316 = arith.cmpf oeq, %select_n3A_3089, %eq3A_3315 : vector<392x128xf32>
    %add3A_3317 = arith.constant 896 : i32
    %add3A_3318 = vector.broadcast %add3A_3317 : i32 to vector<392x128xi32>
    %add3A_3319 = arith.addi %iota3A, %add3A_3318 : vector<392x128xi32>
    %jit3A_3320 = arith.constant 3200 : i32
    %broadcast_in_dim3A_3321 = vector.broadcast %jit3A_3320 : i32 to vector<392x128xi32>
    %select_n3A_3322 = arith.select %eq3A_3316, %add3A_3319, %broadcast_in_dim3A_3321 : vector<392x128xi1>, vector<392x128xi32>
    %min3A_3323 = arith.minsi %min3A_3314, %select_n3A_3322 : vector<392x128xi32>
    %eq3A_3324 = vector.broadcast %broadcast_in_dim3A_3252 : vector<392x1xf32> to vector<392x128xf32>
    %eq3A_3325 = arith.cmpf oeq, %select_n3A_3097, %eq3A_3324 : vector<392x128xf32>
    %add3A_3326 = arith.constant 1024 : i32
    %add3A_3327 = vector.broadcast %add3A_3326 : i32 to vector<392x128xi32>
    %add3A_3328 = arith.addi %iota3A, %add3A_3327 : vector<392x128xi32>
    %jit3A_3329 = arith.constant 3200 : i32
    %broadcast_in_dim3A_3330 = vector.broadcast %jit3A_3329 : i32 to vector<392x128xi32>
    %select_n3A_3331 = arith.select %eq3A_3325, %add3A_3328, %broadcast_in_dim3A_3330 : vector<392x128xi1>, vector<392x128xi32>
    %min3A_3332 = arith.minsi %min3A_3323, %select_n3A_3331 : vector<392x128xi32>
    %eq3A_3333 = vector.broadcast %broadcast_in_dim3A_3252 : vector<392x1xf32> to vector<392x128xf32>
    %eq3A_3334 = arith.cmpf oeq, %select_n3A_3105, %eq3A_3333 : vector<392x128xf32>
    %add3A_3335 = arith.constant 1152 : i32
    %add3A_3336 = vector.broadcast %add3A_3335 : i32 to vector<392x128xi32>
    %add3A_3337 = arith.addi %iota3A, %add3A_3336 : vector<392x128xi32>
    %jit3A_3338 = arith.constant 3200 : i32
    %broadcast_in_dim3A_3339 = vector.broadcast %jit3A_3338 : i32 to vector<392x128xi32>
    %select_n3A_3340 = arith.select %eq3A_3334, %add3A_3337, %broadcast_in_dim3A_3339 : vector<392x128xi1>, vector<392x128xi32>
    %min3A_3341 = arith.minsi %min3A_3332, %select_n3A_3340 : vector<392x128xi32>
    %eq3A_3342 = vector.broadcast %broadcast_in_dim3A_3252 : vector<392x1xf32> to vector<392x128xf32>
    %eq3A_3343 = arith.cmpf oeq, %select_n3A_3113, %eq3A_3342 : vector<392x128xf32>
    %add3A_3344 = arith.constant 1280 : i32
    %add3A_3345 = vector.broadcast %add3A_3344 : i32 to vector<392x128xi32>
    %add3A_3346 = arith.addi %iota3A, %add3A_3345 : vector<392x128xi32>
    %jit3A_3347 = arith.constant 3200 : i32
    %broadcast_in_dim3A_3348 = vector.broadcast %jit3A_3347 : i32 to vector<392x128xi32>
    %select_n3A_3349 = arith.select %eq3A_3343, %add3A_3346, %broadcast_in_dim3A_3348 : vector<392x128xi1>, vector<392x128xi32>
    %min3A_3350 = arith.minsi %min3A_3341, %select_n3A_3349 : vector<392x128xi32>
    %eq3A_3351 = vector.broadcast %broadcast_in_dim3A_3252 : vector<392x1xf32> to vector<392x128xf32>
    %eq3A_3352 = arith.cmpf oeq, %select_n3A_3121, %eq3A_3351 : vector<392x128xf32>
    %add3A_3353 = arith.constant 1408 : i32
    %add3A_3354 = vector.broadcast %add3A_3353 : i32 to vector<392x128xi32>
    %add3A_3355 = arith.addi %iota3A, %add3A_3354 : vector<392x128xi32>
    %jit3A_3356 = arith.constant 3200 : i32
    %broadcast_in_dim3A_3357 = vector.broadcast %jit3A_3356 : i32 to vector<392x128xi32>
    %select_n3A_3358 = arith.select %eq3A_3352, %add3A_3355, %broadcast_in_dim3A_3357 : vector<392x128xi1>, vector<392x128xi32>
    %min3A_3359 = arith.minsi %min3A_3350, %select_n3A_3358 : vector<392x128xi32>
    %eq3A_3360 = vector.broadcast %broadcast_in_dim3A_3252 : vector<392x1xf32> to vector<392x128xf32>
    %eq3A_3361 = arith.cmpf oeq, %select_n3A_3129, %eq3A_3360 : vector<392x128xf32>
    %add3A_3362 = arith.constant 1536 : i32
    %add3A_3363 = vector.broadcast %add3A_3362 : i32 to vector<392x128xi32>
    %add3A_3364 = arith.addi %iota3A, %add3A_3363 : vector<392x128xi32>
    %jit3A_3365 = arith.constant 3200 : i32
    %broadcast_in_dim3A_3366 = vector.broadcast %jit3A_3365 : i32 to vector<392x128xi32>
    %select_n3A_3367 = arith.select %eq3A_3361, %add3A_3364, %broadcast_in_dim3A_3366 : vector<392x128xi1>, vector<392x128xi32>
    %min3A_3368 = arith.minsi %min3A_3359, %select_n3A_3367 : vector<392x128xi32>
    %eq3A_3369 = vector.broadcast %broadcast_in_dim3A_3252 : vector<392x1xf32> to vector<392x128xf32>
    %eq3A_3370 = arith.cmpf oeq, %select_n3A_3137, %eq3A_3369 : vector<392x128xf32>
    %add3A_3371 = arith.constant 1664 : i32
    %add3A_3372 = vector.broadcast %add3A_3371 : i32 to vector<392x128xi32>
    %add3A_3373 = arith.addi %iota3A, %add3A_3372 : vector<392x128xi32>
    %jit3A_3374 = arith.constant 3200 : i32
    %broadcast_in_dim3A_3375 = vector.broadcast %jit3A_3374 : i32 to vector<392x128xi32>
    %select_n3A_3376 = arith.select %eq3A_3370, %add3A_3373, %broadcast_in_dim3A_3375 : vector<392x128xi1>, vector<392x128xi32>
    %min3A_3377 = arith.minsi %min3A_3368, %select_n3A_3376 : vector<392x128xi32>
    %eq3A_3378 = vector.broadcast %broadcast_in_dim3A_3252 : vector<392x1xf32> to vector<392x128xf32>
    %eq3A_3379 = arith.cmpf oeq, %select_n3A_3145, %eq3A_3378 : vector<392x128xf32>
    %add3A_3380 = arith.constant 1792 : i32
    %add3A_3381 = vector.broadcast %add3A_3380 : i32 to vector<392x128xi32>
    %add3A_3382 = arith.addi %iota3A, %add3A_3381 : vector<392x128xi32>
    %jit3A_3383 = arith.constant 3200 : i32
    %broadcast_in_dim3A_3384 = vector.broadcast %jit3A_3383 : i32 to vector<392x128xi32>
    %select_n3A_3385 = arith.select %eq3A_3379, %add3A_3382, %broadcast_in_dim3A_3384 : vector<392x128xi1>, vector<392x128xi32>
    %min3A_3386 = arith.minsi %min3A_3377, %select_n3A_3385 : vector<392x128xi32>
    %eq3A_3387 = vector.broadcast %broadcast_in_dim3A_3252 : vector<392x1xf32> to vector<392x128xf32>
    %eq3A_3388 = arith.cmpf oeq, %select_n3A_3153, %eq3A_3387 : vector<392x128xf32>
    %add3A_3389 = arith.constant 1920 : i32
    %add3A_3390 = vector.broadcast %add3A_3389 : i32 to vector<392x128xi32>
    %add3A_3391 = arith.addi %iota3A, %add3A_3390 : vector<392x128xi32>
    %jit3A_3392 = arith.constant 3200 : i32
    %broadcast_in_dim3A_3393 = vector.broadcast %jit3A_3392 : i32 to vector<392x128xi32>
    %select_n3A_3394 = arith.select %eq3A_3388, %add3A_3391, %broadcast_in_dim3A_3393 : vector<392x128xi1>, vector<392x128xi32>
    %min3A_3395 = arith.minsi %min3A_3386, %select_n3A_3394 : vector<392x128xi32>
    %eq3A_3396 = vector.broadcast %broadcast_in_dim3A_3252 : vector<392x1xf32> to vector<392x128xf32>
    %eq3A_3397 = arith.cmpf oeq, %select_n3A_3161, %eq3A_3396 : vector<392x128xf32>
    %add3A_3398 = arith.constant 2048 : i32
    %add3A_3399 = vector.broadcast %add3A_3398 : i32 to vector<392x128xi32>
    %add3A_3400 = arith.addi %iota3A, %add3A_3399 : vector<392x128xi32>
    %jit3A_3401 = arith.constant 3200 : i32
    %broadcast_in_dim3A_3402 = vector.broadcast %jit3A_3401 : i32 to vector<392x128xi32>
    %select_n3A_3403 = arith.select %eq3A_3397, %add3A_3400, %broadcast_in_dim3A_3402 : vector<392x128xi1>, vector<392x128xi32>
    %min3A_3404 = arith.minsi %min3A_3395, %select_n3A_3403 : vector<392x128xi32>
    %eq3A_3405 = vector.broadcast %broadcast_in_dim3A_3252 : vector<392x1xf32> to vector<392x128xf32>
    %eq3A_3406 = arith.cmpf oeq, %select_n3A_3169, %eq3A_3405 : vector<392x128xf32>
    %add3A_3407 = arith.constant 2176 : i32
    %add3A_3408 = vector.broadcast %add3A_3407 : i32 to vector<392x128xi32>
    %add3A_3409 = arith.addi %iota3A, %add3A_3408 : vector<392x128xi32>
    %jit3A_3410 = arith.constant 3200 : i32
    %broadcast_in_dim3A_3411 = vector.broadcast %jit3A_3410 : i32 to vector<392x128xi32>
    %select_n3A_3412 = arith.select %eq3A_3406, %add3A_3409, %broadcast_in_dim3A_3411 : vector<392x128xi1>, vector<392x128xi32>
    %min3A_3413 = arith.minsi %min3A_3404, %select_n3A_3412 : vector<392x128xi32>
    %eq3A_3414 = vector.broadcast %broadcast_in_dim3A_3252 : vector<392x1xf32> to vector<392x128xf32>
    %eq3A_3415 = arith.cmpf oeq, %select_n3A_3177, %eq3A_3414 : vector<392x128xf32>
    %add3A_3416 = arith.constant 2304 : i32
    %add3A_3417 = vector.broadcast %add3A_3416 : i32 to vector<392x128xi32>
    %add3A_3418 = arith.addi %iota3A, %add3A_3417 : vector<392x128xi32>
    %jit3A_3419 = arith.constant 3200 : i32
    %broadcast_in_dim3A_3420 = vector.broadcast %jit3A_3419 : i32 to vector<392x128xi32>
    %select_n3A_3421 = arith.select %eq3A_3415, %add3A_3418, %broadcast_in_dim3A_3420 : vector<392x128xi1>, vector<392x128xi32>
    %min3A_3422 = arith.minsi %min3A_3413, %select_n3A_3421 : vector<392x128xi32>
    %eq3A_3423 = vector.broadcast %broadcast_in_dim3A_3252 : vector<392x1xf32> to vector<392x128xf32>
    %eq3A_3424 = arith.cmpf oeq, %select_n3A_3185, %eq3A_3423 : vector<392x128xf32>
    %add3A_3425 = arith.constant 2432 : i32
    %add3A_3426 = vector.broadcast %add3A_3425 : i32 to vector<392x128xi32>
    %add3A_3427 = arith.addi %iota3A, %add3A_3426 : vector<392x128xi32>
    %jit3A_3428 = arith.constant 3200 : i32
    %broadcast_in_dim3A_3429 = vector.broadcast %jit3A_3428 : i32 to vector<392x128xi32>
    %select_n3A_3430 = arith.select %eq3A_3424, %add3A_3427, %broadcast_in_dim3A_3429 : vector<392x128xi1>, vector<392x128xi32>
    %min3A_3431 = arith.minsi %min3A_3422, %select_n3A_3430 : vector<392x128xi32>
    %eq3A_3432 = vector.broadcast %broadcast_in_dim3A_3252 : vector<392x1xf32> to vector<392x128xf32>
    %eq3A_3433 = arith.cmpf oeq, %select_n3A_3193, %eq3A_3432 : vector<392x128xf32>
    %add3A_3434 = arith.constant 2560 : i32
    %add3A_3435 = vector.broadcast %add3A_3434 : i32 to vector<392x128xi32>
    %add3A_3436 = arith.addi %iota3A, %add3A_3435 : vector<392x128xi32>
    %jit3A_3437 = arith.constant 3200 : i32
    %broadcast_in_dim3A_3438 = vector.broadcast %jit3A_3437 : i32 to vector<392x128xi32>
    %select_n3A_3439 = arith.select %eq3A_3433, %add3A_3436, %broadcast_in_dim3A_3438 : vector<392x128xi1>, vector<392x128xi32>
    %min3A_3440 = arith.minsi %min3A_3431, %select_n3A_3439 : vector<392x128xi32>
    %eq3A_3441 = vector.broadcast %broadcast_in_dim3A_3252 : vector<392x1xf32> to vector<392x128xf32>
    %eq3A_3442 = arith.cmpf oeq, %select_n3A_3201, %eq3A_3441 : vector<392x128xf32>
    %add3A_3443 = arith.constant 2688 : i32
    %add3A_3444 = vector.broadcast %add3A_3443 : i32 to vector<392x128xi32>
    %add3A_3445 = arith.addi %iota3A, %add3A_3444 : vector<392x128xi32>
    %jit3A_3446 = arith.constant 3200 : i32
    %broadcast_in_dim3A_3447 = vector.broadcast %jit3A_3446 : i32 to vector<392x128xi32>
    %select_n3A_3448 = arith.select %eq3A_3442, %add3A_3445, %broadcast_in_dim3A_3447 : vector<392x128xi1>, vector<392x128xi32>
    %min3A_3449 = arith.minsi %min3A_3440, %select_n3A_3448 : vector<392x128xi32>
    %eq3A_3450 = vector.broadcast %broadcast_in_dim3A_3252 : vector<392x1xf32> to vector<392x128xf32>
    %eq3A_3451 = arith.cmpf oeq, %select_n3A_3209, %eq3A_3450 : vector<392x128xf32>
    %add3A_3452 = arith.constant 2816 : i32
    %add3A_3453 = vector.broadcast %add3A_3452 : i32 to vector<392x128xi32>
    %add3A_3454 = arith.addi %iota3A, %add3A_3453 : vector<392x128xi32>
    %jit3A_3455 = arith.constant 3200 : i32
    %broadcast_in_dim3A_3456 = vector.broadcast %jit3A_3455 : i32 to vector<392x128xi32>
    %select_n3A_3457 = arith.select %eq3A_3451, %add3A_3454, %broadcast_in_dim3A_3456 : vector<392x128xi1>, vector<392x128xi32>
    %min3A_3458 = arith.minsi %min3A_3449, %select_n3A_3457 : vector<392x128xi32>
    %eq3A_3459 = vector.broadcast %broadcast_in_dim3A_3252 : vector<392x1xf32> to vector<392x128xf32>
    %eq3A_3460 = arith.cmpf oeq, %select_n3A_3217, %eq3A_3459 : vector<392x128xf32>
    %add3A_3461 = arith.constant 2944 : i32
    %add3A_3462 = vector.broadcast %add3A_3461 : i32 to vector<392x128xi32>
    %add3A_3463 = arith.addi %iota3A, %add3A_3462 : vector<392x128xi32>
    %jit3A_3464 = arith.constant 3200 : i32
    %broadcast_in_dim3A_3465 = vector.broadcast %jit3A_3464 : i32 to vector<392x128xi32>
    %select_n3A_3466 = arith.select %eq3A_3460, %add3A_3463, %broadcast_in_dim3A_3465 : vector<392x128xi1>, vector<392x128xi32>
    %min3A_3467 = arith.minsi %min3A_3458, %select_n3A_3466 : vector<392x128xi32>
    %eq3A_3468 = vector.broadcast %broadcast_in_dim3A_3252 : vector<392x1xf32> to vector<392x128xf32>
    %eq3A_3469 = arith.cmpf oeq, %select_n3A_3225, %eq3A_3468 : vector<392x128xf32>
    %add3A_3470 = arith.constant 3072 : i32
    %add3A_3471 = vector.broadcast %add3A_3470 : i32 to vector<392x128xi32>
    %add3A_3472 = arith.addi %iota3A, %add3A_3471 : vector<392x128xi32>
    %jit3A_3473 = arith.constant 3200 : i32
    %broadcast_in_dim3A_3474 = vector.broadcast %jit3A_3473 : i32 to vector<392x128xi32>
    %select_n3A_3475 = arith.select %eq3A_3469, %add3A_3472, %broadcast_in_dim3A_3474 : vector<392x128xi1>, vector<392x128xi32>
    %min3A_3476 = arith.minsi %min3A_3467, %select_n3A_3475 : vector<392x128xi32>
    %reduce_min3A_3477 = arith.constant dense<2147483647> : vector<392xi32>
    %reduce_min3A_3478 = vector.multi_reduction <minsi>, %min3A_3476, %reduce_min3A_3477 [1] : vector<392x128xi32> to vector<392xi32>
    %broadcast_in_dim3A_3479 = vector.shape_cast %reduce_min3A_3478 : vector<392xi32> to vector<392x1xi32>
    %squeeze3A_3480 = vector.shape_cast %broadcast_in_dim3A_3479 : vector<392x1xi32> to vector<392xi32>
    %add3A_3481 = arith.constant 0 : i32
    %add3A_3482 = vector.broadcast %add3A_3481 : i32 to vector<392x128xi32>
    %add3A_3483 = arith.addi %iota3A, %add3A_3482 : vector<392x128xi32>
    %eq3A_3484 = vector.broadcast %broadcast_in_dim3A_3479 : vector<392x1xi32> to vector<392x128xi32>
    %eq3A_3485 = arith.cmpi eq, %add3A_3483, %eq3A_3484 : vector<392x128xi32>
    %jit3A_3486 = arith.constant 0x7F800000 : f32
    %broadcast_in_dim3A_3487 = vector.broadcast %jit3A_3486 : f32 to vector<392x128xf32>
    %select_n3A_3488 = arith.select %eq3A_3485, %broadcast_in_dim3A_3487, %select_n3A_3033 : vector<392x128xi1>, vector<392x128xf32>
    %add3A_3489 = arith.constant 128 : i32
    %add3A_3490 = vector.broadcast %add3A_3489 : i32 to vector<392x128xi32>
    %add3A_3491 = arith.addi %iota3A, %add3A_3490 : vector<392x128xi32>
    %eq3A_3492 = vector.broadcast %broadcast_in_dim3A_3479 : vector<392x1xi32> to vector<392x128xi32>
    %eq3A_3493 = arith.cmpi eq, %add3A_3491, %eq3A_3492 : vector<392x128xi32>
    %jit3A_3494 = arith.constant 0x7F800000 : f32
    %broadcast_in_dim3A_3495 = vector.broadcast %jit3A_3494 : f32 to vector<392x128xf32>
    %select_n3A_3496 = arith.select %eq3A_3493, %broadcast_in_dim3A_3495, %select_n3A_3041 : vector<392x128xi1>, vector<392x128xf32>
    %add3A_3497 = arith.constant 256 : i32
    %add3A_3498 = vector.broadcast %add3A_3497 : i32 to vector<392x128xi32>
    %add3A_3499 = arith.addi %iota3A, %add3A_3498 : vector<392x128xi32>
    %eq3A_3500 = vector.broadcast %broadcast_in_dim3A_3479 : vector<392x1xi32> to vector<392x128xi32>
    %eq3A_3501 = arith.cmpi eq, %add3A_3499, %eq3A_3500 : vector<392x128xi32>
    %jit3A_3502 = arith.constant 0x7F800000 : f32
    %broadcast_in_dim3A_3503 = vector.broadcast %jit3A_3502 : f32 to vector<392x128xf32>
    %select_n3A_3504 = arith.select %eq3A_3501, %broadcast_in_dim3A_3503, %select_n3A_3049 : vector<392x128xi1>, vector<392x128xf32>
    %add3A_3505 = arith.constant 384 : i32
    %add3A_3506 = vector.broadcast %add3A_3505 : i32 to vector<392x128xi32>
    %add3A_3507 = arith.addi %iota3A, %add3A_3506 : vector<392x128xi32>
    %eq3A_3508 = vector.broadcast %broadcast_in_dim3A_3479 : vector<392x1xi32> to vector<392x128xi32>
    %eq3A_3509 = arith.cmpi eq, %add3A_3507, %eq3A_3508 : vector<392x128xi32>
    %jit3A_3510 = arith.constant 0x7F800000 : f32
    %broadcast_in_dim3A_3511 = vector.broadcast %jit3A_3510 : f32 to vector<392x128xf32>
    %select_n3A_3512 = arith.select %eq3A_3509, %broadcast_in_dim3A_3511, %select_n3A_3057 : vector<392x128xi1>, vector<392x128xf32>
    %add3A_3513 = arith.constant 512 : i32
    %add3A_3514 = vector.broadcast %add3A_3513 : i32 to vector<392x128xi32>
    %add3A_3515 = arith.addi %iota3A, %add3A_3514 : vector<392x128xi32>
    %eq3A_3516 = vector.broadcast %broadcast_in_dim3A_3479 : vector<392x1xi32> to vector<392x128xi32>
    %eq3A_3517 = arith.cmpi eq, %add3A_3515, %eq3A_3516 : vector<392x128xi32>
    %jit3A_3518 = arith.constant 0x7F800000 : f32
    %broadcast_in_dim3A_3519 = vector.broadcast %jit3A_3518 : f32 to vector<392x128xf32>
    %select_n3A_3520 = arith.select %eq3A_3517, %broadcast_in_dim3A_3519, %select_n3A_3065 : vector<392x128xi1>, vector<392x128xf32>
    %add3A_3521 = arith.constant 640 : i32
    %add3A_3522 = vector.broadcast %add3A_3521 : i32 to vector<392x128xi32>
    %add3A_3523 = arith.addi %iota3A, %add3A_3522 : vector<392x128xi32>
    %eq3A_3524 = vector.broadcast %broadcast_in_dim3A_3479 : vector<392x1xi32> to vector<392x128xi32>
    %eq3A_3525 = arith.cmpi eq, %add3A_3523, %eq3A_3524 : vector<392x128xi32>
    %jit3A_3526 = arith.constant 0x7F800000 : f32
    %broadcast_in_dim3A_3527 = vector.broadcast %jit3A_3526 : f32 to vector<392x128xf32>
    %select_n3A_3528 = arith.select %eq3A_3525, %broadcast_in_dim3A_3527, %select_n3A_3073 : vector<392x128xi1>, vector<392x128xf32>
    %add3A_3529 = arith.constant 768 : i32
    %add3A_3530 = vector.broadcast %add3A_3529 : i32 to vector<392x128xi32>
    %add3A_3531 = arith.addi %iota3A, %add3A_3530 : vector<392x128xi32>
    %eq3A_3532 = vector.broadcast %broadcast_in_dim3A_3479 : vector<392x1xi32> to vector<392x128xi32>
    %eq3A_3533 = arith.cmpi eq, %add3A_3531, %eq3A_3532 : vector<392x128xi32>
    %jit3A_3534 = arith.constant 0x7F800000 : f32
    %broadcast_in_dim3A_3535 = vector.broadcast %jit3A_3534 : f32 to vector<392x128xf32>
    %select_n3A_3536 = arith.select %eq3A_3533, %broadcast_in_dim3A_3535, %select_n3A_3081 : vector<392x128xi1>, vector<392x128xf32>
    %add3A_3537 = arith.constant 896 : i32
    %add3A_3538 = vector.broadcast %add3A_3537 : i32 to vector<392x128xi32>
    %add3A_3539 = arith.addi %iota3A, %add3A_3538 : vector<392x128xi32>
    %eq3A_3540 = vector.broadcast %broadcast_in_dim3A_3479 : vector<392x1xi32> to vector<392x128xi32>
    %eq3A_3541 = arith.cmpi eq, %add3A_3539, %eq3A_3540 : vector<392x128xi32>
    %jit3A_3542 = arith.constant 0x7F800000 : f32
    %broadcast_in_dim3A_3543 = vector.broadcast %jit3A_3542 : f32 to vector<392x128xf32>
    %select_n3A_3544 = arith.select %eq3A_3541, %broadcast_in_dim3A_3543, %select_n3A_3089 : vector<392x128xi1>, vector<392x128xf32>
    %add3A_3545 = arith.constant 1024 : i32
    %add3A_3546 = vector.broadcast %add3A_3545 : i32 to vector<392x128xi32>
    %add3A_3547 = arith.addi %iota3A, %add3A_3546 : vector<392x128xi32>
    %eq3A_3548 = vector.broadcast %broadcast_in_dim3A_3479 : vector<392x1xi32> to vector<392x128xi32>
    %eq3A_3549 = arith.cmpi eq, %add3A_3547, %eq3A_3548 : vector<392x128xi32>
    %jit3A_3550 = arith.constant 0x7F800000 : f32
    %broadcast_in_dim3A_3551 = vector.broadcast %jit3A_3550 : f32 to vector<392x128xf32>
    %select_n3A_3552 = arith.select %eq3A_3549, %broadcast_in_dim3A_3551, %select_n3A_3097 : vector<392x128xi1>, vector<392x128xf32>
    %add3A_3553 = arith.constant 1152 : i32
    %add3A_3554 = vector.broadcast %add3A_3553 : i32 to vector<392x128xi32>
    %add3A_3555 = arith.addi %iota3A, %add3A_3554 : vector<392x128xi32>
    %eq3A_3556 = vector.broadcast %broadcast_in_dim3A_3479 : vector<392x1xi32> to vector<392x128xi32>
    %eq3A_3557 = arith.cmpi eq, %add3A_3555, %eq3A_3556 : vector<392x128xi32>
    %jit3A_3558 = arith.constant 0x7F800000 : f32
    %broadcast_in_dim3A_3559 = vector.broadcast %jit3A_3558 : f32 to vector<392x128xf32>
    %select_n3A_3560 = arith.select %eq3A_3557, %broadcast_in_dim3A_3559, %select_n3A_3105 : vector<392x128xi1>, vector<392x128xf32>
    %add3A_3561 = arith.constant 1280 : i32
    %add3A_3562 = vector.broadcast %add3A_3561 : i32 to vector<392x128xi32>
    %add3A_3563 = arith.addi %iota3A, %add3A_3562 : vector<392x128xi32>
    %eq3A_3564 = vector.broadcast %broadcast_in_dim3A_3479 : vector<392x1xi32> to vector<392x128xi32>
    %eq3A_3565 = arith.cmpi eq, %add3A_3563, %eq3A_3564 : vector<392x128xi32>
    %jit3A_3566 = arith.constant 0x7F800000 : f32
    %broadcast_in_dim3A_3567 = vector.broadcast %jit3A_3566 : f32 to vector<392x128xf32>
    %select_n3A_3568 = arith.select %eq3A_3565, %broadcast_in_dim3A_3567, %select_n3A_3113 : vector<392x128xi1>, vector<392x128xf32>
    %add3A_3569 = arith.constant 1408 : i32
    %add3A_3570 = vector.broadcast %add3A_3569 : i32 to vector<392x128xi32>
    %add3A_3571 = arith.addi %iota3A, %add3A_3570 : vector<392x128xi32>
    %eq3A_3572 = vector.broadcast %broadcast_in_dim3A_3479 : vector<392x1xi32> to vector<392x128xi32>
    %eq3A_3573 = arith.cmpi eq, %add3A_3571, %eq3A_3572 : vector<392x128xi32>
    %jit3A_3574 = arith.constant 0x7F800000 : f32
    %broadcast_in_dim3A_3575 = vector.broadcast %jit3A_3574 : f32 to vector<392x128xf32>
    %select_n3A_3576 = arith.select %eq3A_3573, %broadcast_in_dim3A_3575, %select_n3A_3121 : vector<392x128xi1>, vector<392x128xf32>
    %add3A_3577 = arith.constant 1536 : i32
    %add3A_3578 = vector.broadcast %add3A_3577 : i32 to vector<392x128xi32>
    %add3A_3579 = arith.addi %iota3A, %add3A_3578 : vector<392x128xi32>
    %eq3A_3580 = vector.broadcast %broadcast_in_dim3A_3479 : vector<392x1xi32> to vector<392x128xi32>
    %eq3A_3581 = arith.cmpi eq, %add3A_3579, %eq3A_3580 : vector<392x128xi32>
    %jit3A_3582 = arith.constant 0x7F800000 : f32
    %broadcast_in_dim3A_3583 = vector.broadcast %jit3A_3582 : f32 to vector<392x128xf32>
    %select_n3A_3584 = arith.select %eq3A_3581, %broadcast_in_dim3A_3583, %select_n3A_3129 : vector<392x128xi1>, vector<392x128xf32>
    %add3A_3585 = arith.constant 1664 : i32
    %add3A_3586 = vector.broadcast %add3A_3585 : i32 to vector<392x128xi32>
    %add3A_3587 = arith.addi %iota3A, %add3A_3586 : vector<392x128xi32>
    %eq3A_3588 = vector.broadcast %broadcast_in_dim3A_3479 : vector<392x1xi32> to vector<392x128xi32>
    %eq3A_3589 = arith.cmpi eq, %add3A_3587, %eq3A_3588 : vector<392x128xi32>
    %jit3A_3590 = arith.constant 0x7F800000 : f32
    %broadcast_in_dim3A_3591 = vector.broadcast %jit3A_3590 : f32 to vector<392x128xf32>
    %select_n3A_3592 = arith.select %eq3A_3589, %broadcast_in_dim3A_3591, %select_n3A_3137 : vector<392x128xi1>, vector<392x128xf32>
    %add3A_3593 = arith.constant 1792 : i32
    %add3A_3594 = vector.broadcast %add3A_3593 : i32 to vector<392x128xi32>
    %add3A_3595 = arith.addi %iota3A, %add3A_3594 : vector<392x128xi32>
    %eq3A_3596 = vector.broadcast %broadcast_in_dim3A_3479 : vector<392x1xi32> to vector<392x128xi32>
    %eq3A_3597 = arith.cmpi eq, %add3A_3595, %eq3A_3596 : vector<392x128xi32>
    %jit3A_3598 = arith.constant 0x7F800000 : f32
    %broadcast_in_dim3A_3599 = vector.broadcast %jit3A_3598 : f32 to vector<392x128xf32>
    %select_n3A_3600 = arith.select %eq3A_3597, %broadcast_in_dim3A_3599, %select_n3A_3145 : vector<392x128xi1>, vector<392x128xf32>
    %add3A_3601 = arith.constant 1920 : i32
    %add3A_3602 = vector.broadcast %add3A_3601 : i32 to vector<392x128xi32>
    %add3A_3603 = arith.addi %iota3A, %add3A_3602 : vector<392x128xi32>
    %eq3A_3604 = vector.broadcast %broadcast_in_dim3A_3479 : vector<392x1xi32> to vector<392x128xi32>
    %eq3A_3605 = arith.cmpi eq, %add3A_3603, %eq3A_3604 : vector<392x128xi32>
    %jit3A_3606 = arith.constant 0x7F800000 : f32
    %broadcast_in_dim3A_3607 = vector.broadcast %jit3A_3606 : f32 to vector<392x128xf32>
    %select_n3A_3608 = arith.select %eq3A_3605, %broadcast_in_dim3A_3607, %select_n3A_3153 : vector<392x128xi1>, vector<392x128xf32>
    %add3A_3609 = arith.constant 2048 : i32
    %add3A_3610 = vector.broadcast %add3A_3609 : i32 to vector<392x128xi32>
    %add3A_3611 = arith.addi %iota3A, %add3A_3610 : vector<392x128xi32>
    %eq3A_3612 = vector.broadcast %broadcast_in_dim3A_3479 : vector<392x1xi32> to vector<392x128xi32>
    %eq3A_3613 = arith.cmpi eq, %add3A_3611, %eq3A_3612 : vector<392x128xi32>
    %jit3A_3614 = arith.constant 0x7F800000 : f32
    %broadcast_in_dim3A_3615 = vector.broadcast %jit3A_3614 : f32 to vector<392x128xf32>
    %select_n3A_3616 = arith.select %eq3A_3613, %broadcast_in_dim3A_3615, %select_n3A_3161 : vector<392x128xi1>, vector<392x128xf32>
    %add3A_3617 = arith.constant 2176 : i32
    %add3A_3618 = vector.broadcast %add3A_3617 : i32 to vector<392x128xi32>
    %add3A_3619 = arith.addi %iota3A, %add3A_3618 : vector<392x128xi32>
    %eq3A_3620 = vector.broadcast %broadcast_in_dim3A_3479 : vector<392x1xi32> to vector<392x128xi32>
    %eq3A_3621 = arith.cmpi eq, %add3A_3619, %eq3A_3620 : vector<392x128xi32>
    %jit3A_3622 = arith.constant 0x7F800000 : f32
    %broadcast_in_dim3A_3623 = vector.broadcast %jit3A_3622 : f32 to vector<392x128xf32>
    %select_n3A_3624 = arith.select %eq3A_3621, %broadcast_in_dim3A_3623, %select_n3A_3169 : vector<392x128xi1>, vector<392x128xf32>
    %add3A_3625 = arith.constant 2304 : i32
    %add3A_3626 = vector.broadcast %add3A_3625 : i32 to vector<392x128xi32>
    %add3A_3627 = arith.addi %iota3A, %add3A_3626 : vector<392x128xi32>
    %eq3A_3628 = vector.broadcast %broadcast_in_dim3A_3479 : vector<392x1xi32> to vector<392x128xi32>
    %eq3A_3629 = arith.cmpi eq, %add3A_3627, %eq3A_3628 : vector<392x128xi32>
    %jit3A_3630 = arith.constant 0x7F800000 : f32
    %broadcast_in_dim3A_3631 = vector.broadcast %jit3A_3630 : f32 to vector<392x128xf32>
    %select_n3A_3632 = arith.select %eq3A_3629, %broadcast_in_dim3A_3631, %select_n3A_3177 : vector<392x128xi1>, vector<392x128xf32>
    %add3A_3633 = arith.constant 2432 : i32
    %add3A_3634 = vector.broadcast %add3A_3633 : i32 to vector<392x128xi32>
    %add3A_3635 = arith.addi %iota3A, %add3A_3634 : vector<392x128xi32>
    %eq3A_3636 = vector.broadcast %broadcast_in_dim3A_3479 : vector<392x1xi32> to vector<392x128xi32>
    %eq3A_3637 = arith.cmpi eq, %add3A_3635, %eq3A_3636 : vector<392x128xi32>
    %jit3A_3638 = arith.constant 0x7F800000 : f32
    %broadcast_in_dim3A_3639 = vector.broadcast %jit3A_3638 : f32 to vector<392x128xf32>
    %select_n3A_3640 = arith.select %eq3A_3637, %broadcast_in_dim3A_3639, %select_n3A_3185 : vector<392x128xi1>, vector<392x128xf32>
    %add3A_3641 = arith.constant 2560 : i32
    %add3A_3642 = vector.broadcast %add3A_3641 : i32 to vector<392x128xi32>
    %add3A_3643 = arith.addi %iota3A, %add3A_3642 : vector<392x128xi32>
    %eq3A_3644 = vector.broadcast %broadcast_in_dim3A_3479 : vector<392x1xi32> to vector<392x128xi32>
    %eq3A_3645 = arith.cmpi eq, %add3A_3643, %eq3A_3644 : vector<392x128xi32>
    %jit3A_3646 = arith.constant 0x7F800000 : f32
    %broadcast_in_dim3A_3647 = vector.broadcast %jit3A_3646 : f32 to vector<392x128xf32>
    %select_n3A_3648 = arith.select %eq3A_3645, %broadcast_in_dim3A_3647, %select_n3A_3193 : vector<392x128xi1>, vector<392x128xf32>
    %add3A_3649 = arith.constant 2688 : i32
    %add3A_3650 = vector.broadcast %add3A_3649 : i32 to vector<392x128xi32>
    %add3A_3651 = arith.addi %iota3A, %add3A_3650 : vector<392x128xi32>
    %eq3A_3652 = vector.broadcast %broadcast_in_dim3A_3479 : vector<392x1xi32> to vector<392x128xi32>
    %eq3A_3653 = arith.cmpi eq, %add3A_3651, %eq3A_3652 : vector<392x128xi32>
    %jit3A_3654 = arith.constant 0x7F800000 : f32
    %broadcast_in_dim3A_3655 = vector.broadcast %jit3A_3654 : f32 to vector<392x128xf32>
    %select_n3A_3656 = arith.select %eq3A_3653, %broadcast_in_dim3A_3655, %select_n3A_3201 : vector<392x128xi1>, vector<392x128xf32>
    %add3A_3657 = arith.constant 2816 : i32
    %add3A_3658 = vector.broadcast %add3A_3657 : i32 to vector<392x128xi32>
    %add3A_3659 = arith.addi %iota3A, %add3A_3658 : vector<392x128xi32>
    %eq3A_3660 = vector.broadcast %broadcast_in_dim3A_3479 : vector<392x1xi32> to vector<392x128xi32>
    %eq3A_3661 = arith.cmpi eq, %add3A_3659, %eq3A_3660 : vector<392x128xi32>
    %jit3A_3662 = arith.constant 0x7F800000 : f32
    %broadcast_in_dim3A_3663 = vector.broadcast %jit3A_3662 : f32 to vector<392x128xf32>
    %select_n3A_3664 = arith.select %eq3A_3661, %broadcast_in_dim3A_3663, %select_n3A_3209 : vector<392x128xi1>, vector<392x128xf32>
    %add3A_3665 = arith.constant 2944 : i32
    %add3A_3666 = vector.broadcast %add3A_3665 : i32 to vector<392x128xi32>
    %add3A_3667 = arith.addi %iota3A, %add3A_3666 : vector<392x128xi32>
    %eq3A_3668 = vector.broadcast %broadcast_in_dim3A_3479 : vector<392x1xi32> to vector<392x128xi32>
    %eq3A_3669 = arith.cmpi eq, %add3A_3667, %eq3A_3668 : vector<392x128xi32>
    %jit3A_3670 = arith.constant 0x7F800000 : f32
    %broadcast_in_dim3A_3671 = vector.broadcast %jit3A_3670 : f32 to vector<392x128xf32>
    %select_n3A_3672 = arith.select %eq3A_3669, %broadcast_in_dim3A_3671, %select_n3A_3217 : vector<392x128xi1>, vector<392x128xf32>
    %add3A_3673 = arith.constant 3072 : i32
    %add3A_3674 = vector.broadcast %add3A_3673 : i32 to vector<392x128xi32>
    %add3A_3675 = arith.addi %iota3A, %add3A_3674 : vector<392x128xi32>
    %eq3A_3676 = vector.broadcast %broadcast_in_dim3A_3479 : vector<392x1xi32> to vector<392x128xi32>
    %eq3A_3677 = arith.cmpi eq, %add3A_3675, %eq3A_3676 : vector<392x128xi32>
    %jit3A_3678 = arith.constant 0x7F800000 : f32
    %broadcast_in_dim3A_3679 = vector.broadcast %jit3A_3678 : f32 to vector<392x128xf32>
    %select_n3A_3680 = arith.select %eq3A_3677, %broadcast_in_dim3A_3679, %select_n3A_3225 : vector<392x128xi1>, vector<392x128xf32>
    %min3A_3681 = arith.minimumf %select_n3A_3488, %select_n3A_3496 : vector<392x128xf32>
    %min3A_3682 = arith.minimumf %min3A_3681, %select_n3A_3504 : vector<392x128xf32>
    %min3A_3683 = arith.minimumf %min3A_3682, %select_n3A_3512 : vector<392x128xf32>
    %min3A_3684 = arith.minimumf %min3A_3683, %select_n3A_3520 : vector<392x128xf32>
    %min3A_3685 = arith.minimumf %min3A_3684, %select_n3A_3528 : vector<392x128xf32>
    %min3A_3686 = arith.minimumf %min3A_3685, %select_n3A_3536 : vector<392x128xf32>
    %min3A_3687 = arith.minimumf %min3A_3686, %select_n3A_3544 : vector<392x128xf32>
    %min3A_3688 = arith.minimumf %min3A_3687, %select_n3A_3552 : vector<392x128xf32>
    %min3A_3689 = arith.minimumf %min3A_3688, %select_n3A_3560 : vector<392x128xf32>
    %min3A_3690 = arith.minimumf %min3A_3689, %select_n3A_3568 : vector<392x128xf32>
    %min3A_3691 = arith.minimumf %min3A_3690, %select_n3A_3576 : vector<392x128xf32>
    %min3A_3692 = arith.minimumf %min3A_3691, %select_n3A_3584 : vector<392x128xf32>
    %min3A_3693 = arith.minimumf %min3A_3692, %select_n3A_3592 : vector<392x128xf32>
    %min3A_3694 = arith.minimumf %min3A_3693, %select_n3A_3600 : vector<392x128xf32>
    %min3A_3695 = arith.minimumf %min3A_3694, %select_n3A_3608 : vector<392x128xf32>
    %min3A_3696 = arith.minimumf %min3A_3695, %select_n3A_3616 : vector<392x128xf32>
    %min3A_3697 = arith.minimumf %min3A_3696, %select_n3A_3624 : vector<392x128xf32>
    %min3A_3698 = arith.minimumf %min3A_3697, %select_n3A_3632 : vector<392x128xf32>
    %min3A_3699 = arith.minimumf %min3A_3698, %select_n3A_3640 : vector<392x128xf32>
    %min3A_3700 = arith.minimumf %min3A_3699, %select_n3A_3648 : vector<392x128xf32>
    %min3A_3701 = arith.minimumf %min3A_3700, %select_n3A_3656 : vector<392x128xf32>
    %min3A_3702 = arith.minimumf %min3A_3701, %select_n3A_3664 : vector<392x128xf32>
    %min3A_3703 = arith.minimumf %min3A_3702, %select_n3A_3672 : vector<392x128xf32>
    %min3A_3704 = arith.minimumf %min3A_3703, %select_n3A_3680 : vector<392x128xf32>
    %reduce_min3A_3705 = arith.constant dense<0x7F800000> : vector<392xf32>
    %reduce_min3A_3706 = vector.multi_reduction <minimumf>, %min3A_3704, %reduce_min3A_3705 [1] : vector<392x128xf32> to vector<392xf32>
    %broadcast_in_dim3A_3707 = vector.shape_cast %reduce_min3A_3706 : vector<392xf32> to vector<392x1xf32>
    %eq3A_3708 = vector.broadcast %broadcast_in_dim3A_3707 : vector<392x1xf32> to vector<392x128xf32>
    %eq3A_3709 = arith.cmpf oeq, %select_n3A_3488, %eq3A_3708 : vector<392x128xf32>
    %add3A_3710 = arith.constant 0 : i32
    %add3A_3711 = vector.broadcast %add3A_3710 : i32 to vector<392x128xi32>
    %add3A_3712 = arith.addi %iota3A, %add3A_3711 : vector<392x128xi32>
    %jit3A_3713 = arith.constant 3200 : i32
    %broadcast_in_dim3A_3714 = vector.broadcast %jit3A_3713 : i32 to vector<392x128xi32>
    %select_n3A_3715 = arith.select %eq3A_3709, %add3A_3712, %broadcast_in_dim3A_3714 : vector<392x128xi1>, vector<392x128xi32>
    %eq3A_3716 = vector.broadcast %broadcast_in_dim3A_3707 : vector<392x1xf32> to vector<392x128xf32>
    %eq3A_3717 = arith.cmpf oeq, %select_n3A_3496, %eq3A_3716 : vector<392x128xf32>
    %add3A_3718 = arith.constant 128 : i32
    %add3A_3719 = vector.broadcast %add3A_3718 : i32 to vector<392x128xi32>
    %add3A_3720 = arith.addi %iota3A, %add3A_3719 : vector<392x128xi32>
    %jit3A_3721 = arith.constant 3200 : i32
    %broadcast_in_dim3A_3722 = vector.broadcast %jit3A_3721 : i32 to vector<392x128xi32>
    %select_n3A_3723 = arith.select %eq3A_3717, %add3A_3720, %broadcast_in_dim3A_3722 : vector<392x128xi1>, vector<392x128xi32>
    %min3A_3724 = arith.minsi %select_n3A_3715, %select_n3A_3723 : vector<392x128xi32>
    %eq3A_3725 = vector.broadcast %broadcast_in_dim3A_3707 : vector<392x1xf32> to vector<392x128xf32>
    %eq3A_3726 = arith.cmpf oeq, %select_n3A_3504, %eq3A_3725 : vector<392x128xf32>
    %add3A_3727 = arith.constant 256 : i32
    %add3A_3728 = vector.broadcast %add3A_3727 : i32 to vector<392x128xi32>
    %add3A_3729 = arith.addi %iota3A, %add3A_3728 : vector<392x128xi32>
    %jit3A_3730 = arith.constant 3200 : i32
    %broadcast_in_dim3A_3731 = vector.broadcast %jit3A_3730 : i32 to vector<392x128xi32>
    %select_n3A_3732 = arith.select %eq3A_3726, %add3A_3729, %broadcast_in_dim3A_3731 : vector<392x128xi1>, vector<392x128xi32>
    %min3A_3733 = arith.minsi %min3A_3724, %select_n3A_3732 : vector<392x128xi32>
    %eq3A_3734 = vector.broadcast %broadcast_in_dim3A_3707 : vector<392x1xf32> to vector<392x128xf32>
    %eq3A_3735 = arith.cmpf oeq, %select_n3A_3512, %eq3A_3734 : vector<392x128xf32>
    %add3A_3736 = arith.constant 384 : i32
    %add3A_3737 = vector.broadcast %add3A_3736 : i32 to vector<392x128xi32>
    %add3A_3738 = arith.addi %iota3A, %add3A_3737 : vector<392x128xi32>
    %jit3A_3739 = arith.constant 3200 : i32
    %broadcast_in_dim3A_3740 = vector.broadcast %jit3A_3739 : i32 to vector<392x128xi32>
    %select_n3A_3741 = arith.select %eq3A_3735, %add3A_3738, %broadcast_in_dim3A_3740 : vector<392x128xi1>, vector<392x128xi32>
    %min3A_3742 = arith.minsi %min3A_3733, %select_n3A_3741 : vector<392x128xi32>
    %eq3A_3743 = vector.broadcast %broadcast_in_dim3A_3707 : vector<392x1xf32> to vector<392x128xf32>
    %eq3A_3744 = arith.cmpf oeq, %select_n3A_3520, %eq3A_3743 : vector<392x128xf32>
    %add3A_3745 = arith.constant 512 : i32
    %add3A_3746 = vector.broadcast %add3A_3745 : i32 to vector<392x128xi32>
    %add3A_3747 = arith.addi %iota3A, %add3A_3746 : vector<392x128xi32>
    %jit3A_3748 = arith.constant 3200 : i32
    %broadcast_in_dim3A_3749 = vector.broadcast %jit3A_3748 : i32 to vector<392x128xi32>
    %select_n3A_3750 = arith.select %eq3A_3744, %add3A_3747, %broadcast_in_dim3A_3749 : vector<392x128xi1>, vector<392x128xi32>
    %min3A_3751 = arith.minsi %min3A_3742, %select_n3A_3750 : vector<392x128xi32>
    %eq3A_3752 = vector.broadcast %broadcast_in_dim3A_3707 : vector<392x1xf32> to vector<392x128xf32>
    %eq3A_3753 = arith.cmpf oeq, %select_n3A_3528, %eq3A_3752 : vector<392x128xf32>
    %add3A_3754 = arith.constant 640 : i32
    %add3A_3755 = vector.broadcast %add3A_3754 : i32 to vector<392x128xi32>
    %add3A_3756 = arith.addi %iota3A, %add3A_3755 : vector<392x128xi32>
    %jit3A_3757 = arith.constant 3200 : i32
    %broadcast_in_dim3A_3758 = vector.broadcast %jit3A_3757 : i32 to vector<392x128xi32>
    %select_n3A_3759 = arith.select %eq3A_3753, %add3A_3756, %broadcast_in_dim3A_3758 : vector<392x128xi1>, vector<392x128xi32>
    %min3A_3760 = arith.minsi %min3A_3751, %select_n3A_3759 : vector<392x128xi32>
    %eq3A_3761 = vector.broadcast %broadcast_in_dim3A_3707 : vector<392x1xf32> to vector<392x128xf32>
    %eq3A_3762 = arith.cmpf oeq, %select_n3A_3536, %eq3A_3761 : vector<392x128xf32>
    %add3A_3763 = arith.constant 768 : i32
    %add3A_3764 = vector.broadcast %add3A_3763 : i32 to vector<392x128xi32>
    %add3A_3765 = arith.addi %iota3A, %add3A_3764 : vector<392x128xi32>
    %jit3A_3766 = arith.constant 3200 : i32
    %broadcast_in_dim3A_3767 = vector.broadcast %jit3A_3766 : i32 to vector<392x128xi32>
    %select_n3A_3768 = arith.select %eq3A_3762, %add3A_3765, %broadcast_in_dim3A_3767 : vector<392x128xi1>, vector<392x128xi32>
    %min3A_3769 = arith.minsi %min3A_3760, %select_n3A_3768 : vector<392x128xi32>
    %eq3A_3770 = vector.broadcast %broadcast_in_dim3A_3707 : vector<392x1xf32> to vector<392x128xf32>
    %eq3A_3771 = arith.cmpf oeq, %select_n3A_3544, %eq3A_3770 : vector<392x128xf32>
    %add3A_3772 = arith.constant 896 : i32
    %add3A_3773 = vector.broadcast %add3A_3772 : i32 to vector<392x128xi32>
    %add3A_3774 = arith.addi %iota3A, %add3A_3773 : vector<392x128xi32>
    %jit3A_3775 = arith.constant 3200 : i32
    %broadcast_in_dim3A_3776 = vector.broadcast %jit3A_3775 : i32 to vector<392x128xi32>
    %select_n3A_3777 = arith.select %eq3A_3771, %add3A_3774, %broadcast_in_dim3A_3776 : vector<392x128xi1>, vector<392x128xi32>
    %min3A_3778 = arith.minsi %min3A_3769, %select_n3A_3777 : vector<392x128xi32>
    %eq3A_3779 = vector.broadcast %broadcast_in_dim3A_3707 : vector<392x1xf32> to vector<392x128xf32>
    %eq3A_3780 = arith.cmpf oeq, %select_n3A_3552, %eq3A_3779 : vector<392x128xf32>
    %add3A_3781 = arith.constant 1024 : i32
    %add3A_3782 = vector.broadcast %add3A_3781 : i32 to vector<392x128xi32>
    %add3A_3783 = arith.addi %iota3A, %add3A_3782 : vector<392x128xi32>
    %jit3A_3784 = arith.constant 3200 : i32
    %broadcast_in_dim3A_3785 = vector.broadcast %jit3A_3784 : i32 to vector<392x128xi32>
    %select_n3A_3786 = arith.select %eq3A_3780, %add3A_3783, %broadcast_in_dim3A_3785 : vector<392x128xi1>, vector<392x128xi32>
    %min3A_3787 = arith.minsi %min3A_3778, %select_n3A_3786 : vector<392x128xi32>
    %eq3A_3788 = vector.broadcast %broadcast_in_dim3A_3707 : vector<392x1xf32> to vector<392x128xf32>
    %eq3A_3789 = arith.cmpf oeq, %select_n3A_3560, %eq3A_3788 : vector<392x128xf32>
    %add3A_3790 = arith.constant 1152 : i32
    %add3A_3791 = vector.broadcast %add3A_3790 : i32 to vector<392x128xi32>
    %add3A_3792 = arith.addi %iota3A, %add3A_3791 : vector<392x128xi32>
    %jit3A_3793 = arith.constant 3200 : i32
    %broadcast_in_dim3A_3794 = vector.broadcast %jit3A_3793 : i32 to vector<392x128xi32>
    %select_n3A_3795 = arith.select %eq3A_3789, %add3A_3792, %broadcast_in_dim3A_3794 : vector<392x128xi1>, vector<392x128xi32>
    %min3A_3796 = arith.minsi %min3A_3787, %select_n3A_3795 : vector<392x128xi32>
    %eq3A_3797 = vector.broadcast %broadcast_in_dim3A_3707 : vector<392x1xf32> to vector<392x128xf32>
    %eq3A_3798 = arith.cmpf oeq, %select_n3A_3568, %eq3A_3797 : vector<392x128xf32>
    %add3A_3799 = arith.constant 1280 : i32
    %add3A_3800 = vector.broadcast %add3A_3799 : i32 to vector<392x128xi32>
    %add3A_3801 = arith.addi %iota3A, %add3A_3800 : vector<392x128xi32>
    %jit3A_3802 = arith.constant 3200 : i32
    %broadcast_in_dim3A_3803 = vector.broadcast %jit3A_3802 : i32 to vector<392x128xi32>
    %select_n3A_3804 = arith.select %eq3A_3798, %add3A_3801, %broadcast_in_dim3A_3803 : vector<392x128xi1>, vector<392x128xi32>
    %min3A_3805 = arith.minsi %min3A_3796, %select_n3A_3804 : vector<392x128xi32>
    %eq3A_3806 = vector.broadcast %broadcast_in_dim3A_3707 : vector<392x1xf32> to vector<392x128xf32>
    %eq3A_3807 = arith.cmpf oeq, %select_n3A_3576, %eq3A_3806 : vector<392x128xf32>
    %add3A_3808 = arith.constant 1408 : i32
    %add3A_3809 = vector.broadcast %add3A_3808 : i32 to vector<392x128xi32>
    %add3A_3810 = arith.addi %iota3A, %add3A_3809 : vector<392x128xi32>
    %jit3A_3811 = arith.constant 3200 : i32
    %broadcast_in_dim3A_3812 = vector.broadcast %jit3A_3811 : i32 to vector<392x128xi32>
    %select_n3A_3813 = arith.select %eq3A_3807, %add3A_3810, %broadcast_in_dim3A_3812 : vector<392x128xi1>, vector<392x128xi32>
    %min3A_3814 = arith.minsi %min3A_3805, %select_n3A_3813 : vector<392x128xi32>
    %eq3A_3815 = vector.broadcast %broadcast_in_dim3A_3707 : vector<392x1xf32> to vector<392x128xf32>
    %eq3A_3816 = arith.cmpf oeq, %select_n3A_3584, %eq3A_3815 : vector<392x128xf32>
    %add3A_3817 = arith.constant 1536 : i32
    %add3A_3818 = vector.broadcast %add3A_3817 : i32 to vector<392x128xi32>
    %add3A_3819 = arith.addi %iota3A, %add3A_3818 : vector<392x128xi32>
    %jit3A_3820 = arith.constant 3200 : i32
    %broadcast_in_dim3A_3821 = vector.broadcast %jit3A_3820 : i32 to vector<392x128xi32>
    %select_n3A_3822 = arith.select %eq3A_3816, %add3A_3819, %broadcast_in_dim3A_3821 : vector<392x128xi1>, vector<392x128xi32>
    %min3A_3823 = arith.minsi %min3A_3814, %select_n3A_3822 : vector<392x128xi32>
    %eq3A_3824 = vector.broadcast %broadcast_in_dim3A_3707 : vector<392x1xf32> to vector<392x128xf32>
    %eq3A_3825 = arith.cmpf oeq, %select_n3A_3592, %eq3A_3824 : vector<392x128xf32>
    %add3A_3826 = arith.constant 1664 : i32
    %add3A_3827 = vector.broadcast %add3A_3826 : i32 to vector<392x128xi32>
    %add3A_3828 = arith.addi %iota3A, %add3A_3827 : vector<392x128xi32>
    %jit3A_3829 = arith.constant 3200 : i32
    %broadcast_in_dim3A_3830 = vector.broadcast %jit3A_3829 : i32 to vector<392x128xi32>
    %select_n3A_3831 = arith.select %eq3A_3825, %add3A_3828, %broadcast_in_dim3A_3830 : vector<392x128xi1>, vector<392x128xi32>
    %min3A_3832 = arith.minsi %min3A_3823, %select_n3A_3831 : vector<392x128xi32>
    %eq3A_3833 = vector.broadcast %broadcast_in_dim3A_3707 : vector<392x1xf32> to vector<392x128xf32>
    %eq3A_3834 = arith.cmpf oeq, %select_n3A_3600, %eq3A_3833 : vector<392x128xf32>
    %add3A_3835 = arith.constant 1792 : i32
    %add3A_3836 = vector.broadcast %add3A_3835 : i32 to vector<392x128xi32>
    %add3A_3837 = arith.addi %iota3A, %add3A_3836 : vector<392x128xi32>
    %jit3A_3838 = arith.constant 3200 : i32
    %broadcast_in_dim3A_3839 = vector.broadcast %jit3A_3838 : i32 to vector<392x128xi32>
    %select_n3A_3840 = arith.select %eq3A_3834, %add3A_3837, %broadcast_in_dim3A_3839 : vector<392x128xi1>, vector<392x128xi32>
    %min3A_3841 = arith.minsi %min3A_3832, %select_n3A_3840 : vector<392x128xi32>
    %eq3A_3842 = vector.broadcast %broadcast_in_dim3A_3707 : vector<392x1xf32> to vector<392x128xf32>
    %eq3A_3843 = arith.cmpf oeq, %select_n3A_3608, %eq3A_3842 : vector<392x128xf32>
    %add3A_3844 = arith.constant 1920 : i32
    %add3A_3845 = vector.broadcast %add3A_3844 : i32 to vector<392x128xi32>
    %add3A_3846 = arith.addi %iota3A, %add3A_3845 : vector<392x128xi32>
    %jit3A_3847 = arith.constant 3200 : i32
    %broadcast_in_dim3A_3848 = vector.broadcast %jit3A_3847 : i32 to vector<392x128xi32>
    %select_n3A_3849 = arith.select %eq3A_3843, %add3A_3846, %broadcast_in_dim3A_3848 : vector<392x128xi1>, vector<392x128xi32>
    %min3A_3850 = arith.minsi %min3A_3841, %select_n3A_3849 : vector<392x128xi32>
    %eq3A_3851 = vector.broadcast %broadcast_in_dim3A_3707 : vector<392x1xf32> to vector<392x128xf32>
    %eq3A_3852 = arith.cmpf oeq, %select_n3A_3616, %eq3A_3851 : vector<392x128xf32>
    %add3A_3853 = arith.constant 2048 : i32
    %add3A_3854 = vector.broadcast %add3A_3853 : i32 to vector<392x128xi32>
    %add3A_3855 = arith.addi %iota3A, %add3A_3854 : vector<392x128xi32>
    %jit3A_3856 = arith.constant 3200 : i32
    %broadcast_in_dim3A_3857 = vector.broadcast %jit3A_3856 : i32 to vector<392x128xi32>
    %select_n3A_3858 = arith.select %eq3A_3852, %add3A_3855, %broadcast_in_dim3A_3857 : vector<392x128xi1>, vector<392x128xi32>
    %min3A_3859 = arith.minsi %min3A_3850, %select_n3A_3858 : vector<392x128xi32>
    %eq3A_3860 = vector.broadcast %broadcast_in_dim3A_3707 : vector<392x1xf32> to vector<392x128xf32>
    %eq3A_3861 = arith.cmpf oeq, %select_n3A_3624, %eq3A_3860 : vector<392x128xf32>
    %add3A_3862 = arith.constant 2176 : i32
    %add3A_3863 = vector.broadcast %add3A_3862 : i32 to vector<392x128xi32>
    %add3A_3864 = arith.addi %iota3A, %add3A_3863 : vector<392x128xi32>
    %jit3A_3865 = arith.constant 3200 : i32
    %broadcast_in_dim3A_3866 = vector.broadcast %jit3A_3865 : i32 to vector<392x128xi32>
    %select_n3A_3867 = arith.select %eq3A_3861, %add3A_3864, %broadcast_in_dim3A_3866 : vector<392x128xi1>, vector<392x128xi32>
    %min3A_3868 = arith.minsi %min3A_3859, %select_n3A_3867 : vector<392x128xi32>
    %eq3A_3869 = vector.broadcast %broadcast_in_dim3A_3707 : vector<392x1xf32> to vector<392x128xf32>
    %eq3A_3870 = arith.cmpf oeq, %select_n3A_3632, %eq3A_3869 : vector<392x128xf32>
    %add3A_3871 = arith.constant 2304 : i32
    %add3A_3872 = vector.broadcast %add3A_3871 : i32 to vector<392x128xi32>
    %add3A_3873 = arith.addi %iota3A, %add3A_3872 : vector<392x128xi32>
    %jit3A_3874 = arith.constant 3200 : i32
    %broadcast_in_dim3A_3875 = vector.broadcast %jit3A_3874 : i32 to vector<392x128xi32>
    %select_n3A_3876 = arith.select %eq3A_3870, %add3A_3873, %broadcast_in_dim3A_3875 : vector<392x128xi1>, vector<392x128xi32>
    %min3A_3877 = arith.minsi %min3A_3868, %select_n3A_3876 : vector<392x128xi32>
    %eq3A_3878 = vector.broadcast %broadcast_in_dim3A_3707 : vector<392x1xf32> to vector<392x128xf32>
    %eq3A_3879 = arith.cmpf oeq, %select_n3A_3640, %eq3A_3878 : vector<392x128xf32>
    %add3A_3880 = arith.constant 2432 : i32
    %add3A_3881 = vector.broadcast %add3A_3880 : i32 to vector<392x128xi32>
    %add3A_3882 = arith.addi %iota3A, %add3A_3881 : vector<392x128xi32>
    %jit3A_3883 = arith.constant 3200 : i32
    %broadcast_in_dim3A_3884 = vector.broadcast %jit3A_3883 : i32 to vector<392x128xi32>
    %select_n3A_3885 = arith.select %eq3A_3879, %add3A_3882, %broadcast_in_dim3A_3884 : vector<392x128xi1>, vector<392x128xi32>
    %min3A_3886 = arith.minsi %min3A_3877, %select_n3A_3885 : vector<392x128xi32>
    %eq3A_3887 = vector.broadcast %broadcast_in_dim3A_3707 : vector<392x1xf32> to vector<392x128xf32>
    %eq3A_3888 = arith.cmpf oeq, %select_n3A_3648, %eq3A_3887 : vector<392x128xf32>
    %add3A_3889 = arith.constant 2560 : i32
    %add3A_3890 = vector.broadcast %add3A_3889 : i32 to vector<392x128xi32>
    %add3A_3891 = arith.addi %iota3A, %add3A_3890 : vector<392x128xi32>
    %jit3A_3892 = arith.constant 3200 : i32
    %broadcast_in_dim3A_3893 = vector.broadcast %jit3A_3892 : i32 to vector<392x128xi32>
    %select_n3A_3894 = arith.select %eq3A_3888, %add3A_3891, %broadcast_in_dim3A_3893 : vector<392x128xi1>, vector<392x128xi32>
    %min3A_3895 = arith.minsi %min3A_3886, %select_n3A_3894 : vector<392x128xi32>
    %eq3A_3896 = vector.broadcast %broadcast_in_dim3A_3707 : vector<392x1xf32> to vector<392x128xf32>
    %eq3A_3897 = arith.cmpf oeq, %select_n3A_3656, %eq3A_3896 : vector<392x128xf32>
    %add3A_3898 = arith.constant 2688 : i32
    %add3A_3899 = vector.broadcast %add3A_3898 : i32 to vector<392x128xi32>
    %add3A_3900 = arith.addi %iota3A, %add3A_3899 : vector<392x128xi32>
    %jit3A_3901 = arith.constant 3200 : i32
    %broadcast_in_dim3A_3902 = vector.broadcast %jit3A_3901 : i32 to vector<392x128xi32>
    %select_n3A_3903 = arith.select %eq3A_3897, %add3A_3900, %broadcast_in_dim3A_3902 : vector<392x128xi1>, vector<392x128xi32>
    %min3A_3904 = arith.minsi %min3A_3895, %select_n3A_3903 : vector<392x128xi32>
    %eq3A_3905 = vector.broadcast %broadcast_in_dim3A_3707 : vector<392x1xf32> to vector<392x128xf32>
    %eq3A_3906 = arith.cmpf oeq, %select_n3A_3664, %eq3A_3905 : vector<392x128xf32>
    %add3A_3907 = arith.constant 2816 : i32
    %add3A_3908 = vector.broadcast %add3A_3907 : i32 to vector<392x128xi32>
    %add3A_3909 = arith.addi %iota3A, %add3A_3908 : vector<392x128xi32>
    %jit3A_3910 = arith.constant 3200 : i32
    %broadcast_in_dim3A_3911 = vector.broadcast %jit3A_3910 : i32 to vector<392x128xi32>
    %select_n3A_3912 = arith.select %eq3A_3906, %add3A_3909, %broadcast_in_dim3A_3911 : vector<392x128xi1>, vector<392x128xi32>
    %min3A_3913 = arith.minsi %min3A_3904, %select_n3A_3912 : vector<392x128xi32>
    %eq3A_3914 = vector.broadcast %broadcast_in_dim3A_3707 : vector<392x1xf32> to vector<392x128xf32>
    %eq3A_3915 = arith.cmpf oeq, %select_n3A_3672, %eq3A_3914 : vector<392x128xf32>
    %add3A_3916 = arith.constant 2944 : i32
    %add3A_3917 = vector.broadcast %add3A_3916 : i32 to vector<392x128xi32>
    %add3A_3918 = arith.addi %iota3A, %add3A_3917 : vector<392x128xi32>
    %jit3A_3919 = arith.constant 3200 : i32
    %broadcast_in_dim3A_3920 = vector.broadcast %jit3A_3919 : i32 to vector<392x128xi32>
    %select_n3A_3921 = arith.select %eq3A_3915, %add3A_3918, %broadcast_in_dim3A_3920 : vector<392x128xi1>, vector<392x128xi32>
    %min3A_3922 = arith.minsi %min3A_3913, %select_n3A_3921 : vector<392x128xi32>
    %eq3A_3923 = vector.broadcast %broadcast_in_dim3A_3707 : vector<392x1xf32> to vector<392x128xf32>
    %eq3A_3924 = arith.cmpf oeq, %select_n3A_3680, %eq3A_3923 : vector<392x128xf32>
    %add3A_3925 = arith.constant 3072 : i32
    %add3A_3926 = vector.broadcast %add3A_3925 : i32 to vector<392x128xi32>
    %add3A_3927 = arith.addi %iota3A, %add3A_3926 : vector<392x128xi32>
    %jit3A_3928 = arith.constant 3200 : i32
    %broadcast_in_dim3A_3929 = vector.broadcast %jit3A_3928 : i32 to vector<392x128xi32>
    %select_n3A_3930 = arith.select %eq3A_3924, %add3A_3927, %broadcast_in_dim3A_3929 : vector<392x128xi1>, vector<392x128xi32>
    %min3A_3931 = arith.minsi %min3A_3922, %select_n3A_3930 : vector<392x128xi32>
    %reduce_min3A_3932 = arith.constant dense<2147483647> : vector<392xi32>
    %reduce_min3A_3933 = vector.multi_reduction <minsi>, %min3A_3931, %reduce_min3A_3932 [1] : vector<392x128xi32> to vector<392xi32>
    %broadcast_in_dim3A_3934 = vector.shape_cast %reduce_min3A_3933 : vector<392xi32> to vector<392x1xi32>
    %squeeze3A_3935 = vector.shape_cast %broadcast_in_dim3A_3934 : vector<392x1xi32> to vector<392xi32>
    %stack3A = vector.shape_cast %squeeze3A : vector<392xi32> to vector<392x1xi32>
    %stack3A_3936 = vector.shape_cast %squeeze3A_750 : vector<392xi32> to vector<392x1xi32>
    %stack3A_3937 = vector.shape_cast %squeeze3A_1205 : vector<392xi32> to vector<392x1xi32>
    %stack3A_3938 = vector.shape_cast %squeeze3A_1660 : vector<392xi32> to vector<392x1xi32>
    %stack3A_3939 = vector.shape_cast %squeeze3A_2115 : vector<392xi32> to vector<392x1xi32>
    %stack3A_3940 = vector.shape_cast %squeeze3A_2570 : vector<392xi32> to vector<392x1xi32>
    %stack3A_3941 = vector.shape_cast %squeeze3A_3025 : vector<392xi32> to vector<392x1xi32>
    %stack3A_3942 = vector.shape_cast %squeeze3A_3480 : vector<392xi32> to vector<392x1xi32>
    %stack3A_3943 = vector.shape_cast %squeeze3A_3935 : vector<392xi32> to vector<392x1xi32>
    %stack3A_3944 = tpu.concatenate %stack3A, %stack3A_3936, %stack3A_3937, %stack3A_3938, %stack3A_3939, %stack3A_3940, %stack3A_3941, %stack3A_3942, %stack3A_3943 in 1 : vector<392x1xi32>, vector<392x1xi32>, vector<392x1xi32>, vector<392x1xi32>, vector<392x1xi32>, vector<392x1xi32>, vector<392x1xi32>, vector<392x1xi32>, vector<392x1xi32> -> vector<392x9xi32>
    %mul3A_3945 = arith.constant 3136 : i32
    %mul3A_3946 = arith.muli %arg0, %mul3A_3945 : i32
    %add3A_3947 = vector.broadcast %mul3A_3946 : i32 to vector<392x9xi32>
    %add3A_3948 = arith.addi %stack3A_3944, %add3A_3947 : vector<392x9xi32>
    %swap3A = arith.constant 0 : index
    %swap3A_3949 = arith.constant 0 : index
    %swap3A_3950 = arith.constant 0 : index
    %swap3A_3951 = vector.load %arg6[%swap3A, %swap3A_3949, %swap3A_3950] : memref<1x392x9xi32, #tpu.memory_space<vmem>>, vector<1x392x9xi32>
    %swap3A_3952 = vector.shape_cast %swap3A_3951 : vector<1x392x9xi32> to vector<392x9xi32>
    %swap3A_3953 = vector.shape_cast %add3A_3948 : vector<392x9xi32> to vector<1x392x9xi32>
    tpu.vector_store %arg6[%swap3A, %swap3A_3949, %swap3A_3950], %swap3A_3953 {strides = array<i32>} : memref<1x392x9xi32, #tpu.memory_space<vmem>>, vector<1x392x9xi32>,
    return
  }
  func.func @transform_0(%arg0: i32, %arg1: i32) -> (i32, i32, i32) {
    %c0_i32 = arith.constant 0 : i32
    %c0_i32_0 = arith.constant 0 : i32
    return %arg0, %arg1, %c0_i32 : i32, i32, i32
  }
  func.func @transform_1(%arg0: i32, %arg1: i32) -> (i32, i32, i32) {
    %c0_i32 = arith.constant 0 : i32
    %c0_i32_0 = arith.constant 0 : i32
    %c0_i32_1 = arith.constant 0 : i32
    return %arg0, %c0_i32, %c0_i32_0 : i32, i32, i32
  }
  func.func @transform_2(%arg0: i32, %arg1: i32) -> (i32, i32, i32) {
    %c0_i32 = arith.constant 0 : i32
    %c0_i32_0 = arith.constant 0 : i32
    return %arg0, %arg1, %c0_i32 : i32, i32, i32
  }
  func.func @transform_3(%arg0: i32, %arg1: i32) -> (i32, i32, i32) {
    %c0_i32 = arith.constant 0 : i32
    %c0_i32_0 = arith.constant 0 : i32
    %c0_i32_1 = arith.constant 0 : i32
    return %arg0, %c0_i32, %c0_i32_0 : i32, i32, i32
  }
  func.func @transform_4(%arg0: i32, %arg1: i32) -> (i32, i32, i32) {
    %c0_i32 = arith.constant 0 : i32
    %c0_i32_0 = arith.constant 0 : i32
    return %arg0, %arg1, %c0_i32 : i32, i32, i32
  }
}

module attributes {stable_mosaic.version = 14 : i64} {
  func.func @_k4_body(%arg0: i32, %arg1: i32, %arg2: memref<1x392x96xf32, #tpu.memory_space<vmem>>, %arg3: memref<1x392x128xf32, #tpu.memory_space<vmem>>, %arg4: memref<1x392x96xf32, #tpu.memory_space<vmem>>, %arg5: memref<96x96xf32, #tpu.memory_space<vmem>>, %arg6: memref<128x96xf32, #tpu.memory_space<vmem>>, %arg7: memref<1x96xf32, #tpu.memory_space<vmem>>, %arg8: memref<1x392x96xf32, #tpu.memory_space<vmem>>) attributes {dimension_semantics = [#tpu.dimension_semantics<arbitrary>, #tpu.dimension_semantics<arbitrary>], iteration_bounds = array<i64: 4, 8>, scalar_prefetch = 0 : i64, scratch_operands = 0 : i64, tpu.core_type = #tpu.core_type<tc>, window_params = [{transform_indices = @transform_0, window_bounds = array<i64: 1, 392, 96>}, {transform_indices = @transform_1, window_bounds = array<i64: 1, 392, 128>}, {transform_indices = @transform_2, window_bounds = array<i64: 1, 392, 96>}, {pipeline_mode = #tpu.pipeline_mode<synchronous>, transform_indices = @transform_3, window_bounds = array<i64: 96, 96>}, {pipeline_mode = #tpu.pipeline_mode<synchronous>, transform_indices = @transform_4, window_bounds = array<i64: 128, 96>}, {pipeline_mode = #tpu.pipeline_mode<synchronous>, transform_indices = @transform_5, window_bounds = array<i64: 1, 96>}, {transform_indices = @transform_6, window_bounds = array<i64: 1, 392, 96>}]} {
    %get3A = arith.constant 0 : index
    %get3A_0 = arith.constant 0 : index
    %get3A_1 = arith.constant 0 : index
    %get3A_2 = vector.load %arg2[%get3A, %get3A_0, %get3A_1] : memref<1x392x96xf32, #tpu.memory_space<vmem>>, vector<1x392x96xf32>
    %get3A_3 = vector.shape_cast %get3A_2 : vector<1x392x96xf32> to vector<392x96xf32>
    %get3A_4 = arith.constant 0 : index
    %get3A_5 = arith.constant 0 : index
    %get3A_6 = vector.load %arg5[%get3A_4, %get3A_5] : memref<96x96xf32, #tpu.memory_space<vmem>>, vector<96x96xf32>
    %dot_general3A = arith.constant dense<0.000000e+00> : vector<392x96xf32>
    %dot_general3A_7 = tpu.matmul %get3A_3, %get3A_6, %dot_general3A {dimension_numbers = #tpu.dot_dimension_numbers<[1], [0], [0], [1], [0, 0, 1, 1], [], []>, transpose_lhs_hint = false} : vector<392x96xf32>, vector<96x96xf32>, vector<392x96xf32> -> vector<392x96xf32>
    %get3A_8 = arith.constant 0 : index
    %get3A_9 = arith.constant 0 : index
    %get3A_10 = arith.constant 0 : index
    %get3A_11 = vector.load %arg3[%get3A_8, %get3A_9, %get3A_10] : memref<1x392x128xf32, #tpu.memory_space<vmem>>, vector<1x392x128xf32>
    %get3A_12 = vector.shape_cast %get3A_11 : vector<1x392x128xf32> to vector<392x128xf32>
    %get3A_13 = arith.constant 0 : index
    %get3A_14 = arith.constant 0 : index
    %get3A_15 = vector.load %arg6[%get3A_13, %get3A_14] : memref<128x96xf32, #tpu.memory_space<vmem>>, vector<128x96xf32>
    %dot_general3A_16 = arith.constant dense<0.000000e+00> : vector<392x96xf32>
    %dot_general3A_17 = tpu.matmul %get3A_12, %get3A_15, %dot_general3A_16 {dimension_numbers = #tpu.dot_dimension_numbers<[1], [0], [0], [1], [0, 0, 1, 1], [], []>, transpose_lhs_hint = false} : vector<392x128xf32>, vector<128x96xf32>, vector<392x96xf32> -> vector<392x96xf32>
    %add3A = arith.addf %dot_general3A_7, %dot_general3A_17 : vector<392x96xf32>
    %get3A_18 = arith.constant 0 : index
    %get3A_19 = arith.constant 0 : index
    %get3A_20 = vector.load %arg7[%get3A_18, %get3A_19] : memref<1x96xf32, #tpu.memory_space<vmem>>, vector<1x96xf32>
    %add3A_21 = vector.broadcast %get3A_20 : vector<1x96xf32> to vector<392x96xf32>
    %add3A_22 = arith.addf %add3A, %add3A_21 : vector<392x96xf32>
    %get3A_23 = arith.constant 0 : index
    %get3A_24 = arith.constant 0 : index
    %get3A_25 = arith.constant 0 : index
    %get3A_26 = vector.load %arg4[%get3A_23, %get3A_24, %get3A_25] : memref<1x392x96xf32, #tpu.memory_space<vmem>>, vector<1x392x96xf32>
    %get3A_27 = vector.shape_cast %get3A_26 : vector<1x392x96xf32> to vector<392x96xf32>
    %add3A_28 = arith.addf %add3A_22, %get3A_27 : vector<392x96xf32>
    %swap3A = arith.constant 0 : index
    %swap3A_29 = arith.constant 0 : index
    %swap3A_30 = arith.constant 0 : index
    %swap3A_31 = vector.load %arg8[%swap3A, %swap3A_29, %swap3A_30] : memref<1x392x96xf32, #tpu.memory_space<vmem>>, vector<1x392x96xf32>
    %swap3A_32 = vector.shape_cast %swap3A_31 : vector<1x392x96xf32> to vector<392x96xf32>
    %swap3A_33 = vector.shape_cast %add3A_28 : vector<392x96xf32> to vector<1x392x96xf32>
    tpu.vector_store %arg8[%swap3A, %swap3A_29, %swap3A_30], %swap3A_33 {strides = array<i32>} : memref<1x392x96xf32, #tpu.memory_space<vmem>>, vector<1x392x96xf32>,
    return
  }
  func.func @transform_0(%arg0: i32, %arg1: i32) -> (i32, i32, i32) {
    %c0_i32 = arith.constant 0 : i32
    %c0_i32_0 = arith.constant 0 : i32
    return %arg0, %arg1, %c0_i32 : i32, i32, i32
  }
  func.func @transform_1(%arg0: i32, %arg1: i32) -> (i32, i32, i32) {
    %c0_i32 = arith.constant 0 : i32
    %c0_i32_0 = arith.constant 0 : i32
    return %arg0, %arg1, %c0_i32 : i32, i32, i32
  }
  func.func @transform_2(%arg0: i32, %arg1: i32) -> (i32, i32, i32) {
    %c0_i32 = arith.constant 0 : i32
    %c0_i32_0 = arith.constant 0 : i32
    return %arg0, %arg1, %c0_i32 : i32, i32, i32
  }
  func.func @transform_3(%arg0: i32, %arg1: i32) -> (i32, i32) {
    %c0_i32 = arith.constant 0 : i32
    %c0_i32_0 = arith.constant 0 : i32
    %c0_i32_1 = arith.constant 0 : i32
    return %c0_i32, %c0_i32_0 : i32, i32
  }
  func.func @transform_4(%arg0: i32, %arg1: i32) -> (i32, i32) {
    %c0_i32 = arith.constant 0 : i32
    %c0_i32_0 = arith.constant 0 : i32
    %c0_i32_1 = arith.constant 0 : i32
    return %c0_i32, %c0_i32_0 : i32, i32
  }
  func.func @transform_5(%arg0: i32, %arg1: i32) -> (i32, i32) {
    %c0_i32 = arith.constant 0 : i32
    %c0_i32_0 = arith.constant 0 : i32
    %c0_i32_1 = arith.constant 0 : i32
    return %c0_i32, %c0_i32_0 : i32, i32
  }
  func.func @transform_6(%arg0: i32, %arg1: i32) -> (i32, i32, i32) {
    %c0_i32 = arith.constant 0 : i32
    %c0_i32_0 = arith.constant 0 : i32
    return %arg0, %arg1, %c0_i32 : i32, i32, i32
  }
}

</mosaic_0001>

<sc_bundles>
// kernel: kernel.7.cloned.1.call-start
scs
__scs_entry_jumppad:
0x0: {  	(pc) =	sbr.rel $0x88, $3  }
0x1: {  	(tag) =	ssettag $0x0;
	lr =	simm.s32 $0x1  }
0x2: {  	[smem:$0x3F92] =	sst lr;
	_ =	strace $0xD0000000  }
0x3: {  	_ = 	snop  }
0x4: {  	_ = 	snop  }
0x5: {  	_ = 	snop  }
0x6: {  	_ = 	snop  }
0x7: {  	_ = 	snop  }
__scs_overlays_trampoline_lowered:
0x8: {  	[smem:$0x3FA1] =	sst s0  }
0x9: {  	[smem:$0x3FA2] =	sst s1  }
0xa: {  	[smem:$0x3FA3] =	sst s2  }
0xb: {  	[smem:$0x3FA4] =	sst s3  }
0xc: {  	[smem:$0x3FA5] =	sst s4  }
0xd: {  	[smem:$0x3FA6] =	sst s5  }
0xe: {  	[smem:$0x3FA7] =	sst s6  }
0xf: {  	[smem:$0x3FA8] =	sst s7  }
0x10: {  	[smem:$0x3FA9] =	sst s8  }
0x11: {  	[smem:$0x3FAA] =	sst s9;
	s0 =	simm.s32 @!p0 $0x0  }
0x12: {  	s1 =	sld [smem:$0x3F90];
	s0 =	simm.s32 @p0 $0x1  }
0x13: {  	[smem:$0x3FAB] =	sst s0;
	s0 =	simm.s32 @!p1 $0x0  }
0x14: {  	s2 =	sld [smem:$0x3F8F];
	s0 =	simm.s32 @p1 $0x1  }
0x15: {  	[smem:$0x3FAC] =	sst s0;
	s0 =	simm.s32 @!p2 $0x0  }
0x16: {  	s3 =	sld [smem:$0x3FDB];
	s0 =	simm.s32 @p2 $0x1  }
0x17: {  	s4 =	simm.s32 $0x1BF5;
	[smem:$0x3FAE] =	sst s0  }
0x18: {  	s0 =	sld [smem:$0x3F91];
	_ =	swait.ge [sflag:s4], $0x0  }
0x19: {  	s7 =	sld [smem:$0x3F92]  }
0x1a: {  	s8 =	sadd.s32 $0xFFFFE003, lr  }
0x1b: {  	s9 =	sadd.s32 $0xFFFFFEF7, lr;
	s5 =	simm.s32 $0xFFFFFFFF;
	p2 =	slt.u32 s8, $0xFFFFF086  }
0x1c: {  	p1 =	slt.u32 s9, $0xF7A;
	s5 =	simm.s32 @!p2 $0x0  }
0x1d: {  	s5 =	simm.s32 @p1 $0x1;
	p0 =	seq.s32 s7, s2  }
0x1e: {  	s7 =	smul.u32 @!p0 $0xF7A, s2;
	p2 =	seq.s32 @!p0 s5, $0x0  }
0x1f: {  	s9 =	smul.u32 $0xF7A, s1;
	s8 =	simm.s32 @!p0 $0x1BF5;
	p2 =	por !p2, p0  }
0x20: {  	[sflag:s8] =	ssyncset.s32 @!p0 $0xFFFFF086;
	s6 =	sadd.s32 @!p0 s3, s7;
	s7 =	simm.s32 @!p0 $0x108  }
0x21: {  	s3 =	sadd.s32 s3, s9;
	s6 =	sadd.s32 @!p0 $0x88, s6;
	s7 =	simm.s32 @p2 $0x1082  }
0x22: {  	[simem:s7], [sflag:s8] =	dma.local @!p0 [hbm:s6], $0xF7A  }
0x23: {  	s9 =	sor.u32 $0xD0000000, s2;
	s6 =	simm.s32 $0x108;
	_ =	swait.ge @!p0 [sflag:s8], $0x0  }
0x24: {  	s3 =	sadd.s32 $0x88, s3;
	s6 =	simm.s32 @!p1 $0x1082;
	[sflag:s4] =	ssyncset.s32 $0xFFFFF086  }
0x25: {  	[simem:s6], [sflag:s4] =	dma.local [hbm:s3], $0xF7A  }
0x26: {  	[smem:$0x3F92] =	sst s1;
	(tag) =	ssettag s2;
	_ =	strace s9  }
0x27: {  	s1 =	sld [smem:$0x3FA2]  }
0x28: {  	s2 =	sld [smem:$0x3FA3]  }
0x29: {  	s4 =	sld [smem:$0x3FA5]  }
0x2a: {  	p0 =	seq.s32 s5, $0x0;
	s5 =	sld [smem:$0x3FA6]  }
0x2b: {  	s6 =	sld [smem:$0x3FA7]  }
0x2c: {  	s7 =	sld [smem:$0x3FA8]  }
0x2d: {  	s3 =	simm.s32 $0x108;
	s8 =	sld [smem:$0x3FA9]  }
0x2e: {  	s3 =	simm.s32 @!p0 $0x1082;
	s9 =	sld [smem:$0x3FAA]  }
0x2f: {  	lr =	sadd.s32 s0, s3;
	s0 =	sld [smem:$0x3FA1]  }
0x30: {  	s3 =	sld [smem:$0x3FA4]  }
0x31: {  	[smem:$0x3FAD] =	sst s10  }
0x32: {  	s10 =	sld [smem:$0x3FAB];
	_ =	sdelay $0x3  }
0x33: {  	p0 =	seq.s32 s10, $0x1;
	s10 =	sld [smem:$0x3FAD];
	_ =	sdelay $0x3  }
0x34: {  	[smem:$0x3FAD] =	sst s10  }
0x35: {  	s10 =	sld [smem:$0x3FAC];
	_ =	sdelay $0x3  }
0x36: {  	p1 =	seq.s32 s10, $0x1;
	s10 =	sld [smem:$0x3FAD];
	_ =	sdelay $0x3  }
0x37: {  	[smem:$0x3FAD] =	sst s10  }
0x38: {  	s10 =	sld [smem:$0x3FAE]  }
0x39: {  	_ = 	snop;
	(pc) =	sbr.ind lr, $3  }
0x3a: {  	_ = 	snop  }
0x3b: {  	_ = 	snop  }
0x3c: {  	p2 =	seq.s32 s10, $0x1;
	s10 =	sld [smem:$0x3FAD]  }
0x3d: {  	_ =	shalt  }
0x3e: {  	_ =	shalt  }
0x3f: {  	_ =	shalt  }
0x40: {  	_ =	shalt  }
0x41: {  	_ =	shalt  }
0x42: {  	_ =	shalt  }
0x43: {  	_ =	shalt  }
0x44: {  	_ =	shalt  }
0x45: {  	_ =	shalt  }
0x46: {  	_ =	shalt  }
0x47: {  	_ =	shalt  }
0x48: {  	_ =	shalt  }
0x49: {  	_ =	shalt  }
0x4a: {  	_ =	shalt  }
0x4b: {  	_ =	shalt  }
0x4c: {  	_ =	shalt  }
0x4d: {  	_ =	shalt  }
0x4e: {  	_ =	shalt  }
0x4f: {  	_ =	shalt  }
0x50: {  	_ =	shalt  }
0x51: {  	_ =	shalt  }
0x52: {  	_ =	shalt  }
0x53: {  	_ =	shalt  }
0x54: {  	_ =	shalt  }
0x55: {  	_ =	shalt  }
0x56: {  	_ =	shalt  }
0x57: {  	_ =	shalt  }
0x58: {  	_ =	shalt  }
0x59: {  	_ =	shalt  }
0x5a: {  	_ =	shalt  }
0x5b: {  	_ =	shalt  }
0x5c: {  	_ =	shalt  }
0x5d: {  	_ =	shalt  }
0x5e: {  	_ =	shalt  }
0x5f: {  	_ =	shalt  }
0x60: {  	_ =	shalt  }
0x61: {  	_ =	shalt  }
0x62: {  	_ =	shalt  }
0x63: {  	_ =	shalt  }
0x64: {  	_ =	shalt  }
0x65: {  	_ =	shalt  }
0x66: {  	_ =	shalt  }
0x67: {  	_ =	shalt  }
0x68: {  	_ =	shalt  }
0x69: {  	_ =	shalt  }
0x6a: {  	_ =	shalt  }
0x6b: {  	_ =	shalt  }
0x6c: {  	_ =	shalt  }
0x6d: {  	_ =	shalt  }
0x6e: {  	_ =	shalt  }
0x6f: {  	_ =	shalt  }
0x70: {  	_ =	shalt  }
0x71: {  	_ =	shalt  }
0x72: {  	_ =	shalt  }
0x73: {  	_ =	shalt  }
0x74: {  	_ =	shalt  }
0x75: {  	_ =	shalt  }
0x76: {  	_ =	shalt  }
0x77: {  	_ =	shalt  }
0x78: {  	_ =	shalt  }
0x79: {  	_ =	shalt  }
0x7a: {  	_ =	shalt  }
0x7b: {  	_ =	shalt  }
0x7c: {  	_ =	shalt  }
0x7d: {  	_ =	shalt  }
0x7e: {  	_ =	shalt  }
0x7f: {  	_ =	shalt  }
0x80: {  	_ =	shalt  }
0x81: {  	_ =	shalt  }
0x82: {  	_ =	shalt  }
0x83: {  	_ =	shalt  }
0x84: {  	_ =	shalt  }
0x85: {  	_ =	shalt  }
0x86: {  	_ =	shalt  }
0x87: {  	_ =	shalt  }
.Lfunc_end0:
.L_simem_size_0:
called_computation_lowered:
.L_overlay_start_0:
0x88: {  	s2 =	sld [smem:$0x3FD9]  }
0x89: {  	s3 =	sld [smem:$0x3FFE];
	_ =	sdelay $0x1  }
0x8a: {  	s1 =	srdreg.scid  }
0x8b: {  	s0 =	sand.u32 $0x1, s1  }
0x8c: {  	s17 =	sshll.u32 s0, $0xA;
	s2 =	sadd.s32 s3, s2  }
0x8d: {  	s2 =	sadd.s32 s2, s17  }
0x8e: {  	[smem:$0x3FB9] =	sst s2  }
0x8f: {  	_ = 	snop  }
0x90: {  	s2 =	sld [smem:$0x3FD0];
	(tm) =	ssettm $0x1  }
0x91: {  	s18 =	sld [smem:$0x3FFB];
	_ =	sdelay $0x3  }
0x92: {  	_ =	strace s18  }
0x93: {  	s3 =	sld [smem:$0x3FFC];
	_ =	sdelay $0x3  }
0x94: {  	_ =	strace s3  }
0x95: {  	s3 =	sld [smem:$0x3FFD];
	_ =	sdelay $0x3  }
0x96: {  	_ =	strace s3  }
0x97: {  	_ =	strace $0x8FFFFFFF  }
0x98: {  	s19 =	sld [smem:$0x3FDB];
	_ =	sdelay $0x1  }
0x99: {  	s4 =	simm.s32 $_scs_section_size  }
0x9a: {  	s5 =	simm.s32 $_size__tile_overlayer_lowered;
	s6 =	simm.s32 $_tile_overlayer_lowered  }
0x9b: {  	s22 =	simm.s32 $0x1BFF;
	s21 =	sshll.u32 s6, $0x1;
	s3 =	sadd.s32 s4, s19  }
0x9c: {  	s7 =	simm.s32 $0x0;
	s20 =	sshll.u32 s5, $0x1;
	s5 =	sadd.s32 s21, s3  }
0x9d: {  	[timem:s7], [sflag:s22] =	dma.local [hbm:s5], s20  }
0x9e: {  	_ =	swait.ge [sflag:s22], s20  }
0x9f: {  	s4 =	ssub.s32 $0x0, s20;
	[sflag:s22] =	ssyncset.done $0x0  }
0xa0: {  	[sflag:s22] =	ssyncadd.s32 s4;
	_ =	sdelay $0x1  }
0xa1: {  	s23 =	simm.s32 $0x1B8B  }
0xa2: {  	_ =	swait.ge [sflag:s23], $0x1  }
0xa3: {  	[sflag:s23] =	ssyncset.done $0x0  }
0xa4: {  	s25 =	simm.s32 $0x1B8E;
	s24 =	sld [smem:$0x3FFE];
	[sflag:s23] =	ssyncadd.s32 $0xFFFFFFFF  }
0xa5: {  	s26 =	simm.s32 $execute0_lowered;
	[smem:$0x3FD2] =	sst s25  }
0xa6: {  	s5 =	sshll.u32 s26, $0x1;
	_ =	strace $0x80000046;
	[dreg:$0x1] =	wrdreg $0xFFFFFFFF  }
0xa7: {  	s28 =	simm.s32 $_size_execute0_lowered;
	s3 =	sadd.s32 s3, s5;
	[dreg:$0x0] =	wrdreg $0x0  }
0xa8: {  	s5 =	sshll.u32 s28, $0x1;
	[dreg:$0x2] =	wrdreg s3  }
0xa9: {  	[dreg:$0x3] =	wrdreg s5  }
0xaa: {  	[dreg:$0x4] =	wrdreg $0xC0  }
0xab: {  	_ =	task [dreg:s7], $0x5FFFF  }
0xac: {  	[dreg:$0x1] =	wrdreg $0xFFFFFFFF  }
0xad: {  	[dreg:$0x0] =	wrdreg $0x60  }
0xae: {  	[dreg:$0x2] =	wrdreg s2  }
0xaf: {  	[dreg:$0x3] =	wrdreg s24  }
0xb0: {  	[dreg:$0x4] =	wrdreg $0x9  }
0xb1: {  	_ =	task.clear_ibuf [dreg:s7], $0x5FFFF;
	_ =	strace $0x90000046  }
0xb2: {  	s29 =	simm.s32 $0x9;
	_ =	strace $0x80000048  }
0xb3: {  	_ =	swait.ge [sflag:s29], $0x1  }
0xb4: {  	[sflag:s29] =	ssyncadd.s32 $0xFFFFFFFF  }
0xb5: {  	_ =	strace $0x90000048  }
0xb6: {  	_ =	sfence  }
0xb7: {  	s30 =	sld [smem:$0x0];
	_ =	sdelay $0x2  }
0xb8: {  	s31 =	sshll.u32 s1, $0xD;
	s1 =	sshrl.u32 s1, $0x2  }
0xb9: {  	s3 =	sand.u32 $0x4000, s31;
	s1 =	sadd.s32 s1, s30  }
0xba: {  	s0 =	sor.u32 s3, s0;
	s1 =	sshll.u32 s1, $0x11  }
0xbb: {  	s0 =	sor.u32 s1, s0  }
0xbc: {  	s0 =	sadd.s32 $0x8F2B, s0  }
0xbd: {  	[sflag:s0] =	ssyncadd.remote.s32 $0x1  }
0xbe: {  	_ =	sfence.sel $0xFFFF  }
0xbf: {  	[dreg:$0x0] =	wrdreg $0xFFFFFFFF;
	(pc) =	sbr.abs _section_cstart, $3  }
0xc0: {  	[dreg:$0x1] =	wrdreg $0xFFFFFFFF  }
0xc1: {  	_ =	task.clear_ibuf [dreg:s7], $0x2FFFF;
	_ =	strace $0x9FFFFFFF  }
0xc2: {  	(tm) =	ssettm $0x7FFFFFFF  }
0xc3: {  	_ =	shalt  }
tec
execute0_lowered:
.L_overlay_start_1:
0x0: {  	(tag) =	ssettag $0x1  }
0x1: {  	s1 =	rddreg [dreg:$0x0]  }
0x2: {  	s6 =	rddreg [dreg:$0x1]  }
0x3: {  	s0 =	rddreg [dreg:$0x2]  }
0x4: {  	s3 =	simm.s32 $0x0;
	s4 =	srdreg.scid;
	s2 =	stileid.u32  }
0x5: {  	s11 =	simm.s32 $0x2;
	s12 =	simm.s32 $0x80;
	s13 =	simm.s32 $0x200  }
0x6: {  	s14 =	simm.s32 $0x4200;
	s15 =	simm.s32 $0x100;
	s16 =	simm.s32 $0x8200  }
0x7: {  	s17 =	simm.s32 $0x180;
	s18 =	simm.s32 $0xC200;
	s19 =	simm.s32 $0x1  }
0x8: {  	s20 =	simm.s32 $0x10200;
	s21 =	simm.s32 $0x11E00;
	s22 =	simm.s32 $0x0  }
0x9: {  	[smem:$0x7FF] =	sst s3;
	s7 =	sand.u32 $0x1, s4;
	s4 =	sadd.s32 $0x2C00, s6  }
0xa: {  	s9 =	sshll.u32 s2, $0x1;
	s5 =	sadd.s32 $0x6400, s6;
	s8 =	ssub.s32 $0x2, s7  }
0xb: {  	s6 =	sadd.s32 $0x6600, s6;
	s9 =	sor.u32 s7, s9;
	s10 =	sshrl.u32 s8, $0x1  }
0xc: {  	_ =	strace $0x80000047;
	s7 =	smul.u32 $0x188, s9;
	s10 =	ssub.s32 s8, s10  }
0xd: {  	s8 =	smul.u32 $0x7, s9;
	s9 =	smax.u32 s10, $0x1;
	s10 =	simm.s32 $0x13A00  }
.LBB2_1:
0xe: {  	[tilespmem:s10], [sflag:$0x2] =	stream.linear.gather [hbm4b:s5+s3], $0x80, $0x38;
	[tilespmem:$0x13A80] =	vst v63  }
0xf: {  	_ =	swait.ge [sflag:s11], $0x80  }
0x10: {  	[sflag:s11] =	ssyncset.done $0x0  }
0x11: {  	s23 =	simm.s32 $0x0;
	[sflag:s11] =	ssyncadd.s32 $0xFFFFFF80  }
.LBB2_2:
0x12: {  	s24 =	sadd.s32 s8, s23  }
0x13: {  	s24 =	sshll.u32 s24, $0x6  }
0x14: {  	s25 =	simm.s32 $0x0;
	s24 =	sadd.s32 s4, s24  }
0x15: {  	[tilespmem:s25], [sflag:$0x2] =	stream.linear.gather [hbm4b:s24+s25], $0x200, $0x38;
	[tilespmem:$0x13A80] =	vst v63  }
0x16: {  	_ =	swait.ge [sflag:s11], $0x200  }
0x17: {  	[sflag:s11] =	ssyncset.done $0x0  }
0x18: {  	[sflag:s11] =	ssyncadd.s32 $0xFFFFFE00  }
0x19: {  	[tilespmem:s13], [sflag:$0x1] =	stream.indirect.gather [hbm4b:s1+s12], $0x80, s25, s12, $0xb8;
	[tilespmem:$0x13A80] =	vst v63  }
0x1a: {  	_ = 	snop  }
0x1b: {  	[tilespmem:s14], [sflag:$0x1] =	stream.indirect.gather [hbm4b:s1+s12], $0x80, s12, s12, $0xb8;
	[tilespmem:$0x13A80] =	vst v63  }
0x1c: {  	_ = 	snop  }
0x1d: {  	[tilespmem:s16], [sflag:$0x1] =	stream.indirect.gather [hbm4b:s1+s12], $0x80, s15, s12, $0xb8;
	[tilespmem:$0x13A80] =	vst v63  }
0x1e: {  	_ = 	snop  }
0x1f: {  	[tilespmem:s18], [sflag:$0x1] =	stream.indirect.gather [hbm4b:s1+s12], $0x80, s17, s12, $0xb8;
	[tilespmem:$0x13A80] =	vst v63  }
0x20: {  	_ =	swait.ge [sflag:s19], $0x4000  }
0x21: {  	[sflag:s19] =	ssyncset.done $0x0  }
0x22: {  	[sflag:s19] =	ssyncadd.s32 $0xFFFFC000  }
0x23: {  	_ =	swait.ge [sflag:s19], $0x4000  }
0x24: {  	[sflag:s19] =	ssyncset.done $0x0  }
0x25: {  	[sflag:s19] =	ssyncadd.s32 $0xFFFFC000  }
0x26: {  	_ =	swait.ge [sflag:s19], $0x4000  }
0x27: {  	s31 =	smul.u32 $0x38, s23;
	[sflag:s19] =	ssyncset.done $0x0  }
0x28: {  	[sflag:s19] =	ssyncadd.s32 $0xFFFFC000  }
0x29: {  	s24 =	sadd.s32 s7, s31;
	_ =	swait.ge [sflag:s19], $0x4000  }
0x2a: {  	s24 =	sshll.u32 s24, $0x4;
	[sflag:s19] =	ssyncset.done $0x0  }
0x2b: {  	s26 =	sadd.s32 s1, s24;
	[sflag:s19] =	ssyncadd.s32 $0xFFFFC000  }
0x2c: {  	[tilespmem:s20], [sflag:$0x2] =	stream.linear.gather [hbm4b:s26+s25], $0x1C00, $0x38;
	[tilespmem:$0x13A80] =	vst v63  }
0x2d: {  	_ =	swait.ge [sflag:s11], $0x1C00  }
0x2e: {  	[sflag:s11] =	ssyncset.done $0x0  }
0x2f: {  	s25 =	simm.s32 $0x440;
	[sflag:s11] =	ssyncadd.s32 $0xFFFFE400  }
0x30: {  	v0 =	vld [tilespmem:s25+$0xFFFFFE40]  }
0x31: {  	v1 =	vld [tilespmem:s25+$0xFFFFFDC0]  }
0x32: {  	v2 =	vld [tilespmem:s25+$0xFFFFFEC0]  }
0x33: {  	v3 =	vld [tilespmem:s25+$0xFFFFFF40]  }
0x34: {  	v4 =	vld [tilespmem:s25+$0xFFFFFFC0]  }
0x35: {  	v5 =	vld [tilespmem:s25+$0x40]  }
0x36: {  	v6 =	vld [tilespmem:s25+$0xC0];
	v0 =	vmax.f32 v1, v0  }
0x37: {  	v1 =	vld [tilespmem:s25+$0x140];
	v0 =	vmax.f32 v0, v2  }
0x38: {  	s26 =	simm.s32 $0x0;
	v2 =	vld [tilespmem:s25+$0x1C0];
	v0 =	vmax.f32 v0, v3  }
0x39: {  	v3 =	vld [tilespmem:s26+$0x10200];
	v0 =	vmax.f32 v0, v4  }
0x3a: {  	v0 =	vmax.f32 v0, v5  }
0x3b: {  	v4 =	vld [tilespmem:$0x13A00];
	v0 =	vmax.f32 v0, v6  }
0x3c: {  	v0 =	vmax.f32 v0, v1  }
0x3d: {  	v0 =	vmax.f32 v0, v2  }
0x3e: {  	v0 =	vsub.f32 v0, v3;
	_ =	sdelay $0x1  }
0x3f: {  	v0 =	vadd.f32 v4, v0;
	_ =	sdelay $0x1  }
0x40: {  	v0 =	vmax.f32 v0, $0.0e+00  }
0x41: {  	[tilespmem:s26+$0x11E00] =	vst v0  }
0x42: {  	v0 =	vld [tilespmem:s25+$0xFFFFFDD0]  }
0x43: {  	v1 =	vld [tilespmem:s25+$0xFFFFFE50]  }
0x44: {  	v2 =	vld [tilespmem:s25+$0xFFFFFED0]  }
0x45: {  	v3 =	vld [tilespmem:s25+$0xFFFFFF50]  }
0x46: {  	v4 =	vld [tilespmem:s25+$0xFFFFFFD0]  }
0x47: {  	v5 =	vld [tilespmem:s25+$0x50]  }
0x48: {  	v0 =	vmax.f32 v0, v1;
	v1 =	vld [tilespmem:s25+$0xD0]  }
0x49: {  	v0 =	vmax.f32 v0, v2;
	v2 =	vld [tilespmem:s25+$0x150]  }
0x4a: {  	v0 =	vmax.f32 v0, v3;
	v3 =	vld [tilespmem:s25+$0x1D0]  }
0x4b: {  	v0 =	vmax.f32 v0, v4;
	v4 =	vld [tilespmem:s26+$0x10210]  }
0x4c: {  	v0 =	vmax.f32 v0, v5  }
0x4d: {  	v0 =	vmax.f32 v0, v1;
	v1 =	vld [tilespmem:$0x13A10]  }
0x4e: {  	v0 =	vmax.f32 v0, v2  }
0x4f: {  	v0 =	vmax.f32 v0, v3  }
0x50: {  	v0 =	vsub.f32 v0, v4;
	_ =	sdelay $0x1  }
0x51: {  	v0 =	vadd.f32 v1, v0;
	_ =	sdelay $0x1  }
0x52: {  	v0 =	vmax.f32 v0, $0.0e+00  }
0x53: {  	[tilespmem:s26+$0x11E10] =	vst v0  }
0x54: {  	v0 =	vld [tilespmem:s25+$0xFFFFFDE0]  }
0x55: {  	v1 =	vld [tilespmem:s25+$0xFFFFFE60]  }
0x56: {  	v2 =	vld [tilespmem:s25+$0xFFFFFEE0]  }
0x57: {  	v3 =	vld [tilespmem:s25+$0xFFFFFF60]  }
0x58: {  	v4 =	vld [tilespmem:s25+$0xFFFFFFE0]  }
0x59: {  	v5 =	vld [tilespmem:s25+$0x60]  }
0x5a: {  	v0 =	vmax.f32 v0, v1;
	v1 =	vld [tilespmem:s25+$0xE0]  }
0x5b: {  	v0 =	vmax.f32 v0, v2;
	v2 =	vld [tilespmem:s25+$0x160]  }
0x5c: {  	v0 =	vmax.f32 v0, v3;
	v3 =	vld [tilespmem:s25+$0x1E0]  }
0x5d: {  	v0 =	vmax.f32 v0, v4;
	v4 =	vld [tilespmem:s26+$0x10220]  }
0x5e: {  	v0 =	vmax.f32 v0, v5  }
0x5f: {  	v0 =	vmax.f32 v0, v1;
	v1 =	vld [tilespmem:$0x13A20]  }
0x60: {  	v0 =	vmax.f32 v0, v2  }
0x61: {  	v0 =	vmax.f32 v0, v3  }
0x62: {  	v0 =	vsub.f32 v0, v4;
	_ =	sdelay $0x1  }
0x63: {  	v0 =	vadd.f32 v1, v0;
	_ =	sdelay $0x1  }
0x64: {  	v0 =	vmax.f32 v0, $0.0e+00  }
0x65: {  	[tilespmem:s26+$0x11E20] =	vst v0  }
0x66: {  	v0 =	vld [tilespmem:s25+$0xFFFFFDF0]  }
0x67: {  	v1 =	vld [tilespmem:s25+$0xFFFFFE70]  }
0x68: {  	v2 =	vld [tilespmem:s25+$0xFFFFFEF0]  }
0x69: {  	v3 =	vld [tilespmem:s25+$0xFFFFFF70]  }
0x6a: {  	v4 =	vld [tilespmem:s25+$0xFFFFFFF0]  }
0x6b: {  	v5 =	vld [tilespmem:s25+$0x70]  }
0x6c: {  	v0 =	vmax.f32 v0, v1;
	v1 =	vld [tilespmem:s25+$0xF0]  }
0x6d: {  	v0 =	vmax.f32 v0, v2;
	v2 =	vld [tilespmem:s25+$0x170]  }
0x6e: {  	v0 =	vmax.f32 v0, v3;
	v3 =	vld [tilespmem:s25+$0x1F0]  }
0x6f: {  	v0 =	vmax.f32 v0, v4;
	v4 =	vld [tilespmem:s26+$0x10230]  }
0x70: {  	v0 =	vmax.f32 v0, v5  }
0x71: {  	v0 =	vmax.f32 v0, v1;
	v1 =	vld [tilespmem:$0x13A30]  }
0x72: {  	v0 =	vmax.f32 v0, v2  }
0x73: {  	v0 =	vmax.f32 v0, v3  }
0x74: {  	v0 =	vsub.f32 v0, v4;
	_ =	sdelay $0x1  }
0x75: {  	v0 =	vadd.f32 v1, v0;
	_ =	sdelay $0x1  }
0x76: {  	v0 =	vmax.f32 v0, $0.0e+00  }
0x77: {  	[tilespmem:s26+$0x11E30] =	vst v0  }
0x78: {  	v0 =	vld [tilespmem:s25+$0xFFFFFE00]  }
0x79: {  	v1 =	vld [tilespmem:s25+$0xFFFFFE80]  }
0x7a: {  	v2 =	vld [tilespmem:s25+$0xFFFFFF00]  }
0x7b: {  	v3 =	vld [tilespmem:s25+$0xFFFFFF80]  }
0x7c: {  	v4 =	vld [tilespmem:s25+$0x0]  }
0x7d: {  	v5 =	vld [tilespmem:s25+$0x80]  }
0x7e: {  	v0 =	vmax.f32 v0, v1;
	v1 =	vld [tilespmem:s25+$0x100]  }
0x7f: {  	v0 =	vmax.f32 v0, v2;
	v2 =	vld [tilespmem:s25+$0x180]  }
0x80: {  	v0 =	vmax.f32 v0, v3;
	v3 =	vld [tilespmem:s25+$0x200]  }
0x81: {  	v0 =	vmax.f32 v0, v4;
	v4 =	vld [tilespmem:s26+$0x10240]  }
0x82: {  	v0 =	vmax.f32 v0, v5  }
0x83: {  	v0 =	vmax.f32 v0, v1;
	v1 =	vld [tilespmem:$0x13A40]  }
0x84: {  	v0 =	vmax.f32 v0, v2  }
0x85: {  	v0 =	vmax.f32 v0, v3  }
0x86: {  	v0 =	vsub.f32 v0, v4;
	_ =	sdelay $0x1  }
0x87: {  	v0 =	vadd.f32 v1, v0;
	_ =	sdelay $0x1  }
0x88: {  	v0 =	vmax.f32 v0, $0.0e+00  }
0x89: {  	[tilespmem:s26+$0x11E40] =	vst v0  }
0x8a: {  	v0 =	vld [tilespmem:s25+$0xFFFFFE10]  }
0x8b: {  	v1 =	vld [tilespmem:s25+$0xFFFFFE90]  }
0x8c: {  	v2 =	vld [tilespmem:s25+$0xFFFFFF10]  }
0x8d: {  	v3 =	vld [tilespmem:s25+$0xFFFFFF90]  }
0x8e: {  	v4 =	vld [tilespmem:s25+$0x10]  }
0x8f: {  	v5 =	vld [tilespmem:s25+$0x90]  }
0x90: {  	v0 =	vmax.f32 v0, v1;
	v1 =	vld [tilespmem:s25+$0x110]  }
0x91: {  	v0 =	vmax.f32 v0, v2;
	v2 =	vld [tilespmem:s25+$0x190]  }
0x92: {  	v0 =	vmax.f32 v0, v3;
	v3 =	vld [tilespmem:s25+$0x210]  }
0x93: {  	v6 =	vld [tilespmem:s26+$0x10250];
	v0 =	vmax.f32 v0, v4  }
0x94: {  	v0 =	vmax.f32 v0, v5  }
0x95: {  	v4 =	vld [tilespmem:$0x13A50];
	v0 =	vmax.f32 v0, v1  }
0x96: {  	v0 =	vmax.f32 v0, v2  }
0x97: {  	v0 =	vmax.f32 v0, v3  }
0x98: {  	v0 =	vsub.f32 v0, v6;
	_ =	sdelay $0x1  }
0x99: {  	v0 =	vadd.f32 v4, v0;
	_ =	sdelay $0x1  }
0x9a: {  	v0 =	vmax.f32 v0, $0.0e+00  }
0x9b: {  	[tilespmem:s26+$0x11E50] =	vst v0  }
0x9c: {  	v0 =	vld [tilespmem:s25+$0xFFFFFE20]  }
0x9d: {  	v1 =	vld [tilespmem:s25+$0xFFFFFEA0]  }
0x9e: {  	v2 =	vld [tilespmem:s25+$0xFFFFFF20]  }
0x9f: {  	v3 =	vld [tilespmem:s25+$0xFFFFFFA0]  }
0xa0: {  	v4 =	vld [tilespmem:s25+$0x20]  }
0xa1: {  	v5 =	vld [tilespmem:s25+$0xA0]  }
0xa2: {  	v0 =	vmax.f32 v0, v1;
	v1 =	vld [tilespmem:s25+$0x120]  }
0xa3: {  	v0 =	vmax.f32 v0, v2;
	v2 =	vld [tilespmem:s25+$0x1A0]  }
0xa4: {  	v0 =	vmax.f32 v0, v3;
	v3 =	vld [tilespmem:s25+$0x220]  }
0xa5: {  	v6 =	vld [tilespmem:s26+$0x10260];
	v0 =	vmax.f32 v0, v4  }
0xa6: {  	v0 =	vmax.f32 v0, v5  }
0xa7: {  	v4 =	vld [tilespmem:$0x13A60];
	v0 =	vmax.f32 v0, v1  }
0xa8: {  	v0 =	vmax.f32 v0, v2  }
0xa9: {  	v0 =	vmax.f32 v0, v3  }
0xaa: {  	v0 =	vsub.f32 v0, v6;
	_ =	sdelay $0x1  }
0xab: {  	v0 =	vadd.f32 v4, v0;
	_ =	sdelay $0x1  }
0xac: {  	v0 =	vmax.f32 v0, $0.0e+00  }
0xad: {  	[tilespmem:s26+$0x11E60] =	vst v0;
	v0 =	vld [tilespmem:s26+$0x10270]  }
0xae: {  	v1 =	vld [tilespmem:s25+$0xFFFFFE30]  }
0xaf: {  	v3 =	vld [tilespmem:s25+$0xFFFFFEB0]  }
0xb0: {  	v4 =	vld [tilespmem:s25+$0xFFFFFF30]  }
0xb1: {  	v5 =	vld [tilespmem:s25+$0xFFFFFFB0]  }
0xb2: {  	v6 =	vld [tilespmem:s25+$0x30]  }
0xb3: {  	v2 =	vld [tilespmem:s25+$0xB0]  }
0xb4: {  	v3 =	vmax.f32 v1, v3;
	v1 =	vld [tilespmem:s25+$0x130]  }
0xb5: {  	v4 =	vmax.f32 v3, v4;
	v3 =	vld [tilespmem:s25+$0x1B0]  }
0xb6: {  	v4 =	vmax.f32 v4, v5;
	v5 =	vld [tilespmem:s25+$0x230]  }
0xb7: {  	s28 =	simm.s32 $0x200;
	v6 =	vmax.f32 v4, v6;
	v4 =	vld [tilespmem:$0x13A70]  }
.LBB2_3:
0xb8: {  	p0 =	sne.s32 s28, $0x6E00  }
0xb9: {  	v2 =	vmax.f32 v6, v2;
	s25 =	sadd.s32 $0x480, s25;
	s29 =	smov.u32 s28;
	s28 =	sadd.s32 $0x200, s28  }
0xba: {  	v1 =	vmax.f32 v2, v1  }
0xbb: {  	v1 =	vmax.f32 v1, v3  }
0xbc: {  	v1 =	vmax.f32 v1, v5  }
0xbd: {  	v0 =	vsub.f32 v1, v0;
	_ =	sdelay $0x1  }
0xbe: {  	v0 =	vadd.f32 v4, v0;
	_ =	sdelay $0x1  }
0xbf: {  	v0 =	vmax.f32 v0, $0.0e+00  }
0xc0: {  	[tilespmem:s26+$0x11E70] =	vst v0  }
0xc1: {  	v0 =	vld [tilespmem:s25+$0xFFFFFEC0]  }
0xc2: {  	v1 =	vld [tilespmem:s25+$0xFFFFFE40]  }
0xc3: {  	v2 =	vld [tilespmem:s25+$0xFFFFFDC0]  }
0xc4: {  	v3 =	vld [tilespmem:s25+$0xFFFFFFC0]  }
0xc5: {  	v4 =	vld [tilespmem:s25+$0xFFFFFF40]  }
0xc6: {  	v5 =	vld [tilespmem:s25+$0xC0]  }
0xc7: {  	v6 =	vld [tilespmem:s25+$0x40]  }
0xc8: {  	v1 =	vmax.f32 v2, v1;
	v2 =	vld [tilespmem:s25+$0x140]  }
0xc9: {  	v0 =	vmax.f32 v1, v0  }
0xca: {  	s26 =	sshra.s32 s29, $0x2;
	v0 =	vmax.f32 v0, v4;
	v1 =	vld [tilespmem:s25+$0x1C0]  }
0xcb: {  	v0 =	vmax.f32 v0, v3;
	v3 =	vld [tilespmem:s26+$0x10200]  }
0xcc: {  	v0 =	vmax.f32 v0, v6  }
0xcd: {  	v0 =	vmax.f32 v0, v5;
	v4 =	vld [tilespmem:$0x13A00]  }
0xce: {  	v0 =	vmax.f32 v0, v2  }
0xcf: {  	v0 =	vmax.f32 v0, v1  }
0xd0: {  	v0 =	vsub.f32 v0, v3;
	_ =	sdelay $0x1  }
0xd1: {  	v0 =	vadd.f32 v4, v0;
	_ =	sdelay $0x1  }
0xd2: {  	v0 =	vmax.f32 v0, $0.0e+00  }
0xd3: {  	[tilespmem:s26+$0x11E00] =	vst v0  }
0xd4: {  	v0 =	vld [tilespmem:s25+$0xFFFFFDD0]  }
0xd5: {  	v1 =	vld [tilespmem:s25+$0xFFFFFE50]  }
0xd6: {  	v2 =	vld [tilespmem:s25+$0xFFFFFED0]  }
0xd7: {  	v3 =	vld [tilespmem:s25+$0xFFFFFF50]  }
0xd8: {  	v4 =	vld [tilespmem:s25+$0xFFFFFFD0]  }
0xd9: {  	v5 =	vld [tilespmem:s25+$0x50]  }
0xda: {  	v0 =	vmax.f32 v0, v1;
	v1 =	vld [tilespmem:s25+$0xD0]  }
0xdb: {  	v0 =	vmax.f32 v0, v2;
	v2 =	vld [tilespmem:s25+$0x150]  }
0xdc: {  	v0 =	vmax.f32 v0, v3;
	v3 =	vld [tilespmem:s25+$0x1D0]  }
0xdd: {  	v0 =	vmax.f32 v0, v4;
	v4 =	vld [tilespmem:s26+$0x10210]  }
0xde: {  	v0 =	vmax.f32 v0, v5  }
0xdf: {  	v0 =	vmax.f32 v0, v1;
	v1 =	vld [tilespmem:$0x13A10]  }
0xe0: {  	v0 =	vmax.f32 v0, v2  }
0xe1: {  	v0 =	vmax.f32 v0, v3  }
0xe2: {  	v0 =	vsub.f32 v0, v4;
	_ =	sdelay $0x1  }
0xe3: {  	v0 =	vadd.f32 v1, v0;
	_ =	sdelay $0x1  }
0xe4: {  	v0 =	vmax.f32 v0, $0.0e+00  }
0xe5: {  	[tilespmem:s26+$0x11E10] =	vst v0  }
0xe6: {  	v0 =	vld [tilespmem:s25+$0xFFFFFDE0]  }
0xe7: {  	v1 =	vld [tilespmem:s25+$0xFFFFFE60]  }
0xe8: {  	v2 =	vld [tilespmem:s25+$0xFFFFFEE0]  }
0xe9: {  	v3 =	vld [tilespmem:s25+$0xFFFFFF60]  }
0xea: {  	v4 =	vld [tilespmem:s25+$0xFFFFFFE0]  }
0xeb: {  	v5 =	vld [tilespmem:s25+$0x60]  }
0xec: {  	v0 =	vmax.f32 v0, v1;
	v1 =	vld [tilespmem:s25+$0xE0]  }
0xed: {  	v0 =	vmax.f32 v0, v2;
	v2 =	vld [tilespmem:s25+$0x160]  }
0xee: {  	v0 =	vmax.f32 v0, v3;
	v3 =	vld [tilespmem:s25+$0x1E0]  }
0xef: {  	v0 =	vmax.f32 v0, v4;
	v4 =	vld [tilespmem:s26+$0x10220]  }
0xf0: {  	v0 =	vmax.f32 v0, v5  }
0xf1: {  	v0 =	vmax.f32 v0, v1;
	v1 =	vld [tilespmem:$0x13A20]  }
0xf2: {  	v0 =	vmax.f32 v0, v2  }
0xf3: {  	v0 =	vmax.f32 v0, v3  }
0xf4: {  	v0 =	vsub.f32 v0, v4;
	_ =	sdelay $0x1  }
0xf5: {  	v0 =	vadd.f32 v1, v0;
	_ =	sdelay $0x1  }
0xf6: {  	v0 =	vmax.f32 v0, $0.0e+00  }
0xf7: {  	[tilespmem:s26+$0x11E20] =	vst v0  }
0xf8: {  	v0 =	vld [tilespmem:s25+$0xFFFFFDF0]  }
0xf9: {  	v1 =	vld [tilespmem:s25+$0xFFFFFE70]  }
0xfa: {  	v2 =	vld [tilespmem:s25+$0xFFFFFEF0]  }
0xfb: {  	v3 =	vld [tilespmem:s25+$0xFFFFFF70]  }
0xfc: {  	v4 =	vld [tilespmem:s25+$0xFFFFFFF0]  }
0xfd: {  	v5 =	vld [tilespmem:s25+$0x70]  }
0xfe: {  	v0 =	vmax.f32 v0, v1;
	v1 =	vld [tilespmem:s25+$0xF0]  }
0xff: {  	v0 =	vmax.f32 v0, v2;
	v2 =	vld [tilespmem:s25+$0x170]  }
0x100: {  	v0 =	vmax.f32 v0, v3;
	v3 =	vld [tilespmem:s25+$0x1F0]  }
0x101: {  	v0 =	vmax.f32 v0, v4;
	v4 =	vld [tilespmem:s26+$0x10230]  }
0x102: {  	v0 =	vmax.f32 v0, v5  }
0x103: {  	v0 =	vmax.f32 v0, v1;
	v1 =	vld [tilespmem:$0x13A30]  }
0x104: {  	v0 =	vmax.f32 v0, v2  }
0x105: {  	v0 =	vmax.f32 v0, v3  }
0x106: {  	v0 =	vsub.f32 v0, v4;
	_ =	sdelay $0x1  }
0x107: {  	v0 =	vadd.f32 v1, v0;
	_ =	sdelay $0x1  }
0x108: {  	v0 =	vmax.f32 v0, $0.0e+00  }
0x109: {  	[tilespmem:s26+$0x11E30] =	vst v0  }
0x10a: {  	v0 =	vld [tilespmem:s25+$0xFFFFFE00]  }
0x10b: {  	v1 =	vld [tilespmem:s25+$0xFFFFFE80]  }
0x10c: {  	v2 =	vld [tilespmem:s25+$0xFFFFFF00]  }
0x10d: {  	v3 =	vld [tilespmem:s25+$0xFFFFFF80]  }
0x10e: {  	v4 =	vld [tilespmem:s25+$0x0]  }
0x10f: {  	v5 =	vld [tilespmem:s25+$0x80]  }
0x110: {  	v0 =	vmax.f32 v0, v1;
	v1 =	vld [tilespmem:s25+$0x100]  }
0x111: {  	v0 =	vmax.f32 v0, v2;
	v2 =	vld [tilespmem:s25+$0x180]  }
0x112: {  	v0 =	vmax.f32 v0, v3;
	v3 =	vld [tilespmem:s25+$0x200]  }
0x113: {  	v0 =	vmax.f32 v0, v4;
	v4 =	vld [tilespmem:s26+$0x10240]  }
0x114: {  	v0 =	vmax.f32 v0, v5  }
0x115: {  	v0 =	vmax.f32 v0, v1;
	v1 =	vld [tilespmem:$0x13A40]  }
0x116: {  	v0 =	vmax.f32 v0, v2  }
0x117: {  	v0 =	vmax.f32 v0, v3  }
0x118: {  	v0 =	vsub.f32 v0, v4;
	_ =	sdelay $0x1  }
0x119: {  	v0 =	vadd.f32 v1, v0;
	_ =	sdelay $0x1  }
0x11a: {  	v0 =	vmax.f32 v0, $0.0e+00  }
0x11b: {  	[tilespmem:s26+$0x11E40] =	vst v0;
	v0 =	vld [tilespmem:s26+$0x10250]  }
0x11c: {  	v1 =	vld [tilespmem:s25+$0xFFFFFE10]  }
0x11d: {  	v2 =	vld [tilespmem:s25+$0xFFFFFE90]  }
0x11e: {  	v3 =	vld [tilespmem:s25+$0xFFFFFF10]  }
0x11f: {  	v4 =	vld [tilespmem:s25+$0xFFFFFF90]  }
0x120: {  	v5 =	vld [tilespmem:s25+$0x10]  }
0x121: {  	v6 =	vld [tilespmem:s25+$0x90]  }
0x122: {  	v1 =	vmax.f32 v1, v2;
	v2 =	vld [tilespmem:s25+$0x110]  }
0x123: {  	v1 =	vmax.f32 v1, v3;
	v3 =	vld [tilespmem:s25+$0x190]  }
0x124: {  	v1 =	vmax.f32 v1, v4;
	v4 =	vld [tilespmem:s25+$0x210]  }
0x125: {  	v1 =	vmax.f32 v1, v5;
	v5 =	vld [tilespmem:$0x13A50]  }
0x126: {  	v1 =	vmax.f32 v1, v6  }
0x127: {  	v1 =	vmax.f32 v1, v2  }
0x128: {  	v1 =	vmax.f32 v1, v3  }
0x129: {  	v1 =	vmax.f32 v1, v4  }
0x12a: {  	v0 =	vsub.f32 v1, v0;
	_ =	sdelay $0x1  }
0x12b: {  	v0 =	vadd.f32 v5, v0;
	_ =	sdelay $0x1  }
0x12c: {  	v0 =	vmax.f32 v0, $0.0e+00  }
0x12d: {  	[tilespmem:s26+$0x11E50] =	vst v0;
	v0 =	vld [tilespmem:s26+$0x10260]  }
0x12e: {  	v1 =	vld [tilespmem:s25+$0xFFFFFE20]  }
0x12f: {  	v2 =	vld [tilespmem:s25+$0xFFFFFEA0]  }
0x130: {  	v3 =	vld [tilespmem:s25+$0xFFFFFF20]  }
0x131: {  	v4 =	vld [tilespmem:s25+$0xFFFFFFA0]  }
0x132: {  	v5 =	vld [tilespmem:s25+$0x20]  }
0x133: {  	v6 =	vld [tilespmem:s25+$0xA0]  }
0x134: {  	v1 =	vmax.f32 v1, v2;
	v2 =	vld [tilespmem:s25+$0x120]  }
0x135: {  	v1 =	vmax.f32 v1, v3;
	v3 =	vld [tilespmem:s25+$0x1A0]  }
0x136: {  	v1 =	vmax.f32 v1, v4;
	v4 =	vld [tilespmem:s25+$0x220]  }
0x137: {  	v1 =	vmax.f32 v1, v5;
	v5 =	vld [tilespmem:$0x13A60]  }
0x138: {  	v1 =	vmax.f32 v1, v6  }
0x139: {  	v1 =	vmax.f32 v1, v2  }
0x13a: {  	v1 =	vmax.f32 v1, v3  }
0x13b: {  	v1 =	vmax.f32 v1, v4  }
0x13c: {  	v0 =	vsub.f32 v1, v0;
	_ =	sdelay $0x1  }
0x13d: {  	v0 =	vadd.f32 v5, v0;
	_ =	sdelay $0x1  }
0x13e: {  	v0 =	vmax.f32 v0, $0.0e+00  }
0x13f: {  	[tilespmem:s26+$0x11E60] =	vst v0;
	v0 =	vld [tilespmem:s26+$0x10270]  }
0x140: {  	v1 =	vld [tilespmem:s25+$0xFFFFFE30]  }
0x141: {  	v3 =	vld [tilespmem:s25+$0xFFFFFEB0]  }
0x142: {  	v4 =	vld [tilespmem:s25+$0xFFFFFF30]  }
0x143: {  	v5 =	vld [tilespmem:s25+$0xFFFFFFB0]  }
0x144: {  	v6 =	vld [tilespmem:s25+$0x30]  }
.Ltmp0:
0x145: {  	v2 =	vld [tilespmem:s25+$0xB0];
	(pc) =	sbr.rel @p0 .LBB2_3-.Ltmp0, $4  }
0x146: {  	v3 =	vmax.f32 v1, v3;
	v1 =	vld [tilespmem:s25+$0x130]  }
0x147: {  	v4 =	vmax.f32 v3, v4;
	v3 =	vld [tilespmem:s25+$0x1B0]  }
0x148: {  	v4 =	vmax.f32 v4, v5;
	v5 =	vld [tilespmem:s25+$0x230]  }
0x149: {  	v6 =	vmax.f32 v4, v6;
	v4 =	vld [tilespmem:$0x13A70]  }
0x14a: {  	v2 =	vmax.f32 v6, v2  }
0x14b: {  	v1 =	vmax.f32 v2, v1  }
0x14c: {  	v1 =	vmax.f32 v1, v3  }
0x14d: {  	v1 =	vmax.f32 v1, v5  }
0x14e: {  	v0 =	vsub.f32 v1, v0;
	_ =	sdelay $0x1  }
0x14f: {  	v0 =	vadd.f32 v4, v0  }
0x150: {  	s23 =	sadd.s32 $0x1, s23  }
0x151: {  	p0 =	sne.s32 s23, $0x7;
	v0 =	vmax.f32 v0, $0.0e+00  }
.Ltmp1:
0x152: {  	s24 =	sadd.s32 s6, s24;
	[tilespmem:s26+$0x11E70] =	vst v0;
	(pc) =	sbr.rel @p0 .LBB2_2-.Ltmp1, $4  }
0x153: {  	[hbm4b:s24+s3] =	stream.linear.scatter [tilespmem:s21], [sflag:$0x2], $0x1C00, $0x38;
	[tilespmem:$0x13A80] =	vst v63  }
0x154: {  	_ =	swait.ge [sflag:s11], $0x1C00  }
0x155: {  	[sflag:s11] =	ssyncset.done $0x0  }
0x156: {  	[sflag:s11] =	ssyncadd.s32 $0xFFFFE400  }
0x157: {  	s22 =	sadd.s32 $0x1, s22  }
0x158: {  	p0 =	sne.s32 s22, s9  }
.Ltmp2:
0x159: {  	_ = 	snop;
	(pc) =	sbr.rel @p0 .LBB2_1-.Ltmp2, $1  }
0x15a: {  	_ =	sdelay $0x3  }
0x15b: {  	_ =	sfence.sel $0x180000  }
0x15c: {  	[bflag:$0x0] =	sbarrier.arrive $0xFFFF  }
0x15d: {  	p0 =	sne.s32 s2, $0x0;
	_ =	strace $0x90000047  }
0x15e: {  	s0 =	sadd.s32 @!p0 $0x100000, s0;
	[bflag:$0x2] =	sbarrier.arrive $0xFFFF  }
0x15f: {  	[sflag:s0] =	ssyncadd.tile.s32 @!p0 $0x1;
	_ =	shalt  }
.Lfunc_end2:
_tile_overlayer_lowered:
.L_overlay_start_2:
0x160: {  	(tag) =	ssettag $0x2  }
0x161: {  	s0 =	rddreg [dreg:$0x0];
	s2 =	stileid.u32  }
0x162: {  	s1 =	rddreg [dreg:$0x1];
	p0 =	sne.s32 s2, $0x0  }
0x163: {  	s3 =	rddreg [dreg:$0x2];
	[bflag:$0x3] =	sbarrier.arrive $0xFFFF;
	s2 =	simm.s32 @!p0 $0x1C02  }
0x164: {  	[timem:s3], [sflag:s2] =	dma.local @!p0 [hbm:s0], s1  }
0x165: {  	s0 =	simm.s32 @!p0 $0x2  }
0x166: {  	_ =	swait.ge @!p0 [sflag:s0], s1  }
0x167: {  	s1 =	ssub.s32 @!p0 $0x0, s1;
	[sflag:s0] =	ssyncset.done @!p0 $0x0  }
0x168: {  	[sflag:s0] =	ssyncadd.s32 @!p0 s1  }
0x169: {  	[bflag:$0x3] =	sbarrier.arrive $0xFFFF  }
0x16a: {  	_ =	shalt  }

</sc_bundles>
